<compile_context>
chip_gen: v7x
topology: tpu7x:2x2x1
jax: 0.10.2.dev20260603
libtpu: 0.0.44.dev20260713+nightly
codegen_flags: <defaults>
</compile_context>

<pallas_src>
import functools

import jax
import jax.numpy as jnp
from jax import lax
from jax.experimental import pallas as pl
from jax.experimental.pallas import tpu as pltpu
from jax.experimental.pallas import tpu_sc as plsc

_L = 16
_CHUNK_ROWS = 16


def _make_sc_wmse(row_offset, sc_rows, cols):
    info = plsc.get_sparse_core_info()
    nc, ns = info.num_cores, info.num_subcores
    nw = nc * ns
    assert sc_rows % (nw * 2 * _CHUNK_ROWS) == 0
    per_w = sc_rows // nw
    steps = per_w // _CHUNK_ROWS
    vregs_per_row = cols // _L

    mesh = plsc.VectorSubcoreMesh(core_axis_name="c", subcore_axis_name="s")

    @functools.partial(
        pl.kernel,
        mesh=mesh,
        out_type=jax.ShapeDtypeStruct((nw, _L), jnp.float32),
        scratch_types=[
            pltpu.VMEM((_CHUNK_ROWS, cols), jnp.float32),
            pltpu.VMEM((_CHUNK_ROWS, cols), jnp.float32),
            pltpu.VMEM((_CHUNK_ROWS, cols), jnp.float32),
            pltpu.VMEM((_CHUNK_ROWS, cols), jnp.float32),
            pltpu.VMEM((4 * _L,), jnp.float32),
            pltpu.VMEM((5 * _L,), jnp.float32),
            pltpu.VMEM((_L,), jnp.float32),
            pltpu.SemaphoreType.DMA,
            pltpu.SemaphoreType.DMA,
            pltpu.SemaphoreType.DMA,
            pltpu.SemaphoreType.DMA,
        ],
    )
    def wmse(pred_hbm, tgt_hbm, thr_hbm, dw_hbm, out_hbm,
             p0, p1, t0, t1, thr_v, dw_v, acc_v,
             sp0, sp1, st0, st1):
        wid = lax.axis_index("s") * nc + lax.axis_index("c")
        base = row_offset + wid * per_w
        pbufs, tbufs = (p0, p1), (t0, t1)
        psems, tsems = (sp0, sp1), (st0, st1)

        pltpu.sync_copy(thr_hbm, thr_v)
        pltpu.sync_copy(dw_hbm, dw_v)

        def dma_start(slot, g):
            row = base + g * _CHUNK_ROWS
            pltpu.async_copy(pred_hbm.at[pl.ds(row, _CHUNK_ROWS)],
                             pbufs[slot], psems[slot])
            pltpu.async_copy(tgt_hbm.at[pl.ds(row, _CHUNK_ROWS)],
                             tbufs[slot], tsems[slot])

        def dma_wait(slot):
            pltpu.make_async_copy(pred_hbm.at[pl.ds(0, _CHUNK_ROWS)],
                                  pbufs[slot], psems[slot]).wait()
            pltpu.make_async_copy(tgt_hbm.at[pl.ds(0, _CHUNK_ROWS)],
                                  tbufs[slot], tsems[slot]).wait()

        dma_start(0, 0)
        dma_start(1, 1)

        ths = [thr_v[pl.ds(k * _L, _L)] for k in range(4)]
        dws = [dw_v[pl.ds(k * _L, _L)] for k in range(5)]
        zero = jnp.zeros((_L,), jnp.float32)
        unroll = 4

        def chunk_acc(pbuf, tbuf, accs):
            def row_body(r, accs):
                for c in range(0, vregs_per_row, unroll):
                    ps = [pbuf[r, pl.ds((c + j) * _L, _L)]
                          for j in range(unroll)]
                    ts = [tbuf[r, pl.ds((c + j) * _L, _L)]
                          for j in range(unroll)]
                    d2s = [(p - t) * (p - t) for p, t in zip(ps, ts)]
                    new = []
                    for k in range(5):
                        if k == 0:
                            terms = d2s
                        else:
                            terms = [jnp.where(t >= ths[k - 1], d2, zero)
                                     for t, d2 in zip(ts, d2s)]
                        s01 = terms[0] + terms[1]
                        s23 = terms[2] + terms[3]
                        new.append(accs[k] + (s01 + s23))
                    accs = tuple(new)
                return accs
            return lax.fori_loop(0, _CHUNK_ROWS, row_body, accs)

        def outer(k, accs):
            for b in range(2):
                g = 2 * k + b
                dma_wait(b)
                accs = chunk_acc(pbufs[b], tbufs[b], accs)

                @pl.when(g + 2 < steps)
                def _():
                    dma_start(b, g + 2)
            return accs

        accs = lax.fori_loop(0, steps // 2, outer, (zero,) * 5)
        acc = dws[0] * accs[0]
        for k in range(1, 5):
            acc = acc + dws[k] * accs[k]
        acc_v[...] = acc
        pltpu.sync_copy(acc_v, out_hbm.at[wid])

    return wmse


_TC_BLOCK_ROWS = 512


def _tc_body(pred_ref, tgt_ref, thr_ref, dw_ref, out_ref, acc_ref):
    i = pl.program_id(0)

    @pl.when(i == 0)
    def _():
        acc_ref[...] = jnp.zeros_like(acc_ref)

    p = pred_ref[...]
    t = tgt_ref[...]
    d2 = (p - t) * (p - t)
    w = jnp.full_like(t, dw_ref[0])
    for k in range(4):
        w = w + jnp.where(t >= thr_ref[k], dw_ref[k + 1], 0.0)
    acc_ref[...] += w * d2

    @pl.when(i == pl.num_programs(0) - 1)
    def _():
        out_ref[0] = jnp.sum(acc_ref[...])


def _tc_wmse(pred2d, tgt2d, thr, dw, tc_rows):
    cols = pred2d.shape[1]
    grid = tc_rows // _TC_BLOCK_ROWS
    blk = pl.BlockSpec((_TC_BLOCK_ROWS, cols), lambda i: (i, 0))
    smem = pl.BlockSpec(memory_space=pltpu.SMEM)
    out = pl.pallas_call(
        _tc_body,
        grid=(grid,),
        in_specs=[blk, blk, smem, smem],
        out_specs=pl.BlockSpec(memory_space=pltpu.SMEM),
        out_shape=jax.ShapeDtypeStruct((1,), jnp.float32),
        scratch_shapes=[pltpu.VMEM((_TC_BLOCK_ROWS, cols), jnp.float32)],
    )(pred2d, tgt2d, thr, dw)
    return out[0]


_SC_ROWS = 11264


def kernel(prediction, target, weights, thresholds):
    n = prediction.size
    cols = prediction.shape[-1]
    rows = n // cols
    pred2d = prediction.reshape(rows, cols)
    tgt2d = target.reshape(rows, cols)
    dw = jnp.concatenate([weights[:1], jnp.diff(weights)])

    sc_rows = min(_SC_ROWS, rows)
    tc_rows = rows - sc_rows
    total = jnp.float32(0.0)
    if sc_rows > 0:
        thr_b = jnp.broadcast_to(thresholds[:, None], (4, _L)).reshape(4 * _L)
        dw_b = jnp.broadcast_to(dw[:, None], (5, _L)).reshape(5 * _L)
        sc_wmse = _make_sc_wmse(tc_rows, sc_rows, cols)
        partials = sc_wmse(pred2d, tgt2d, thr_b, dw_b)
        total = total + jnp.sum(partials)
    if tc_rows > 0:
        total = total + _tc_wmse(pred2d, tgt2d, thresholds, dw, tc_rows)
    return total / n

# --- scband reference (transcript-rebuilt; emitter-appended) ---
"""Pipeline reference for scband-threshold-wmse-24936580121264 (READ-ONLY COPY).

The authoritative reference and input builder live on the scoring server;
editing this copy changes nothing except your own understanding.
"""

import jax, jax.numpy as jnp
import numpy as np


def setup_inputs(seed: int = 0) -> dict:
    key = jax.random.key(seed)
    k1, k2 = jax.random.split(key)
    prediction = jax.random.normal(k1, (4, 8192, 1024), dtype=jnp.float32)
    target = jax.random.uniform(k2, (4, 8192, 1024), dtype=jnp.float32)
    weights = jnp.array([1.0, 2.0, 5.0, 10.0, 20.0], dtype=jnp.float32)
    thresholds = jnp.array([0.1, 0.3, 0.5, 0.7], dtype=jnp.float32)
    return {"prediction": prediction, "target": target, "weights": weights, "thresholds": thresholds}


def reference(prediction, target, weights, thresholds):
    # torch.bucketize(target, thresholds, right=True) == searchsorted side='right'
    bin_index = jnp.searchsorted(thresholds, target, side='right')
    w = jnp.take(weights, bin_index, axis=0)
    return jnp.mean(w * (prediction - target) ** 2)

if __name__ == "__main__":
    import jax
    _d = setup_inputs()
    print(jax.jit(kernel)(*tuple(_d.values())))

</pallas_src>

<mosaic_0001>
#map = affine_map<(d0, d1) -> (0, 0)>
#map1 = affine_map<(d0, d1) -> (0)>
module attributes {stable_mosaic.version = 14 : i64} {
  func.func @wmse(%arg0: i32, %arg1: i32, %arg2: memref<32768x1024xf32, #tpu.memory_space<hbm>>, %arg3: memref<32768x1024xf32, #tpu.memory_space<hbm>>, %arg4: memref<64xf32, #tpu.memory_space<hbm>>, %arg5: memref<80xf32, #tpu.memory_space<hbm>>, %arg6: memref<32x16xf32, #tpu.memory_space<hbm>>, %arg7: memref<16x1024xf32, #tpu.memory_space<vmem>>, %arg8: memref<16x1024xf32, #tpu.memory_space<vmem>>, %arg9: memref<16x1024xf32, #tpu.memory_space<vmem>>, %arg10: memref<16x1024xf32, #tpu.memory_space<vmem>>, %arg11: memref<64xf32, #tpu.memory_space<vmem>>, %arg12: memref<80xf32, #tpu.memory_space<vmem>>, %arg13: memref<16xf32, #tpu.memory_space<vmem>>, %arg14: memref<!tpu.dma_semaphore, #tpu.memory_space<semaphore_mem>>, %arg15: memref<!tpu.dma_semaphore, #tpu.memory_space<semaphore_mem>>, %arg16: memref<!tpu.dma_semaphore, #tpu.memory_space<semaphore_mem>>, %arg17: memref<!tpu.dma_semaphore, #tpu.memory_space<semaphore_mem>>) attributes {dimension_semantics = [#tpu.dimension_semantics<core_parallel>, #tpu.dimension_semantics<subcore_parallel>], iteration_bounds = array<i64: 2, 16>, scalar_prefetch = 0 : i64, scratch_operands = 11 : i64, tpu.core_type = #tpu.core_type<sc_vector_subcore>, window_params = [{transform_indices = #map}, {transform_indices = #map}, {transform_indices = #map1}, {transform_indices = #map1}, {transform_indices = #map}]} {
    %mul3A = arith.constant 2 : i32
    %mul3A_0 = arith.muli %arg1, %mul3A : i32
    %add3A = arith.addi %mul3A_0, %arg0 : i32
    %mul3A_1 = arith.constant 352 : i32
    %mul3A_2 = arith.muli %add3A, %mul3A_1 : i32
    %add3A_3 = arith.constant 21504 : i32
    %add3A_4 = arith.addi %add3A_3, %mul3A_2 : i32
    "tpu.region"() ({
      %run_scoped3A = tpu.sem_alloc : memref<!tpu.dma_semaphore, #tpu.memory_space<semaphore_mem>>
      tpu.enqueue_dma source(%arg4 : memref<64xf32, #tpu.memory_space<hbm>>) target(%arg11 : memref<64xf32, #tpu.memory_space<vmem>>) target_semaphore(%run_scoped3A : memref<!tpu.dma_semaphore, #tpu.memory_space<semaphore_mem>>)
      tpu.wait_dma2 semaphore(%run_scoped3A : memref<!tpu.dma_semaphore, #tpu.memory_space<semaphore_mem>>) src(%arg4 : memref<64xf32, #tpu.memory_space<hbm>>) dst(%arg11 : memref<64xf32, #tpu.memory_space<vmem>>)
      tpu.yield
    }) : () -> ()
    "tpu.region"() ({
      %run_scoped3A = tpu.sem_alloc : memref<!tpu.dma_semaphore, #tpu.memory_space<semaphore_mem>>
      tpu.enqueue_dma source(%arg5 : memref<80xf32, #tpu.memory_space<hbm>>) target(%arg12 : memref<80xf32, #tpu.memory_space<vmem>>) target_semaphore(%run_scoped3A : memref<!tpu.dma_semaphore, #tpu.memory_space<semaphore_mem>>)
      tpu.wait_dma2 semaphore(%run_scoped3A : memref<!tpu.dma_semaphore, #tpu.memory_space<semaphore_mem>>) src(%arg5 : memref<80xf32, #tpu.memory_space<hbm>>) dst(%arg12 : memref<80xf32, #tpu.memory_space<vmem>>)
      tpu.yield
    }) : () -> ()
    %add3A_5 = arith.constant 0 : i32
    %add3A_6 = arith.addi %add3A_4, %add3A_5 : i32
    %dma_start3A = arith.constant 0 : i32
    %dma_start3A_7 = tpu.memref_slice %arg2[%add3A_6, %dma_start3A] : memref<32768x1024xf32, #tpu.memory_space<hbm>> -> memref<16x1024xf32, #tpu.memory_space<hbm>>
    %dma_start3A_8 = arith.constant 0 : i32
    %dma_start3A_9 = tpu.memref_slice %arg2[%add3A_6, %dma_start3A_8] : memref<32768x1024xf32, #tpu.memory_space<hbm>> -> memref<16x1024xf32, #tpu.memory_space<hbm>>
    tpu.enqueue_dma source(%dma_start3A_9 : memref<16x1024xf32, #tpu.memory_space<hbm>>) target(%arg7 : memref<16x1024xf32, #tpu.memory_space<vmem>>) target_semaphore(%arg14 : memref<!tpu.dma_semaphore, #tpu.memory_space<semaphore_mem>>)
    %dma_start3A_10 = arith.constant 0 : i32
    %dma_start3A_11 = tpu.memref_slice %arg3[%add3A_6, %dma_start3A_10] : memref<32768x1024xf32, #tpu.memory_space<hbm>> -> memref<16x1024xf32, #tpu.memory_space<hbm>>
    %dma_start3A_12 = arith.constant 0 : i32
    %dma_start3A_13 = tpu.memref_slice %arg3[%add3A_6, %dma_start3A_12] : memref<32768x1024xf32, #tpu.memory_space<hbm>> -> memref<16x1024xf32, #tpu.memory_space<hbm>>
    tpu.enqueue_dma source(%dma_start3A_13 : memref<16x1024xf32, #tpu.memory_space<hbm>>) target(%arg9 : memref<16x1024xf32, #tpu.memory_space<vmem>>) target_semaphore(%arg16 : memref<!tpu.dma_semaphore, #tpu.memory_space<semaphore_mem>>)
    %add3A_14 = arith.constant 16 : i32
    %add3A_15 = arith.addi %add3A_4, %add3A_14 : i32
    %dma_start3A_16 = arith.constant 0 : i32
    %dma_start3A_17 = tpu.memref_slice %arg2[%add3A_15, %dma_start3A_16] : memref<32768x1024xf32, #tpu.memory_space<hbm>> -> memref<16x1024xf32, #tpu.memory_space<hbm>>
    %dma_start3A_18 = arith.constant 0 : i32
    %dma_start3A_19 = tpu.memref_slice %arg2[%add3A_15, %dma_start3A_18] : memref<32768x1024xf32, #tpu.memory_space<hbm>> -> memref<16x1024xf32, #tpu.memory_space<hbm>>
    tpu.enqueue_dma source(%dma_start3A_19 : memref<16x1024xf32, #tpu.memory_space<hbm>>) target(%arg8 : memref<16x1024xf32, #tpu.memory_space<vmem>>) target_semaphore(%arg15 : memref<!tpu.dma_semaphore, #tpu.memory_space<semaphore_mem>>)
    %dma_start3A_20 = arith.constant 0 : i32
    %dma_start3A_21 = tpu.memref_slice %arg3[%add3A_15, %dma_start3A_20] : memref<32768x1024xf32, #tpu.memory_space<hbm>> -> memref<16x1024xf32, #tpu.memory_space<hbm>>
    %dma_start3A_22 = arith.constant 0 : i32
    %dma_start3A_23 = tpu.memref_slice %arg3[%add3A_15, %dma_start3A_22] : memref<32768x1024xf32, #tpu.memory_space<hbm>> -> memref<16x1024xf32, #tpu.memory_space<hbm>>
    tpu.enqueue_dma source(%dma_start3A_23 : memref<16x1024xf32, #tpu.memory_space<hbm>>) target(%arg10 : memref<16x1024xf32, #tpu.memory_space<vmem>>) target_semaphore(%arg17 : memref<!tpu.dma_semaphore, #tpu.memory_space<semaphore_mem>>)
    %get3A = arith.constant 0 : index
    %get3A_24 = tpu.vector_load %arg11[%get3A] {strides = array<i32>} : memref<64xf32, #tpu.memory_space<vmem>>, vector<16xf32>,
    %get3A_25 = vector.shape_cast %get3A_24 : vector<16xf32> to vector<16xf32>
    %get3A_26 = arith.constant 16 : index
    %get3A_27 = tpu.vector_load %arg11[%get3A_26] {strides = array<i32>} : memref<64xf32, #tpu.memory_space<vmem>>, vector<16xf32>,
    %get3A_28 = vector.shape_cast %get3A_27 : vector<16xf32> to vector<16xf32>
    %get3A_29 = arith.constant 32 : index
    %get3A_30 = tpu.vector_load %arg11[%get3A_29] {strides = array<i32>} : memref<64xf32, #tpu.memory_space<vmem>>, vector<16xf32>,
    %get3A_31 = vector.shape_cast %get3A_30 : vector<16xf32> to vector<16xf32>
    %get3A_32 = arith.constant 48 : index
    %get3A_33 = tpu.vector_load %arg11[%get3A_32] {strides = array<i32>} : memref<64xf32, #tpu.memory_space<vmem>>, vector<16xf32>,
    %get3A_34 = vector.shape_cast %get3A_33 : vector<16xf32> to vector<16xf32>
    %get3A_35 = arith.constant 0 : index
    %get3A_36 = tpu.vector_load %arg12[%get3A_35] {strides = array<i32>} : memref<80xf32, #tpu.memory_space<vmem>>, vector<16xf32>,
    %get3A_37 = vector.shape_cast %get3A_36 : vector<16xf32> to vector<16xf32>
    %get3A_38 = arith.constant 16 : index
    %get3A_39 = tpu.vector_load %arg12[%get3A_38] {strides = array<i32>} : memref<80xf32, #tpu.memory_space<vmem>>, vector<16xf32>,
    %get3A_40 = vector.shape_cast %get3A_39 : vector<16xf32> to vector<16xf32>
    %get3A_41 = arith.constant 32 : index
    %get3A_42 = tpu.vector_load %arg12[%get3A_41] {strides = array<i32>} : memref<80xf32, #tpu.memory_space<vmem>>, vector<16xf32>,
    %get3A_43 = vector.shape_cast %get3A_42 : vector<16xf32> to vector<16xf32>
    %get3A_44 = arith.constant 48 : index
    %get3A_45 = tpu.vector_load %arg12[%get3A_44] {strides = array<i32>} : memref<80xf32, #tpu.memory_space<vmem>>, vector<16xf32>,
    %get3A_46 = vector.shape_cast %get3A_45 : vector<16xf32> to vector<16xf32>
    %get3A_47 = arith.constant 64 : index
    %get3A_48 = tpu.vector_load %arg12[%get3A_47] {strides = array<i32>} : memref<80xf32, #tpu.memory_space<vmem>>, vector<16xf32>,
    %get3A_49 = vector.shape_cast %get3A_48 : vector<16xf32> to vector<16xf32>
    %broadcast_in_dim3A = arith.constant 0.000000e+00 : f32
    %broadcast_in_dim3A_50 = vector.broadcast %broadcast_in_dim3A : f32 to vector<16xf32>
    %scan3A = arith.constant 0 : i32
    %scan3A_51 = arith.constant 11 : i32
    %scan3A_52 = arith.addi %scan3A, %scan3A_51 : i32
    %scan3A_53 = arith.constant 1 : i32
    %scan3A_54:5 = scf.for %scan3A_68 = %scan3A to %scan3A_52 step %scan3A_53 iter_args(%scan3A_69 = %broadcast_in_dim3A_50, %scan3A_70 = %broadcast_in_dim3A_50, %scan3A_71 = %broadcast_in_dim3A_50, %scan3A_72 = %broadcast_in_dim3A_50, %scan3A_73 = %broadcast_in_dim3A_50) -> (vector<16xf32>, vector<16xf32>, vector<16xf32>, vector<16xf32>, vector<16xf32>)  : i32 {
      %mul3A_74 = arith.constant 2 : i32
      %mul3A_75 = arith.muli %mul3A_74, %scan3A_68 : i32
      %add3A_76 = arith.constant 0 : i32
      %add3A_77 = arith.addi %mul3A_75, %add3A_76 : i32
      %dma_wait3A = arith.constant 0 : i32
      %dma_wait3A_78 = arith.constant 0 : i32
      %dma_wait3A_79 = tpu.memref_slice %arg2[%dma_wait3A, %dma_wait3A_78] : memref<32768x1024xf32, #tpu.memory_space<hbm>> -> memref<16x1024xf32, #tpu.memory_space<hbm>>
      %dma_wait3A_80 = arith.constant 0 : i32
      %dma_wait3A_81 = arith.constant 0 : i32
      %dma_wait3A_82 = tpu.memref_slice %arg2[%dma_wait3A_80, %dma_wait3A_81] : memref<32768x1024xf32, #tpu.memory_space<hbm>> -> memref<16x1024xf32, #tpu.memory_space<hbm>>
      tpu.wait_dma2 semaphore(%arg14 : memref<!tpu.dma_semaphore, #tpu.memory_space<semaphore_mem>>) src(%dma_wait3A_82 : memref<16x1024xf32, #tpu.memory_space<hbm>>) dst(%arg7 : memref<16x1024xf32, #tpu.memory_space<vmem>>)
      %dma_wait3A_83 = arith.constant 0 : i32
      %dma_wait3A_84 = arith.constant 0 : i32
      %dma_wait3A_85 = tpu.memref_slice %arg3[%dma_wait3A_83, %dma_wait3A_84] : memref<32768x1024xf32, #tpu.memory_space<hbm>> -> memref<16x1024xf32, #tpu.memory_space<hbm>>
      %dma_wait3A_86 = arith.constant 0 : i32
      %dma_wait3A_87 = arith.constant 0 : i32
      %dma_wait3A_88 = tpu.memref_slice %arg3[%dma_wait3A_86, %dma_wait3A_87] : memref<32768x1024xf32, #tpu.memory_space<hbm>> -> memref<16x1024xf32, #tpu.memory_space<hbm>>
      tpu.wait_dma2 semaphore(%arg16 : memref<!tpu.dma_semaphore, #tpu.memory_space<semaphore_mem>>) src(%dma_wait3A_88 : memref<16x1024xf32, #tpu.memory_space<hbm>>) dst(%arg9 : memref<16x1024xf32, #tpu.memory_space<vmem>>)
      %scan3A_89 = arith.constant 0 : i32
      %scan3A_90 = arith.constant 16 : i32
      %scan3A_91 = arith.addi %scan3A_89, %scan3A_90 : i32
      %scan3A_92 = arith.constant 1 : i32
      %scan3A_93:5 = scf.for %scan3A_128 = %scan3A_89 to %scan3A_91 step %scan3A_92 iter_args(%scan3A_129 = %scan3A_69, %scan3A_130 = %scan3A_70, %scan3A_131 = %scan3A_71, %scan3A_132 = %scan3A_72, %scan3A_133 = %scan3A_73) -> (vector<16xf32>, vector<16xf32>, vector<16xf32>, vector<16xf32>, vector<16xf32>)  : i32 {
        %get3A_134 = arith.index_cast %scan3A_128 : i32 to index
        %get3A_135 = arith.constant 0 : index
        %get3A_136 = tpu.vector_load %arg7[%get3A_134, %get3A_135] {strides = array<i32>} : memref<16x1024xf32, #tpu.memory_space<vmem>>, vector<1x16xf32>,
        %get3A_137 = vector.shape_cast %get3A_136 : vector<1x16xf32> to vector<16xf32>
        %get3A_138 = arith.index_cast %scan3A_128 : i32 to index
        %get3A_139 = arith.constant 16 : index
        %get3A_140 = tpu.vector_load %arg7[%get3A_138, %get3A_139] {strides = array<i32>} : memref<16x1024xf32, #tpu.memory_space<vmem>>, vector<1x16xf32>,
        %get3A_141 = vector.shape_cast %get3A_140 : vector<1x16xf32> to vector<16xf32>
        %get3A_142 = arith.index_cast %scan3A_128 : i32 to index
        %get3A_143 = arith.constant 32 : index
        %get3A_144 = tpu.vector_load %arg7[%get3A_142, %get3A_143] {strides = array<i32>} : memref<16x1024xf32, #tpu.memory_space<vmem>>, vector<1x16xf32>,
        %get3A_145 = vector.shape_cast %get3A_144 : vector<1x16xf32> to vector<16xf32>
        %get3A_146 = arith.index_cast %scan3A_128 : i32 to index
        %get3A_147 = arith.constant 48 : index
        %get3A_148 = tpu.vector_load %arg7[%get3A_146, %get3A_147] {strides = array<i32>} : memref<16x1024xf32, #tpu.memory_space<vmem>>, vector<1x16xf32>,
        %get3A_149 = vector.shape_cast %get3A_148 : vector<1x16xf32> to vector<16xf32>
        %get3A_150 = arith.index_cast %scan3A_128 : i32 to index
        %get3A_151 = arith.constant 0 : index
        %get3A_152 = tpu.vector_load %arg9[%get3A_150, %get3A_151] {strides = array<i32>} : memref<16x1024xf32, #tpu.memory_space<vmem>>, vector<1x16xf32>,
        %get3A_153 = vector.shape_cast %get3A_152 : vector<1x16xf32> to vector<16xf32>
        %get3A_154 = arith.index_cast %scan3A_128 : i32 to index
        %get3A_155 = arith.constant 16 : index
        %get3A_156 = tpu.vector_load %arg9[%get3A_154, %get3A_155] {strides = array<i32>} : memref<16x1024xf32, #tpu.memory_space<vmem>>, vector<1x16xf32>,
        %get3A_157 = vector.shape_cast %get3A_156 : vector<1x16xf32> to vector<16xf32>
        %get3A_158 = arith.index_cast %scan3A_128 : i32 to index
        %get3A_159 = arith.constant 32 : index
        %get3A_160 = tpu.vector_load %arg9[%get3A_158, %get3A_159] {strides = array<i32>} : memref<16x1024xf32, #tpu.memory_space<vmem>>, vector<1x16xf32>,
        %get3A_161 = vector.shape_cast %get3A_160 : vector<1x16xf32> to vector<16xf32>
        %get3A_162 = arith.index_cast %scan3A_128 : i32 to index
        %get3A_163 = arith.constant 48 : index
        %get3A_164 = tpu.vector_load %arg9[%get3A_162, %get3A_163] {strides = array<i32>} : memref<16x1024xf32, #tpu.memory_space<vmem>>, vector<1x16xf32>,
        %get3A_165 = vector.shape_cast %get3A_164 : vector<1x16xf32> to vector<16xf32>
        %sub3A = arith.subf %get3A_137, %get3A_153 : vector<16xf32>
        %sub3A_166 = arith.subf %get3A_137, %get3A_153 : vector<16xf32>
        %mul3A_167 = arith.mulf %sub3A, %sub3A_166 : vector<16xf32>
        %sub3A_168 = arith.subf %get3A_141, %get3A_157 : vector<16xf32>
        %sub3A_169 = arith.subf %get3A_141, %get3A_157 : vector<16xf32>
        %mul3A_170 = arith.mulf %sub3A_168, %sub3A_169 : vector<16xf32>
        %sub3A_171 = arith.subf %get3A_145, %get3A_161 : vector<16xf32>
        %sub3A_172 = arith.subf %get3A_145, %get3A_161 : vector<16xf32>
        %mul3A_173 = arith.mulf %sub3A_171, %sub3A_172 : vector<16xf32>
        %sub3A_174 = arith.subf %get3A_149, %get3A_165 : vector<16xf32>
        %sub3A_175 = arith.subf %get3A_149, %get3A_165 : vector<16xf32>
        %mul3A_176 = arith.mulf %sub3A_174, %sub3A_175 : vector<16xf32>
        %add3A_177 = arith.addf %mul3A_167, %mul3A_170 : vector<16xf32>
        %add3A_178 = arith.addf %mul3A_173, %mul3A_176 : vector<16xf32>
        %add3A_179 = arith.addf %add3A_177, %add3A_178 : vector<16xf32>
        %add3A_180 = arith.addf %scan3A_129, %add3A_179 : vector<16xf32>
        %ge3A = arith.cmpf oge, %get3A_153, %get3A_25 : vector<16xf32>
        %select_n3A = arith.select %ge3A, %mul3A_167, %broadcast_in_dim3A_50 : vector<16xi1>, vector<16xf32>
        %ge3A_181 = arith.cmpf oge, %get3A_157, %get3A_25 : vector<16xf32>
        %select_n3A_182 = arith.select %ge3A_181, %mul3A_170, %broadcast_in_dim3A_50 : vector<16xi1>, vector<16xf32>
        %ge3A_183 = arith.cmpf oge, %get3A_161, %get3A_25 : vector<16xf32>
        %select_n3A_184 = arith.select %ge3A_183, %mul3A_173, %broadcast_in_dim3A_50 : vector<16xi1>, vector<16xf32>
        %ge3A_185 = arith.cmpf oge, %get3A_165, %get3A_25 : vector<16xf32>
        %select_n3A_186 = arith.select %ge3A_185, %mul3A_176, %broadcast_in_dim3A_50 : vector<16xi1>, vector<16xf32>
        %add3A_187 = arith.addf %select_n3A, %select_n3A_182 : vector<16xf32>
        %add3A_188 = arith.addf %select_n3A_184, %select_n3A_186 : vector<16xf32>
        %add3A_189 = arith.addf %add3A_187, %add3A_188 : vector<16xf32>
        %add3A_190 = arith.addf %scan3A_130, %add3A_189 : vector<16xf32>
        %ge3A_191 = arith.cmpf oge, %get3A_153, %get3A_28 : vector<16xf32>
        %select_n3A_192 = arith.select %ge3A_191, %mul3A_167, %broadcast_in_dim3A_50 : vector<16xi1>, vector<16xf32>
        %ge3A_193 = arith.cmpf oge, %get3A_157, %get3A_28 : vector<16xf32>
        %select_n3A_194 = arith.select %ge3A_193, %mul3A_170, %broadcast_in_dim3A_50 : vector<16xi1>, vector<16xf32>
        %ge3A_195 = arith.cmpf oge, %get3A_161, %get3A_28 : vector<16xf32>
        %select_n3A_196 = arith.select %ge3A_195, %mul3A_173, %broadcast_in_dim3A_50 : vector<16xi1>, vector<16xf32>
        %ge3A_197 = arith.cmpf oge, %get3A_165, %get3A_28 : vector<16xf32>
        %select_n3A_198 = arith.select %ge3A_197, %mul3A_176, %broadcast_in_dim3A_50 : vector<16xi1>, vector<16xf32>
        %add3A_199 = arith.addf %select_n3A_192, %select_n3A_194 : vector<16xf32>
        %add3A_200 = arith.addf %select_n3A_196, %select_n3A_198 : vector<16xf32>
        %add3A_201 = arith.addf %add3A_199, %add3A_200 : vector<16xf32>
        %add3A_202 = arith.addf %scan3A_131, %add3A_201 : vector<16xf32>
        %ge3A_203 = arith.cmpf oge, %get3A_153, %get3A_31 : vector<16xf32>
        %select_n3A_204 = arith.select %ge3A_203, %mul3A_167, %broadcast_in_dim3A_50 : vector<16xi1>, vector<16xf32>
        %ge3A_205 = arith.cmpf oge, %get3A_157, %get3A_31 : vector<16xf32>
        %select_n3A_206 = arith.select %ge3A_205, %mul3A_170, %broadcast_in_dim3A_50 : vector<16xi1>, vector<16xf32>
        %ge3A_207 = arith.cmpf oge, %get3A_161, %get3A_31 : vector<16xf32>
        %select_n3A_208 = arith.select %ge3A_207, %mul3A_173, %broadcast_in_dim3A_50 : vector<16xi1>, vector<16xf32>
        %ge3A_209 = arith.cmpf oge, %get3A_165, %get3A_31 : vector<16xf32>
        %select_n3A_210 = arith.select %ge3A_209, %mul3A_176, %broadcast_in_dim3A_50 : vector<16xi1>, vector<16xf32>
        %add3A_211 = arith.addf %select_n3A_204, %select_n3A_206 : vector<16xf32>
        %add3A_212 = arith.addf %select_n3A_208, %select_n3A_210 : vector<16xf32>
        %add3A_213 = arith.addf %add3A_211, %add3A_212 : vector<16xf32>
        %add3A_214 = arith.addf %scan3A_132, %add3A_213 : vector<16xf32>
        %ge3A_215 = arith.cmpf oge, %get3A_153, %get3A_34 : vector<16xf32>
        %select_n3A_216 = arith.select %ge3A_215, %mul3A_167, %broadcast_in_dim3A_50 : vector<16xi1>, vector<16xf32>
        %ge3A_217 = arith.cmpf oge, %get3A_157, %get3A_34 : vector<16xf32>
        %select_n3A_218 = arith.select %ge3A_217, %mul3A_170, %broadcast_in_dim3A_50 : vector<16xi1>, vector<16xf32>
        %ge3A_219 = arith.cmpf oge, %get3A_161, %get3A_34 : vector<16xf32>
        %select_n3A_220 = arith.select %ge3A_219, %mul3A_173, %broadcast_in_dim3A_50 : vector<16xi1>, vector<16xf32>
        %ge3A_221 = arith.cmpf oge, %get3A_165, %get3A_34 : vector<16xf32>
        %select_n3A_222 = arith.select %ge3A_221, %mul3A_176, %broadcast_in_dim3A_50 : vector<16xi1>, vector<16xf32>
        %add3A_223 = arith.addf %select_n3A_216, %select_n3A_218 : vector<16xf32>
        %add3A_224 = arith.addf %select_n3A_220, %select_n3A_222 : vector<16xf32>
        %add3A_225 = arith.addf %add3A_223, %add3A_224 : vector<16xf32>
        %add3A_226 = arith.addf %scan3A_133, %add3A_225 : vector<16xf32>
        %get3A_227 = arith.index_cast %scan3A_128 : i32 to index
        %get3A_228 = arith.constant 64 : index
        %get3A_229 = tpu.vector_load %arg7[%get3A_227, %get3A_228] {strides = array<i32>} : memref<16x1024xf32, #tpu.memory_space<vmem>>, vector<1x16xf32>,
        %get3A_230 = vector.shape_cast %get3A_229 : vector<1x16xf32> to vector<16xf32>
        %get3A_231 = arith.index_cast %scan3A_128 : i32 to index
        %get3A_232 = arith.constant 80 : index
        %get3A_233 = tpu.vector_load %arg7[%get3A_231, %get3A_232] {strides = array<i32>} : memref<16x1024xf32, #tpu.memory_space<vmem>>, vector<1x16xf32>,
        %get3A_234 = vector.shape_cast %get3A_233 : vector<1x16xf32> to vector<16xf32>
        %get3A_235 = arith.index_cast %scan3A_128 : i32 to index
        %get3A_236 = arith.constant 96 : index
        %get3A_237 = tpu.vector_load %arg7[%get3A_235, %get3A_236] {strides = array<i32>} : memref<16x1024xf32, #tpu.memory_space<vmem>>, vector<1x16xf32>,
        %get3A_238 = vector.shape_cast %get3A_237 : vector<1x16xf32> to vector<16xf32>
        %get3A_239 = arith.index_cast %scan3A_128 : i32 to index
        %get3A_240 = arith.constant 112 : index
        %get3A_241 = tpu.vector_load %arg7[%get3A_239, %get3A_240] {strides = array<i32>} : memref<16x1024xf32, #tpu.memory_space<vmem>>, vector<1x16xf32>,
        %get3A_242 = vector.shape_cast %get3A_241 : vector<1x16xf32> to vector<16xf32>
        %get3A_243 = arith.index_cast %scan3A_128 : i32 to index
        %get3A_244 = arith.constant 64 : index
        %get3A_245 = tpu.vector_load %arg9[%get3A_243, %get3A_244] {strides = array<i32>} : memref<16x1024xf32, #tpu.memory_space<vmem>>, vector<1x16xf32>,
        %get3A_246 = vector.shape_cast %get3A_245 : vector<1x16xf32> to vector<16xf32>
        %get3A_247 = arith.index_cast %scan3A_128 : i32 to index
        %get3A_248 = arith.constant 80 : index
        %get3A_249 = tpu.vector_load %arg9[%get3A_247, %get3A_248] {strides = array<i32>} : memref<16x1024xf32, #tpu.memory_space<vmem>>, vector<1x16xf32>,
        %get3A_250 = vector.shape_cast %get3A_249 : vector<1x16xf32> to vector<16xf32>
        %get3A_251 = arith.index_cast %scan3A_128 : i32 to index
        %get3A_252 = arith.constant 96 : index
        %get3A_253 = tpu.vector_load %arg9[%get3A_251, %get3A_252] {strides = array<i32>} : memref<16x1024xf32, #tpu.memory_space<vmem>>, vector<1x16xf32>,
        %get3A_254 = vector.shape_cast %get3A_253 : vector<1x16xf32> to vector<16xf32>
        %get3A_255 = arith.index_cast %scan3A_128 : i32 to index
        %get3A_256 = arith.constant 112 : index
        %get3A_257 = tpu.vector_load %arg9[%get3A_255, %get3A_256] {strides = array<i32>} : memref<16x1024xf32, #tpu.memory_space<vmem>>, vector<1x16xf32>,
        %get3A_258 = vector.shape_cast %get3A_257 : vector<1x16xf32> to vector<16xf32>
        %sub3A_259 = arith.subf %get3A_230, %get3A_246 : vector<16xf32>
        %sub3A_260 = arith.subf %get3A_230, %get3A_246 : vector<16xf32>
        %mul3A_261 = arith.mulf %sub3A_259, %sub3A_260 : vector<16xf32>
        %sub3A_262 = arith.subf %get3A_234, %get3A_250 : vector<16xf32>
        %sub3A_263 = arith.subf %get3A_234, %get3A_250 : vector<16xf32>
        %mul3A_264 = arith.mulf %sub3A_262, %sub3A_263 : vector<16xf32>
        %sub3A_265 = arith.subf %get3A_238, %get3A_254 : vector<16xf32>
        %sub3A_266 = arith.subf %get3A_238, %get3A_254 : vector<16xf32>
        %mul3A_267 = arith.mulf %sub3A_265, %sub3A_266 : vector<16xf32>
        %sub3A_268 = arith.subf %get3A_242, %get3A_258 : vector<16xf32>
        %sub3A_269 = arith.subf %get3A_242, %get3A_258 : vector<16xf32>
        %mul3A_270 = arith.mulf %sub3A_268, %sub3A_269 : vector<16xf32>
        %add3A_271 = arith.addf %mul3A_261, %mul3A_264 : vector<16xf32>
        %add3A_272 = arith.addf %mul3A_267, %mul3A_270 : vector<16xf32>
        %add3A_273 = arith.addf %add3A_271, %add3A_272 : vector<16xf32>
        %add3A_274 = arith.addf %add3A_180, %add3A_273 : vector<16xf32>
        %ge3A_275 = arith.cmpf oge, %get3A_246, %get3A_25 : vector<16xf32>
        %select_n3A_276 = arith.select %ge3A_275, %mul3A_261, %broadcast_in_dim3A_50 : vector<16xi1>, vector<16xf32>
        %ge3A_277 = arith.cmpf oge, %get3A_250, %get3A_25 : vector<16xf32>
        %select_n3A_278 = arith.select %ge3A_277, %mul3A_264, %broadcast_in_dim3A_50 : vector<16xi1>, vector<16xf32>
        %ge3A_279 = arith.cmpf oge, %get3A_254, %get3A_25 : vector<16xf32>
        %select_n3A_280 = arith.select %ge3A_279, %mul3A_267, %broadcast_in_dim3A_50 : vector<16xi1>, vector<16xf32>
        %ge3A_281 = arith.cmpf oge, %get3A_258, %get3A_25 : vector<16xf32>
        %select_n3A_282 = arith.select %ge3A_281, %mul3A_270, %broadcast_in_dim3A_50 : vector<16xi1>, vector<16xf32>
        %add3A_283 = arith.addf %select_n3A_276, %select_n3A_278 : vector<16xf32>
        %add3A_284 = arith.addf %select_n3A_280, %select_n3A_282 : vector<16xf32>
        %add3A_285 = arith.addf %add3A_283, %add3A_284 : vector<16xf32>
        %add3A_286 = arith.addf %add3A_190, %add3A_285 : vector<16xf32>
        %ge3A_287 = arith.cmpf oge, %get3A_246, %get3A_28 : vector<16xf32>
        %select_n3A_288 = arith.select %ge3A_287, %mul3A_261, %broadcast_in_dim3A_50 : vector<16xi1>, vector<16xf32>
        %ge3A_289 = arith.cmpf oge, %get3A_250, %get3A_28 : vector<16xf32>
        %select_n3A_290 = arith.select %ge3A_289, %mul3A_264, %broadcast_in_dim3A_50 : vector<16xi1>, vector<16xf32>
        %ge3A_291 = arith.cmpf oge, %get3A_254, %get3A_28 : vector<16xf32>
        %select_n3A_292 = arith.select %ge3A_291, %mul3A_267, %broadcast_in_dim3A_50 : vector<16xi1>, vector<16xf32>
        %ge3A_293 = arith.cmpf oge, %get3A_258, %get3A_28 : vector<16xf32>
        %select_n3A_294 = arith.select %ge3A_293, %mul3A_270, %broadcast_in_dim3A_50 : vector<16xi1>, vector<16xf32>
        %add3A_295 = arith.addf %select_n3A_288, %select_n3A_290 : vector<16xf32>
        %add3A_296 = arith.addf %select_n3A_292, %select_n3A_294 : vector<16xf32>
        %add3A_297 = arith.addf %add3A_295, %add3A_296 : vector<16xf32>
        %add3A_298 = arith.addf %add3A_202, %add3A_297 : vector<16xf32>
        %ge3A_299 = arith.cmpf oge, %get3A_246, %get3A_31 : vector<16xf32>
        %select_n3A_300 = arith.select %ge3A_299, %mul3A_261, %broadcast_in_dim3A_50 : vector<16xi1>, vector<16xf32>
        %ge3A_301 = arith.cmpf oge, %get3A_250, %get3A_31 : vector<16xf32>
        %select_n3A_302 = arith.select %ge3A_301, %mul3A_264, %broadcast_in_dim3A_50 : vector<16xi1>, vector<16xf32>
        %ge3A_303 = arith.cmpf oge, %get3A_254, %get3A_31 : vector<16xf32>
        %select_n3A_304 = arith.select %ge3A_303, %mul3A_267, %broadcast_in_dim3A_50 : vector<16xi1>, vector<16xf32>
        %ge3A_305 = arith.cmpf oge, %get3A_258, %get3A_31 : vector<16xf32>
        %select_n3A_306 = arith.select %ge3A_305, %mul3A_270, %broadcast_in_dim3A_50 : vector<16xi1>, vector<16xf32>
        %add3A_307 = arith.addf %select_n3A_300, %select_n3A_302 : vector<16xf32>
        %add3A_308 = arith.addf %select_n3A_304, %select_n3A_306 : vector<16xf32>
        %add3A_309 = arith.addf %add3A_307, %add3A_308 : vector<16xf32>
        %add3A_310 = arith.addf %add3A_214, %add3A_309 : vector<16xf32>
        %ge3A_311 = arith.cmpf oge, %get3A_246, %get3A_34 : vector<16xf32>
        %select_n3A_312 = arith.select %ge3A_311, %mul3A_261, %broadcast_in_dim3A_50 : vector<16xi1>, vector<16xf32>
        %ge3A_313 = arith.cmpf oge, %get3A_250, %get3A_34 : vector<16xf32>
        %select_n3A_314 = arith.select %ge3A_313, %mul3A_264, %broadcast_in_dim3A_50 : vector<16xi1>, vector<16xf32>
        %ge3A_315 = arith.cmpf oge, %get3A_254, %get3A_34 : vector<16xf32>
        %select_n3A_316 = arith.select %ge3A_315, %mul3A_267, %broadcast_in_dim3A_50 : vector<16xi1>, vector<16xf32>
        %ge3A_317 = arith.cmpf oge, %get3A_258, %get3A_34 : vector<16xf32>
        %select_n3A_318 = arith.select %ge3A_317, %mul3A_270, %broadcast_in_dim3A_50 : vector<16xi1>, vector<16xf32>
        %add3A_319 = arith.addf %select_n3A_312, %select_n3A_314 : vector<16xf32>
        %add3A_320 = arith.addf %select_n3A_316, %select_n3A_318 : vector<16xf32>
        %add3A_321 = arith.addf %add3A_319, %add3A_320 : vector<16xf32>
        %add3A_322 = arith.addf %add3A_226, %add3A_321 : vector<16xf32>
        %get3A_323 = arith.index_cast %scan3A_128 : i32 to index
        %get3A_324 = arith.constant 128 : index
        %get3A_325 = tpu.vector_load %arg7[%get3A_323, %get3A_324] {strides = array<i32>} : memref<16x1024xf32, #tpu.memory_space<vmem>>, vector<1x16xf32>,
        %get3A_326 = vector.shape_cast %get3A_325 : vector<1x16xf32> to vector<16xf32>
        %get3A_327 = arith.index_cast %scan3A_128 : i32 to index
        %get3A_328 = arith.constant 144 : index
        %get3A_329 = tpu.vector_load %arg7[%get3A_327, %get3A_328] {strides = array<i32>} : memref<16x1024xf32, #tpu.memory_space<vmem>>, vector<1x16xf32>,
        %get3A_330 = vector.shape_cast %get3A_329 : vector<1x16xf32> to vector<16xf32>
        %get3A_331 = arith.index_cast %scan3A_128 : i32 to index
        %get3A_332 = arith.constant 160 : index
        %get3A_333 = tpu.vector_load %arg7[%get3A_331, %get3A_332] {strides = array<i32>} : memref<16x1024xf32, #tpu.memory_space<vmem>>, vector<1x16xf32>,
        %get3A_334 = vector.shape_cast %get3A_333 : vector<1x16xf32> to vector<16xf32>
        %get3A_335 = arith.index_cast %scan3A_128 : i32 to index
        %get3A_336 = arith.constant 176 : index
        %get3A_337 = tpu.vector_load %arg7[%get3A_335, %get3A_336] {strides = array<i32>} : memref<16x1024xf32, #tpu.memory_space<vmem>>, vector<1x16xf32>,
        %get3A_338 = vector.shape_cast %get3A_337 : vector<1x16xf32> to vector<16xf32>
        %get3A_339 = arith.index_cast %scan3A_128 : i32 to index
        %get3A_340 = arith.constant 128 : index
        %get3A_341 = tpu.vector_load %arg9[%get3A_339, %get3A_340] {strides = array<i32>} : memref<16x1024xf32, #tpu.memory_space<vmem>>, vector<1x16xf32>,
        %get3A_342 = vector.shape_cast %get3A_341 : vector<1x16xf32> to vector<16xf32>
        %get3A_343 = arith.index_cast %scan3A_128 : i32 to index
        %get3A_344 = arith.constant 144 : index
        %get3A_345 = tpu.vector_load %arg9[%get3A_343, %get3A_344] {strides = array<i32>} : memref<16x1024xf32, #tpu.memory_space<vmem>>, vector<1x16xf32>,
        %get3A_346 = vector.shape_cast %get3A_345 : vector<1x16xf32> to vector<16xf32>
        %get3A_347 = arith.index_cast %scan3A_128 : i32 to index
        %get3A_348 = arith.constant 160 : index
        %get3A_349 = tpu.vector_load %arg9[%get3A_347, %get3A_348] {strides = array<i32>} : memref<16x1024xf32, #tpu.memory_space<vmem>>, vector<1x16xf32>,
        %get3A_350 = vector.shape_cast %get3A_349 : vector<1x16xf32> to vector<16xf32>
        %get3A_351 = arith.index_cast %scan3A_128 : i32 to index
        %get3A_352 = arith.constant 176 : index
        %get3A_353 = tpu.vector_load %arg9[%get3A_351, %get3A_352] {strides = array<i32>} : memref<16x1024xf32, #tpu.memory_space<vmem>>, vector<1x16xf32>,
        %get3A_354 = vector.shape_cast %get3A_353 : vector<1x16xf32> to vector<16xf32>
        %sub3A_355 = arith.subf %get3A_326, %get3A_342 : vector<16xf32>
        %sub3A_356 = arith.subf %get3A_326, %get3A_342 : vector<16xf32>
        %mul3A_357 = arith.mulf %sub3A_355, %sub3A_356 : vector<16xf32>
        %sub3A_358 = arith.subf %get3A_330, %get3A_346 : vector<16xf32>
        %sub3A_359 = arith.subf %get3A_330, %get3A_346 : vector<16xf32>
        %mul3A_360 = arith.mulf %sub3A_358, %sub3A_359 : vector<16xf32>
        %sub3A_361 = arith.subf %get3A_334, %get3A_350 : vector<16xf32>
        %sub3A_362 = arith.subf %get3A_334, %get3A_350 : vector<16xf32>
        %mul3A_363 = arith.mulf %sub3A_361, %sub3A_362 : vector<16xf32>
        %sub3A_364 = arith.subf %get3A_338, %get3A_354 : vector<16xf32>
        %sub3A_365 = arith.subf %get3A_338, %get3A_354 : vector<16xf32>
        %mul3A_366 = arith.mulf %sub3A_364, %sub3A_365 : vector<16xf32>
        %add3A_367 = arith.addf %mul3A_357, %mul3A_360 : vector<16xf32>
        %add3A_368 = arith.addf %mul3A_363, %mul3A_366 : vector<16xf32>
        %add3A_369 = arith.addf %add3A_367, %add3A_368 : vector<16xf32>
        %add3A_370 = arith.addf %add3A_274, %add3A_369 : vector<16xf32>
        %ge3A_371 = arith.cmpf oge, %get3A_342, %get3A_25 : vector<16xf32>
        %select_n3A_372 = arith.select %ge3A_371, %mul3A_357, %broadcast_in_dim3A_50 : vector<16xi1>, vector<16xf32>
        %ge3A_373 = arith.cmpf oge, %get3A_346, %get3A_25 : vector<16xf32>
        %select_n3A_374 = arith.select %ge3A_373, %mul3A_360, %broadcast_in_dim3A_50 : vector<16xi1>, vector<16xf32>
        %ge3A_375 = arith.cmpf oge, %get3A_350, %get3A_25 : vector<16xf32>
        %select_n3A_376 = arith.select %ge3A_375, %mul3A_363, %broadcast_in_dim3A_50 : vector<16xi1>, vector<16xf32>
        %ge3A_377 = arith.cmpf oge, %get3A_354, %get3A_25 : vector<16xf32>
        %select_n3A_378 = arith.select %ge3A_377, %mul3A_366, %broadcast_in_dim3A_50 : vector<16xi1>, vector<16xf32>
        %add3A_379 = arith.addf %select_n3A_372, %select_n3A_374 : vector<16xf32>
        %add3A_380 = arith.addf %select_n3A_376, %select_n3A_378 : vector<16xf32>
        %add3A_381 = arith.addf %add3A_379, %add3A_380 : vector<16xf32>
        %add3A_382 = arith.addf %add3A_286, %add3A_381 : vector<16xf32>
        %ge3A_383 = arith.cmpf oge, %get3A_342, %get3A_28 : vector<16xf32>
        %select_n3A_384 = arith.select %ge3A_383, %mul3A_357, %broadcast_in_dim3A_50 : vector<16xi1>, vector<16xf32>
        %ge3A_385 = arith.cmpf oge, %get3A_346, %get3A_28 : vector<16xf32>
        %select_n3A_386 = arith.select %ge3A_385, %mul3A_360, %broadcast_in_dim3A_50 : vector<16xi1>, vector<16xf32>
        %ge3A_387 = arith.cmpf oge, %get3A_350, %get3A_28 : vector<16xf32>
        %select_n3A_388 = arith.select %ge3A_387, %mul3A_363, %broadcast_in_dim3A_50 : vector<16xi1>, vector<16xf32>
        %ge3A_389 = arith.cmpf oge, %get3A_354, %get3A_28 : vector<16xf32>
        %select_n3A_390 = arith.select %ge3A_389, %mul3A_366, %broadcast_in_dim3A_50 : vector<16xi1>, vector<16xf32>
        %add3A_391 = arith.addf %select_n3A_384, %select_n3A_386 : vector<16xf32>
        %add3A_392 = arith.addf %select_n3A_388, %select_n3A_390 : vector<16xf32>
        %add3A_393 = arith.addf %add3A_391, %add3A_392 : vector<16xf32>
        %add3A_394 = arith.addf %add3A_298, %add3A_393 : vector<16xf32>
        %ge3A_395 = arith.cmpf oge, %get3A_342, %get3A_31 : vector<16xf32>
        %select_n3A_396 = arith.select %ge3A_395, %mul3A_357, %broadcast_in_dim3A_50 : vector<16xi1>, vector<16xf32>
        %ge3A_397 = arith.cmpf oge, %get3A_346, %get3A_31 : vector<16xf32>
        %select_n3A_398 = arith.select %ge3A_397, %mul3A_360, %broadcast_in_dim3A_50 : vector<16xi1>, vector<16xf32>
        %ge3A_399 = arith.cmpf oge, %get3A_350, %get3A_31 : vector<16xf32>
        %select_n3A_400 = arith.select %ge3A_399, %mul3A_363, %broadcast_in_dim3A_50 : vector<16xi1>, vector<16xf32>
        %ge3A_401 = arith.cmpf oge, %get3A_354, %get3A_31 : vector<16xf32>
        %select_n3A_402 = arith.select %ge3A_401, %mul3A_366, %broadcast_in_dim3A_50 : vector<16xi1>, vector<16xf32>
        %add3A_403 = arith.addf %select_n3A_396, %select_n3A_398 : vector<16xf32>
        %add3A_404 = arith.addf %select_n3A_400, %select_n3A_402 : vector<16xf32>
        %add3A_405 = arith.addf %add3A_403, %add3A_404 : vector<16xf32>
        %add3A_406 = arith.addf %add3A_310, %add3A_405 : vector<16xf32>
        %ge3A_407 = arith.cmpf oge, %get3A_342, %get3A_34 : vector<16xf32>
        %select_n3A_408 = arith.select %ge3A_407, %mul3A_357, %broadcast_in_dim3A_50 : vector<16xi1>, vector<16xf32>
        %ge3A_409 = arith.cmpf oge, %get3A_346, %get3A_34 : vector<16xf32>
        %select_n3A_410 = arith.select %ge3A_409, %mul3A_360, %broadcast_in_dim3A_50 : vector<16xi1>, vector<16xf32>
        %ge3A_411 = arith.cmpf oge, %get3A_350, %get3A_34 : vector<16xf32>
        %select_n3A_412 = arith.select %ge3A_411, %mul3A_363, %broadcast_in_dim3A_50 : vector<16xi1>, vector<16xf32>
        %ge3A_413 = arith.cmpf oge, %get3A_354, %get3A_34 : vector<16xf32>
        %select_n3A_414 = arith.select %ge3A_413, %mul3A_366, %broadcast_in_dim3A_50 : vector<16xi1>, vector<16xf32>
        %add3A_415 = arith.addf %select_n3A_408, %select_n3A_410 : vector<16xf32>
        %add3A_416 = arith.addf %select_n3A_412, %select_n3A_414 : vector<16xf32>
        %add3A_417 = arith.addf %add3A_415, %add3A_416 : vector<16xf32>
        %add3A_418 = arith.addf %add3A_322, %add3A_417 : vector<16xf32>
        %get3A_419 = arith.index_cast %scan3A_128 : i32 to index
        %get3A_420 = arith.constant 192 : index
        %get3A_421 = tpu.vector_load %arg7[%get3A_419, %get3A_420] {strides = array<i32>} : memref<16x1024xf32, #tpu.memory_space<vmem>>, vector<1x16xf32>,
        %get3A_422 = vector.shape_cast %get3A_421 : vector<1x16xf32> to vector<16xf32>
        %get3A_423 = arith.index_cast %scan3A_128 : i32 to index
        %get3A_424 = arith.constant 208 : index
        %get3A_425 = tpu.vector_load %arg7[%get3A_423, %get3A_424] {strides = array<i32>} : memref<16x1024xf32, #tpu.memory_space<vmem>>, vector<1x16xf32>,
        %get3A_426 = vector.shape_cast %get3A_425 : vector<1x16xf32> to vector<16xf32>
        %get3A_427 = arith.index_cast %scan3A_128 : i32 to index
        %get3A_428 = arith.constant 224 : index
        %get3A_429 = tpu.vector_load %arg7[%get3A_427, %get3A_428] {strides = array<i32>} : memref<16x1024xf32, #tpu.memory_space<vmem>>, vector<1x16xf32>,
        %get3A_430 = vector.shape_cast %get3A_429 : vector<1x16xf32> to vector<16xf32>
        %get3A_431 = arith.index_cast %scan3A_128 : i32 to index
        %get3A_432 = arith.constant 240 : index
        %get3A_433 = tpu.vector_load %arg7[%get3A_431, %get3A_432] {strides = array<i32>} : memref<16x1024xf32, #tpu.memory_space<vmem>>, vector<1x16xf32>,
        %get3A_434 = vector.shape_cast %get3A_433 : vector<1x16xf32> to vector<16xf32>
        %get3A_435 = arith.index_cast %scan3A_128 : i32 to index
        %get3A_436 = arith.constant 192 : index
        %get3A_437 = tpu.vector_load %arg9[%get3A_435, %get3A_436] {strides = array<i32>} : memref<16x1024xf32, #tpu.memory_space<vmem>>, vector<1x16xf32>,
        %get3A_438 = vector.shape_cast %get3A_437 : vector<1x16xf32> to vector<16xf32>
        %get3A_439 = arith.index_cast %scan3A_128 : i32 to index
        %get3A_440 = arith.constant 208 : index
        %get3A_441 = tpu.vector_load %arg9[%get3A_439, %get3A_440] {strides = array<i32>} : memref<16x1024xf32, #tpu.memory_space<vmem>>, vector<1x16xf32>,
        %get3A_442 = vector.shape_cast %get3A_441 : vector<1x16xf32> to vector<16xf32>
        %get3A_443 = arith.index_cast %scan3A_128 : i32 to index
        %get3A_444 = arith.constant 224 : index
        %get3A_445 = tpu.vector_load %arg9[%get3A_443, %get3A_444] {strides = array<i32>} : memref<16x1024xf32, #tpu.memory_space<vmem>>, vector<1x16xf32>,
        %get3A_446 = vector.shape_cast %get3A_445 : vector<1x16xf32> to vector<16xf32>
        %get3A_447 = arith.index_cast %scan3A_128 : i32 to index
        %get3A_448 = arith.constant 240 : index
        %get3A_449 = tpu.vector_load %arg9[%get3A_447, %get3A_448] {strides = array<i32>} : memref<16x1024xf32, #tpu.memory_space<vmem>>, vector<1x16xf32>,
        %get3A_450 = vector.shape_cast %get3A_449 : vector<1x16xf32> to vector<16xf32>
        %sub3A_451 = arith.subf %get3A_422, %get3A_438 : vector<16xf32>
        %sub3A_452 = arith.subf %get3A_422, %get3A_438 : vector<16xf32>
        %mul3A_453 = arith.mulf %sub3A_451, %sub3A_452 : vector<16xf32>
        %sub3A_454 = arith.subf %get3A_426, %get3A_442 : vector<16xf32>
        %sub3A_455 = arith.subf %get3A_426, %get3A_442 : vector<16xf32>
        %mul3A_456 = arith.mulf %sub3A_454, %sub3A_455 : vector<16xf32>
        %sub3A_457 = arith.subf %get3A_430, %get3A_446 : vector<16xf32>
        %sub3A_458 = arith.subf %get3A_430, %get3A_446 : vector<16xf32>
        %mul3A_459 = arith.mulf %sub3A_457, %sub3A_458 : vector<16xf32>
        %sub3A_460 = arith.subf %get3A_434, %get3A_450 : vector<16xf32>
        %sub3A_461 = arith.subf %get3A_434, %get3A_450 : vector<16xf32>
        %mul3A_462 = arith.mulf %sub3A_460, %sub3A_461 : vector<16xf32>
        %add3A_463 = arith.addf %mul3A_453, %mul3A_456 : vector<16xf32>
        %add3A_464 = arith.addf %mul3A_459, %mul3A_462 : vector<16xf32>
        %add3A_465 = arith.addf %add3A_463, %add3A_464 : vector<16xf32>
        %add3A_466 = arith.addf %add3A_370, %add3A_465 : vector<16xf32>
        %ge3A_467 = arith.cmpf oge, %get3A_438, %get3A_25 : vector<16xf32>
        %select_n3A_468 = arith.select %ge3A_467, %mul3A_453, %broadcast_in_dim3A_50 : vector<16xi1>, vector<16xf32>
        %ge3A_469 = arith.cmpf oge, %get3A_442, %get3A_25 : vector<16xf32>
        %select_n3A_470 = arith.select %ge3A_469, %mul3A_456, %broadcast_in_dim3A_50 : vector<16xi1>, vector<16xf32>
        %ge3A_471 = arith.cmpf oge, %get3A_446, %get3A_25 : vector<16xf32>
        %select_n3A_472 = arith.select %ge3A_471, %mul3A_459, %broadcast_in_dim3A_50 : vector<16xi1>, vector<16xf32>
        %ge3A_473 = arith.cmpf oge, %get3A_450, %get3A_25 : vector<16xf32>
        %select_n3A_474 = arith.select %ge3A_473, %mul3A_462, %broadcast_in_dim3A_50 : vector<16xi1>, vector<16xf32>
        %add3A_475 = arith.addf %select_n3A_468, %select_n3A_470 : vector<16xf32>
        %add3A_476 = arith.addf %select_n3A_472, %select_n3A_474 : vector<16xf32>
        %add3A_477 = arith.addf %add3A_475, %add3A_476 : vector<16xf32>
        %add3A_478 = arith.addf %add3A_382, %add3A_477 : vector<16xf32>
        %ge3A_479 = arith.cmpf oge, %get3A_438, %get3A_28 : vector<16xf32>
        %select_n3A_480 = arith.select %ge3A_479, %mul3A_453, %broadcast_in_dim3A_50 : vector<16xi1>, vector<16xf32>
        %ge3A_481 = arith.cmpf oge, %get3A_442, %get3A_28 : vector<16xf32>
        %select_n3A_482 = arith.select %ge3A_481, %mul3A_456, %broadcast_in_dim3A_50 : vector<16xi1>, vector<16xf32>
        %ge3A_483 = arith.cmpf oge, %get3A_446, %get3A_28 : vector<16xf32>
        %select_n3A_484 = arith.select %ge3A_483, %mul3A_459, %broadcast_in_dim3A_50 : vector<16xi1>, vector<16xf32>
        %ge3A_485 = arith.cmpf oge, %get3A_450, %get3A_28 : vector<16xf32>
        %select_n3A_486 = arith.select %ge3A_485, %mul3A_462, %broadcast_in_dim3A_50 : vector<16xi1>, vector<16xf32>
        %add3A_487 = arith.addf %select_n3A_480, %select_n3A_482 : vector<16xf32>
        %add3A_488 = arith.addf %select_n3A_484, %select_n3A_486 : vector<16xf32>
        %add3A_489 = arith.addf %add3A_487, %add3A_488 : vector<16xf32>
        %add3A_490 = arith.addf %add3A_394, %add3A_489 : vector<16xf32>
        %ge3A_491 = arith.cmpf oge, %get3A_438, %get3A_31 : vector<16xf32>
        %select_n3A_492 = arith.select %ge3A_491, %mul3A_453, %broadcast_in_dim3A_50 : vector<16xi1>, vector<16xf32>
        %ge3A_493 = arith.cmpf oge, %get3A_442, %get3A_31 : vector<16xf32>
        %select_n3A_494 = arith.select %ge3A_493, %mul3A_456, %broadcast_in_dim3A_50 : vector<16xi1>, vector<16xf32>
        %ge3A_495 = arith.cmpf oge, %get3A_446, %get3A_31 : vector<16xf32>
        %select_n3A_496 = arith.select %ge3A_495, %mul3A_459, %broadcast_in_dim3A_50 : vector<16xi1>, vector<16xf32>
        %ge3A_497 = arith.cmpf oge, %get3A_450, %get3A_31 : vector<16xf32>
        %select_n3A_498 = arith.select %ge3A_497, %mul3A_462, %broadcast_in_dim3A_50 : vector<16xi1>, vector<16xf32>
        %add3A_499 = arith.addf %select_n3A_492, %select_n3A_494 : vector<16xf32>
        %add3A_500 = arith.addf %select_n3A_496, %select_n3A_498 : vector<16xf32>
        %add3A_501 = arith.addf %add3A_499, %add3A_500 : vector<16xf32>
        %add3A_502 = arith.addf %add3A_406, %add3A_501 : vector<16xf32>
        %ge3A_503 = arith.cmpf oge, %get3A_438, %get3A_34 : vector<16xf32>
        %select_n3A_504 = arith.select %ge3A_503, %mul3A_453, %broadcast_in_dim3A_50 : vector<16xi1>, vector<16xf32>
        %ge3A_505 = arith.cmpf oge, %get3A_442, %get3A_34 : vector<16xf32>
        %select_n3A_506 = arith.select %ge3A_505, %mul3A_456, %broadcast_in_dim3A_50 : vector<16xi1>, vector<16xf32>
        %ge3A_507 = arith.cmpf oge, %get3A_446, %get3A_34 : vector<16xf32>
        %select_n3A_508 = arith.select %ge3A_507, %mul3A_459, %broadcast_in_dim3A_50 : vector<16xi1>, vector<16xf32>
        %ge3A_509 = arith.cmpf oge, %get3A_450, %get3A_34 : vector<16xf32>
        %select_n3A_510 = arith.select %ge3A_509, %mul3A_462, %broadcast_in_dim3A_50 : vector<16xi1>, vector<16xf32>
        %add3A_511 = arith.addf %select_n3A_504, %select_n3A_506 : vector<16xf32>
        %add3A_512 = arith.addf %select_n3A_508, %select_n3A_510 : vector<16xf32>
        %add3A_513 = arith.addf %add3A_511, %add3A_512 : vector<16xf32>
        %add3A_514 = arith.addf %add3A_418, %add3A_513 : vector<16xf32>
        %get3A_515 = arith.index_cast %scan3A_128 : i32 to index
        %get3A_516 = arith.constant 256 : index
        %get3A_517 = tpu.vector_load %arg7[%get3A_515, %get3A_516] {strides = array<i32>} : memref<16x1024xf32, #tpu.memory_space<vmem>>, vector<1x16xf32>,
        %get3A_518 = vector.shape_cast %get3A_517 : vector<1x16xf32> to vector<16xf32>
        %get3A_519 = arith.index_cast %scan3A_128 : i32 to index
        %get3A_520 = arith.constant 272 : index
        %get3A_521 = tpu.vector_load %arg7[%get3A_519, %get3A_520] {strides = array<i32>} : memref<16x1024xf32, #tpu.memory_space<vmem>>, vector<1x16xf32>,
        %get3A_522 = vector.shape_cast %get3A_521 : vector<1x16xf32> to vector<16xf32>
        %get3A_523 = arith.index_cast %scan3A_128 : i32 to index
        %get3A_524 = arith.constant 288 : index
        %get3A_525 = tpu.vector_load %arg7[%get3A_523, %get3A_524] {strides = array<i32>} : memref<16x1024xf32, #tpu.memory_space<vmem>>, vector<1x16xf32>,
        %get3A_526 = vector.shape_cast %get3A_525 : vector<1x16xf32> to vector<16xf32>
        %get3A_527 = arith.index_cast %scan3A_128 : i32 to index
        %get3A_528 = arith.constant 304 : index
        %get3A_529 = tpu.vector_load %arg7[%get3A_527, %get3A_528] {strides = array<i32>} : memref<16x1024xf32, #tpu.memory_space<vmem>>, vector<1x16xf32>,
        %get3A_530 = vector.shape_cast %get3A_529 : vector<1x16xf32> to vector<16xf32>
        %get3A_531 = arith.index_cast %scan3A_128 : i32 to index
        %get3A_532 = arith.constant 256 : index
        %get3A_533 = tpu.vector_load %arg9[%get3A_531, %get3A_532] {strides = array<i32>} : memref<16x1024xf32, #tpu.memory_space<vmem>>, vector<1x16xf32>,
        %get3A_534 = vector.shape_cast %get3A_533 : vector<1x16xf32> to vector<16xf32>
        %get3A_535 = arith.index_cast %scan3A_128 : i32 to index
        %get3A_536 = arith.constant 272 : index
        %get3A_537 = tpu.vector_load %arg9[%get3A_535, %get3A_536] {strides = array<i32>} : memref<16x1024xf32, #tpu.memory_space<vmem>>, vector<1x16xf32>,
        %get3A_538 = vector.shape_cast %get3A_537 : vector<1x16xf32> to vector<16xf32>
        %get3A_539 = arith.index_cast %scan3A_128 : i32 to index
        %get3A_540 = arith.constant 288 : index
        %get3A_541 = tpu.vector_load %arg9[%get3A_539, %get3A_540] {strides = array<i32>} : memref<16x1024xf32, #tpu.memory_space<vmem>>, vector<1x16xf32>,
        %get3A_542 = vector.shape_cast %get3A_541 : vector<1x16xf32> to vector<16xf32>
        %get3A_543 = arith.index_cast %scan3A_128 : i32 to index
        %get3A_544 = arith.constant 304 : index
        %get3A_545 = tpu.vector_load %arg9[%get3A_543, %get3A_544] {strides = array<i32>} : memref<16x1024xf32, #tpu.memory_space<vmem>>, vector<1x16xf32>,
        %get3A_546 = vector.shape_cast %get3A_545 : vector<1x16xf32> to vector<16xf32>
        %sub3A_547 = arith.subf %get3A_518, %get3A_534 : vector<16xf32>
        %sub3A_548 = arith.subf %get3A_518, %get3A_534 : vector<16xf32>
        %mul3A_549 = arith.mulf %sub3A_547, %sub3A_548 : vector<16xf32>
        %sub3A_550 = arith.subf %get3A_522, %get3A_538 : vector<16xf32>
        %sub3A_551 = arith.subf %get3A_522, %get3A_538 : vector<16xf32>
        %mul3A_552 = arith.mulf %sub3A_550, %sub3A_551 : vector<16xf32>
        %sub3A_553 = arith.subf %get3A_526, %get3A_542 : vector<16xf32>
        %sub3A_554 = arith.subf %get3A_526, %get3A_542 : vector<16xf32>
        %mul3A_555 = arith.mulf %sub3A_553, %sub3A_554 : vector<16xf32>
        %sub3A_556 = arith.subf %get3A_530, %get3A_546 : vector<16xf32>
        %sub3A_557 = arith.subf %get3A_530, %get3A_546 : vector<16xf32>
        %mul3A_558 = arith.mulf %sub3A_556, %sub3A_557 : vector<16xf32>
        %add3A_559 = arith.addf %mul3A_549, %mul3A_552 : vector<16xf32>
        %add3A_560 = arith.addf %mul3A_555, %mul3A_558 : vector<16xf32>
        %add3A_561 = arith.addf %add3A_559, %add3A_560 : vector<16xf32>
        %add3A_562 = arith.addf %add3A_466, %add3A_561 : vector<16xf32>
        %ge3A_563 = arith.cmpf oge, %get3A_534, %get3A_25 : vector<16xf32>
        %select_n3A_564 = arith.select %ge3A_563, %mul3A_549, %broadcast_in_dim3A_50 : vector<16xi1>, vector<16xf32>
        %ge3A_565 = arith.cmpf oge, %get3A_538, %get3A_25 : vector<16xf32>
        %select_n3A_566 = arith.select %ge3A_565, %mul3A_552, %broadcast_in_dim3A_50 : vector<16xi1>, vector<16xf32>
        %ge3A_567 = arith.cmpf oge, %get3A_542, %get3A_25 : vector<16xf32>
        %select_n3A_568 = arith.select %ge3A_567, %mul3A_555, %broadcast_in_dim3A_50 : vector<16xi1>, vector<16xf32>
        %ge3A_569 = arith.cmpf oge, %get3A_546, %get3A_25 : vector<16xf32>
        %select_n3A_570 = arith.select %ge3A_569, %mul3A_558, %broadcast_in_dim3A_50 : vector<16xi1>, vector<16xf32>
        %add3A_571 = arith.addf %select_n3A_564, %select_n3A_566 : vector<16xf32>
        %add3A_572 = arith.addf %select_n3A_568, %select_n3A_570 : vector<16xf32>
        %add3A_573 = arith.addf %add3A_571, %add3A_572 : vector<16xf32>
        %add3A_574 = arith.addf %add3A_478, %add3A_573 : vector<16xf32>
        %ge3A_575 = arith.cmpf oge, %get3A_534, %get3A_28 : vector<16xf32>
        %select_n3A_576 = arith.select %ge3A_575, %mul3A_549, %broadcast_in_dim3A_50 : vector<16xi1>, vector<16xf32>
        %ge3A_577 = arith.cmpf oge, %get3A_538, %get3A_28 : vector<16xf32>
        %select_n3A_578 = arith.select %ge3A_577, %mul3A_552, %broadcast_in_dim3A_50 : vector<16xi1>, vector<16xf32>
        %ge3A_579 = arith.cmpf oge, %get3A_542, %get3A_28 : vector<16xf32>
        %select_n3A_580 = arith.select %ge3A_579, %mul3A_555, %broadcast_in_dim3A_50 : vector<16xi1>, vector<16xf32>
        %ge3A_581 = arith.cmpf oge, %get3A_546, %get3A_28 : vector<16xf32>
        %select_n3A_582 = arith.select %ge3A_581, %mul3A_558, %broadcast_in_dim3A_50 : vector<16xi1>, vector<16xf32>
        %add3A_583 = arith.addf %select_n3A_576, %select_n3A_578 : vector<16xf32>
        %add3A_584 = arith.addf %select_n3A_580, %select_n3A_582 : vector<16xf32>
        %add3A_585 = arith.addf %add3A_583, %add3A_584 : vector<16xf32>
        %add3A_586 = arith.addf %add3A_490, %add3A_585 : vector<16xf32>
        %ge3A_587 = arith.cmpf oge, %get3A_534, %get3A_31 : vector<16xf32>
        %select_n3A_588 = arith.select %ge3A_587, %mul3A_549, %broadcast_in_dim3A_50 : vector<16xi1>, vector<16xf32>
        %ge3A_589 = arith.cmpf oge, %get3A_538, %get3A_31 : vector<16xf32>
        %select_n3A_590 = arith.select %ge3A_589, %mul3A_552, %broadcast_in_dim3A_50 : vector<16xi1>, vector<16xf32>
        %ge3A_591 = arith.cmpf oge, %get3A_542, %get3A_31 : vector<16xf32>
        %select_n3A_592 = arith.select %ge3A_591, %mul3A_555, %broadcast_in_dim3A_50 : vector<16xi1>, vector<16xf32>
        %ge3A_593 = arith.cmpf oge, %get3A_546, %get3A_31 : vector<16xf32>
        %select_n3A_594 = arith.select %ge3A_593, %mul3A_558, %broadcast_in_dim3A_50 : vector<16xi1>, vector<16xf32>
        %add3A_595 = arith.addf %select_n3A_588, %select_n3A_590 : vector<16xf32>
        %add3A_596 = arith.addf %select_n3A_592, %select_n3A_594 : vector<16xf32>
        %add3A_597 = arith.addf %add3A_595, %add3A_596 : vector<16xf32>
        %add3A_598 = arith.addf %add3A_502, %add3A_597 : vector<16xf32>
        %ge3A_599 = arith.cmpf oge, %get3A_534, %get3A_34 : vector<16xf32>
        %select_n3A_600 = arith.select %ge3A_599, %mul3A_549, %broadcast_in_dim3A_50 : vector<16xi1>, vector<16xf32>
        %ge3A_601 = arith.cmpf oge, %get3A_538, %get3A_34 : vector<16xf32>
        %select_n3A_602 = arith.select %ge3A_601, %mul3A_552, %broadcast_in_dim3A_50 : vector<16xi1>, vector<16xf32>
        %ge3A_603 = arith.cmpf oge, %get3A_542, %get3A_34 : vector<16xf32>
        %select_n3A_604 = arith.select %ge3A_603, %mul3A_555, %broadcast_in_dim3A_50 : vector<16xi1>, vector<16xf32>
        %ge3A_605 = arith.cmpf oge, %get3A_546, %get3A_34 : vector<16xf32>
        %select_n3A_606 = arith.select %ge3A_605, %mul3A_558, %broadcast_in_dim3A_50 : vector<16xi1>, vector<16xf32>
        %add3A_607 = arith.addf %select_n3A_600, %select_n3A_602 : vector<16xf32>
        %add3A_608 = arith.addf %select_n3A_604, %select_n3A_606 : vector<16xf32>
        %add3A_609 = arith.addf %add3A_607, %add3A_608 : vector<16xf32>
        %add3A_610 = arith.addf %add3A_514, %add3A_609 : vector<16xf32>
        %get3A_611 = arith.index_cast %scan3A_128 : i32 to index
        %get3A_612 = arith.constant 320 : index
        %get3A_613 = tpu.vector_load %arg7[%get3A_611, %get3A_612] {strides = array<i32>} : memref<16x1024xf32, #tpu.memory_space<vmem>>, vector<1x16xf32>,
        %get3A_614 = vector.shape_cast %get3A_613 : vector<1x16xf32> to vector<16xf32>
        %get3A_615 = arith.index_cast %scan3A_128 : i32 to index
        %get3A_616 = arith.constant 336 : index
        %get3A_617 = tpu.vector_load %arg7[%get3A_615, %get3A_616] {strides = array<i32>} : memref<16x1024xf32, #tpu.memory_space<vmem>>, vector<1x16xf32>,
        %get3A_618 = vector.shape_cast %get3A_617 : vector<1x16xf32> to vector<16xf32>
        %get3A_619 = arith.index_cast %scan3A_128 : i32 to index
        %get3A_620 = arith.constant 352 : index
        %get3A_621 = tpu.vector_load %arg7[%get3A_619, %get3A_620] {strides = array<i32>} : memref<16x1024xf32, #tpu.memory_space<vmem>>, vector<1x16xf32>,
        %get3A_622 = vector.shape_cast %get3A_621 : vector<1x16xf32> to vector<16xf32>
        %get3A_623 = arith.index_cast %scan3A_128 : i32 to index
        %get3A_624 = arith.constant 368 : index
        %get3A_625 = tpu.vector_load %arg7[%get3A_623, %get3A_624] {strides = array<i32>} : memref<16x1024xf32, #tpu.memory_space<vmem>>, vector<1x16xf32>,
        %get3A_626 = vector.shape_cast %get3A_625 : vector<1x16xf32> to vector<16xf32>
        %get3A_627 = arith.index_cast %scan3A_128 : i32 to index
        %get3A_628 = arith.constant 320 : index
        %get3A_629 = tpu.vector_load %arg9[%get3A_627, %get3A_628] {strides = array<i32>} : memref<16x1024xf32, #tpu.memory_space<vmem>>, vector<1x16xf32>,
        %get3A_630 = vector.shape_cast %get3A_629 : vector<1x16xf32> to vector<16xf32>
        %get3A_631 = arith.index_cast %scan3A_128 : i32 to index
        %get3A_632 = arith.constant 336 : index
        %get3A_633 = tpu.vector_load %arg9[%get3A_631, %get3A_632] {strides = array<i32>} : memref<16x1024xf32, #tpu.memory_space<vmem>>, vector<1x16xf32>,
        %get3A_634 = vector.shape_cast %get3A_633 : vector<1x16xf32> to vector<16xf32>
        %get3A_635 = arith.index_cast %scan3A_128 : i32 to index
        %get3A_636 = arith.constant 352 : index
        %get3A_637 = tpu.vector_load %arg9[%get3A_635, %get3A_636] {strides = array<i32>} : memref<16x1024xf32, #tpu.memory_space<vmem>>, vector<1x16xf32>,
        %get3A_638 = vector.shape_cast %get3A_637 : vector<1x16xf32> to vector<16xf32>
        %get3A_639 = arith.index_cast %scan3A_128 : i32 to index
        %get3A_640 = arith.constant 368 : index
        %get3A_641 = tpu.vector_load %arg9[%get3A_639, %get3A_640] {strides = array<i32>} : memref<16x1024xf32, #tpu.memory_space<vmem>>, vector<1x16xf32>,
        %get3A_642 = vector.shape_cast %get3A_641 : vector<1x16xf32> to vector<16xf32>
        %sub3A_643 = arith.subf %get3A_614, %get3A_630 : vector<16xf32>
        %sub3A_644 = arith.subf %get3A_614, %get3A_630 : vector<16xf32>
        %mul3A_645 = arith.mulf %sub3A_643, %sub3A_644 : vector<16xf32>
        %sub3A_646 = arith.subf %get3A_618, %get3A_634 : vector<16xf32>
        %sub3A_647 = arith.subf %get3A_618, %get3A_634 : vector<16xf32>
        %mul3A_648 = arith.mulf %sub3A_646, %sub3A_647 : vector<16xf32>
        %sub3A_649 = arith.subf %get3A_622, %get3A_638 : vector<16xf32>
        %sub3A_650 = arith.subf %get3A_622, %get3A_638 : vector<16xf32>
        %mul3A_651 = arith.mulf %sub3A_649, %sub3A_650 : vector<16xf32>
        %sub3A_652 = arith.subf %get3A_626, %get3A_642 : vector<16xf32>
        %sub3A_653 = arith.subf %get3A_626, %get3A_642 : vector<16xf32>
        %mul3A_654 = arith.mulf %sub3A_652, %sub3A_653 : vector<16xf32>
        %add3A_655 = arith.addf %mul3A_645, %mul3A_648 : vector<16xf32>
        %add3A_656 = arith.addf %mul3A_651, %mul3A_654 : vector<16xf32>
        %add3A_657 = arith.addf %add3A_655, %add3A_656 : vector<16xf32>
        %add3A_658 = arith.addf %add3A_562, %add3A_657 : vector<16xf32>
        %ge3A_659 = arith.cmpf oge, %get3A_630, %get3A_25 : vector<16xf32>
        %select_n3A_660 = arith.select %ge3A_659, %mul3A_645, %broadcast_in_dim3A_50 : vector<16xi1>, vector<16xf32>
        %ge3A_661 = arith.cmpf oge, %get3A_634, %get3A_25 : vector<16xf32>
        %select_n3A_662 = arith.select %ge3A_661, %mul3A_648, %broadcast_in_dim3A_50 : vector<16xi1>, vector<16xf32>
        %ge3A_663 = arith.cmpf oge, %get3A_638, %get3A_25 : vector<16xf32>
        %select_n3A_664 = arith.select %ge3A_663, %mul3A_651, %broadcast_in_dim3A_50 : vector<16xi1>, vector<16xf32>
        %ge3A_665 = arith.cmpf oge, %get3A_642, %get3A_25 : vector<16xf32>
        %select_n3A_666 = arith.select %ge3A_665, %mul3A_654, %broadcast_in_dim3A_50 : vector<16xi1>, vector<16xf32>
        %add3A_667 = arith.addf %select_n3A_660, %select_n3A_662 : vector<16xf32>
        %add3A_668 = arith.addf %select_n3A_664, %select_n3A_666 : vector<16xf32>
        %add3A_669 = arith.addf %add3A_667, %add3A_668 : vector<16xf32>
        %add3A_670 = arith.addf %add3A_574, %add3A_669 : vector<16xf32>
        %ge3A_671 = arith.cmpf oge, %get3A_630, %get3A_28 : vector<16xf32>
        %select_n3A_672 = arith.select %ge3A_671, %mul3A_645, %broadcast_in_dim3A_50 : vector<16xi1>, vector<16xf32>
        %ge3A_673 = arith.cmpf oge, %get3A_634, %get3A_28 : vector<16xf32>
        %select_n3A_674 = arith.select %ge3A_673, %mul3A_648, %broadcast_in_dim3A_50 : vector<16xi1>, vector<16xf32>
        %ge3A_675 = arith.cmpf oge, %get3A_638, %get3A_28 : vector<16xf32>
        %select_n3A_676 = arith.select %ge3A_675, %mul3A_651, %broadcast_in_dim3A_50 : vector<16xi1>, vector<16xf32>
        %ge3A_677 = arith.cmpf oge, %get3A_642, %get3A_28 : vector<16xf32>
        %select_n3A_678 = arith.select %ge3A_677, %mul3A_654, %broadcast_in_dim3A_50 : vector<16xi1>, vector<16xf32>
        %add3A_679 = arith.addf %select_n3A_672, %select_n3A_674 : vector<16xf32>
        %add3A_680 = arith.addf %select_n3A_676, %select_n3A_678 : vector<16xf32>
        %add3A_681 = arith.addf %add3A_679, %add3A_680 : vector<16xf32>
        %add3A_682 = arith.addf %add3A_586, %add3A_681 : vector<16xf32>
        %ge3A_683 = arith.cmpf oge, %get3A_630, %get3A_31 : vector<16xf32>
        %select_n3A_684 = arith.select %ge3A_683, %mul3A_645, %broadcast_in_dim3A_50 : vector<16xi1>, vector<16xf32>
        %ge3A_685 = arith.cmpf oge, %get3A_634, %get3A_31 : vector<16xf32>
        %select_n3A_686 = arith.select %ge3A_685, %mul3A_648, %broadcast_in_dim3A_50 : vector<16xi1>, vector<16xf32>
        %ge3A_687 = arith.cmpf oge, %get3A_638, %get3A_31 : vector<16xf32>
        %select_n3A_688 = arith.select %ge3A_687, %mul3A_651, %broadcast_in_dim3A_50 : vector<16xi1>, vector<16xf32>
        %ge3A_689 = arith.cmpf oge, %get3A_642, %get3A_31 : vector<16xf32>
        %select_n3A_690 = arith.select %ge3A_689, %mul3A_654, %broadcast_in_dim3A_50 : vector<16xi1>, vector<16xf32>
        %add3A_691 = arith.addf %select_n3A_684, %select_n3A_686 : vector<16xf32>
        %add3A_692 = arith.addf %select_n3A_688, %select_n3A_690 : vector<16xf32>
        %add3A_693 = arith.addf %add3A_691, %add3A_692 : vector<16xf32>
        %add3A_694 = arith.addf %add3A_598, %add3A_693 : vector<16xf32>
        %ge3A_695 = arith.cmpf oge, %get3A_630, %get3A_34 : vector<16xf32>
        %select_n3A_696 = arith.select %ge3A_695, %mul3A_645, %broadcast_in_dim3A_50 : vector<16xi1>, vector<16xf32>
        %ge3A_697 = arith.cmpf oge, %get3A_634, %get3A_34 : vector<16xf32>
        %select_n3A_698 = arith.select %ge3A_697, %mul3A_648, %broadcast_in_dim3A_50 : vector<16xi1>, vector<16xf32>
        %ge3A_699 = arith.cmpf oge, %get3A_638, %get3A_34 : vector<16xf32>
        %select_n3A_700 = arith.select %ge3A_699, %mul3A_651, %broadcast_in_dim3A_50 : vector<16xi1>, vector<16xf32>
        %ge3A_701 = arith.cmpf oge, %get3A_642, %get3A_34 : vector<16xf32>
        %select_n3A_702 = arith.select %ge3A_701, %mul3A_654, %broadcast_in_dim3A_50 : vector<16xi1>, vector<16xf32>
        %add3A_703 = arith.addf %select_n3A_696, %select_n3A_698 : vector<16xf32>
        %add3A_704 = arith.addf %select_n3A_700, %select_n3A_702 : vector<16xf32>
        %add3A_705 = arith.addf %add3A_703, %add3A_704 : vector<16xf32>
        %add3A_706 = arith.addf %add3A_610, %add3A_705 : vector<16xf32>
        %get3A_707 = arith.index_cast %scan3A_128 : i32 to index
        %get3A_708 = arith.constant 384 : index
        %get3A_709 = tpu.vector_load %arg7[%get3A_707, %get3A_708] {strides = array<i32>} : memref<16x1024xf32, #tpu.memory_space<vmem>>, vector<1x16xf32>,
        %get3A_710 = vector.shape_cast %get3A_709 : vector<1x16xf32> to vector<16xf32>
        %get3A_711 = arith.index_cast %scan3A_128 : i32 to index
        %get3A_712 = arith.constant 400 : index
        %get3A_713 = tpu.vector_load %arg7[%get3A_711, %get3A_712] {strides = array<i32>} : memref<16x1024xf32, #tpu.memory_space<vmem>>, vector<1x16xf32>,
        %get3A_714 = vector.shape_cast %get3A_713 : vector<1x16xf32> to vector<16xf32>
        %get3A_715 = arith.index_cast %scan3A_128 : i32 to index
        %get3A_716 = arith.constant 416 : index
        %get3A_717 = tpu.vector_load %arg7[%get3A_715, %get3A_716] {strides = array<i32>} : memref<16x1024xf32, #tpu.memory_space<vmem>>, vector<1x16xf32>,
        %get3A_718 = vector.shape_cast %get3A_717 : vector<1x16xf32> to vector<16xf32>
        %get3A_719 = arith.index_cast %scan3A_128 : i32 to index
        %get3A_720 = arith.constant 432 : index
        %get3A_721 = tpu.vector_load %arg7[%get3A_719, %get3A_720] {strides = array<i32>} : memref<16x1024xf32, #tpu.memory_space<vmem>>, vector<1x16xf32>,
        %get3A_722 = vector.shape_cast %get3A_721 : vector<1x16xf32> to vector<16xf32>
        %get3A_723 = arith.index_cast %scan3A_128 : i32 to index
        %get3A_724 = arith.constant 384 : index
        %get3A_725 = tpu.vector_load %arg9[%get3A_723, %get3A_724] {strides = array<i32>} : memref<16x1024xf32, #tpu.memory_space<vmem>>, vector<1x16xf32>,
        %get3A_726 = vector.shape_cast %get3A_725 : vector<1x16xf32> to vector<16xf32>
        %get3A_727 = arith.index_cast %scan3A_128 : i32 to index
        %get3A_728 = arith.constant 400 : index
        %get3A_729 = tpu.vector_load %arg9[%get3A_727, %get3A_728] {strides = array<i32>} : memref<16x1024xf32, #tpu.memory_space<vmem>>, vector<1x16xf32>,
        %get3A_730 = vector.shape_cast %get3A_729 : vector<1x16xf32> to vector<16xf32>
        %get3A_731 = arith.index_cast %scan3A_128 : i32 to index
        %get3A_732 = arith.constant 416 : index
        %get3A_733 = tpu.vector_load %arg9[%get3A_731, %get3A_732] {strides = array<i32>} : memref<16x1024xf32, #tpu.memory_space<vmem>>, vector<1x16xf32>,
        %get3A_734 = vector.shape_cast %get3A_733 : vector<1x16xf32> to vector<16xf32>
        %get3A_735 = arith.index_cast %scan3A_128 : i32 to index
        %get3A_736 = arith.constant 432 : index
        %get3A_737 = tpu.vector_load %arg9[%get3A_735, %get3A_736] {strides = array<i32>} : memref<16x1024xf32, #tpu.memory_space<vmem>>, vector<1x16xf32>,
        %get3A_738 = vector.shape_cast %get3A_737 : vector<1x16xf32> to vector<16xf32>
        %sub3A_739 = arith.subf %get3A_710, %get3A_726 : vector<16xf32>
        %sub3A_740 = arith.subf %get3A_710, %get3A_726 : vector<16xf32>
        %mul3A_741 = arith.mulf %sub3A_739, %sub3A_740 : vector<16xf32>
        %sub3A_742 = arith.subf %get3A_714, %get3A_730 : vector<16xf32>
        %sub3A_743 = arith.subf %get3A_714, %get3A_730 : vector<16xf32>
        %mul3A_744 = arith.mulf %sub3A_742, %sub3A_743 : vector<16xf32>
        %sub3A_745 = arith.subf %get3A_718, %get3A_734 : vector<16xf32>
        %sub3A_746 = arith.subf %get3A_718, %get3A_734 : vector<16xf32>
        %mul3A_747 = arith.mulf %sub3A_745, %sub3A_746 : vector<16xf32>
        %sub3A_748 = arith.subf %get3A_722, %get3A_738 : vector<16xf32>
        %sub3A_749 = arith.subf %get3A_722, %get3A_738 : vector<16xf32>
        %mul3A_750 = arith.mulf %sub3A_748, %sub3A_749 : vector<16xf32>
        %add3A_751 = arith.addf %mul3A_741, %mul3A_744 : vector<16xf32>
        %add3A_752 = arith.addf %mul3A_747, %mul3A_750 : vector<16xf32>
        %add3A_753 = arith.addf %add3A_751, %add3A_752 : vector<16xf32>
        %add3A_754 = arith.addf %add3A_658, %add3A_753 : vector<16xf32>
        %ge3A_755 = arith.cmpf oge, %get3A_726, %get3A_25 : vector<16xf32>
        %select_n3A_756 = arith.select %ge3A_755, %mul3A_741, %broadcast_in_dim3A_50 : vector<16xi1>, vector<16xf32>
        %ge3A_757 = arith.cmpf oge, %get3A_730, %get3A_25 : vector<16xf32>
        %select_n3A_758 = arith.select %ge3A_757, %mul3A_744, %broadcast_in_dim3A_50 : vector<16xi1>, vector<16xf32>
        %ge3A_759 = arith.cmpf oge, %get3A_734, %get3A_25 : vector<16xf32>
        %select_n3A_760 = arith.select %ge3A_759, %mul3A_747, %broadcast_in_dim3A_50 : vector<16xi1>, vector<16xf32>
        %ge3A_761 = arith.cmpf oge, %get3A_738, %get3A_25 : vector<16xf32>
        %select_n3A_762 = arith.select %ge3A_761, %mul3A_750, %broadcast_in_dim3A_50 : vector<16xi1>, vector<16xf32>
        %add3A_763 = arith.addf %select_n3A_756, %select_n3A_758 : vector<16xf32>
        %add3A_764 = arith.addf %select_n3A_760, %select_n3A_762 : vector<16xf32>
        %add3A_765 = arith.addf %add3A_763, %add3A_764 : vector<16xf32>
        %add3A_766 = arith.addf %add3A_670, %add3A_765 : vector<16xf32>
        %ge3A_767 = arith.cmpf oge, %get3A_726, %get3A_28 : vector<16xf32>
        %select_n3A_768 = arith.select %ge3A_767, %mul3A_741, %broadcast_in_dim3A_50 : vector<16xi1>, vector<16xf32>
        %ge3A_769 = arith.cmpf oge, %get3A_730, %get3A_28 : vector<16xf32>
        %select_n3A_770 = arith.select %ge3A_769, %mul3A_744, %broadcast_in_dim3A_50 : vector<16xi1>, vector<16xf32>
        %ge3A_771 = arith.cmpf oge, %get3A_734, %get3A_28 : vector<16xf32>
        %select_n3A_772 = arith.select %ge3A_771, %mul3A_747, %broadcast_in_dim3A_50 : vector<16xi1>, vector<16xf32>
        %ge3A_773 = arith.cmpf oge, %get3A_738, %get3A_28 : vector<16xf32>
        %select_n3A_774 = arith.select %ge3A_773, %mul3A_750, %broadcast_in_dim3A_50 : vector<16xi1>, vector<16xf32>
        %add3A_775 = arith.addf %select_n3A_768, %select_n3A_770 : vector<16xf32>
        %add3A_776 = arith.addf %select_n3A_772, %select_n3A_774 : vector<16xf32>
        %add3A_777 = arith.addf %add3A_775, %add3A_776 : vector<16xf32>
        %add3A_778 = arith.addf %add3A_682, %add3A_777 : vector<16xf32>
        %ge3A_779 = arith.cmpf oge, %get3A_726, %get3A_31 : vector<16xf32>
        %select_n3A_780 = arith.select %ge3A_779, %mul3A_741, %broadcast_in_dim3A_50 : vector<16xi1>, vector<16xf32>
        %ge3A_781 = arith.cmpf oge, %get3A_730, %get3A_31 : vector<16xf32>
        %select_n3A_782 = arith.select %ge3A_781, %mul3A_744, %broadcast_in_dim3A_50 : vector<16xi1>, vector<16xf32>
        %ge3A_783 = arith.cmpf oge, %get3A_734, %get3A_31 : vector<16xf32>
        %select_n3A_784 = arith.select %ge3A_783, %mul3A_747, %broadcast_in_dim3A_50 : vector<16xi1>, vector<16xf32>
        %ge3A_785 = arith.cmpf oge, %get3A_738, %get3A_31 : vector<16xf32>
        %select_n3A_786 = arith.select %ge3A_785, %mul3A_750, %broadcast_in_dim3A_50 : vector<16xi1>, vector<16xf32>
        %add3A_787 = arith.addf %select_n3A_780, %select_n3A_782 : vector<16xf32>
        %add3A_788 = arith.addf %select_n3A_784, %select_n3A_786 : vector<16xf32>
        %add3A_789 = arith.addf %add3A_787, %add3A_788 : vector<16xf32>
        %add3A_790 = arith.addf %add3A_694, %add3A_789 : vector<16xf32>
        %ge3A_791 = arith.cmpf oge, %get3A_726, %get3A_34 : vector<16xf32>
        %select_n3A_792 = arith.select %ge3A_791, %mul3A_741, %broadcast_in_dim3A_50 : vector<16xi1>, vector<16xf32>
        %ge3A_793 = arith.cmpf oge, %get3A_730, %get3A_34 : vector<16xf32>
        %select_n3A_794 = arith.select %ge3A_793, %mul3A_744, %broadcast_in_dim3A_50 : vector<16xi1>, vector<16xf32>
        %ge3A_795 = arith.cmpf oge, %get3A_734, %get3A_34 : vector<16xf32>
        %select_n3A_796 = arith.select %ge3A_795, %mul3A_747, %broadcast_in_dim3A_50 : vector<16xi1>, vector<16xf32>
        %ge3A_797 = arith.cmpf oge, %get3A_738, %get3A_34 : vector<16xf32>
        %select_n3A_798 = arith.select %ge3A_797, %mul3A_750, %broadcast_in_dim3A_50 : vector<16xi1>, vector<16xf32>
        %add3A_799 = arith.addf %select_n3A_792, %select_n3A_794 : vector<16xf32>
        %add3A_800 = arith.addf %select_n3A_796, %select_n3A_798 : vector<16xf32>
        %add3A_801 = arith.addf %add3A_799, %add3A_800 : vector<16xf32>
        %add3A_802 = arith.addf %add3A_706, %add3A_801 : vector<16xf32>
        %get3A_803 = arith.index_cast %scan3A_128 : i32 to index
        %get3A_804 = arith.constant 448 : index
        %get3A_805 = tpu.vector_load %arg7[%get3A_803, %get3A_804] {strides = array<i32>} : memref<16x1024xf32, #tpu.memory_space<vmem>>, vector<1x16xf32>,
        %get3A_806 = vector.shape_cast %get3A_805 : vector<1x16xf32> to vector<16xf32>
        %get3A_807 = arith.index_cast %scan3A_128 : i32 to index
        %get3A_808 = arith.constant 464 : index
        %get3A_809 = tpu.vector_load %arg7[%get3A_807, %get3A_808] {strides = array<i32>} : memref<16x1024xf32, #tpu.memory_space<vmem>>, vector<1x16xf32>,
        %get3A_810 = vector.shape_cast %get3A_809 : vector<1x16xf32> to vector<16xf32>
        %get3A_811 = arith.index_cast %scan3A_128 : i32 to index
        %get3A_812 = arith.constant 480 : index
        %get3A_813 = tpu.vector_load %arg7[%get3A_811, %get3A_812] {strides = array<i32>} : memref<16x1024xf32, #tpu.memory_space<vmem>>, vector<1x16xf32>,
        %get3A_814 = vector.shape_cast %get3A_813 : vector<1x16xf32> to vector<16xf32>
        %get3A_815 = arith.index_cast %scan3A_128 : i32 to index
        %get3A_816 = arith.constant 496 : index
        %get3A_817 = tpu.vector_load %arg7[%get3A_815, %get3A_816] {strides = array<i32>} : memref<16x1024xf32, #tpu.memory_space<vmem>>, vector<1x16xf32>,
        %get3A_818 = vector.shape_cast %get3A_817 : vector<1x16xf32> to vector<16xf32>
        %get3A_819 = arith.index_cast %scan3A_128 : i32 to index
        %get3A_820 = arith.constant 448 : index
        %get3A_821 = tpu.vector_load %arg9[%get3A_819, %get3A_820] {strides = array<i32>} : memref<16x1024xf32, #tpu.memory_space<vmem>>, vector<1x16xf32>,
        %get3A_822 = vector.shape_cast %get3A_821 : vector<1x16xf32> to vector<16xf32>
        %get3A_823 = arith.index_cast %scan3A_128 : i32 to index
        %get3A_824 = arith.constant 464 : index
        %get3A_825 = tpu.vector_load %arg9[%get3A_823, %get3A_824] {strides = array<i32>} : memref<16x1024xf32, #tpu.memory_space<vmem>>, vector<1x16xf32>,
        %get3A_826 = vector.shape_cast %get3A_825 : vector<1x16xf32> to vector<16xf32>
        %get3A_827 = arith.index_cast %scan3A_128 : i32 to index
        %get3A_828 = arith.constant 480 : index
        %get3A_829 = tpu.vector_load %arg9[%get3A_827, %get3A_828] {strides = array<i32>} : memref<16x1024xf32, #tpu.memory_space<vmem>>, vector<1x16xf32>,
        %get3A_830 = vector.shape_cast %get3A_829 : vector<1x16xf32> to vector<16xf32>
        %get3A_831 = arith.index_cast %scan3A_128 : i32 to index
        %get3A_832 = arith.constant 496 : index
        %get3A_833 = tpu.vector_load %arg9[%get3A_831, %get3A_832] {strides = array<i32>} : memref<16x1024xf32, #tpu.memory_space<vmem>>, vector<1x16xf32>,
        %get3A_834 = vector.shape_cast %get3A_833 : vector<1x16xf32> to vector<16xf32>
        %sub3A_835 = arith.subf %get3A_806, %get3A_822 : vector<16xf32>
        %sub3A_836 = arith.subf %get3A_806, %get3A_822 : vector<16xf32>
        %mul3A_837 = arith.mulf %sub3A_835, %sub3A_836 : vector<16xf32>
        %sub3A_838 = arith.subf %get3A_810, %get3A_826 : vector<16xf32>
        %sub3A_839 = arith.subf %get3A_810, %get3A_826 : vector<16xf32>
        %mul3A_840 = arith.mulf %sub3A_838, %sub3A_839 : vector<16xf32>
        %sub3A_841 = arith.subf %get3A_814, %get3A_830 : vector<16xf32>
        %sub3A_842 = arith.subf %get3A_814, %get3A_830 : vector<16xf32>
        %mul3A_843 = arith.mulf %sub3A_841, %sub3A_842 : vector<16xf32>
        %sub3A_844 = arith.subf %get3A_818, %get3A_834 : vector<16xf32>
        %sub3A_845 = arith.subf %get3A_818, %get3A_834 : vector<16xf32>
        %mul3A_846 = arith.mulf %sub3A_844, %sub3A_845 : vector<16xf32>
        %add3A_847 = arith.addf %mul3A_837, %mul3A_840 : vector<16xf32>
        %add3A_848 = arith.addf %mul3A_843, %mul3A_846 : vector<16xf32>
        %add3A_849 = arith.addf %add3A_847, %add3A_848 : vector<16xf32>
        %add3A_850 = arith.addf %add3A_754, %add3A_849 : vector<16xf32>
        %ge3A_851 = arith.cmpf oge, %get3A_822, %get3A_25 : vector<16xf32>
        %select_n3A_852 = arith.select %ge3A_851, %mul3A_837, %broadcast_in_dim3A_50 : vector<16xi1>, vector<16xf32>
        %ge3A_853 = arith.cmpf oge, %get3A_826, %get3A_25 : vector<16xf32>
        %select_n3A_854 = arith.select %ge3A_853, %mul3A_840, %broadcast_in_dim3A_50 : vector<16xi1>, vector<16xf32>
        %ge3A_855 = arith.cmpf oge, %get3A_830, %get3A_25 : vector<16xf32>
        %select_n3A_856 = arith.select %ge3A_855, %mul3A_843, %broadcast_in_dim3A_50 : vector<16xi1>, vector<16xf32>
        %ge3A_857 = arith.cmpf oge, %get3A_834, %get3A_25 : vector<16xf32>
        %select_n3A_858 = arith.select %ge3A_857, %mul3A_846, %broadcast_in_dim3A_50 : vector<16xi1>, vector<16xf32>
        %add3A_859 = arith.addf %select_n3A_852, %select_n3A_854 : vector<16xf32>
        %add3A_860 = arith.addf %select_n3A_856, %select_n3A_858 : vector<16xf32>
        %add3A_861 = arith.addf %add3A_859, %add3A_860 : vector<16xf32>
        %add3A_862 = arith.addf %add3A_766, %add3A_861 : vector<16xf32>
        %ge3A_863 = arith.cmpf oge, %get3A_822, %get3A_28 : vector<16xf32>
        %select_n3A_864 = arith.select %ge3A_863, %mul3A_837, %broadcast_in_dim3A_50 : vector<16xi1>, vector<16xf32>
        %ge3A_865 = arith.cmpf oge, %get3A_826, %get3A_28 : vector<16xf32>
        %select_n3A_866 = arith.select %ge3A_865, %mul3A_840, %broadcast_in_dim3A_50 : vector<16xi1>, vector<16xf32>
        %ge3A_867 = arith.cmpf oge, %get3A_830, %get3A_28 : vector<16xf32>
        %select_n3A_868 = arith.select %ge3A_867, %mul3A_843, %broadcast_in_dim3A_50 : vector<16xi1>, vector<16xf32>
        %ge3A_869 = arith.cmpf oge, %get3A_834, %get3A_28 : vector<16xf32>
        %select_n3A_870 = arith.select %ge3A_869, %mul3A_846, %broadcast_in_dim3A_50 : vector<16xi1>, vector<16xf32>
        %add3A_871 = arith.addf %select_n3A_864, %select_n3A_866 : vector<16xf32>
        %add3A_872 = arith.addf %select_n3A_868, %select_n3A_870 : vector<16xf32>
        %add3A_873 = arith.addf %add3A_871, %add3A_872 : vector<16xf32>
        %add3A_874 = arith.addf %add3A_778, %add3A_873 : vector<16xf32>
        %ge3A_875 = arith.cmpf oge, %get3A_822, %get3A_31 : vector<16xf32>
        %select_n3A_876 = arith.select %ge3A_875, %mul3A_837, %broadcast_in_dim3A_50 : vector<16xi1>, vector<16xf32>
        %ge3A_877 = arith.cmpf oge, %get3A_826, %get3A_31 : vector<16xf32>
        %select_n3A_878 = arith.select %ge3A_877, %mul3A_840, %broadcast_in_dim3A_50 : vector<16xi1>, vector<16xf32>
        %ge3A_879 = arith.cmpf oge, %get3A_830, %get3A_31 : vector<16xf32>
        %select_n3A_880 = arith.select %ge3A_879, %mul3A_843, %broadcast_in_dim3A_50 : vector<16xi1>, vector<16xf32>
        %ge3A_881 = arith.cmpf oge, %get3A_834, %get3A_31 : vector<16xf32>
        %select_n3A_882 = arith.select %ge3A_881, %mul3A_846, %broadcast_in_dim3A_50 : vector<16xi1>, vector<16xf32>
        %add3A_883 = arith.addf %select_n3A_876, %select_n3A_878 : vector<16xf32>
        %add3A_884 = arith.addf %select_n3A_880, %select_n3A_882 : vector<16xf32>
        %add3A_885 = arith.addf %add3A_883, %add3A_884 : vector<16xf32>
        %add3A_886 = arith.addf %add3A_790, %add3A_885 : vector<16xf32>
        %ge3A_887 = arith.cmpf oge, %get3A_822, %get3A_34 : vector<16xf32>
        %select_n3A_888 = arith.select %ge3A_887, %mul3A_837, %broadcast_in_dim3A_50 : vector<16xi1>, vector<16xf32>
        %ge3A_889 = arith.cmpf oge, %get3A_826, %get3A_34 : vector<16xf32>
        %select_n3A_890 = arith.select %ge3A_889, %mul3A_840, %broadcast_in_dim3A_50 : vector<16xi1>, vector<16xf32>
        %ge3A_891 = arith.cmpf oge, %get3A_830, %get3A_34 : vector<16xf32>
        %select_n3A_892 = arith.select %ge3A_891, %mul3A_843, %broadcast_in_dim3A_50 : vector<16xi1>, vector<16xf32>
        %ge3A_893 = arith.cmpf oge, %get3A_834, %get3A_34 : vector<16xf32>
        %select_n3A_894 = arith.select %ge3A_893, %mul3A_846, %broadcast_in_dim3A_50 : vector<16xi1>, vector<16xf32>
        %add3A_895 = arith.addf %select_n3A_888, %select_n3A_890 : vector<16xf32>
        %add3A_896 = arith.addf %select_n3A_892, %select_n3A_894 : vector<16xf32>
        %add3A_897 = arith.addf %add3A_895, %add3A_896 : vector<16xf32>
        %add3A_898 = arith.addf %add3A_802, %add3A_897 : vector<16xf32>
        %get3A_899 = arith.index_cast %scan3A_128 : i32 to index
        %get3A_900 = arith.constant 512 : index
        %get3A_901 = tpu.vector_load %arg7[%get3A_899, %get3A_900] {strides = array<i32>} : memref<16x1024xf32, #tpu.memory_space<vmem>>, vector<1x16xf32>,
        %get3A_902 = vector.shape_cast %get3A_901 : vector<1x16xf32> to vector<16xf32>
        %get3A_903 = arith.index_cast %scan3A_128 : i32 to index
        %get3A_904 = arith.constant 528 : index
        %get3A_905 = tpu.vector_load %arg7[%get3A_903, %get3A_904] {strides = array<i32>} : memref<16x1024xf32, #tpu.memory_space<vmem>>, vector<1x16xf32>,
        %get3A_906 = vector.shape_cast %get3A_905 : vector<1x16xf32> to vector<16xf32>
        %get3A_907 = arith.index_cast %scan3A_128 : i32 to index
        %get3A_908 = arith.constant 544 : index
        %get3A_909 = tpu.vector_load %arg7[%get3A_907, %get3A_908] {strides = array<i32>} : memref<16x1024xf32, #tpu.memory_space<vmem>>, vector<1x16xf32>,
        %get3A_910 = vector.shape_cast %get3A_909 : vector<1x16xf32> to vector<16xf32>
        %get3A_911 = arith.index_cast %scan3A_128 : i32 to index
        %get3A_912 = arith.constant 560 : index
        %get3A_913 = tpu.vector_load %arg7[%get3A_911, %get3A_912] {strides = array<i32>} : memref<16x1024xf32, #tpu.memory_space<vmem>>, vector<1x16xf32>,
        %get3A_914 = vector.shape_cast %get3A_913 : vector<1x16xf32> to vector<16xf32>
        %get3A_915 = arith.index_cast %scan3A_128 : i32 to index
        %get3A_916 = arith.constant 512 : index
        %get3A_917 = tpu.vector_load %arg9[%get3A_915, %get3A_916] {strides = array<i32>} : memref<16x1024xf32, #tpu.memory_space<vmem>>, vector<1x16xf32>,
        %get3A_918 = vector.shape_cast %get3A_917 : vector<1x16xf32> to vector<16xf32>
        %get3A_919 = arith.index_cast %scan3A_128 : i32 to index
        %get3A_920 = arith.constant 528 : index
        %get3A_921 = tpu.vector_load %arg9[%get3A_919, %get3A_920] {strides = array<i32>} : memref<16x1024xf32, #tpu.memory_space<vmem>>, vector<1x16xf32>,
        %get3A_922 = vector.shape_cast %get3A_921 : vector<1x16xf32> to vector<16xf32>
        %get3A_923 = arith.index_cast %scan3A_128 : i32 to index
        %get3A_924 = arith.constant 544 : index
        %get3A_925 = tpu.vector_load %arg9[%get3A_923, %get3A_924] {strides = array<i32>} : memref<16x1024xf32, #tpu.memory_space<vmem>>, vector<1x16xf32>,
        %get3A_926 = vector.shape_cast %get3A_925 : vector<1x16xf32> to vector<16xf32>
        %get3A_927 = arith.index_cast %scan3A_128 : i32 to index
        %get3A_928 = arith.constant 560 : index
        %get3A_929 = tpu.vector_load %arg9[%get3A_927, %get3A_928] {strides = array<i32>} : memref<16x1024xf32, #tpu.memory_space<vmem>>, vector<1x16xf32>,
        %get3A_930 = vector.shape_cast %get3A_929 : vector<1x16xf32> to vector<16xf32>
        %sub3A_931 = arith.subf %get3A_902, %get3A_918 : vector<16xf32>
        %sub3A_932 = arith.subf %get3A_902, %get3A_918 : vector<16xf32>
        %mul3A_933 = arith.mulf %sub3A_931, %sub3A_932 : vector<16xf32>
        %sub3A_934 = arith.subf %get3A_906, %get3A_922 : vector<16xf32>
        %sub3A_935 = arith.subf %get3A_906, %get3A_922 : vector<16xf32>
        %mul3A_936 = arith.mulf %sub3A_934, %sub3A_935 : vector<16xf32>
        %sub3A_937 = arith.subf %get3A_910, %get3A_926 : vector<16xf32>
        %sub3A_938 = arith.subf %get3A_910, %get3A_926 : vector<16xf32>
        %mul3A_939 = arith.mulf %sub3A_937, %sub3A_938 : vector<16xf32>
        %sub3A_940 = arith.subf %get3A_914, %get3A_930 : vector<16xf32>
        %sub3A_941 = arith.subf %get3A_914, %get3A_930 : vector<16xf32>
        %mul3A_942 = arith.mulf %sub3A_940, %sub3A_941 : vector<16xf32>
        %add3A_943 = arith.addf %mul3A_933, %mul3A_936 : vector<16xf32>
        %add3A_944 = arith.addf %mul3A_939, %mul3A_942 : vector<16xf32>
        %add3A_945 = arith.addf %add3A_943, %add3A_944 : vector<16xf32>
        %add3A_946 = arith.addf %add3A_850, %add3A_945 : vector<16xf32>
        %ge3A_947 = arith.cmpf oge, %get3A_918, %get3A_25 : vector<16xf32>
        %select_n3A_948 = arith.select %ge3A_947, %mul3A_933, %broadcast_in_dim3A_50 : vector<16xi1>, vector<16xf32>
        %ge3A_949 = arith.cmpf oge, %get3A_922, %get3A_25 : vector<16xf32>
        %select_n3A_950 = arith.select %ge3A_949, %mul3A_936, %broadcast_in_dim3A_50 : vector<16xi1>, vector<16xf32>
        %ge3A_951 = arith.cmpf oge, %get3A_926, %get3A_25 : vector<16xf32>
        %select_n3A_952 = arith.select %ge3A_951, %mul3A_939, %broadcast_in_dim3A_50 : vector<16xi1>, vector<16xf32>
        %ge3A_953 = arith.cmpf oge, %get3A_930, %get3A_25 : vector<16xf32>
        %select_n3A_954 = arith.select %ge3A_953, %mul3A_942, %broadcast_in_dim3A_50 : vector<16xi1>, vector<16xf32>
        %add3A_955 = arith.addf %select_n3A_948, %select_n3A_950 : vector<16xf32>
        %add3A_956 = arith.addf %select_n3A_952, %select_n3A_954 : vector<16xf32>
        %add3A_957 = arith.addf %add3A_955, %add3A_956 : vector<16xf32>
        %add3A_958 = arith.addf %add3A_862, %add3A_957 : vector<16xf32>
        %ge3A_959 = arith.cmpf oge, %get3A_918, %get3A_28 : vector<16xf32>
        %select_n3A_960 = arith.select %ge3A_959, %mul3A_933, %broadcast_in_dim3A_50 : vector<16xi1>, vector<16xf32>
        %ge3A_961 = arith.cmpf oge, %get3A_922, %get3A_28 : vector<16xf32>
        %select_n3A_962 = arith.select %ge3A_961, %mul3A_936, %broadcast_in_dim3A_50 : vector<16xi1>, vector<16xf32>
        %ge3A_963 = arith.cmpf oge, %get3A_926, %get3A_28 : vector<16xf32>
        %select_n3A_964 = arith.select %ge3A_963, %mul3A_939, %broadcast_in_dim3A_50 : vector<16xi1>, vector<16xf32>
        %ge3A_965 = arith.cmpf oge, %get3A_930, %get3A_28 : vector<16xf32>
        %select_n3A_966 = arith.select %ge3A_965, %mul3A_942, %broadcast_in_dim3A_50 : vector<16xi1>, vector<16xf32>
        %add3A_967 = arith.addf %select_n3A_960, %select_n3A_962 : vector<16xf32>
        %add3A_968 = arith.addf %select_n3A_964, %select_n3A_966 : vector<16xf32>
        %add3A_969 = arith.addf %add3A_967, %add3A_968 : vector<16xf32>
        %add3A_970 = arith.addf %add3A_874, %add3A_969 : vector<16xf32>
        %ge3A_971 = arith.cmpf oge, %get3A_918, %get3A_31 : vector<16xf32>
        %select_n3A_972 = arith.select %ge3A_971, %mul3A_933, %broadcast_in_dim3A_50 : vector<16xi1>, vector<16xf32>
        %ge3A_973 = arith.cmpf oge, %get3A_922, %get3A_31 : vector<16xf32>
        %select_n3A_974 = arith.select %ge3A_973, %mul3A_936, %broadcast_in_dim3A_50 : vector<16xi1>, vector<16xf32>
        %ge3A_975 = arith.cmpf oge, %get3A_926, %get3A_31 : vector<16xf32>
        %select_n3A_976 = arith.select %ge3A_975, %mul3A_939, %broadcast_in_dim3A_50 : vector<16xi1>, vector<16xf32>
        %ge3A_977 = arith.cmpf oge, %get3A_930, %get3A_31 : vector<16xf32>
        %select_n3A_978 = arith.select %ge3A_977, %mul3A_942, %broadcast_in_dim3A_50 : vector<16xi1>, vector<16xf32>
        %add3A_979 = arith.addf %select_n3A_972, %select_n3A_974 : vector<16xf32>
        %add3A_980 = arith.addf %select_n3A_976, %select_n3A_978 : vector<16xf32>
        %add3A_981 = arith.addf %add3A_979, %add3A_980 : vector<16xf32>
        %add3A_982 = arith.addf %add3A_886, %add3A_981 : vector<16xf32>
        %ge3A_983 = arith.cmpf oge, %get3A_918, %get3A_34 : vector<16xf32>
        %select_n3A_984 = arith.select %ge3A_983, %mul3A_933, %broadcast_in_dim3A_50 : vector<16xi1>, vector<16xf32>
        %ge3A_985 = arith.cmpf oge, %get3A_922, %get3A_34 : vector<16xf32>
        %select_n3A_986 = arith.select %ge3A_985, %mul3A_936, %broadcast_in_dim3A_50 : vector<16xi1>, vector<16xf32>
        %ge3A_987 = arith.cmpf oge, %get3A_926, %get3A_34 : vector<16xf32>
        %select_n3A_988 = arith.select %ge3A_987, %mul3A_939, %broadcast_in_dim3A_50 : vector<16xi1>, vector<16xf32>
        %ge3A_989 = arith.cmpf oge, %get3A_930, %get3A_34 : vector<16xf32>
        %select_n3A_990 = arith.select %ge3A_989, %mul3A_942, %broadcast_in_dim3A_50 : vector<16xi1>, vector<16xf32>
        %add3A_991 = arith.addf %select_n3A_984, %select_n3A_986 : vector<16xf32>
        %add3A_992 = arith.addf %select_n3A_988, %select_n3A_990 : vector<16xf32>
        %add3A_993 = arith.addf %add3A_991, %add3A_992 : vector<16xf32>
        %add3A_994 = arith.addf %add3A_898, %add3A_993 : vector<16xf32>
        %get3A_995 = arith.index_cast %scan3A_128 : i32 to index
        %get3A_996 = arith.constant 576 : index
        %get3A_997 = tpu.vector_load %arg7[%get3A_995, %get3A_996] {strides = array<i32>} : memref<16x1024xf32, #tpu.memory_space<vmem>>, vector<1x16xf32>,
        %get3A_998 = vector.shape_cast %get3A_997 : vector<1x16xf32> to vector<16xf32>
        %get3A_999 = arith.index_cast %scan3A_128 : i32 to index
        %get3A_1000 = arith.constant 592 : index
        %get3A_1001 = tpu.vector_load %arg7[%get3A_999, %get3A_1000] {strides = array<i32>} : memref<16x1024xf32, #tpu.memory_space<vmem>>, vector<1x16xf32>,
        %get3A_1002 = vector.shape_cast %get3A_1001 : vector<1x16xf32> to vector<16xf32>
        %get3A_1003 = arith.index_cast %scan3A_128 : i32 to index
        %get3A_1004 = arith.constant 608 : index
        %get3A_1005 = tpu.vector_load %arg7[%get3A_1003, %get3A_1004] {strides = array<i32>} : memref<16x1024xf32, #tpu.memory_space<vmem>>, vector<1x16xf32>,
        %get3A_1006 = vector.shape_cast %get3A_1005 : vector<1x16xf32> to vector<16xf32>
        %get3A_1007 = arith.index_cast %scan3A_128 : i32 to index
        %get3A_1008 = arith.constant 624 : index
        %get3A_1009 = tpu.vector_load %arg7[%get3A_1007, %get3A_1008] {strides = array<i32>} : memref<16x1024xf32, #tpu.memory_space<vmem>>, vector<1x16xf32>,
        %get3A_1010 = vector.shape_cast %get3A_1009 : vector<1x16xf32> to vector<16xf32>
        %get3A_1011 = arith.index_cast %scan3A_128 : i32 to index
        %get3A_1012 = arith.constant 576 : index
        %get3A_1013 = tpu.vector_load %arg9[%get3A_1011, %get3A_1012] {strides = array<i32>} : memref<16x1024xf32, #tpu.memory_space<vmem>>, vector<1x16xf32>,
        %get3A_1014 = vector.shape_cast %get3A_1013 : vector<1x16xf32> to vector<16xf32>
        %get3A_1015 = arith.index_cast %scan3A_128 : i32 to index
        %get3A_1016 = arith.constant 592 : index
        %get3A_1017 = tpu.vector_load %arg9[%get3A_1015, %get3A_1016] {strides = array<i32>} : memref<16x1024xf32, #tpu.memory_space<vmem>>, vector<1x16xf32>,
        %get3A_1018 = vector.shape_cast %get3A_1017 : vector<1x16xf32> to vector<16xf32>
        %get3A_1019 = arith.index_cast %scan3A_128 : i32 to index
        %get3A_1020 = arith.constant 608 : index
        %get3A_1021 = tpu.vector_load %arg9[%get3A_1019, %get3A_1020] {strides = array<i32>} : memref<16x1024xf32, #tpu.memory_space<vmem>>, vector<1x16xf32>,
        %get3A_1022 = vector.shape_cast %get3A_1021 : vector<1x16xf32> to vector<16xf32>
        %get3A_1023 = arith.index_cast %scan3A_128 : i32 to index
        %get3A_1024 = arith.constant 624 : index
        %get3A_1025 = tpu.vector_load %arg9[%get3A_1023, %get3A_1024] {strides = array<i32>} : memref<16x1024xf32, #tpu.memory_space<vmem>>, vector<1x16xf32>,
        %get3A_1026 = vector.shape_cast %get3A_1025 : vector<1x16xf32> to vector<16xf32>
        %sub3A_1027 = arith.subf %get3A_998, %get3A_1014 : vector<16xf32>
        %sub3A_1028 = arith.subf %get3A_998, %get3A_1014 : vector<16xf32>
        %mul3A_1029 = arith.mulf %sub3A_1027, %sub3A_1028 : vector<16xf32>
        %sub3A_1030 = arith.subf %get3A_1002, %get3A_1018 : vector<16xf32>
        %sub3A_1031 = arith.subf %get3A_1002, %get3A_1018 : vector<16xf32>
        %mul3A_1032 = arith.mulf %sub3A_1030, %sub3A_1031 : vector<16xf32>
        %sub3A_1033 = arith.subf %get3A_1006, %get3A_1022 : vector<16xf32>
        %sub3A_1034 = arith.subf %get3A_1006, %get3A_1022 : vector<16xf32>
        %mul3A_1035 = arith.mulf %sub3A_1033, %sub3A_1034 : vector<16xf32>
        %sub3A_1036 = arith.subf %get3A_1010, %get3A_1026 : vector<16xf32>
        %sub3A_1037 = arith.subf %get3A_1010, %get3A_1026 : vector<16xf32>
        %mul3A_1038 = arith.mulf %sub3A_1036, %sub3A_1037 : vector<16xf32>
        %add3A_1039 = arith.addf %mul3A_1029, %mul3A_1032 : vector<16xf32>
        %add3A_1040 = arith.addf %mul3A_1035, %mul3A_1038 : vector<16xf32>
        %add3A_1041 = arith.addf %add3A_1039, %add3A_1040 : vector<16xf32>
        %add3A_1042 = arith.addf %add3A_946, %add3A_1041 : vector<16xf32>
        %ge3A_1043 = arith.cmpf oge, %get3A_1014, %get3A_25 : vector<16xf32>
        %select_n3A_1044 = arith.select %ge3A_1043, %mul3A_1029, %broadcast_in_dim3A_50 : vector<16xi1>, vector<16xf32>
        %ge3A_1045 = arith.cmpf oge, %get3A_1018, %get3A_25 : vector<16xf32>
        %select_n3A_1046 = arith.select %ge3A_1045, %mul3A_1032, %broadcast_in_dim3A_50 : vector<16xi1>, vector<16xf32>
        %ge3A_1047 = arith.cmpf oge, %get3A_1022, %get3A_25 : vector<16xf32>
        %select_n3A_1048 = arith.select %ge3A_1047, %mul3A_1035, %broadcast_in_dim3A_50 : vector<16xi1>, vector<16xf32>
        %ge3A_1049 = arith.cmpf oge, %get3A_1026, %get3A_25 : vector<16xf32>
        %select_n3A_1050 = arith.select %ge3A_1049, %mul3A_1038, %broadcast_in_dim3A_50 : vector<16xi1>, vector<16xf32>
        %add3A_1051 = arith.addf %select_n3A_1044, %select_n3A_1046 : vector<16xf32>
        %add3A_1052 = arith.addf %select_n3A_1048, %select_n3A_1050 : vector<16xf32>
        %add3A_1053 = arith.addf %add3A_1051, %add3A_1052 : vector<16xf32>
        %add3A_1054 = arith.addf %add3A_958, %add3A_1053 : vector<16xf32>
        %ge3A_1055 = arith.cmpf oge, %get3A_1014, %get3A_28 : vector<16xf32>
        %select_n3A_1056 = arith.select %ge3A_1055, %mul3A_1029, %broadcast_in_dim3A_50 : vector<16xi1>, vector<16xf32>
        %ge3A_1057 = arith.cmpf oge, %get3A_1018, %get3A_28 : vector<16xf32>
        %select_n3A_1058 = arith.select %ge3A_1057, %mul3A_1032, %broadcast_in_dim3A_50 : vector<16xi1>, vector<16xf32>
        %ge3A_1059 = arith.cmpf oge, %get3A_1022, %get3A_28 : vector<16xf32>
        %select_n3A_1060 = arith.select %ge3A_1059, %mul3A_1035, %broadcast_in_dim3A_50 : vector<16xi1>, vector<16xf32>
        %ge3A_1061 = arith.cmpf oge, %get3A_1026, %get3A_28 : vector<16xf32>
        %select_n3A_1062 = arith.select %ge3A_1061, %mul3A_1038, %broadcast_in_dim3A_50 : vector<16xi1>, vector<16xf32>
        %add3A_1063 = arith.addf %select_n3A_1056, %select_n3A_1058 : vector<16xf32>
        %add3A_1064 = arith.addf %select_n3A_1060, %select_n3A_1062 : vector<16xf32>
        %add3A_1065 = arith.addf %add3A_1063, %add3A_1064 : vector<16xf32>
        %add3A_1066 = arith.addf %add3A_970, %add3A_1065 : vector<16xf32>
        %ge3A_1067 = arith.cmpf oge, %get3A_1014, %get3A_31 : vector<16xf32>
        %select_n3A_1068 = arith.select %ge3A_1067, %mul3A_1029, %broadcast_in_dim3A_50 : vector<16xi1>, vector<16xf32>
        %ge3A_1069 = arith.cmpf oge, %get3A_1018, %get3A_31 : vector<16xf32>
        %select_n3A_1070 = arith.select %ge3A_1069, %mul3A_1032, %broadcast_in_dim3A_50 : vector<16xi1>, vector<16xf32>
        %ge3A_1071 = arith.cmpf oge, %get3A_1022, %get3A_31 : vector<16xf32>
        %select_n3A_1072 = arith.select %ge3A_1071, %mul3A_1035, %broadcast_in_dim3A_50 : vector<16xi1>, vector<16xf32>
        %ge3A_1073 = arith.cmpf oge, %get3A_1026, %get3A_31 : vector<16xf32>
        %select_n3A_1074 = arith.select %ge3A_1073, %mul3A_1038, %broadcast_in_dim3A_50 : vector<16xi1>, vector<16xf32>
        %add3A_1075 = arith.addf %select_n3A_1068, %select_n3A_1070 : vector<16xf32>
        %add3A_1076 = arith.addf %select_n3A_1072, %select_n3A_1074 : vector<16xf32>
        %add3A_1077 = arith.addf %add3A_1075, %add3A_1076 : vector<16xf32>
        %add3A_1078 = arith.addf %add3A_982, %add3A_1077 : vector<16xf32>
        %ge3A_1079 = arith.cmpf oge, %get3A_1014, %get3A_34 : vector<16xf32>
        %select_n3A_1080 = arith.select %ge3A_1079, %mul3A_1029, %broadcast_in_dim3A_50 : vector<16xi1>, vector<16xf32>
        %ge3A_1081 = arith.cmpf oge, %get3A_1018, %get3A_34 : vector<16xf32>
        %select_n3A_1082 = arith.select %ge3A_1081, %mul3A_1032, %broadcast_in_dim3A_50 : vector<16xi1>, vector<16xf32>
        %ge3A_1083 = arith.cmpf oge, %get3A_1022, %get3A_34 : vector<16xf32>
        %select_n3A_1084 = arith.select %ge3A_1083, %mul3A_1035, %broadcast_in_dim3A_50 : vector<16xi1>, vector<16xf32>
        %ge3A_1085 = arith.cmpf oge, %get3A_1026, %get3A_34 : vector<16xf32>
        %select_n3A_1086 = arith.select %ge3A_1085, %mul3A_1038, %broadcast_in_dim3A_50 : vector<16xi1>, vector<16xf32>
        %add3A_1087 = arith.addf %select_n3A_1080, %select_n3A_1082 : vector<16xf32>
        %add3A_1088 = arith.addf %select_n3A_1084, %select_n3A_1086 : vector<16xf32>
        %add3A_1089 = arith.addf %add3A_1087, %add3A_1088 : vector<16xf32>
        %add3A_1090 = arith.addf %add3A_994, %add3A_1089 : vector<16xf32>
        %get3A_1091 = arith.index_cast %scan3A_128 : i32 to index
        %get3A_1092 = arith.constant 640 : index
        %get3A_1093 = tpu.vector_load %arg7[%get3A_1091, %get3A_1092] {strides = array<i32>} : memref<16x1024xf32, #tpu.memory_space<vmem>>, vector<1x16xf32>,
        %get3A_1094 = vector.shape_cast %get3A_1093 : vector<1x16xf32> to vector<16xf32>
        %get3A_1095 = arith.index_cast %scan3A_128 : i32 to index
        %get3A_1096 = arith.constant 656 : index
        %get3A_1097 = tpu.vector_load %arg7[%get3A_1095, %get3A_1096] {strides = array<i32>} : memref<16x1024xf32, #tpu.memory_space<vmem>>, vector<1x16xf32>,
        %get3A_1098 = vector.shape_cast %get3A_1097 : vector<1x16xf32> to vector<16xf32>
        %get3A_1099 = arith.index_cast %scan3A_128 : i32 to index
        %get3A_1100 = arith.constant 672 : index
        %get3A_1101 = tpu.vector_load %arg7[%get3A_1099, %get3A_1100] {strides = array<i32>} : memref<16x1024xf32, #tpu.memory_space<vmem>>, vector<1x16xf32>,
        %get3A_1102 = vector.shape_cast %get3A_1101 : vector<1x16xf32> to vector<16xf32>
        %get3A_1103 = arith.index_cast %scan3A_128 : i32 to index
        %get3A_1104 = arith.constant 688 : index
        %get3A_1105 = tpu.vector_load %arg7[%get3A_1103, %get3A_1104] {strides = array<i32>} : memref<16x1024xf32, #tpu.memory_space<vmem>>, vector<1x16xf32>,
        %get3A_1106 = vector.shape_cast %get3A_1105 : vector<1x16xf32> to vector<16xf32>
        %get3A_1107 = arith.index_cast %scan3A_128 : i32 to index
        %get3A_1108 = arith.constant 640 : index
        %get3A_1109 = tpu.vector_load %arg9[%get3A_1107, %get3A_1108] {strides = array<i32>} : memref<16x1024xf32, #tpu.memory_space<vmem>>, vector<1x16xf32>,
        %get3A_1110 = vector.shape_cast %get3A_1109 : vector<1x16xf32> to vector<16xf32>
        %get3A_1111 = arith.index_cast %scan3A_128 : i32 to index
        %get3A_1112 = arith.constant 656 : index
        %get3A_1113 = tpu.vector_load %arg9[%get3A_1111, %get3A_1112] {strides = array<i32>} : memref<16x1024xf32, #tpu.memory_space<vmem>>, vector<1x16xf32>,
        %get3A_1114 = vector.shape_cast %get3A_1113 : vector<1x16xf32> to vector<16xf32>
        %get3A_1115 = arith.index_cast %scan3A_128 : i32 to index
        %get3A_1116 = arith.constant 672 : index
        %get3A_1117 = tpu.vector_load %arg9[%get3A_1115, %get3A_1116] {strides = array<i32>} : memref<16x1024xf32, #tpu.memory_space<vmem>>, vector<1x16xf32>,
        %get3A_1118 = vector.shape_cast %get3A_1117 : vector<1x16xf32> to vector<16xf32>
        %get3A_1119 = arith.index_cast %scan3A_128 : i32 to index
        %get3A_1120 = arith.constant 688 : index
        %get3A_1121 = tpu.vector_load %arg9[%get3A_1119, %get3A_1120] {strides = array<i32>} : memref<16x1024xf32, #tpu.memory_space<vmem>>, vector<1x16xf32>,
        %get3A_1122 = vector.shape_cast %get3A_1121 : vector<1x16xf32> to vector<16xf32>
        %sub3A_1123 = arith.subf %get3A_1094, %get3A_1110 : vector<16xf32>
        %sub3A_1124 = arith.subf %get3A_1094, %get3A_1110 : vector<16xf32>
        %mul3A_1125 = arith.mulf %sub3A_1123, %sub3A_1124 : vector<16xf32>
        %sub3A_1126 = arith.subf %get3A_1098, %get3A_1114 : vector<16xf32>
        %sub3A_1127 = arith.subf %get3A_1098, %get3A_1114 : vector<16xf32>
        %mul3A_1128 = arith.mulf %sub3A_1126, %sub3A_1127 : vector<16xf32>
        %sub3A_1129 = arith.subf %get3A_1102, %get3A_1118 : vector<16xf32>
        %sub3A_1130 = arith.subf %get3A_1102, %get3A_1118 : vector<16xf32>
        %mul3A_1131 = arith.mulf %sub3A_1129, %sub3A_1130 : vector<16xf32>
        %sub3A_1132 = arith.subf %get3A_1106, %get3A_1122 : vector<16xf32>
        %sub3A_1133 = arith.subf %get3A_1106, %get3A_1122 : vector<16xf32>
        %mul3A_1134 = arith.mulf %sub3A_1132, %sub3A_1133 : vector<16xf32>
        %add3A_1135 = arith.addf %mul3A_1125, %mul3A_1128 : vector<16xf32>
        %add3A_1136 = arith.addf %mul3A_1131, %mul3A_1134 : vector<16xf32>
        %add3A_1137 = arith.addf %add3A_1135, %add3A_1136 : vector<16xf32>
        %add3A_1138 = arith.addf %add3A_1042, %add3A_1137 : vector<16xf32>
        %ge3A_1139 = arith.cmpf oge, %get3A_1110, %get3A_25 : vector<16xf32>
        %select_n3A_1140 = arith.select %ge3A_1139, %mul3A_1125, %broadcast_in_dim3A_50 : vector<16xi1>, vector<16xf32>
        %ge3A_1141 = arith.cmpf oge, %get3A_1114, %get3A_25 : vector<16xf32>
        %select_n3A_1142 = arith.select %ge3A_1141, %mul3A_1128, %broadcast_in_dim3A_50 : vector<16xi1>, vector<16xf32>
        %ge3A_1143 = arith.cmpf oge, %get3A_1118, %get3A_25 : vector<16xf32>
        %select_n3A_1144 = arith.select %ge3A_1143, %mul3A_1131, %broadcast_in_dim3A_50 : vector<16xi1>, vector<16xf32>
        %ge3A_1145 = arith.cmpf oge, %get3A_1122, %get3A_25 : vector<16xf32>
        %select_n3A_1146 = arith.select %ge3A_1145, %mul3A_1134, %broadcast_in_dim3A_50 : vector<16xi1>, vector<16xf32>
        %add3A_1147 = arith.addf %select_n3A_1140, %select_n3A_1142 : vector<16xf32>
        %add3A_1148 = arith.addf %select_n3A_1144, %select_n3A_1146 : vector<16xf32>
        %add3A_1149 = arith.addf %add3A_1147, %add3A_1148 : vector<16xf32>
        %add3A_1150 = arith.addf %add3A_1054, %add3A_1149 : vector<16xf32>
        %ge3A_1151 = arith.cmpf oge, %get3A_1110, %get3A_28 : vector<16xf32>
        %select_n3A_1152 = arith.select %ge3A_1151, %mul3A_1125, %broadcast_in_dim3A_50 : vector<16xi1>, vector<16xf32>
        %ge3A_1153 = arith.cmpf oge, %get3A_1114, %get3A_28 : vector<16xf32>
        %select_n3A_1154 = arith.select %ge3A_1153, %mul3A_1128, %broadcast_in_dim3A_50 : vector<16xi1>, vector<16xf32>
        %ge3A_1155 = arith.cmpf oge, %get3A_1118, %get3A_28 : vector<16xf32>
        %select_n3A_1156 = arith.select %ge3A_1155, %mul3A_1131, %broadcast_in_dim3A_50 : vector<16xi1>, vector<16xf32>
        %ge3A_1157 = arith.cmpf oge, %get3A_1122, %get3A_28 : vector<16xf32>
        %select_n3A_1158 = arith.select %ge3A_1157, %mul3A_1134, %broadcast_in_dim3A_50 : vector<16xi1>, vector<16xf32>
        %add3A_1159 = arith.addf %select_n3A_1152, %select_n3A_1154 : vector<16xf32>
        %add3A_1160 = arith.addf %select_n3A_1156, %select_n3A_1158 : vector<16xf32>
        %add3A_1161 = arith.addf %add3A_1159, %add3A_1160 : vector<16xf32>
        %add3A_1162 = arith.addf %add3A_1066, %add3A_1161 : vector<16xf32>
        %ge3A_1163 = arith.cmpf oge, %get3A_1110, %get3A_31 : vector<16xf32>
        %select_n3A_1164 = arith.select %ge3A_1163, %mul3A_1125, %broadcast_in_dim3A_50 : vector<16xi1>, vector<16xf32>
        %ge3A_1165 = arith.cmpf oge, %get3A_1114, %get3A_31 : vector<16xf32>
        %select_n3A_1166 = arith.select %ge3A_1165, %mul3A_1128, %broadcast_in_dim3A_50 : vector<16xi1>, vector<16xf32>
        %ge3A_1167 = arith.cmpf oge, %get3A_1118, %get3A_31 : vector<16xf32>
        %select_n3A_1168 = arith.select %ge3A_1167, %mul3A_1131, %broadcast_in_dim3A_50 : vector<16xi1>, vector<16xf32>
        %ge3A_1169 = arith.cmpf oge, %get3A_1122, %get3A_31 : vector<16xf32>
        %select_n3A_1170 = arith.select %ge3A_1169, %mul3A_1134, %broadcast_in_dim3A_50 : vector<16xi1>, vector<16xf32>
        %add3A_1171 = arith.addf %select_n3A_1164, %select_n3A_1166 : vector<16xf32>
        %add3A_1172 = arith.addf %select_n3A_1168, %select_n3A_1170 : vector<16xf32>
        %add3A_1173 = arith.addf %add3A_1171, %add3A_1172 : vector<16xf32>
        %add3A_1174 = arith.addf %add3A_1078, %add3A_1173 : vector<16xf32>
        %ge3A_1175 = arith.cmpf oge, %get3A_1110, %get3A_34 : vector<16xf32>
        %select_n3A_1176 = arith.select %ge3A_1175, %mul3A_1125, %broadcast_in_dim3A_50 : vector<16xi1>, vector<16xf32>
        %ge3A_1177 = arith.cmpf oge, %get3A_1114, %get3A_34 : vector<16xf32>
        %select_n3A_1178 = arith.select %ge3A_1177, %mul3A_1128, %broadcast_in_dim3A_50 : vector<16xi1>, vector<16xf32>
        %ge3A_1179 = arith.cmpf oge, %get3A_1118, %get3A_34 : vector<16xf32>
        %select_n3A_1180 = arith.select %ge3A_1179, %mul3A_1131, %broadcast_in_dim3A_50 : vector<16xi1>, vector<16xf32>
        %ge3A_1181 = arith.cmpf oge, %get3A_1122, %get3A_34 : vector<16xf32>
        %select_n3A_1182 = arith.select %ge3A_1181, %mul3A_1134, %broadcast_in_dim3A_50 : vector<16xi1>, vector<16xf32>
        %add3A_1183 = arith.addf %select_n3A_1176, %select_n3A_1178 : vector<16xf32>
        %add3A_1184 = arith.addf %select_n3A_1180, %select_n3A_1182 : vector<16xf32>
        %add3A_1185 = arith.addf %add3A_1183, %add3A_1184 : vector<16xf32>
        %add3A_1186 = arith.addf %add3A_1090, %add3A_1185 : vector<16xf32>
        %get3A_1187 = arith.index_cast %scan3A_128 : i32 to index
        %get3A_1188 = arith.constant 704 : index
        %get3A_1189 = tpu.vector_load %arg7[%get3A_1187, %get3A_1188] {strides = array<i32>} : memref<16x1024xf32, #tpu.memory_space<vmem>>, vector<1x16xf32>,
        %get3A_1190 = vector.shape_cast %get3A_1189 : vector<1x16xf32> to vector<16xf32>
        %get3A_1191 = arith.index_cast %scan3A_128 : i32 to index
        %get3A_1192 = arith.constant 720 : index
        %get3A_1193 = tpu.vector_load %arg7[%get3A_1191, %get3A_1192] {strides = array<i32>} : memref<16x1024xf32, #tpu.memory_space<vmem>>, vector<1x16xf32>,
        %get3A_1194 = vector.shape_cast %get3A_1193 : vector<1x16xf32> to vector<16xf32>
        %get3A_1195 = arith.index_cast %scan3A_128 : i32 to index
        %get3A_1196 = arith.constant 736 : index
        %get3A_1197 = tpu.vector_load %arg7[%get3A_1195, %get3A_1196] {strides = array<i32>} : memref<16x1024xf32, #tpu.memory_space<vmem>>, vector<1x16xf32>,
        %get3A_1198 = vector.shape_cast %get3A_1197 : vector<1x16xf32> to vector<16xf32>
        %get3A_1199 = arith.index_cast %scan3A_128 : i32 to index
        %get3A_1200 = arith.constant 752 : index
        %get3A_1201 = tpu.vector_load %arg7[%get3A_1199, %get3A_1200] {strides = array<i32>} : memref<16x1024xf32, #tpu.memory_space<vmem>>, vector<1x16xf32>,
        %get3A_1202 = vector.shape_cast %get3A_1201 : vector<1x16xf32> to vector<16xf32>
        %get3A_1203 = arith.index_cast %scan3A_128 : i32 to index
        %get3A_1204 = arith.constant 704 : index
        %get3A_1205 = tpu.vector_load %arg9[%get3A_1203, %get3A_1204] {strides = array<i32>} : memref<16x1024xf32, #tpu.memory_space<vmem>>, vector<1x16xf32>,
        %get3A_1206 = vector.shape_cast %get3A_1205 : vector<1x16xf32> to vector<16xf32>
        %get3A_1207 = arith.index_cast %scan3A_128 : i32 to index
        %get3A_1208 = arith.constant 720 : index
        %get3A_1209 = tpu.vector_load %arg9[%get3A_1207, %get3A_1208] {strides = array<i32>} : memref<16x1024xf32, #tpu.memory_space<vmem>>, vector<1x16xf32>,
        %get3A_1210 = vector.shape_cast %get3A_1209 : vector<1x16xf32> to vector<16xf32>
        %get3A_1211 = arith.index_cast %scan3A_128 : i32 to index
        %get3A_1212 = arith.constant 736 : index
        %get3A_1213 = tpu.vector_load %arg9[%get3A_1211, %get3A_1212] {strides = array<i32>} : memref<16x1024xf32, #tpu.memory_space<vmem>>, vector<1x16xf32>,
        %get3A_1214 = vector.shape_cast %get3A_1213 : vector<1x16xf32> to vector<16xf32>
        %get3A_1215 = arith.index_cast %scan3A_128 : i32 to index
        %get3A_1216 = arith.constant 752 : index
        %get3A_1217 = tpu.vector_load %arg9[%get3A_1215, %get3A_1216] {strides = array<i32>} : memref<16x1024xf32, #tpu.memory_space<vmem>>, vector<1x16xf32>,
        %get3A_1218 = vector.shape_cast %get3A_1217 : vector<1x16xf32> to vector<16xf32>
        %sub3A_1219 = arith.subf %get3A_1190, %get3A_1206 : vector<16xf32>
        %sub3A_1220 = arith.subf %get3A_1190, %get3A_1206 : vector<16xf32>
        %mul3A_1221 = arith.mulf %sub3A_1219, %sub3A_1220 : vector<16xf32>
        %sub3A_1222 = arith.subf %get3A_1194, %get3A_1210 : vector<16xf32>
        %sub3A_1223 = arith.subf %get3A_1194, %get3A_1210 : vector<16xf32>
        %mul3A_1224 = arith.mulf %sub3A_1222, %sub3A_1223 : vector<16xf32>
        %sub3A_1225 = arith.subf %get3A_1198, %get3A_1214 : vector<16xf32>
        %sub3A_1226 = arith.subf %get3A_1198, %get3A_1214 : vector<16xf32>
        %mul3A_1227 = arith.mulf %sub3A_1225, %sub3A_1226 : vector<16xf32>
        %sub3A_1228 = arith.subf %get3A_1202, %get3A_1218 : vector<16xf32>
        %sub3A_1229 = arith.subf %get3A_1202, %get3A_1218 : vector<16xf32>
        %mul3A_1230 = arith.mulf %sub3A_1228, %sub3A_1229 : vector<16xf32>
        %add3A_1231 = arith.addf %mul3A_1221, %mul3A_1224 : vector<16xf32>
        %add3A_1232 = arith.addf %mul3A_1227, %mul3A_1230 : vector<16xf32>
        %add3A_1233 = arith.addf %add3A_1231, %add3A_1232 : vector<16xf32>
        %add3A_1234 = arith.addf %add3A_1138, %add3A_1233 : vector<16xf32>
        %ge3A_1235 = arith.cmpf oge, %get3A_1206, %get3A_25 : vector<16xf32>
        %select_n3A_1236 = arith.select %ge3A_1235, %mul3A_1221, %broadcast_in_dim3A_50 : vector<16xi1>, vector<16xf32>
        %ge3A_1237 = arith.cmpf oge, %get3A_1210, %get3A_25 : vector<16xf32>
        %select_n3A_1238 = arith.select %ge3A_1237, %mul3A_1224, %broadcast_in_dim3A_50 : vector<16xi1>, vector<16xf32>
        %ge3A_1239 = arith.cmpf oge, %get3A_1214, %get3A_25 : vector<16xf32>
        %select_n3A_1240 = arith.select %ge3A_1239, %mul3A_1227, %broadcast_in_dim3A_50 : vector<16xi1>, vector<16xf32>
        %ge3A_1241 = arith.cmpf oge, %get3A_1218, %get3A_25 : vector<16xf32>
        %select_n3A_1242 = arith.select %ge3A_1241, %mul3A_1230, %broadcast_in_dim3A_50 : vector<16xi1>, vector<16xf32>
        %add3A_1243 = arith.addf %select_n3A_1236, %select_n3A_1238 : vector<16xf32>
        %add3A_1244 = arith.addf %select_n3A_1240, %select_n3A_1242 : vector<16xf32>
        %add3A_1245 = arith.addf %add3A_1243, %add3A_1244 : vector<16xf32>
        %add3A_1246 = arith.addf %add3A_1150, %add3A_1245 : vector<16xf32>
        %ge3A_1247 = arith.cmpf oge, %get3A_1206, %get3A_28 : vector<16xf32>
        %select_n3A_1248 = arith.select %ge3A_1247, %mul3A_1221, %broadcast_in_dim3A_50 : vector<16xi1>, vector<16xf32>
        %ge3A_1249 = arith.cmpf oge, %get3A_1210, %get3A_28 : vector<16xf32>
        %select_n3A_1250 = arith.select %ge3A_1249, %mul3A_1224, %broadcast_in_dim3A_50 : vector<16xi1>, vector<16xf32>
        %ge3A_1251 = arith.cmpf oge, %get3A_1214, %get3A_28 : vector<16xf32>
        %select_n3A_1252 = arith.select %ge3A_1251, %mul3A_1227, %broadcast_in_dim3A_50 : vector<16xi1>, vector<16xf32>
        %ge3A_1253 = arith.cmpf oge, %get3A_1218, %get3A_28 : vector<16xf32>
        %select_n3A_1254 = arith.select %ge3A_1253, %mul3A_1230, %broadcast_in_dim3A_50 : vector<16xi1>, vector<16xf32>
        %add3A_1255 = arith.addf %select_n3A_1248, %select_n3A_1250 : vector<16xf32>
        %add3A_1256 = arith.addf %select_n3A_1252, %select_n3A_1254 : vector<16xf32>
        %add3A_1257 = arith.addf %add3A_1255, %add3A_1256 : vector<16xf32>
        %add3A_1258 = arith.addf %add3A_1162, %add3A_1257 : vector<16xf32>
        %ge3A_1259 = arith.cmpf oge, %get3A_1206, %get3A_31 : vector<16xf32>
        %select_n3A_1260 = arith.select %ge3A_1259, %mul3A_1221, %broadcast_in_dim3A_50 : vector<16xi1>, vector<16xf32>
        %ge3A_1261 = arith.cmpf oge, %get3A_1210, %get3A_31 : vector<16xf32>
        %select_n3A_1262 = arith.select %ge3A_1261, %mul3A_1224, %broadcast_in_dim3A_50 : vector<16xi1>, vector<16xf32>
        %ge3A_1263 = arith.cmpf oge, %get3A_1214, %get3A_31 : vector<16xf32>
        %select_n3A_1264 = arith.select %ge3A_1263, %mul3A_1227, %broadcast_in_dim3A_50 : vector<16xi1>, vector<16xf32>
        %ge3A_1265 = arith.cmpf oge, %get3A_1218, %get3A_31 : vector<16xf32>
        %select_n3A_1266 = arith.select %ge3A_1265, %mul3A_1230, %broadcast_in_dim3A_50 : vector<16xi1>, vector<16xf32>
        %add3A_1267 = arith.addf %select_n3A_1260, %select_n3A_1262 : vector<16xf32>
        %add3A_1268 = arith.addf %select_n3A_1264, %select_n3A_1266 : vector<16xf32>
        %add3A_1269 = arith.addf %add3A_1267, %add3A_1268 : vector<16xf32>
        %add3A_1270 = arith.addf %add3A_1174, %add3A_1269 : vector<16xf32>
        %ge3A_1271 = arith.cmpf oge, %get3A_1206, %get3A_34 : vector<16xf32>
        %select_n3A_1272 = arith.select %ge3A_1271, %mul3A_1221, %broadcast_in_dim3A_50 : vector<16xi1>, vector<16xf32>
        %ge3A_1273 = arith.cmpf oge, %get3A_1210, %get3A_34 : vector<16xf32>
        %select_n3A_1274 = arith.select %ge3A_1273, %mul3A_1224, %broadcast_in_dim3A_50 : vector<16xi1>, vector<16xf32>
        %ge3A_1275 = arith.cmpf oge, %get3A_1214, %get3A_34 : vector<16xf32>
        %select_n3A_1276 = arith.select %ge3A_1275, %mul3A_1227, %broadcast_in_dim3A_50 : vector<16xi1>, vector<16xf32>
        %ge3A_1277 = arith.cmpf oge, %get3A_1218, %get3A_34 : vector<16xf32>
        %select_n3A_1278 = arith.select %ge3A_1277, %mul3A_1230, %broadcast_in_dim3A_50 : vector<16xi1>, vector<16xf32>
        %add3A_1279 = arith.addf %select_n3A_1272, %select_n3A_1274 : vector<16xf32>
        %add3A_1280 = arith.addf %select_n3A_1276, %select_n3A_1278 : vector<16xf32>
        %add3A_1281 = arith.addf %add3A_1279, %add3A_1280 : vector<16xf32>
        %add3A_1282 = arith.addf %add3A_1186, %add3A_1281 : vector<16xf32>
        %get3A_1283 = arith.index_cast %scan3A_128 : i32 to index
        %get3A_1284 = arith.constant 768 : index
        %get3A_1285 = tpu.vector_load %arg7[%get3A_1283, %get3A_1284] {strides = array<i32>} : memref<16x1024xf32, #tpu.memory_space<vmem>>, vector<1x16xf32>,
        %get3A_1286 = vector.shape_cast %get3A_1285 : vector<1x16xf32> to vector<16xf32>
        %get3A_1287 = arith.index_cast %scan3A_128 : i32 to index
        %get3A_1288 = arith.constant 784 : index
        %get3A_1289 = tpu.vector_load %arg7[%get3A_1287, %get3A_1288] {strides = array<i32>} : memref<16x1024xf32, #tpu.memory_space<vmem>>, vector<1x16xf32>,
        %get3A_1290 = vector.shape_cast %get3A_1289 : vector<1x16xf32> to vector<16xf32>
        %get3A_1291 = arith.index_cast %scan3A_128 : i32 to index
        %get3A_1292 = arith.constant 800 : index
        %get3A_1293 = tpu.vector_load %arg7[%get3A_1291, %get3A_1292] {strides = array<i32>} : memref<16x1024xf32, #tpu.memory_space<vmem>>, vector<1x16xf32>,
        %get3A_1294 = vector.shape_cast %get3A_1293 : vector<1x16xf32> to vector<16xf32>
        %get3A_1295 = arith.index_cast %scan3A_128 : i32 to index
        %get3A_1296 = arith.constant 816 : index
        %get3A_1297 = tpu.vector_load %arg7[%get3A_1295, %get3A_1296] {strides = array<i32>} : memref<16x1024xf32, #tpu.memory_space<vmem>>, vector<1x16xf32>,
        %get3A_1298 = vector.shape_cast %get3A_1297 : vector<1x16xf32> to vector<16xf32>
        %get3A_1299 = arith.index_cast %scan3A_128 : i32 to index
        %get3A_1300 = arith.constant 768 : index
        %get3A_1301 = tpu.vector_load %arg9[%get3A_1299, %get3A_1300] {strides = array<i32>} : memref<16x1024xf32, #tpu.memory_space<vmem>>, vector<1x16xf32>,
        %get3A_1302 = vector.shape_cast %get3A_1301 : vector<1x16xf32> to vector<16xf32>
        %get3A_1303 = arith.index_cast %scan3A_128 : i32 to index
        %get3A_1304 = arith.constant 784 : index
        %get3A_1305 = tpu.vector_load %arg9[%get3A_1303, %get3A_1304] {strides = array<i32>} : memref<16x1024xf32, #tpu.memory_space<vmem>>, vector<1x16xf32>,
        %get3A_1306 = vector.shape_cast %get3A_1305 : vector<1x16xf32> to vector<16xf32>
        %get3A_1307 = arith.index_cast %scan3A_128 : i32 to index
        %get3A_1308 = arith.constant 800 : index
        %get3A_1309 = tpu.vector_load %arg9[%get3A_1307, %get3A_1308] {strides = array<i32>} : memref<16x1024xf32, #tpu.memory_space<vmem>>, vector<1x16xf32>,
        %get3A_1310 = vector.shape_cast %get3A_1309 : vector<1x16xf32> to vector<16xf32>
        %get3A_1311 = arith.index_cast %scan3A_128 : i32 to index
        %get3A_1312 = arith.constant 816 : index
        %get3A_1313 = tpu.vector_load %arg9[%get3A_1311, %get3A_1312] {strides = array<i32>} : memref<16x1024xf32, #tpu.memory_space<vmem>>, vector<1x16xf32>,
        %get3A_1314 = vector.shape_cast %get3A_1313 : vector<1x16xf32> to vector<16xf32>
        %sub3A_1315 = arith.subf %get3A_1286, %get3A_1302 : vector<16xf32>
        %sub3A_1316 = arith.subf %get3A_1286, %get3A_1302 : vector<16xf32>
        %mul3A_1317 = arith.mulf %sub3A_1315, %sub3A_1316 : vector<16xf32>
        %sub3A_1318 = arith.subf %get3A_1290, %get3A_1306 : vector<16xf32>
        %sub3A_1319 = arith.subf %get3A_1290, %get3A_1306 : vector<16xf32>
        %mul3A_1320 = arith.mulf %sub3A_1318, %sub3A_1319 : vector<16xf32>
        %sub3A_1321 = arith.subf %get3A_1294, %get3A_1310 : vector<16xf32>
        %sub3A_1322 = arith.subf %get3A_1294, %get3A_1310 : vector<16xf32>
        %mul3A_1323 = arith.mulf %sub3A_1321, %sub3A_1322 : vector<16xf32>
        %sub3A_1324 = arith.subf %get3A_1298, %get3A_1314 : vector<16xf32>
        %sub3A_1325 = arith.subf %get3A_1298, %get3A_1314 : vector<16xf32>
        %mul3A_1326 = arith.mulf %sub3A_1324, %sub3A_1325 : vector<16xf32>
        %add3A_1327 = arith.addf %mul3A_1317, %mul3A_1320 : vector<16xf32>
        %add3A_1328 = arith.addf %mul3A_1323, %mul3A_1326 : vector<16xf32>
        %add3A_1329 = arith.addf %add3A_1327, %add3A_1328 : vector<16xf32>
        %add3A_1330 = arith.addf %add3A_1234, %add3A_1329 : vector<16xf32>
        %ge3A_1331 = arith.cmpf oge, %get3A_1302, %get3A_25 : vector<16xf32>
        %select_n3A_1332 = arith.select %ge3A_1331, %mul3A_1317, %broadcast_in_dim3A_50 : vector<16xi1>, vector<16xf32>
        %ge3A_1333 = arith.cmpf oge, %get3A_1306, %get3A_25 : vector<16xf32>
        %select_n3A_1334 = arith.select %ge3A_1333, %mul3A_1320, %broadcast_in_dim3A_50 : vector<16xi1>, vector<16xf32>
        %ge3A_1335 = arith.cmpf oge, %get3A_1310, %get3A_25 : vector<16xf32>
        %select_n3A_1336 = arith.select %ge3A_1335, %mul3A_1323, %broadcast_in_dim3A_50 : vector<16xi1>, vector<16xf32>
        %ge3A_1337 = arith.cmpf oge, %get3A_1314, %get3A_25 : vector<16xf32>
        %select_n3A_1338 = arith.select %ge3A_1337, %mul3A_1326, %broadcast_in_dim3A_50 : vector<16xi1>, vector<16xf32>
        %add3A_1339 = arith.addf %select_n3A_1332, %select_n3A_1334 : vector<16xf32>
        %add3A_1340 = arith.addf %select_n3A_1336, %select_n3A_1338 : vector<16xf32>
        %add3A_1341 = arith.addf %add3A_1339, %add3A_1340 : vector<16xf32>
        %add3A_1342 = arith.addf %add3A_1246, %add3A_1341 : vector<16xf32>
        %ge3A_1343 = arith.cmpf oge, %get3A_1302, %get3A_28 : vector<16xf32>
        %select_n3A_1344 = arith.select %ge3A_1343, %mul3A_1317, %broadcast_in_dim3A_50 : vector<16xi1>, vector<16xf32>
        %ge3A_1345 = arith.cmpf oge, %get3A_1306, %get3A_28 : vector<16xf32>
        %select_n3A_1346 = arith.select %ge3A_1345, %mul3A_1320, %broadcast_in_dim3A_50 : vector<16xi1>, vector<16xf32>
        %ge3A_1347 = arith.cmpf oge, %get3A_1310, %get3A_28 : vector<16xf32>
        %select_n3A_1348 = arith.select %ge3A_1347, %mul3A_1323, %broadcast_in_dim3A_50 : vector<16xi1>, vector<16xf32>
        %ge3A_1349 = arith.cmpf oge, %get3A_1314, %get3A_28 : vector<16xf32>
        %select_n3A_1350 = arith.select %ge3A_1349, %mul3A_1326, %broadcast_in_dim3A_50 : vector<16xi1>, vector<16xf32>
        %add3A_1351 = arith.addf %select_n3A_1344, %select_n3A_1346 : vector<16xf32>
        %add3A_1352 = arith.addf %select_n3A_1348, %select_n3A_1350 : vector<16xf32>
        %add3A_1353 = arith.addf %add3A_1351, %add3A_1352 : vector<16xf32>
        %add3A_1354 = arith.addf %add3A_1258, %add3A_1353 : vector<16xf32>
        %ge3A_1355 = arith.cmpf oge, %get3A_1302, %get3A_31 : vector<16xf32>
        %select_n3A_1356 = arith.select %ge3A_1355, %mul3A_1317, %broadcast_in_dim3A_50 : vector<16xi1>, vector<16xf32>
        %ge3A_1357 = arith.cmpf oge, %get3A_1306, %get3A_31 : vector<16xf32>
        %select_n3A_1358 = arith.select %ge3A_1357, %mul3A_1320, %broadcast_in_dim3A_50 : vector<16xi1>, vector<16xf32>
        %ge3A_1359 = arith.cmpf oge, %get3A_1310, %get3A_31 : vector<16xf32>
        %select_n3A_1360 = arith.select %ge3A_1359, %mul3A_1323, %broadcast_in_dim3A_50 : vector<16xi1>, vector<16xf32>
        %ge3A_1361 = arith.cmpf oge, %get3A_1314, %get3A_31 : vector<16xf32>
        %select_n3A_1362 = arith.select %ge3A_1361, %mul3A_1326, %broadcast_in_dim3A_50 : vector<16xi1>, vector<16xf32>
        %add3A_1363 = arith.addf %select_n3A_1356, %select_n3A_1358 : vector<16xf32>
        %add3A_1364 = arith.addf %select_n3A_1360, %select_n3A_1362 : vector<16xf32>
        %add3A_1365 = arith.addf %add3A_1363, %add3A_1364 : vector<16xf32>
        %add3A_1366 = arith.addf %add3A_1270, %add3A_1365 : vector<16xf32>
        %ge3A_1367 = arith.cmpf oge, %get3A_1302, %get3A_34 : vector<16xf32>
        %select_n3A_1368 = arith.select %ge3A_1367, %mul3A_1317, %broadcast_in_dim3A_50 : vector<16xi1>, vector<16xf32>
        %ge3A_1369 = arith.cmpf oge, %get3A_1306, %get3A_34 : vector<16xf32>
        %select_n3A_1370 = arith.select %ge3A_1369, %mul3A_1320, %broadcast_in_dim3A_50 : vector<16xi1>, vector<16xf32>
        %ge3A_1371 = arith.cmpf oge, %get3A_1310, %get3A_34 : vector<16xf32>
        %select_n3A_1372 = arith.select %ge3A_1371, %mul3A_1323, %broadcast_in_dim3A_50 : vector<16xi1>, vector<16xf32>
        %ge3A_1373 = arith.cmpf oge, %get3A_1314, %get3A_34 : vector<16xf32>
        %select_n3A_1374 = arith.select %ge3A_1373, %mul3A_1326, %broadcast_in_dim3A_50 : vector<16xi1>, vector<16xf32>
        %add3A_1375 = arith.addf %select_n3A_1368, %select_n3A_1370 : vector<16xf32>
        %add3A_1376 = arith.addf %select_n3A_1372, %select_n3A_1374 : vector<16xf32>
        %add3A_1377 = arith.addf %add3A_1375, %add3A_1376 : vector<16xf32>
        %add3A_1378 = arith.addf %add3A_1282, %add3A_1377 : vector<16xf32>
        %get3A_1379 = arith.index_cast %scan3A_128 : i32 to index
        %get3A_1380 = arith.constant 832 : index
        %get3A_1381 = tpu.vector_load %arg7[%get3A_1379, %get3A_1380] {strides = array<i32>} : memref<16x1024xf32, #tpu.memory_space<vmem>>, vector<1x16xf32>,
        %get3A_1382 = vector.shape_cast %get3A_1381 : vector<1x16xf32> to vector<16xf32>
        %get3A_1383 = arith.index_cast %scan3A_128 : i32 to index
        %get3A_1384 = arith.constant 848 : index
        %get3A_1385 = tpu.vector_load %arg7[%get3A_1383, %get3A_1384] {strides = array<i32>} : memref<16x1024xf32, #tpu.memory_space<vmem>>, vector<1x16xf32>,
        %get3A_1386 = vector.shape_cast %get3A_1385 : vector<1x16xf32> to vector<16xf32>
        %get3A_1387 = arith.index_cast %scan3A_128 : i32 to index
        %get3A_1388 = arith.constant 864 : index
        %get3A_1389 = tpu.vector_load %arg7[%get3A_1387, %get3A_1388] {strides = array<i32>} : memref<16x1024xf32, #tpu.memory_space<vmem>>, vector<1x16xf32>,
        %get3A_1390 = vector.shape_cast %get3A_1389 : vector<1x16xf32> to vector<16xf32>
        %get3A_1391 = arith.index_cast %scan3A_128 : i32 to index
        %get3A_1392 = arith.constant 880 : index
        %get3A_1393 = tpu.vector_load %arg7[%get3A_1391, %get3A_1392] {strides = array<i32>} : memref<16x1024xf32, #tpu.memory_space<vmem>>, vector<1x16xf32>,
        %get3A_1394 = vector.shape_cast %get3A_1393 : vector<1x16xf32> to vector<16xf32>
        %get3A_1395 = arith.index_cast %scan3A_128 : i32 to index
        %get3A_1396 = arith.constant 832 : index
        %get3A_1397 = tpu.vector_load %arg9[%get3A_1395, %get3A_1396] {strides = array<i32>} : memref<16x1024xf32, #tpu.memory_space<vmem>>, vector<1x16xf32>,
        %get3A_1398 = vector.shape_cast %get3A_1397 : vector<1x16xf32> to vector<16xf32>
        %get3A_1399 = arith.index_cast %scan3A_128 : i32 to index
        %get3A_1400 = arith.constant 848 : index
        %get3A_1401 = tpu.vector_load %arg9[%get3A_1399, %get3A_1400] {strides = array<i32>} : memref<16x1024xf32, #tpu.memory_space<vmem>>, vector<1x16xf32>,
        %get3A_1402 = vector.shape_cast %get3A_1401 : vector<1x16xf32> to vector<16xf32>
        %get3A_1403 = arith.index_cast %scan3A_128 : i32 to index
        %get3A_1404 = arith.constant 864 : index
        %get3A_1405 = tpu.vector_load %arg9[%get3A_1403, %get3A_1404] {strides = array<i32>} : memref<16x1024xf32, #tpu.memory_space<vmem>>, vector<1x16xf32>,
        %get3A_1406 = vector.shape_cast %get3A_1405 : vector<1x16xf32> to vector<16xf32>
        %get3A_1407 = arith.index_cast %scan3A_128 : i32 to index
        %get3A_1408 = arith.constant 880 : index
        %get3A_1409 = tpu.vector_load %arg9[%get3A_1407, %get3A_1408] {strides = array<i32>} : memref<16x1024xf32, #tpu.memory_space<vmem>>, vector<1x16xf32>,
        %get3A_1410 = vector.shape_cast %get3A_1409 : vector<1x16xf32> to vector<16xf32>
        %sub3A_1411 = arith.subf %get3A_1382, %get3A_1398 : vector<16xf32>
        %sub3A_1412 = arith.subf %get3A_1382, %get3A_1398 : vector<16xf32>
        %mul3A_1413 = arith.mulf %sub3A_1411, %sub3A_1412 : vector<16xf32>
        %sub3A_1414 = arith.subf %get3A_1386, %get3A_1402 : vector<16xf32>
        %sub3A_1415 = arith.subf %get3A_1386, %get3A_1402 : vector<16xf32>
        %mul3A_1416 = arith.mulf %sub3A_1414, %sub3A_1415 : vector<16xf32>
        %sub3A_1417 = arith.subf %get3A_1390, %get3A_1406 : vector<16xf32>
        %sub3A_1418 = arith.subf %get3A_1390, %get3A_1406 : vector<16xf32>
        %mul3A_1419 = arith.mulf %sub3A_1417, %sub3A_1418 : vector<16xf32>
        %sub3A_1420 = arith.subf %get3A_1394, %get3A_1410 : vector<16xf32>
        %sub3A_1421 = arith.subf %get3A_1394, %get3A_1410 : vector<16xf32>
        %mul3A_1422 = arith.mulf %sub3A_1420, %sub3A_1421 : vector<16xf32>
        %add3A_1423 = arith.addf %mul3A_1413, %mul3A_1416 : vector<16xf32>
        %add3A_1424 = arith.addf %mul3A_1419, %mul3A_1422 : vector<16xf32>
        %add3A_1425 = arith.addf %add3A_1423, %add3A_1424 : vector<16xf32>
        %add3A_1426 = arith.addf %add3A_1330, %add3A_1425 : vector<16xf32>
        %ge3A_1427 = arith.cmpf oge, %get3A_1398, %get3A_25 : vector<16xf32>
        %select_n3A_1428 = arith.select %ge3A_1427, %mul3A_1413, %broadcast_in_dim3A_50 : vector<16xi1>, vector<16xf32>
        %ge3A_1429 = arith.cmpf oge, %get3A_1402, %get3A_25 : vector<16xf32>
        %select_n3A_1430 = arith.select %ge3A_1429, %mul3A_1416, %broadcast_in_dim3A_50 : vector<16xi1>, vector<16xf32>
        %ge3A_1431 = arith.cmpf oge, %get3A_1406, %get3A_25 : vector<16xf32>
        %select_n3A_1432 = arith.select %ge3A_1431, %mul3A_1419, %broadcast_in_dim3A_50 : vector<16xi1>, vector<16xf32>
        %ge3A_1433 = arith.cmpf oge, %get3A_1410, %get3A_25 : vector<16xf32>
        %select_n3A_1434 = arith.select %ge3A_1433, %mul3A_1422, %broadcast_in_dim3A_50 : vector<16xi1>, vector<16xf32>
        %add3A_1435 = arith.addf %select_n3A_1428, %select_n3A_1430 : vector<16xf32>
        %add3A_1436 = arith.addf %select_n3A_1432, %select_n3A_1434 : vector<16xf32>
        %add3A_1437 = arith.addf %add3A_1435, %add3A_1436 : vector<16xf32>
        %add3A_1438 = arith.addf %add3A_1342, %add3A_1437 : vector<16xf32>
        %ge3A_1439 = arith.cmpf oge, %get3A_1398, %get3A_28 : vector<16xf32>
        %select_n3A_1440 = arith.select %ge3A_1439, %mul3A_1413, %broadcast_in_dim3A_50 : vector<16xi1>, vector<16xf32>
        %ge3A_1441 = arith.cmpf oge, %get3A_1402, %get3A_28 : vector<16xf32>
        %select_n3A_1442 = arith.select %ge3A_1441, %mul3A_1416, %broadcast_in_dim3A_50 : vector<16xi1>, vector<16xf32>
        %ge3A_1443 = arith.cmpf oge, %get3A_1406, %get3A_28 : vector<16xf32>
        %select_n3A_1444 = arith.select %ge3A_1443, %mul3A_1419, %broadcast_in_dim3A_50 : vector<16xi1>, vector<16xf32>
        %ge3A_1445 = arith.cmpf oge, %get3A_1410, %get3A_28 : vector<16xf32>
        %select_n3A_1446 = arith.select %ge3A_1445, %mul3A_1422, %broadcast_in_dim3A_50 : vector<16xi1>, vector<16xf32>
        %add3A_1447 = arith.addf %select_n3A_1440, %select_n3A_1442 : vector<16xf32>
        %add3A_1448 = arith.addf %select_n3A_1444, %select_n3A_1446 : vector<16xf32>
        %add3A_1449 = arith.addf %add3A_1447, %add3A_1448 : vector<16xf32>
        %add3A_1450 = arith.addf %add3A_1354, %add3A_1449 : vector<16xf32>
        %ge3A_1451 = arith.cmpf oge, %get3A_1398, %get3A_31 : vector<16xf32>
        %select_n3A_1452 = arith.select %ge3A_1451, %mul3A_1413, %broadcast_in_dim3A_50 : vector<16xi1>, vector<16xf32>
        %ge3A_1453 = arith.cmpf oge, %get3A_1402, %get3A_31 : vector<16xf32>
        %select_n3A_1454 = arith.select %ge3A_1453, %mul3A_1416, %broadcast_in_dim3A_50 : vector<16xi1>, vector<16xf32>
        %ge3A_1455 = arith.cmpf oge, %get3A_1406, %get3A_31 : vector<16xf32>
        %select_n3A_1456 = arith.select %ge3A_1455, %mul3A_1419, %broadcast_in_dim3A_50 : vector<16xi1>, vector<16xf32>
        %ge3A_1457 = arith.cmpf oge, %get3A_1410, %get3A_31 : vector<16xf32>
        %select_n3A_1458 = arith.select %ge3A_1457, %mul3A_1422, %broadcast_in_dim3A_50 : vector<16xi1>, vector<16xf32>
        %add3A_1459 = arith.addf %select_n3A_1452, %select_n3A_1454 : vector<16xf32>
        %add3A_1460 = arith.addf %select_n3A_1456, %select_n3A_1458 : vector<16xf32>
        %add3A_1461 = arith.addf %add3A_1459, %add3A_1460 : vector<16xf32>
        %add3A_1462 = arith.addf %add3A_1366, %add3A_1461 : vector<16xf32>
        %ge3A_1463 = arith.cmpf oge, %get3A_1398, %get3A_34 : vector<16xf32>
        %select_n3A_1464 = arith.select %ge3A_1463, %mul3A_1413, %broadcast_in_dim3A_50 : vector<16xi1>, vector<16xf32>
        %ge3A_1465 = arith.cmpf oge, %get3A_1402, %get3A_34 : vector<16xf32>
        %select_n3A_1466 = arith.select %ge3A_1465, %mul3A_1416, %broadcast_in_dim3A_50 : vector<16xi1>, vector<16xf32>
        %ge3A_1467 = arith.cmpf oge, %get3A_1406, %get3A_34 : vector<16xf32>
        %select_n3A_1468 = arith.select %ge3A_1467, %mul3A_1419, %broadcast_in_dim3A_50 : vector<16xi1>, vector<16xf32>
        %ge3A_1469 = arith.cmpf oge, %get3A_1410, %get3A_34 : vector<16xf32>
        %select_n3A_1470 = arith.select %ge3A_1469, %mul3A_1422, %broadcast_in_dim3A_50 : vector<16xi1>, vector<16xf32>
        %add3A_1471 = arith.addf %select_n3A_1464, %select_n3A_1466 : vector<16xf32>
        %add3A_1472 = arith.addf %select_n3A_1468, %select_n3A_1470 : vector<16xf32>
        %add3A_1473 = arith.addf %add3A_1471, %add3A_1472 : vector<16xf32>
        %add3A_1474 = arith.addf %add3A_1378, %add3A_1473 : vector<16xf32>
        %get3A_1475 = arith.index_cast %scan3A_128 : i32 to index
        %get3A_1476 = arith.constant 896 : index
        %get3A_1477 = tpu.vector_load %arg7[%get3A_1475, %get3A_1476] {strides = array<i32>} : memref<16x1024xf32, #tpu.memory_space<vmem>>, vector<1x16xf32>,
        %get3A_1478 = vector.shape_cast %get3A_1477 : vector<1x16xf32> to vector<16xf32>
        %get3A_1479 = arith.index_cast %scan3A_128 : i32 to index
        %get3A_1480 = arith.constant 912 : index
        %get3A_1481 = tpu.vector_load %arg7[%get3A_1479, %get3A_1480] {strides = array<i32>} : memref<16x1024xf32, #tpu.memory_space<vmem>>, vector<1x16xf32>,
        %get3A_1482 = vector.shape_cast %get3A_1481 : vector<1x16xf32> to vector<16xf32>
        %get3A_1483 = arith.index_cast %scan3A_128 : i32 to index
        %get3A_1484 = arith.constant 928 : index
        %get3A_1485 = tpu.vector_load %arg7[%get3A_1483, %get3A_1484] {strides = array<i32>} : memref<16x1024xf32, #tpu.memory_space<vmem>>, vector<1x16xf32>,
        %get3A_1486 = vector.shape_cast %get3A_1485 : vector<1x16xf32> to vector<16xf32>
        %get3A_1487 = arith.index_cast %scan3A_128 : i32 to index
        %get3A_1488 = arith.constant 944 : index
        %get3A_1489 = tpu.vector_load %arg7[%get3A_1487, %get3A_1488] {strides = array<i32>} : memref<16x1024xf32, #tpu.memory_space<vmem>>, vector<1x16xf32>,
        %get3A_1490 = vector.shape_cast %get3A_1489 : vector<1x16xf32> to vector<16xf32>
        %get3A_1491 = arith.index_cast %scan3A_128 : i32 to index
        %get3A_1492 = arith.constant 896 : index
        %get3A_1493 = tpu.vector_load %arg9[%get3A_1491, %get3A_1492] {strides = array<i32>} : memref<16x1024xf32, #tpu.memory_space<vmem>>, vector<1x16xf32>,
        %get3A_1494 = vector.shape_cast %get3A_1493 : vector<1x16xf32> to vector<16xf32>
        %get3A_1495 = arith.index_cast %scan3A_128 : i32 to index
        %get3A_1496 = arith.constant 912 : index
        %get3A_1497 = tpu.vector_load %arg9[%get3A_1495, %get3A_1496] {strides = array<i32>} : memref<16x1024xf32, #tpu.memory_space<vmem>>, vector<1x16xf32>,
        %get3A_1498 = vector.shape_cast %get3A_1497 : vector<1x16xf32> to vector<16xf32>
        %get3A_1499 = arith.index_cast %scan3A_128 : i32 to index
        %get3A_1500 = arith.constant 928 : index
        %get3A_1501 = tpu.vector_load %arg9[%get3A_1499, %get3A_1500] {strides = array<i32>} : memref<16x1024xf32, #tpu.memory_space<vmem>>, vector<1x16xf32>,
        %get3A_1502 = vector.shape_cast %get3A_1501 : vector<1x16xf32> to vector<16xf32>
        %get3A_1503 = arith.index_cast %scan3A_128 : i32 to index
        %get3A_1504 = arith.constant 944 : index
        %get3A_1505 = tpu.vector_load %arg9[%get3A_1503, %get3A_1504] {strides = array<i32>} : memref<16x1024xf32, #tpu.memory_space<vmem>>, vector<1x16xf32>,
        %get3A_1506 = vector.shape_cast %get3A_1505 : vector<1x16xf32> to vector<16xf32>
        %sub3A_1507 = arith.subf %get3A_1478, %get3A_1494 : vector<16xf32>
        %sub3A_1508 = arith.subf %get3A_1478, %get3A_1494 : vector<16xf32>
        %mul3A_1509 = arith.mulf %sub3A_1507, %sub3A_1508 : vector<16xf32>
        %sub3A_1510 = arith.subf %get3A_1482, %get3A_1498 : vector<16xf32>
        %sub3A_1511 = arith.subf %get3A_1482, %get3A_1498 : vector<16xf32>
        %mul3A_1512 = arith.mulf %sub3A_1510, %sub3A_1511 : vector<16xf32>
        %sub3A_1513 = arith.subf %get3A_1486, %get3A_1502 : vector<16xf32>
        %sub3A_1514 = arith.subf %get3A_1486, %get3A_1502 : vector<16xf32>
        %mul3A_1515 = arith.mulf %sub3A_1513, %sub3A_1514 : vector<16xf32>
        %sub3A_1516 = arith.subf %get3A_1490, %get3A_1506 : vector<16xf32>
        %sub3A_1517 = arith.subf %get3A_1490, %get3A_1506 : vector<16xf32>
        %mul3A_1518 = arith.mulf %sub3A_1516, %sub3A_1517 : vector<16xf32>
        %add3A_1519 = arith.addf %mul3A_1509, %mul3A_1512 : vector<16xf32>
        %add3A_1520 = arith.addf %mul3A_1515, %mul3A_1518 : vector<16xf32>
        %add3A_1521 = arith.addf %add3A_1519, %add3A_1520 : vector<16xf32>
        %add3A_1522 = arith.addf %add3A_1426, %add3A_1521 : vector<16xf32>
        %ge3A_1523 = arith.cmpf oge, %get3A_1494, %get3A_25 : vector<16xf32>
        %select_n3A_1524 = arith.select %ge3A_1523, %mul3A_1509, %broadcast_in_dim3A_50 : vector<16xi1>, vector<16xf32>
        %ge3A_1525 = arith.cmpf oge, %get3A_1498, %get3A_25 : vector<16xf32>
        %select_n3A_1526 = arith.select %ge3A_1525, %mul3A_1512, %broadcast_in_dim3A_50 : vector<16xi1>, vector<16xf32>
        %ge3A_1527 = arith.cmpf oge, %get3A_1502, %get3A_25 : vector<16xf32>
        %select_n3A_1528 = arith.select %ge3A_1527, %mul3A_1515, %broadcast_in_dim3A_50 : vector<16xi1>, vector<16xf32>
        %ge3A_1529 = arith.cmpf oge, %get3A_1506, %get3A_25 : vector<16xf32>
        %select_n3A_1530 = arith.select %ge3A_1529, %mul3A_1518, %broadcast_in_dim3A_50 : vector<16xi1>, vector<16xf32>
        %add3A_1531 = arith.addf %select_n3A_1524, %select_n3A_1526 : vector<16xf32>
        %add3A_1532 = arith.addf %select_n3A_1528, %select_n3A_1530 : vector<16xf32>
        %add3A_1533 = arith.addf %add3A_1531, %add3A_1532 : vector<16xf32>
        %add3A_1534 = arith.addf %add3A_1438, %add3A_1533 : vector<16xf32>
        %ge3A_1535 = arith.cmpf oge, %get3A_1494, %get3A_28 : vector<16xf32>
        %select_n3A_1536 = arith.select %ge3A_1535, %mul3A_1509, %broadcast_in_dim3A_50 : vector<16xi1>, vector<16xf32>
        %ge3A_1537 = arith.cmpf oge, %get3A_1498, %get3A_28 : vector<16xf32>
        %select_n3A_1538 = arith.select %ge3A_1537, %mul3A_1512, %broadcast_in_dim3A_50 : vector<16xi1>, vector<16xf32>
        %ge3A_1539 = arith.cmpf oge, %get3A_1502, %get3A_28 : vector<16xf32>
        %select_n3A_1540 = arith.select %ge3A_1539, %mul3A_1515, %broadcast_in_dim3A_50 : vector<16xi1>, vector<16xf32>
        %ge3A_1541 = arith.cmpf oge, %get3A_1506, %get3A_28 : vector<16xf32>
        %select_n3A_1542 = arith.select %ge3A_1541, %mul3A_1518, %broadcast_in_dim3A_50 : vector<16xi1>, vector<16xf32>
        %add3A_1543 = arith.addf %select_n3A_1536, %select_n3A_1538 : vector<16xf32>
        %add3A_1544 = arith.addf %select_n3A_1540, %select_n3A_1542 : vector<16xf32>
        %add3A_1545 = arith.addf %add3A_1543, %add3A_1544 : vector<16xf32>
        %add3A_1546 = arith.addf %add3A_1450, %add3A_1545 : vector<16xf32>
        %ge3A_1547 = arith.cmpf oge, %get3A_1494, %get3A_31 : vector<16xf32>
        %select_n3A_1548 = arith.select %ge3A_1547, %mul3A_1509, %broadcast_in_dim3A_50 : vector<16xi1>, vector<16xf32>
        %ge3A_1549 = arith.cmpf oge, %get3A_1498, %get3A_31 : vector<16xf32>
        %select_n3A_1550 = arith.select %ge3A_1549, %mul3A_1512, %broadcast_in_dim3A_50 : vector<16xi1>, vector<16xf32>
        %ge3A_1551 = arith.cmpf oge, %get3A_1502, %get3A_31 : vector<16xf32>
        %select_n3A_1552 = arith.select %ge3A_1551, %mul3A_1515, %broadcast_in_dim3A_50 : vector<16xi1>, vector<16xf32>
        %ge3A_1553 = arith.cmpf oge, %get3A_1506, %get3A_31 : vector<16xf32>
        %select_n3A_1554 = arith.select %ge3A_1553, %mul3A_1518, %broadcast_in_dim3A_50 : vector<16xi1>, vector<16xf32>
        %add3A_1555 = arith.addf %select_n3A_1548, %select_n3A_1550 : vector<16xf32>
        %add3A_1556 = arith.addf %select_n3A_1552, %select_n3A_1554 : vector<16xf32>
        %add3A_1557 = arith.addf %add3A_1555, %add3A_1556 : vector<16xf32>
        %add3A_1558 = arith.addf %add3A_1462, %add3A_1557 : vector<16xf32>
        %ge3A_1559 = arith.cmpf oge, %get3A_1494, %get3A_34 : vector<16xf32>
        %select_n3A_1560 = arith.select %ge3A_1559, %mul3A_1509, %broadcast_in_dim3A_50 : vector<16xi1>, vector<16xf32>
        %ge3A_1561 = arith.cmpf oge, %get3A_1498, %get3A_34 : vector<16xf32>
        %select_n3A_1562 = arith.select %ge3A_1561, %mul3A_1512, %broadcast_in_dim3A_50 : vector<16xi1>, vector<16xf32>
        %ge3A_1563 = arith.cmpf oge, %get3A_1502, %get3A_34 : vector<16xf32>
        %select_n3A_1564 = arith.select %ge3A_1563, %mul3A_1515, %broadcast_in_dim3A_50 : vector<16xi1>, vector<16xf32>
        %ge3A_1565 = arith.cmpf oge, %get3A_1506, %get3A_34 : vector<16xf32>
        %select_n3A_1566 = arith.select %ge3A_1565, %mul3A_1518, %broadcast_in_dim3A_50 : vector<16xi1>, vector<16xf32>
        %add3A_1567 = arith.addf %select_n3A_1560, %select_n3A_1562 : vector<16xf32>
        %add3A_1568 = arith.addf %select_n3A_1564, %select_n3A_1566 : vector<16xf32>
        %add3A_1569 = arith.addf %add3A_1567, %add3A_1568 : vector<16xf32>
        %add3A_1570 = arith.addf %add3A_1474, %add3A_1569 : vector<16xf32>
        %get3A_1571 = arith.index_cast %scan3A_128 : i32 to index
        %get3A_1572 = arith.constant 960 : index
        %get3A_1573 = tpu.vector_load %arg7[%get3A_1571, %get3A_1572] {strides = array<i32>} : memref<16x1024xf32, #tpu.memory_space<vmem>>, vector<1x16xf32>,
        %get3A_1574 = vector.shape_cast %get3A_1573 : vector<1x16xf32> to vector<16xf32>
        %get3A_1575 = arith.index_cast %scan3A_128 : i32 to index
        %get3A_1576 = arith.constant 976 : index
        %get3A_1577 = tpu.vector_load %arg7[%get3A_1575, %get3A_1576] {strides = array<i32>} : memref<16x1024xf32, #tpu.memory_space<vmem>>, vector<1x16xf32>,
        %get3A_1578 = vector.shape_cast %get3A_1577 : vector<1x16xf32> to vector<16xf32>
        %get3A_1579 = arith.index_cast %scan3A_128 : i32 to index
        %get3A_1580 = arith.constant 992 : index
        %get3A_1581 = tpu.vector_load %arg7[%get3A_1579, %get3A_1580] {strides = array<i32>} : memref<16x1024xf32, #tpu.memory_space<vmem>>, vector<1x16xf32>,
        %get3A_1582 = vector.shape_cast %get3A_1581 : vector<1x16xf32> to vector<16xf32>
        %get3A_1583 = arith.index_cast %scan3A_128 : i32 to index
        %get3A_1584 = arith.constant 1008 : index
        %get3A_1585 = tpu.vector_load %arg7[%get3A_1583, %get3A_1584] {strides = array<i32>} : memref<16x1024xf32, #tpu.memory_space<vmem>>, vector<1x16xf32>,
        %get3A_1586 = vector.shape_cast %get3A_1585 : vector<1x16xf32> to vector<16xf32>
        %get3A_1587 = arith.index_cast %scan3A_128 : i32 to index
        %get3A_1588 = arith.constant 960 : index
        %get3A_1589 = tpu.vector_load %arg9[%get3A_1587, %get3A_1588] {strides = array<i32>} : memref<16x1024xf32, #tpu.memory_space<vmem>>, vector<1x16xf32>,
        %get3A_1590 = vector.shape_cast %get3A_1589 : vector<1x16xf32> to vector<16xf32>
        %get3A_1591 = arith.index_cast %scan3A_128 : i32 to index
        %get3A_1592 = arith.constant 976 : index
        %get3A_1593 = tpu.vector_load %arg9[%get3A_1591, %get3A_1592] {strides = array<i32>} : memref<16x1024xf32, #tpu.memory_space<vmem>>, vector<1x16xf32>,
        %get3A_1594 = vector.shape_cast %get3A_1593 : vector<1x16xf32> to vector<16xf32>
        %get3A_1595 = arith.index_cast %scan3A_128 : i32 to index
        %get3A_1596 = arith.constant 992 : index
        %get3A_1597 = tpu.vector_load %arg9[%get3A_1595, %get3A_1596] {strides = array<i32>} : memref<16x1024xf32, #tpu.memory_space<vmem>>, vector<1x16xf32>,
        %get3A_1598 = vector.shape_cast %get3A_1597 : vector<1x16xf32> to vector<16xf32>
        %get3A_1599 = arith.index_cast %scan3A_128 : i32 to index
        %get3A_1600 = arith.constant 1008 : index
        %get3A_1601 = tpu.vector_load %arg9[%get3A_1599, %get3A_1600] {strides = array<i32>} : memref<16x1024xf32, #tpu.memory_space<vmem>>, vector<1x16xf32>,
        %get3A_1602 = vector.shape_cast %get3A_1601 : vector<1x16xf32> to vector<16xf32>
        %sub3A_1603 = arith.subf %get3A_1574, %get3A_1590 : vector<16xf32>
        %sub3A_1604 = arith.subf %get3A_1574, %get3A_1590 : vector<16xf32>
        %mul3A_1605 = arith.mulf %sub3A_1603, %sub3A_1604 : vector<16xf32>
        %sub3A_1606 = arith.subf %get3A_1578, %get3A_1594 : vector<16xf32>
        %sub3A_1607 = arith.subf %get3A_1578, %get3A_1594 : vector<16xf32>
        %mul3A_1608 = arith.mulf %sub3A_1606, %sub3A_1607 : vector<16xf32>
        %sub3A_1609 = arith.subf %get3A_1582, %get3A_1598 : vector<16xf32>
        %sub3A_1610 = arith.subf %get3A_1582, %get3A_1598 : vector<16xf32>
        %mul3A_1611 = arith.mulf %sub3A_1609, %sub3A_1610 : vector<16xf32>
        %sub3A_1612 = arith.subf %get3A_1586, %get3A_1602 : vector<16xf32>
        %sub3A_1613 = arith.subf %get3A_1586, %get3A_1602 : vector<16xf32>
        %mul3A_1614 = arith.mulf %sub3A_1612, %sub3A_1613 : vector<16xf32>
        %add3A_1615 = arith.addf %mul3A_1605, %mul3A_1608 : vector<16xf32>
        %add3A_1616 = arith.addf %mul3A_1611, %mul3A_1614 : vector<16xf32>
        %add3A_1617 = arith.addf %add3A_1615, %add3A_1616 : vector<16xf32>
        %add3A_1618 = arith.addf %add3A_1522, %add3A_1617 : vector<16xf32>
        %ge3A_1619 = arith.cmpf oge, %get3A_1590, %get3A_25 : vector<16xf32>
        %select_n3A_1620 = arith.select %ge3A_1619, %mul3A_1605, %broadcast_in_dim3A_50 : vector<16xi1>, vector<16xf32>
        %ge3A_1621 = arith.cmpf oge, %get3A_1594, %get3A_25 : vector<16xf32>
        %select_n3A_1622 = arith.select %ge3A_1621, %mul3A_1608, %broadcast_in_dim3A_50 : vector<16xi1>, vector<16xf32>
        %ge3A_1623 = arith.cmpf oge, %get3A_1598, %get3A_25 : vector<16xf32>
        %select_n3A_1624 = arith.select %ge3A_1623, %mul3A_1611, %broadcast_in_dim3A_50 : vector<16xi1>, vector<16xf32>
        %ge3A_1625 = arith.cmpf oge, %get3A_1602, %get3A_25 : vector<16xf32>
        %select_n3A_1626 = arith.select %ge3A_1625, %mul3A_1614, %broadcast_in_dim3A_50 : vector<16xi1>, vector<16xf32>
        %add3A_1627 = arith.addf %select_n3A_1620, %select_n3A_1622 : vector<16xf32>
        %add3A_1628 = arith.addf %select_n3A_1624, %select_n3A_1626 : vector<16xf32>
        %add3A_1629 = arith.addf %add3A_1627, %add3A_1628 : vector<16xf32>
        %add3A_1630 = arith.addf %add3A_1534, %add3A_1629 : vector<16xf32>
        %ge3A_1631 = arith.cmpf oge, %get3A_1590, %get3A_28 : vector<16xf32>
        %select_n3A_1632 = arith.select %ge3A_1631, %mul3A_1605, %broadcast_in_dim3A_50 : vector<16xi1>, vector<16xf32>
        %ge3A_1633 = arith.cmpf oge, %get3A_1594, %get3A_28 : vector<16xf32>
        %select_n3A_1634 = arith.select %ge3A_1633, %mul3A_1608, %broadcast_in_dim3A_50 : vector<16xi1>, vector<16xf32>
        %ge3A_1635 = arith.cmpf oge, %get3A_1598, %get3A_28 : vector<16xf32>
        %select_n3A_1636 = arith.select %ge3A_1635, %mul3A_1611, %broadcast_in_dim3A_50 : vector<16xi1>, vector<16xf32>
        %ge3A_1637 = arith.cmpf oge, %get3A_1602, %get3A_28 : vector<16xf32>
        %select_n3A_1638 = arith.select %ge3A_1637, %mul3A_1614, %broadcast_in_dim3A_50 : vector<16xi1>, vector<16xf32>
        %add3A_1639 = arith.addf %select_n3A_1632, %select_n3A_1634 : vector<16xf32>
        %add3A_1640 = arith.addf %select_n3A_1636, %select_n3A_1638 : vector<16xf32>
        %add3A_1641 = arith.addf %add3A_1639, %add3A_1640 : vector<16xf32>
        %add3A_1642 = arith.addf %add3A_1546, %add3A_1641 : vector<16xf32>
        %ge3A_1643 = arith.cmpf oge, %get3A_1590, %get3A_31 : vector<16xf32>
        %select_n3A_1644 = arith.select %ge3A_1643, %mul3A_1605, %broadcast_in_dim3A_50 : vector<16xi1>, vector<16xf32>
        %ge3A_1645 = arith.cmpf oge, %get3A_1594, %get3A_31 : vector<16xf32>
        %select_n3A_1646 = arith.select %ge3A_1645, %mul3A_1608, %broadcast_in_dim3A_50 : vector<16xi1>, vector<16xf32>
        %ge3A_1647 = arith.cmpf oge, %get3A_1598, %get3A_31 : vector<16xf32>
        %select_n3A_1648 = arith.select %ge3A_1647, %mul3A_1611, %broadcast_in_dim3A_50 : vector<16xi1>, vector<16xf32>
        %ge3A_1649 = arith.cmpf oge, %get3A_1602, %get3A_31 : vector<16xf32>
        %select_n3A_1650 = arith.select %ge3A_1649, %mul3A_1614, %broadcast_in_dim3A_50 : vector<16xi1>, vector<16xf32>
        %add3A_1651 = arith.addf %select_n3A_1644, %select_n3A_1646 : vector<16xf32>
        %add3A_1652 = arith.addf %select_n3A_1648, %select_n3A_1650 : vector<16xf32>
        %add3A_1653 = arith.addf %add3A_1651, %add3A_1652 : vector<16xf32>
        %add3A_1654 = arith.addf %add3A_1558, %add3A_1653 : vector<16xf32>
        %ge3A_1655 = arith.cmpf oge, %get3A_1590, %get3A_34 : vector<16xf32>
        %select_n3A_1656 = arith.select %ge3A_1655, %mul3A_1605, %broadcast_in_dim3A_50 : vector<16xi1>, vector<16xf32>
        %ge3A_1657 = arith.cmpf oge, %get3A_1594, %get3A_34 : vector<16xf32>
        %select_n3A_1658 = arith.select %ge3A_1657, %mul3A_1608, %broadcast_in_dim3A_50 : vector<16xi1>, vector<16xf32>
        %ge3A_1659 = arith.cmpf oge, %get3A_1598, %get3A_34 : vector<16xf32>
        %select_n3A_1660 = arith.select %ge3A_1659, %mul3A_1611, %broadcast_in_dim3A_50 : vector<16xi1>, vector<16xf32>
        %ge3A_1661 = arith.cmpf oge, %get3A_1602, %get3A_34 : vector<16xf32>
        %select_n3A_1662 = arith.select %ge3A_1661, %mul3A_1614, %broadcast_in_dim3A_50 : vector<16xi1>, vector<16xf32>
        %add3A_1663 = arith.addf %select_n3A_1656, %select_n3A_1658 : vector<16xf32>
        %add3A_1664 = arith.addf %select_n3A_1660, %select_n3A_1662 : vector<16xf32>
        %add3A_1665 = arith.addf %add3A_1663, %add3A_1664 : vector<16xf32>
        %add3A_1666 = arith.addf %add3A_1570, %add3A_1665 : vector<16xf32>
        scf.yield %add3A_1618, %add3A_1630, %add3A_1642, %add3A_1654, %add3A_1666 : vector<16xf32>, vector<16xf32>, vector<16xf32>, vector<16xf32>, vector<16xf32>
      }
      %scan3A_94 = arith.constant 16 : i32
      %add3A_95 = arith.constant 2 : i32
      %add3A_96 = arith.addi %add3A_77, %add3A_95 : i32
      %lt3A = arith.constant 22 : i32
      %lt3A_97 = arith.cmpi slt, %add3A_96, %lt3A : i32
      %convert_element_type3A = arith.extui %lt3A_97 : i1 to i32
      %cond3A = arith.constant 0 : i32
      %cond3A_98 = arith.cmpi ne, %convert_element_type3A, %cond3A : i32
      scf.if %cond3A_98 {
        %add3A_128 = arith.constant 2 : i32
        %add3A_129 = arith.addi %add3A_77, %add3A_128 : i32
        %mul3A_130 = arith.constant 16 : i32
        %mul3A_131 = arith.muli %add3A_129, %mul3A_130 : i32
        %add3A_132 = arith.addi %add3A_4, %mul3A_131 : i32
        %dma_start3A_133 = arith.constant 0 : i32
        %dma_start3A_134 = tpu.memref_slice %arg2[%add3A_132, %dma_start3A_133] : memref<32768x1024xf32, #tpu.memory_space<hbm>> -> memref<16x1024xf32, #tpu.memory_space<hbm>>
        %dma_start3A_135 = arith.constant 0 : i32
        %dma_start3A_136 = tpu.memref_slice %arg2[%add3A_132, %dma_start3A_135] : memref<32768x1024xf32, #tpu.memory_space<hbm>> -> memref<16x1024xf32, #tpu.memory_space<hbm>>
        tpu.enqueue_dma source(%dma_start3A_136 : memref<16x1024xf32, #tpu.memory_space<hbm>>) target(%arg7 : memref<16x1024xf32, #tpu.memory_space<vmem>>) target_semaphore(%arg14 : memref<!tpu.dma_semaphore, #tpu.memory_space<semaphore_mem>>)
        %dma_start3A_137 = arith.constant 0 : i32
        %dma_start3A_138 = tpu.memref_slice %arg3[%add3A_132, %dma_start3A_137] : memref<32768x1024xf32, #tpu.memory_space<hbm>> -> memref<16x1024xf32, #tpu.memory_space<hbm>>
        %dma_start3A_139 = arith.constant 0 : i32
        %dma_start3A_140 = tpu.memref_slice %arg3[%add3A_132, %dma_start3A_139] : memref<32768x1024xf32, #tpu.memory_space<hbm>> -> memref<16x1024xf32, #tpu.memory_space<hbm>>
        tpu.enqueue_dma source(%dma_start3A_140 : memref<16x1024xf32, #tpu.memory_space<hbm>>) target(%arg9 : memref<16x1024xf32, #tpu.memory_space<vmem>>) target_semaphore(%arg16 : memref<!tpu.dma_semaphore, #tpu.memory_space<semaphore_mem>>)
      } else {
      }
      %mul3A_99 = arith.constant 2 : i32
      %mul3A_100 = arith.muli %mul3A_99, %scan3A_68 : i32
      %add3A_101 = arith.constant 1 : i32
      %add3A_102 = arith.addi %mul3A_100, %add3A_101 : i32
      %dma_wait3A_103 = arith.constant 0 : i32
      %dma_wait3A_104 = arith.constant 0 : i32
      %dma_wait3A_105 = tpu.memref_slice %arg2[%dma_wait3A_103, %dma_wait3A_104] : memref<32768x1024xf32, #tpu.memory_space<hbm>> -> memref<16x1024xf32, #tpu.memory_space<hbm>>
      %dma_wait3A_106 = arith.constant 0 : i32
      %dma_wait3A_107 = arith.constant 0 : i32
      %dma_wait3A_108 = tpu.memref_slice %arg2[%dma_wait3A_106, %dma_wait3A_107] : memref<32768x1024xf32, #tpu.memory_space<hbm>> -> memref<16x1024xf32, #tpu.memory_space<hbm>>
      tpu.wait_dma2 semaphore(%arg15 : memref<!tpu.dma_semaphore, #tpu.memory_space<semaphore_mem>>) src(%dma_wait3A_108 : memref<16x1024xf32, #tpu.memory_space<hbm>>) dst(%arg8 : memref<16x1024xf32, #tpu.memory_space<vmem>>)
      %dma_wait3A_109 = arith.constant 0 : i32
      %dma_wait3A_110 = arith.constant 0 : i32
      %dma_wait3A_111 = tpu.memref_slice %arg3[%dma_wait3A_109, %dma_wait3A_110] : memref<32768x1024xf32, #tpu.memory_space<hbm>> -> memref<16x1024xf32, #tpu.memory_space<hbm>>
      %dma_wait3A_112 = arith.constant 0 : i32
      %dma_wait3A_113 = arith.constant 0 : i32
      %dma_wait3A_114 = tpu.memref_slice %arg3[%dma_wait3A_112, %dma_wait3A_113] : memref<32768x1024xf32, #tpu.memory_space<hbm>> -> memref<16x1024xf32, #tpu.memory_space<hbm>>
      tpu.wait_dma2 semaphore(%arg17 : memref<!tpu.dma_semaphore, #tpu.memory_space<semaphore_mem>>) src(%dma_wait3A_114 : memref<16x1024xf32, #tpu.memory_space<hbm>>) dst(%arg10 : memref<16x1024xf32, #tpu.memory_space<vmem>>)
      %scan3A_115 = arith.constant 0 : i32
      %scan3A_116 = arith.constant 16 : i32
      %scan3A_117 = arith.addi %scan3A_115, %scan3A_116 : i32
      %scan3A_118 = arith.constant 1 : i32
      %scan3A_119:5 = scf.for %scan3A_128 = %scan3A_115 to %scan3A_117 step %scan3A_118 iter_args(%scan3A_129 = %scan3A_93#0, %scan3A_130 = %scan3A_93#1, %scan3A_131 = %scan3A_93#2, %scan3A_132 = %scan3A_93#3, %scan3A_133 = %scan3A_93#4) -> (vector<16xf32>, vector<16xf32>, vector<16xf32>, vector<16xf32>, vector<16xf32>)  : i32 {
        %get3A_134 = arith.index_cast %scan3A_128 : i32 to index
        %get3A_135 = arith.constant 0 : index
        %get3A_136 = tpu.vector_load %arg8[%get3A_134, %get3A_135] {strides = array<i32>} : memref<16x1024xf32, #tpu.memory_space<vmem>>, vector<1x16xf32>,
        %get3A_137 = vector.shape_cast %get3A_136 : vector<1x16xf32> to vector<16xf32>
        %get3A_138 = arith.index_cast %scan3A_128 : i32 to index
        %get3A_139 = arith.constant 16 : index
        %get3A_140 = tpu.vector_load %arg8[%get3A_138, %get3A_139] {strides = array<i32>} : memref<16x1024xf32, #tpu.memory_space<vmem>>, vector<1x16xf32>,
        %get3A_141 = vector.shape_cast %get3A_140 : vector<1x16xf32> to vector<16xf32>
        %get3A_142 = arith.index_cast %scan3A_128 : i32 to index
        %get3A_143 = arith.constant 32 : index
        %get3A_144 = tpu.vector_load %arg8[%get3A_142, %get3A_143] {strides = array<i32>} : memref<16x1024xf32, #tpu.memory_space<vmem>>, vector<1x16xf32>,
        %get3A_145 = vector.shape_cast %get3A_144 : vector<1x16xf32> to vector<16xf32>
        %get3A_146 = arith.index_cast %scan3A_128 : i32 to index
        %get3A_147 = arith.constant 48 : index
        %get3A_148 = tpu.vector_load %arg8[%get3A_146, %get3A_147] {strides = array<i32>} : memref<16x1024xf32, #tpu.memory_space<vmem>>, vector<1x16xf32>,
        %get3A_149 = vector.shape_cast %get3A_148 : vector<1x16xf32> to vector<16xf32>
        %get3A_150 = arith.index_cast %scan3A_128 : i32 to index
        %get3A_151 = arith.constant 0 : index
        %get3A_152 = tpu.vector_load %arg10[%get3A_150, %get3A_151] {strides = array<i32>} : memref<16x1024xf32, #tpu.memory_space<vmem>>, vector<1x16xf32>,
        %get3A_153 = vector.shape_cast %get3A_152 : vector<1x16xf32> to vector<16xf32>
        %get3A_154 = arith.index_cast %scan3A_128 : i32 to index
        %get3A_155 = arith.constant 16 : index
        %get3A_156 = tpu.vector_load %arg10[%get3A_154, %get3A_155] {strides = array<i32>} : memref<16x1024xf32, #tpu.memory_space<vmem>>, vector<1x16xf32>,
        %get3A_157 = vector.shape_cast %get3A_156 : vector<1x16xf32> to vector<16xf32>
        %get3A_158 = arith.index_cast %scan3A_128 : i32 to index
        %get3A_159 = arith.constant 32 : index
        %get3A_160 = tpu.vector_load %arg10[%get3A_158, %get3A_159] {strides = array<i32>} : memref<16x1024xf32, #tpu.memory_space<vmem>>, vector<1x16xf32>,
        %get3A_161 = vector.shape_cast %get3A_160 : vector<1x16xf32> to vector<16xf32>
        %get3A_162 = arith.index_cast %scan3A_128 : i32 to index
        %get3A_163 = arith.constant 48 : index
        %get3A_164 = tpu.vector_load %arg10[%get3A_162, %get3A_163] {strides = array<i32>} : memref<16x1024xf32, #tpu.memory_space<vmem>>, vector<1x16xf32>,
        %get3A_165 = vector.shape_cast %get3A_164 : vector<1x16xf32> to vector<16xf32>
        %sub3A = arith.subf %get3A_137, %get3A_153 : vector<16xf32>
        %sub3A_166 = arith.subf %get3A_137, %get3A_153 : vector<16xf32>
        %mul3A_167 = arith.mulf %sub3A, %sub3A_166 : vector<16xf32>
        %sub3A_168 = arith.subf %get3A_141, %get3A_157 : vector<16xf32>
        %sub3A_169 = arith.subf %get3A_141, %get3A_157 : vector<16xf32>
        %mul3A_170 = arith.mulf %sub3A_168, %sub3A_169 : vector<16xf32>
        %sub3A_171 = arith.subf %get3A_145, %get3A_161 : vector<16xf32>
        %sub3A_172 = arith.subf %get3A_145, %get3A_161 : vector<16xf32>
        %mul3A_173 = arith.mulf %sub3A_171, %sub3A_172 : vector<16xf32>
        %sub3A_174 = arith.subf %get3A_149, %get3A_165 : vector<16xf32>
        %sub3A_175 = arith.subf %get3A_149, %get3A_165 : vector<16xf32>
        %mul3A_176 = arith.mulf %sub3A_174, %sub3A_175 : vector<16xf32>
        %add3A_177 = arith.addf %mul3A_167, %mul3A_170 : vector<16xf32>
        %add3A_178 = arith.addf %mul3A_173, %mul3A_176 : vector<16xf32>
        %add3A_179 = arith.addf %add3A_177, %add3A_178 : vector<16xf32>
        %add3A_180 = arith.addf %scan3A_129, %add3A_179 : vector<16xf32>
        %ge3A = arith.cmpf oge, %get3A_153, %get3A_25 : vector<16xf32>
        %select_n3A = arith.select %ge3A, %mul3A_167, %broadcast_in_dim3A_50 : vector<16xi1>, vector<16xf32>
        %ge3A_181 = arith.cmpf oge, %get3A_157, %get3A_25 : vector<16xf32>
        %select_n3A_182 = arith.select %ge3A_181, %mul3A_170, %broadcast_in_dim3A_50 : vector<16xi1>, vector<16xf32>
        %ge3A_183 = arith.cmpf oge, %get3A_161, %get3A_25 : vector<16xf32>
        %select_n3A_184 = arith.select %ge3A_183, %mul3A_173, %broadcast_in_dim3A_50 : vector<16xi1>, vector<16xf32>
        %ge3A_185 = arith.cmpf oge, %get3A_165, %get3A_25 : vector<16xf32>
        %select_n3A_186 = arith.select %ge3A_185, %mul3A_176, %broadcast_in_dim3A_50 : vector<16xi1>, vector<16xf32>
        %add3A_187 = arith.addf %select_n3A, %select_n3A_182 : vector<16xf32>
        %add3A_188 = arith.addf %select_n3A_184, %select_n3A_186 : vector<16xf32>
        %add3A_189 = arith.addf %add3A_187, %add3A_188 : vector<16xf32>
        %add3A_190 = arith.addf %scan3A_130, %add3A_189 : vector<16xf32>
        %ge3A_191 = arith.cmpf oge, %get3A_153, %get3A_28 : vector<16xf32>
        %select_n3A_192 = arith.select %ge3A_191, %mul3A_167, %broadcast_in_dim3A_50 : vector<16xi1>, vector<16xf32>
        %ge3A_193 = arith.cmpf oge, %get3A_157, %get3A_28 : vector<16xf32>
        %select_n3A_194 = arith.select %ge3A_193, %mul3A_170, %broadcast_in_dim3A_50 : vector<16xi1>, vector<16xf32>
        %ge3A_195 = arith.cmpf oge, %get3A_161, %get3A_28 : vector<16xf32>
        %select_n3A_196 = arith.select %ge3A_195, %mul3A_173, %broadcast_in_dim3A_50 : vector<16xi1>, vector<16xf32>
        %ge3A_197 = arith.cmpf oge, %get3A_165, %get3A_28 : vector<16xf32>
        %select_n3A_198 = arith.select %ge3A_197, %mul3A_176, %broadcast_in_dim3A_50 : vector<16xi1>, vector<16xf32>
        %add3A_199 = arith.addf %select_n3A_192, %select_n3A_194 : vector<16xf32>
        %add3A_200 = arith.addf %select_n3A_196, %select_n3A_198 : vector<16xf32>
        %add3A_201 = arith.addf %add3A_199, %add3A_200 : vector<16xf32>
        %add3A_202 = arith.addf %scan3A_131, %add3A_201 : vector<16xf32>
        %ge3A_203 = arith.cmpf oge, %get3A_153, %get3A_31 : vector<16xf32>
        %select_n3A_204 = arith.select %ge3A_203, %mul3A_167, %broadcast_in_dim3A_50 : vector<16xi1>, vector<16xf32>
        %ge3A_205 = arith.cmpf oge, %get3A_157, %get3A_31 : vector<16xf32>
        %select_n3A_206 = arith.select %ge3A_205, %mul3A_170, %broadcast_in_dim3A_50 : vector<16xi1>, vector<16xf32>
        %ge3A_207 = arith.cmpf oge, %get3A_161, %get3A_31 : vector<16xf32>
        %select_n3A_208 = arith.select %ge3A_207, %mul3A_173, %broadcast_in_dim3A_50 : vector<16xi1>, vector<16xf32>
        %ge3A_209 = arith.cmpf oge, %get3A_165, %get3A_31 : vector<16xf32>
        %select_n3A_210 = arith.select %ge3A_209, %mul3A_176, %broadcast_in_dim3A_50 : vector<16xi1>, vector<16xf32>
        %add3A_211 = arith.addf %select_n3A_204, %select_n3A_206 : vector<16xf32>
        %add3A_212 = arith.addf %select_n3A_208, %select_n3A_210 : vector<16xf32>
        %add3A_213 = arith.addf %add3A_211, %add3A_212 : vector<16xf32>
        %add3A_214 = arith.addf %scan3A_132, %add3A_213 : vector<16xf32>
        %ge3A_215 = arith.cmpf oge, %get3A_153, %get3A_34 : vector<16xf32>
        %select_n3A_216 = arith.select %ge3A_215, %mul3A_167, %broadcast_in_dim3A_50 : vector<16xi1>, vector<16xf32>
        %ge3A_217 = arith.cmpf oge, %get3A_157, %get3A_34 : vector<16xf32>
        %select_n3A_218 = arith.select %ge3A_217, %mul3A_170, %broadcast_in_dim3A_50 : vector<16xi1>, vector<16xf32>
        %ge3A_219 = arith.cmpf oge, %get3A_161, %get3A_34 : vector<16xf32>
        %select_n3A_220 = arith.select %ge3A_219, %mul3A_173, %broadcast_in_dim3A_50 : vector<16xi1>, vector<16xf32>
        %ge3A_221 = arith.cmpf oge, %get3A_165, %get3A_34 : vector<16xf32>
        %select_n3A_222 = arith.select %ge3A_221, %mul3A_176, %broadcast_in_dim3A_50 : vector<16xi1>, vector<16xf32>
        %add3A_223 = arith.addf %select_n3A_216, %select_n3A_218 : vector<16xf32>
        %add3A_224 = arith.addf %select_n3A_220, %select_n3A_222 : vector<16xf32>
        %add3A_225 = arith.addf %add3A_223, %add3A_224 : vector<16xf32>
        %add3A_226 = arith.addf %scan3A_133, %add3A_225 : vector<16xf32>
        %get3A_227 = arith.index_cast %scan3A_128 : i32 to index
        %get3A_228 = arith.constant 64 : index
        %get3A_229 = tpu.vector_load %arg8[%get3A_227, %get3A_228] {strides = array<i32>} : memref<16x1024xf32, #tpu.memory_space<vmem>>, vector<1x16xf32>,
        %get3A_230 = vector.shape_cast %get3A_229 : vector<1x16xf32> to vector<16xf32>
        %get3A_231 = arith.index_cast %scan3A_128 : i32 to index
        %get3A_232 = arith.constant 80 : index
        %get3A_233 = tpu.vector_load %arg8[%get3A_231, %get3A_232] {strides = array<i32>} : memref<16x1024xf32, #tpu.memory_space<vmem>>, vector<1x16xf32>,
        %get3A_234 = vector.shape_cast %get3A_233 : vector<1x16xf32> to vector<16xf32>
        %get3A_235 = arith.index_cast %scan3A_128 : i32 to index
        %get3A_236 = arith.constant 96 : index
        %get3A_237 = tpu.vector_load %arg8[%get3A_235, %get3A_236] {strides = array<i32>} : memref<16x1024xf32, #tpu.memory_space<vmem>>, vector<1x16xf32>,
        %get3A_238 = vector.shape_cast %get3A_237 : vector<1x16xf32> to vector<16xf32>
        %get3A_239 = arith.index_cast %scan3A_128 : i32 to index
        %get3A_240 = arith.constant 112 : index
        %get3A_241 = tpu.vector_load %arg8[%get3A_239, %get3A_240] {strides = array<i32>} : memref<16x1024xf32, #tpu.memory_space<vmem>>, vector<1x16xf32>,
        %get3A_242 = vector.shape_cast %get3A_241 : vector<1x16xf32> to vector<16xf32>
        %get3A_243 = arith.index_cast %scan3A_128 : i32 to index
        %get3A_244 = arith.constant 64 : index
        %get3A_245 = tpu.vector_load %arg10[%get3A_243, %get3A_244] {strides = array<i32>} : memref<16x1024xf32, #tpu.memory_space<vmem>>, vector<1x16xf32>,
        %get3A_246 = vector.shape_cast %get3A_245 : vector<1x16xf32> to vector<16xf32>
        %get3A_247 = arith.index_cast %scan3A_128 : i32 to index
        %get3A_248 = arith.constant 80 : index
        %get3A_249 = tpu.vector_load %arg10[%get3A_247, %get3A_248] {strides = array<i32>} : memref<16x1024xf32, #tpu.memory_space<vmem>>, vector<1x16xf32>,
        %get3A_250 = vector.shape_cast %get3A_249 : vector<1x16xf32> to vector<16xf32>
        %get3A_251 = arith.index_cast %scan3A_128 : i32 to index
        %get3A_252 = arith.constant 96 : index
        %get3A_253 = tpu.vector_load %arg10[%get3A_251, %get3A_252] {strides = array<i32>} : memref<16x1024xf32, #tpu.memory_space<vmem>>, vector<1x16xf32>,
        %get3A_254 = vector.shape_cast %get3A_253 : vector<1x16xf32> to vector<16xf32>
        %get3A_255 = arith.index_cast %scan3A_128 : i32 to index
        %get3A_256 = arith.constant 112 : index
        %get3A_257 = tpu.vector_load %arg10[%get3A_255, %get3A_256] {strides = array<i32>} : memref<16x1024xf32, #tpu.memory_space<vmem>>, vector<1x16xf32>,
        %get3A_258 = vector.shape_cast %get3A_257 : vector<1x16xf32> to vector<16xf32>
        %sub3A_259 = arith.subf %get3A_230, %get3A_246 : vector<16xf32>
        %sub3A_260 = arith.subf %get3A_230, %get3A_246 : vector<16xf32>
        %mul3A_261 = arith.mulf %sub3A_259, %sub3A_260 : vector<16xf32>
        %sub3A_262 = arith.subf %get3A_234, %get3A_250 : vector<16xf32>
        %sub3A_263 = arith.subf %get3A_234, %get3A_250 : vector<16xf32>
        %mul3A_264 = arith.mulf %sub3A_262, %sub3A_263 : vector<16xf32>
        %sub3A_265 = arith.subf %get3A_238, %get3A_254 : vector<16xf32>
        %sub3A_266 = arith.subf %get3A_238, %get3A_254 : vector<16xf32>
        %mul3A_267 = arith.mulf %sub3A_265, %sub3A_266 : vector<16xf32>
        %sub3A_268 = arith.subf %get3A_242, %get3A_258 : vector<16xf32>
        %sub3A_269 = arith.subf %get3A_242, %get3A_258 : vector<16xf32>
        %mul3A_270 = arith.mulf %sub3A_268, %sub3A_269 : vector<16xf32>
        %add3A_271 = arith.addf %mul3A_261, %mul3A_264 : vector<16xf32>
        %add3A_272 = arith.addf %mul3A_267, %mul3A_270 : vector<16xf32>
        %add3A_273 = arith.addf %add3A_271, %add3A_272 : vector<16xf32>
        %add3A_274 = arith.addf %add3A_180, %add3A_273 : vector<16xf32>
        %ge3A_275 = arith.cmpf oge, %get3A_246, %get3A_25 : vector<16xf32>
        %select_n3A_276 = arith.select %ge3A_275, %mul3A_261, %broadcast_in_dim3A_50 : vector<16xi1>, vector<16xf32>
        %ge3A_277 = arith.cmpf oge, %get3A_250, %get3A_25 : vector<16xf32>
        %select_n3A_278 = arith.select %ge3A_277, %mul3A_264, %broadcast_in_dim3A_50 : vector<16xi1>, vector<16xf32>
        %ge3A_279 = arith.cmpf oge, %get3A_254, %get3A_25 : vector<16xf32>
        %select_n3A_280 = arith.select %ge3A_279, %mul3A_267, %broadcast_in_dim3A_50 : vector<16xi1>, vector<16xf32>
        %ge3A_281 = arith.cmpf oge, %get3A_258, %get3A_25 : vector<16xf32>
        %select_n3A_282 = arith.select %ge3A_281, %mul3A_270, %broadcast_in_dim3A_50 : vector<16xi1>, vector<16xf32>
        %add3A_283 = arith.addf %select_n3A_276, %select_n3A_278 : vector<16xf32>
        %add3A_284 = arith.addf %select_n3A_280, %select_n3A_282 : vector<16xf32>
        %add3A_285 = arith.addf %add3A_283, %add3A_284 : vector<16xf32>
        %add3A_286 = arith.addf %add3A_190, %add3A_285 : vector<16xf32>
        %ge3A_287 = arith.cmpf oge, %get3A_246, %get3A_28 : vector<16xf32>
        %select_n3A_288 = arith.select %ge3A_287, %mul3A_261, %broadcast_in_dim3A_50 : vector<16xi1>, vector<16xf32>
        %ge3A_289 = arith.cmpf oge, %get3A_250, %get3A_28 : vector<16xf32>
        %select_n3A_290 = arith.select %ge3A_289, %mul3A_264, %broadcast_in_dim3A_50 : vector<16xi1>, vector<16xf32>
        %ge3A_291 = arith.cmpf oge, %get3A_254, %get3A_28 : vector<16xf32>
        %select_n3A_292 = arith.select %ge3A_291, %mul3A_267, %broadcast_in_dim3A_50 : vector<16xi1>, vector<16xf32>
        %ge3A_293 = arith.cmpf oge, %get3A_258, %get3A_28 : vector<16xf32>
        %select_n3A_294 = arith.select %ge3A_293, %mul3A_270, %broadcast_in_dim3A_50 : vector<16xi1>, vector<16xf32>
        %add3A_295 = arith.addf %select_n3A_288, %select_n3A_290 : vector<16xf32>
        %add3A_296 = arith.addf %select_n3A_292, %select_n3A_294 : vector<16xf32>
        %add3A_297 = arith.addf %add3A_295, %add3A_296 : vector<16xf32>
        %add3A_298 = arith.addf %add3A_202, %add3A_297 : vector<16xf32>
        %ge3A_299 = arith.cmpf oge, %get3A_246, %get3A_31 : vector<16xf32>
        %select_n3A_300 = arith.select %ge3A_299, %mul3A_261, %broadcast_in_dim3A_50 : vector<16xi1>, vector<16xf32>
        %ge3A_301 = arith.cmpf oge, %get3A_250, %get3A_31 : vector<16xf32>
        %select_n3A_302 = arith.select %ge3A_301, %mul3A_264, %broadcast_in_dim3A_50 : vector<16xi1>, vector<16xf32>
        %ge3A_303 = arith.cmpf oge, %get3A_254, %get3A_31 : vector<16xf32>
        %select_n3A_304 = arith.select %ge3A_303, %mul3A_267, %broadcast_in_dim3A_50 : vector<16xi1>, vector<16xf32>
        %ge3A_305 = arith.cmpf oge, %get3A_258, %get3A_31 : vector<16xf32>
        %select_n3A_306 = arith.select %ge3A_305, %mul3A_270, %broadcast_in_dim3A_50 : vector<16xi1>, vector<16xf32>
        %add3A_307 = arith.addf %select_n3A_300, %select_n3A_302 : vector<16xf32>
        %add3A_308 = arith.addf %select_n3A_304, %select_n3A_306 : vector<16xf32>
        %add3A_309 = arith.addf %add3A_307, %add3A_308 : vector<16xf32>
        %add3A_310 = arith.addf %add3A_214, %add3A_309 : vector<16xf32>
        %ge3A_311 = arith.cmpf oge, %get3A_246, %get3A_34 : vector<16xf32>
        %select_n3A_312 = arith.select %ge3A_311, %mul3A_261, %broadcast_in_dim3A_50 : vector<16xi1>, vector<16xf32>
        %ge3A_313 = arith.cmpf oge, %get3A_250, %get3A_34 : vector<16xf32>
        %select_n3A_314 = arith.select %ge3A_313, %mul3A_264, %broadcast_in_dim3A_50 : vector<16xi1>, vector<16xf32>
        %ge3A_315 = arith.cmpf oge, %get3A_254, %get3A_34 : vector<16xf32>
        %select_n3A_316 = arith.select %ge3A_315, %mul3A_267, %broadcast_in_dim3A_50 : vector<16xi1>, vector<16xf32>
        %ge3A_317 = arith.cmpf oge, %get3A_258, %get3A_34 : vector<16xf32>
        %select_n3A_318 = arith.select %ge3A_317, %mul3A_270, %broadcast_in_dim3A_50 : vector<16xi1>, vector<16xf32>
        %add3A_319 = arith.addf %select_n3A_312, %select_n3A_314 : vector<16xf32>
        %add3A_320 = arith.addf %select_n3A_316, %select_n3A_318 : vector<16xf32>
        %add3A_321 = arith.addf %add3A_319, %add3A_320 : vector<16xf32>
        %add3A_322 = arith.addf %add3A_226, %add3A_321 : vector<16xf32>
        %get3A_323 = arith.index_cast %scan3A_128 : i32 to index
        %get3A_324 = arith.constant 128 : index
        %get3A_325 = tpu.vector_load %arg8[%get3A_323, %get3A_324] {strides = array<i32>} : memref<16x1024xf32, #tpu.memory_space<vmem>>, vector<1x16xf32>,
        %get3A_326 = vector.shape_cast %get3A_325 : vector<1x16xf32> to vector<16xf32>
        %get3A_327 = arith.index_cast %scan3A_128 : i32 to index
        %get3A_328 = arith.constant 144 : index
        %get3A_329 = tpu.vector_load %arg8[%get3A_327, %get3A_328] {strides = array<i32>} : memref<16x1024xf32, #tpu.memory_space<vmem>>, vector<1x16xf32>,
        %get3A_330 = vector.shape_cast %get3A_329 : vector<1x16xf32> to vector<16xf32>
        %get3A_331 = arith.index_cast %scan3A_128 : i32 to index
        %get3A_332 = arith.constant 160 : index
        %get3A_333 = tpu.vector_load %arg8[%get3A_331, %get3A_332] {strides = array<i32>} : memref<16x1024xf32, #tpu.memory_space<vmem>>, vector<1x16xf32>,
        %get3A_334 = vector.shape_cast %get3A_333 : vector<1x16xf32> to vector<16xf32>
        %get3A_335 = arith.index_cast %scan3A_128 : i32 to index
        %get3A_336 = arith.constant 176 : index
        %get3A_337 = tpu.vector_load %arg8[%get3A_335, %get3A_336] {strides = array<i32>} : memref<16x1024xf32, #tpu.memory_space<vmem>>, vector<1x16xf32>,
        %get3A_338 = vector.shape_cast %get3A_337 : vector<1x16xf32> to vector<16xf32>
        %get3A_339 = arith.index_cast %scan3A_128 : i32 to index
        %get3A_340 = arith.constant 128 : index
        %get3A_341 = tpu.vector_load %arg10[%get3A_339, %get3A_340] {strides = array<i32>} : memref<16x1024xf32, #tpu.memory_space<vmem>>, vector<1x16xf32>,
        %get3A_342 = vector.shape_cast %get3A_341 : vector<1x16xf32> to vector<16xf32>
        %get3A_343 = arith.index_cast %scan3A_128 : i32 to index
        %get3A_344 = arith.constant 144 : index
        %get3A_345 = tpu.vector_load %arg10[%get3A_343, %get3A_344] {strides = array<i32>} : memref<16x1024xf32, #tpu.memory_space<vmem>>, vector<1x16xf32>,
        %get3A_346 = vector.shape_cast %get3A_345 : vector<1x16xf32> to vector<16xf32>
        %get3A_347 = arith.index_cast %scan3A_128 : i32 to index
        %get3A_348 = arith.constant 160 : index
        %get3A_349 = tpu.vector_load %arg10[%get3A_347, %get3A_348] {strides = array<i32>} : memref<16x1024xf32, #tpu.memory_space<vmem>>, vector<1x16xf32>,
        %get3A_350 = vector.shape_cast %get3A_349 : vector<1x16xf32> to vector<16xf32>
        %get3A_351 = arith.index_cast %scan3A_128 : i32 to index
        %get3A_352 = arith.constant 176 : index
        %get3A_353 = tpu.vector_load %arg10[%get3A_351, %get3A_352] {strides = array<i32>} : memref<16x1024xf32, #tpu.memory_space<vmem>>, vector<1x16xf32>,
        %get3A_354 = vector.shape_cast %get3A_353 : vector<1x16xf32> to vector<16xf32>
        %sub3A_355 = arith.subf %get3A_326, %get3A_342 : vector<16xf32>
        %sub3A_356 = arith.subf %get3A_326, %get3A_342 : vector<16xf32>
        %mul3A_357 = arith.mulf %sub3A_355, %sub3A_356 : vector<16xf32>
        %sub3A_358 = arith.subf %get3A_330, %get3A_346 : vector<16xf32>
        %sub3A_359 = arith.subf %get3A_330, %get3A_346 : vector<16xf32>
        %mul3A_360 = arith.mulf %sub3A_358, %sub3A_359 : vector<16xf32>
        %sub3A_361 = arith.subf %get3A_334, %get3A_350 : vector<16xf32>
        %sub3A_362 = arith.subf %get3A_334, %get3A_350 : vector<16xf32>
        %mul3A_363 = arith.mulf %sub3A_361, %sub3A_362 : vector<16xf32>
        %sub3A_364 = arith.subf %get3A_338, %get3A_354 : vector<16xf32>
        %sub3A_365 = arith.subf %get3A_338, %get3A_354 : vector<16xf32>
        %mul3A_366 = arith.mulf %sub3A_364, %sub3A_365 : vector<16xf32>
        %add3A_367 = arith.addf %mul3A_357, %mul3A_360 : vector<16xf32>
        %add3A_368 = arith.addf %mul3A_363, %mul3A_366 : vector<16xf32>
        %add3A_369 = arith.addf %add3A_367, %add3A_368 : vector<16xf32>
        %add3A_370 = arith.addf %add3A_274, %add3A_369 : vector<16xf32>
        %ge3A_371 = arith.cmpf oge, %get3A_342, %get3A_25 : vector<16xf32>
        %select_n3A_372 = arith.select %ge3A_371, %mul3A_357, %broadcast_in_dim3A_50 : vector<16xi1>, vector<16xf32>
        %ge3A_373 = arith.cmpf oge, %get3A_346, %get3A_25 : vector<16xf32>
        %select_n3A_374 = arith.select %ge3A_373, %mul3A_360, %broadcast_in_dim3A_50 : vector<16xi1>, vector<16xf32>
        %ge3A_375 = arith.cmpf oge, %get3A_350, %get3A_25 : vector<16xf32>
        %select_n3A_376 = arith.select %ge3A_375, %mul3A_363, %broadcast_in_dim3A_50 : vector<16xi1>, vector<16xf32>
        %ge3A_377 = arith.cmpf oge, %get3A_354, %get3A_25 : vector<16xf32>
        %select_n3A_378 = arith.select %ge3A_377, %mul3A_366, %broadcast_in_dim3A_50 : vector<16xi1>, vector<16xf32>
        %add3A_379 = arith.addf %select_n3A_372, %select_n3A_374 : vector<16xf32>
        %add3A_380 = arith.addf %select_n3A_376, %select_n3A_378 : vector<16xf32>
        %add3A_381 = arith.addf %add3A_379, %add3A_380 : vector<16xf32>
        %add3A_382 = arith.addf %add3A_286, %add3A_381 : vector<16xf32>
        %ge3A_383 = arith.cmpf oge, %get3A_342, %get3A_28 : vector<16xf32>
        %select_n3A_384 = arith.select %ge3A_383, %mul3A_357, %broadcast_in_dim3A_50 : vector<16xi1>, vector<16xf32>
        %ge3A_385 = arith.cmpf oge, %get3A_346, %get3A_28 : vector<16xf32>
        %select_n3A_386 = arith.select %ge3A_385, %mul3A_360, %broadcast_in_dim3A_50 : vector<16xi1>, vector<16xf32>
        %ge3A_387 = arith.cmpf oge, %get3A_350, %get3A_28 : vector<16xf32>
        %select_n3A_388 = arith.select %ge3A_387, %mul3A_363, %broadcast_in_dim3A_50 : vector<16xi1>, vector<16xf32>
        %ge3A_389 = arith.cmpf oge, %get3A_354, %get3A_28 : vector<16xf32>
        %select_n3A_390 = arith.select %ge3A_389, %mul3A_366, %broadcast_in_dim3A_50 : vector<16xi1>, vector<16xf32>
        %add3A_391 = arith.addf %select_n3A_384, %select_n3A_386 : vector<16xf32>
        %add3A_392 = arith.addf %select_n3A_388, %select_n3A_390 : vector<16xf32>
        %add3A_393 = arith.addf %add3A_391, %add3A_392 : vector<16xf32>
        %add3A_394 = arith.addf %add3A_298, %add3A_393 : vector<16xf32>
        %ge3A_395 = arith.cmpf oge, %get3A_342, %get3A_31 : vector<16xf32>
        %select_n3A_396 = arith.select %ge3A_395, %mul3A_357, %broadcast_in_dim3A_50 : vector<16xi1>, vector<16xf32>
        %ge3A_397 = arith.cmpf oge, %get3A_346, %get3A_31 : vector<16xf32>
        %select_n3A_398 = arith.select %ge3A_397, %mul3A_360, %broadcast_in_dim3A_50 : vector<16xi1>, vector<16xf32>
        %ge3A_399 = arith.cmpf oge, %get3A_350, %get3A_31 : vector<16xf32>
        %select_n3A_400 = arith.select %ge3A_399, %mul3A_363, %broadcast_in_dim3A_50 : vector<16xi1>, vector<16xf32>
        %ge3A_401 = arith.cmpf oge, %get3A_354, %get3A_31 : vector<16xf32>
        %select_n3A_402 = arith.select %ge3A_401, %mul3A_366, %broadcast_in_dim3A_50 : vector<16xi1>, vector<16xf32>
        %add3A_403 = arith.addf %select_n3A_396, %select_n3A_398 : vector<16xf32>
        %add3A_404 = arith.addf %select_n3A_400, %select_n3A_402 : vector<16xf32>
        %add3A_405 = arith.addf %add3A_403, %add3A_404 : vector<16xf32>
        %add3A_406 = arith.addf %add3A_310, %add3A_405 : vector<16xf32>
        %ge3A_407 = arith.cmpf oge, %get3A_342, %get3A_34 : vector<16xf32>
        %select_n3A_408 = arith.select %ge3A_407, %mul3A_357, %broadcast_in_dim3A_50 : vector<16xi1>, vector<16xf32>
        %ge3A_409 = arith.cmpf oge, %get3A_346, %get3A_34 : vector<16xf32>
        %select_n3A_410 = arith.select %ge3A_409, %mul3A_360, %broadcast_in_dim3A_50 : vector<16xi1>, vector<16xf32>
        %ge3A_411 = arith.cmpf oge, %get3A_350, %get3A_34 : vector<16xf32>
        %select_n3A_412 = arith.select %ge3A_411, %mul3A_363, %broadcast_in_dim3A_50 : vector<16xi1>, vector<16xf32>
        %ge3A_413 = arith.cmpf oge, %get3A_354, %get3A_34 : vector<16xf32>
        %select_n3A_414 = arith.select %ge3A_413, %mul3A_366, %broadcast_in_dim3A_50 : vector<16xi1>, vector<16xf32>
        %add3A_415 = arith.addf %select_n3A_408, %select_n3A_410 : vector<16xf32>
        %add3A_416 = arith.addf %select_n3A_412, %select_n3A_414 : vector<16xf32>
        %add3A_417 = arith.addf %add3A_415, %add3A_416 : vector<16xf32>
        %add3A_418 = arith.addf %add3A_322, %add3A_417 : vector<16xf32>
        %get3A_419 = arith.index_cast %scan3A_128 : i32 to index
        %get3A_420 = arith.constant 192 : index
        %get3A_421 = tpu.vector_load %arg8[%get3A_419, %get3A_420] {strides = array<i32>} : memref<16x1024xf32, #tpu.memory_space<vmem>>, vector<1x16xf32>,
        %get3A_422 = vector.shape_cast %get3A_421 : vector<1x16xf32> to vector<16xf32>
        %get3A_423 = arith.index_cast %scan3A_128 : i32 to index
        %get3A_424 = arith.constant 208 : index
        %get3A_425 = tpu.vector_load %arg8[%get3A_423, %get3A_424] {strides = array<i32>} : memref<16x1024xf32, #tpu.memory_space<vmem>>, vector<1x16xf32>,
        %get3A_426 = vector.shape_cast %get3A_425 : vector<1x16xf32> to vector<16xf32>
        %get3A_427 = arith.index_cast %scan3A_128 : i32 to index
        %get3A_428 = arith.constant 224 : index
        %get3A_429 = tpu.vector_load %arg8[%get3A_427, %get3A_428] {strides = array<i32>} : memref<16x1024xf32, #tpu.memory_space<vmem>>, vector<1x16xf32>,
        %get3A_430 = vector.shape_cast %get3A_429 : vector<1x16xf32> to vector<16xf32>
        %get3A_431 = arith.index_cast %scan3A_128 : i32 to index
        %get3A_432 = arith.constant 240 : index
        %get3A_433 = tpu.vector_load %arg8[%get3A_431, %get3A_432] {strides = array<i32>} : memref<16x1024xf32, #tpu.memory_space<vmem>>, vector<1x16xf32>,
        %get3A_434 = vector.shape_cast %get3A_433 : vector<1x16xf32> to vector<16xf32>
        %get3A_435 = arith.index_cast %scan3A_128 : i32 to index
        %get3A_436 = arith.constant 192 : index
        %get3A_437 = tpu.vector_load %arg10[%get3A_435, %get3A_436] {strides = array<i32>} : memref<16x1024xf32, #tpu.memory_space<vmem>>, vector<1x16xf32>,
        %get3A_438 = vector.shape_cast %get3A_437 : vector<1x16xf32> to vector<16xf32>
        %get3A_439 = arith.index_cast %scan3A_128 : i32 to index
        %get3A_440 = arith.constant 208 : index
        %get3A_441 = tpu.vector_load %arg10[%get3A_439, %get3A_440] {strides = array<i32>} : memref<16x1024xf32, #tpu.memory_space<vmem>>, vector<1x16xf32>,
        %get3A_442 = vector.shape_cast %get3A_441 : vector<1x16xf32> to vector<16xf32>
        %get3A_443 = arith.index_cast %scan3A_128 : i32 to index
        %get3A_444 = arith.constant 224 : index
        %get3A_445 = tpu.vector_load %arg10[%get3A_443, %get3A_444] {strides = array<i32>} : memref<16x1024xf32, #tpu.memory_space<vmem>>, vector<1x16xf32>,
        %get3A_446 = vector.shape_cast %get3A_445 : vector<1x16xf32> to vector<16xf32>
        %get3A_447 = arith.index_cast %scan3A_128 : i32 to index
        %get3A_448 = arith.constant 240 : index
        %get3A_449 = tpu.vector_load %arg10[%get3A_447, %get3A_448] {strides = array<i32>} : memref<16x1024xf32, #tpu.memory_space<vmem>>, vector<1x16xf32>,
        %get3A_450 = vector.shape_cast %get3A_449 : vector<1x16xf32> to vector<16xf32>
        %sub3A_451 = arith.subf %get3A_422, %get3A_438 : vector<16xf32>
        %sub3A_452 = arith.subf %get3A_422, %get3A_438 : vector<16xf32>
        %mul3A_453 = arith.mulf %sub3A_451, %sub3A_452 : vector<16xf32>
        %sub3A_454 = arith.subf %get3A_426, %get3A_442 : vector<16xf32>
        %sub3A_455 = arith.subf %get3A_426, %get3A_442 : vector<16xf32>
        %mul3A_456 = arith.mulf %sub3A_454, %sub3A_455 : vector<16xf32>
        %sub3A_457 = arith.subf %get3A_430, %get3A_446 : vector<16xf32>
        %sub3A_458 = arith.subf %get3A_430, %get3A_446 : vector<16xf32>
        %mul3A_459 = arith.mulf %sub3A_457, %sub3A_458 : vector<16xf32>
        %sub3A_460 = arith.subf %get3A_434, %get3A_450 : vector<16xf32>
        %sub3A_461 = arith.subf %get3A_434, %get3A_450 : vector<16xf32>
        %mul3A_462 = arith.mulf %sub3A_460, %sub3A_461 : vector<16xf32>
        %add3A_463 = arith.addf %mul3A_453, %mul3A_456 : vector<16xf32>
        %add3A_464 = arith.addf %mul3A_459, %mul3A_462 : vector<16xf32>
        %add3A_465 = arith.addf %add3A_463, %add3A_464 : vector<16xf32>
        %add3A_466 = arith.addf %add3A_370, %add3A_465 : vector<16xf32>
        %ge3A_467 = arith.cmpf oge, %get3A_438, %get3A_25 : vector<16xf32>
        %select_n3A_468 = arith.select %ge3A_467, %mul3A_453, %broadcast_in_dim3A_50 : vector<16xi1>, vector<16xf32>
        %ge3A_469 = arith.cmpf oge, %get3A_442, %get3A_25 : vector<16xf32>
        %select_n3A_470 = arith.select %ge3A_469, %mul3A_456, %broadcast_in_dim3A_50 : vector<16xi1>, vector<16xf32>
        %ge3A_471 = arith.cmpf oge, %get3A_446, %get3A_25 : vector<16xf32>
        %select_n3A_472 = arith.select %ge3A_471, %mul3A_459, %broadcast_in_dim3A_50 : vector<16xi1>, vector<16xf32>
        %ge3A_473 = arith.cmpf oge, %get3A_450, %get3A_25 : vector<16xf32>
        %select_n3A_474 = arith.select %ge3A_473, %mul3A_462, %broadcast_in_dim3A_50 : vector<16xi1>, vector<16xf32>
        %add3A_475 = arith.addf %select_n3A_468, %select_n3A_470 : vector<16xf32>
        %add3A_476 = arith.addf %select_n3A_472, %select_n3A_474 : vector<16xf32>
        %add3A_477 = arith.addf %add3A_475, %add3A_476 : vector<16xf32>
        %add3A_478 = arith.addf %add3A_382, %add3A_477 : vector<16xf32>
        %ge3A_479 = arith.cmpf oge, %get3A_438, %get3A_28 : vector<16xf32>
        %select_n3A_480 = arith.select %ge3A_479, %mul3A_453, %broadcast_in_dim3A_50 : vector<16xi1>, vector<16xf32>
        %ge3A_481 = arith.cmpf oge, %get3A_442, %get3A_28 : vector<16xf32>
        %select_n3A_482 = arith.select %ge3A_481, %mul3A_456, %broadcast_in_dim3A_50 : vector<16xi1>, vector<16xf32>
        %ge3A_483 = arith.cmpf oge, %get3A_446, %get3A_28 : vector<16xf32>
        %select_n3A_484 = arith.select %ge3A_483, %mul3A_459, %broadcast_in_dim3A_50 : vector<16xi1>, vector<16xf32>
        %ge3A_485 = arith.cmpf oge, %get3A_450, %get3A_28 : vector<16xf32>
        %select_n3A_486 = arith.select %ge3A_485, %mul3A_462, %broadcast_in_dim3A_50 : vector<16xi1>, vector<16xf32>
        %add3A_487 = arith.addf %select_n3A_480, %select_n3A_482 : vector<16xf32>
        %add3A_488 = arith.addf %select_n3A_484, %select_n3A_486 : vector<16xf32>
        %add3A_489 = arith.addf %add3A_487, %add3A_488 : vector<16xf32>
        %add3A_490 = arith.addf %add3A_394, %add3A_489 : vector<16xf32>
        %ge3A_491 = arith.cmpf oge, %get3A_438, %get3A_31 : vector<16xf32>
        %select_n3A_492 = arith.select %ge3A_491, %mul3A_453, %broadcast_in_dim3A_50 : vector<16xi1>, vector<16xf32>
        %ge3A_493 = arith.cmpf oge, %get3A_442, %get3A_31 : vector<16xf32>
        %select_n3A_494 = arith.select %ge3A_493, %mul3A_456, %broadcast_in_dim3A_50 : vector<16xi1>, vector<16xf32>
        %ge3A_495 = arith.cmpf oge, %get3A_446, %get3A_31 : vector<16xf32>
        %select_n3A_496 = arith.select %ge3A_495, %mul3A_459, %broadcast_in_dim3A_50 : vector<16xi1>, vector<16xf32>
        %ge3A_497 = arith.cmpf oge, %get3A_450, %get3A_31 : vector<16xf32>
        %select_n3A_498 = arith.select %ge3A_497, %mul3A_462, %broadcast_in_dim3A_50 : vector<16xi1>, vector<16xf32>
        %add3A_499 = arith.addf %select_n3A_492, %select_n3A_494 : vector<16xf32>
        %add3A_500 = arith.addf %select_n3A_496, %select_n3A_498 : vector<16xf32>
        %add3A_501 = arith.addf %add3A_499, %add3A_500 : vector<16xf32>
        %add3A_502 = arith.addf %add3A_406, %add3A_501 : vector<16xf32>
        %ge3A_503 = arith.cmpf oge, %get3A_438, %get3A_34 : vector<16xf32>
        %select_n3A_504 = arith.select %ge3A_503, %mul3A_453, %broadcast_in_dim3A_50 : vector<16xi1>, vector<16xf32>
        %ge3A_505 = arith.cmpf oge, %get3A_442, %get3A_34 : vector<16xf32>
        %select_n3A_506 = arith.select %ge3A_505, %mul3A_456, %broadcast_in_dim3A_50 : vector<16xi1>, vector<16xf32>
        %ge3A_507 = arith.cmpf oge, %get3A_446, %get3A_34 : vector<16xf32>
        %select_n3A_508 = arith.select %ge3A_507, %mul3A_459, %broadcast_in_dim3A_50 : vector<16xi1>, vector<16xf32>
        %ge3A_509 = arith.cmpf oge, %get3A_450, %get3A_34 : vector<16xf32>
        %select_n3A_510 = arith.select %ge3A_509, %mul3A_462, %broadcast_in_dim3A_50 : vector<16xi1>, vector<16xf32>
        %add3A_511 = arith.addf %select_n3A_504, %select_n3A_506 : vector<16xf32>
        %add3A_512 = arith.addf %select_n3A_508, %select_n3A_510 : vector<16xf32>
        %add3A_513 = arith.addf %add3A_511, %add3A_512 : vector<16xf32>
        %add3A_514 = arith.addf %add3A_418, %add3A_513 : vector<16xf32>
        %get3A_515 = arith.index_cast %scan3A_128 : i32 to index
        %get3A_516 = arith.constant 256 : index
        %get3A_517 = tpu.vector_load %arg8[%get3A_515, %get3A_516] {strides = array<i32>} : memref<16x1024xf32, #tpu.memory_space<vmem>>, vector<1x16xf32>,
        %get3A_518 = vector.shape_cast %get3A_517 : vector<1x16xf32> to vector<16xf32>
        %get3A_519 = arith.index_cast %scan3A_128 : i32 to index
        %get3A_520 = arith.constant 272 : index
        %get3A_521 = tpu.vector_load %arg8[%get3A_519, %get3A_520] {strides = array<i32>} : memref<16x1024xf32, #tpu.memory_space<vmem>>, vector<1x16xf32>,
        %get3A_522 = vector.shape_cast %get3A_521 : vector<1x16xf32> to vector<16xf32>
        %get3A_523 = arith.index_cast %scan3A_128 : i32 to index
        %get3A_524 = arith.constant 288 : index
        %get3A_525 = tpu.vector_load %arg8[%get3A_523, %get3A_524] {strides = array<i32>} : memref<16x1024xf32, #tpu.memory_space<vmem>>, vector<1x16xf32>,
        %get3A_526 = vector.shape_cast %get3A_525 : vector<1x16xf32> to vector<16xf32>
        %get3A_527 = arith.index_cast %scan3A_128 : i32 to index
        %get3A_528 = arith.constant 304 : index
        %get3A_529 = tpu.vector_load %arg8[%get3A_527, %get3A_528] {strides = array<i32>} : memref<16x1024xf32, #tpu.memory_space<vmem>>, vector<1x16xf32>,
        %get3A_530 = vector.shape_cast %get3A_529 : vector<1x16xf32> to vector<16xf32>
        %get3A_531 = arith.index_cast %scan3A_128 : i32 to index
        %get3A_532 = arith.constant 256 : index
        %get3A_533 = tpu.vector_load %arg10[%get3A_531, %get3A_532] {strides = array<i32>} : memref<16x1024xf32, #tpu.memory_space<vmem>>, vector<1x16xf32>,
        %get3A_534 = vector.shape_cast %get3A_533 : vector<1x16xf32> to vector<16xf32>
        %get3A_535 = arith.index_cast %scan3A_128 : i32 to index
        %get3A_536 = arith.constant 272 : index
        %get3A_537 = tpu.vector_load %arg10[%get3A_535, %get3A_536] {strides = array<i32>} : memref<16x1024xf32, #tpu.memory_space<vmem>>, vector<1x16xf32>,
        %get3A_538 = vector.shape_cast %get3A_537 : vector<1x16xf32> to vector<16xf32>
        %get3A_539 = arith.index_cast %scan3A_128 : i32 to index
        %get3A_540 = arith.constant 288 : index
        %get3A_541 = tpu.vector_load %arg10[%get3A_539, %get3A_540] {strides = array<i32>} : memref<16x1024xf32, #tpu.memory_space<vmem>>, vector<1x16xf32>,
        %get3A_542 = vector.shape_cast %get3A_541 : vector<1x16xf32> to vector<16xf32>
        %get3A_543 = arith.index_cast %scan3A_128 : i32 to index
        %get3A_544 = arith.constant 304 : index
        %get3A_545 = tpu.vector_load %arg10[%get3A_543, %get3A_544] {strides = array<i32>} : memref<16x1024xf32, #tpu.memory_space<vmem>>, vector<1x16xf32>,
        %get3A_546 = vector.shape_cast %get3A_545 : vector<1x16xf32> to vector<16xf32>
        %sub3A_547 = arith.subf %get3A_518, %get3A_534 : vector<16xf32>
        %sub3A_548 = arith.subf %get3A_518, %get3A_534 : vector<16xf32>
        %mul3A_549 = arith.mulf %sub3A_547, %sub3A_548 : vector<16xf32>
        %sub3A_550 = arith.subf %get3A_522, %get3A_538 : vector<16xf32>
        %sub3A_551 = arith.subf %get3A_522, %get3A_538 : vector<16xf32>
        %mul3A_552 = arith.mulf %sub3A_550, %sub3A_551 : vector<16xf32>
        %sub3A_553 = arith.subf %get3A_526, %get3A_542 : vector<16xf32>
        %sub3A_554 = arith.subf %get3A_526, %get3A_542 : vector<16xf32>
        %mul3A_555 = arith.mulf %sub3A_553, %sub3A_554 : vector<16xf32>
        %sub3A_556 = arith.subf %get3A_530, %get3A_546 : vector<16xf32>
        %sub3A_557 = arith.subf %get3A_530, %get3A_546 : vector<16xf32>
        %mul3A_558 = arith.mulf %sub3A_556, %sub3A_557 : vector<16xf32>
        %add3A_559 = arith.addf %mul3A_549, %mul3A_552 : vector<16xf32>
        %add3A_560 = arith.addf %mul3A_555, %mul3A_558 : vector<16xf32>
        %add3A_561 = arith.addf %add3A_559, %add3A_560 : vector<16xf32>
        %add3A_562 = arith.addf %add3A_466, %add3A_561 : vector<16xf32>
        %ge3A_563 = arith.cmpf oge, %get3A_534, %get3A_25 : vector<16xf32>
        %select_n3A_564 = arith.select %ge3A_563, %mul3A_549, %broadcast_in_dim3A_50 : vector<16xi1>, vector<16xf32>
        %ge3A_565 = arith.cmpf oge, %get3A_538, %get3A_25 : vector<16xf32>
        %select_n3A_566 = arith.select %ge3A_565, %mul3A_552, %broadcast_in_dim3A_50 : vector<16xi1>, vector<16xf32>
        %ge3A_567 = arith.cmpf oge, %get3A_542, %get3A_25 : vector<16xf32>
        %select_n3A_568 = arith.select %ge3A_567, %mul3A_555, %broadcast_in_dim3A_50 : vector<16xi1>, vector<16xf32>
        %ge3A_569 = arith.cmpf oge, %get3A_546, %get3A_25 : vector<16xf32>
        %select_n3A_570 = arith.select %ge3A_569, %mul3A_558, %broadcast_in_dim3A_50 : vector<16xi1>, vector<16xf32>
        %add3A_571 = arith.addf %select_n3A_564, %select_n3A_566 : vector<16xf32>
        %add3A_572 = arith.addf %select_n3A_568, %select_n3A_570 : vector<16xf32>
        %add3A_573 = arith.addf %add3A_571, %add3A_572 : vector<16xf32>
        %add3A_574 = arith.addf %add3A_478, %add3A_573 : vector<16xf32>
        %ge3A_575 = arith.cmpf oge, %get3A_534, %get3A_28 : vector<16xf32>
        %select_n3A_576 = arith.select %ge3A_575, %mul3A_549, %broadcast_in_dim3A_50 : vector<16xi1>, vector<16xf32>
        %ge3A_577 = arith.cmpf oge, %get3A_538, %get3A_28 : vector<16xf32>
        %select_n3A_578 = arith.select %ge3A_577, %mul3A_552, %broadcast_in_dim3A_50 : vector<16xi1>, vector<16xf32>
        %ge3A_579 = arith.cmpf oge, %get3A_542, %get3A_28 : vector<16xf32>
        %select_n3A_580 = arith.select %ge3A_579, %mul3A_555, %broadcast_in_dim3A_50 : vector<16xi1>, vector<16xf32>
        %ge3A_581 = arith.cmpf oge, %get3A_546, %get3A_28 : vector<16xf32>
        %select_n3A_582 = arith.select %ge3A_581, %mul3A_558, %broadcast_in_dim3A_50 : vector<16xi1>, vector<16xf32>
        %add3A_583 = arith.addf %select_n3A_576, %select_n3A_578 : vector<16xf32>
        %add3A_584 = arith.addf %select_n3A_580, %select_n3A_582 : vector<16xf32>
        %add3A_585 = arith.addf %add3A_583, %add3A_584 : vector<16xf32>
        %add3A_586 = arith.addf %add3A_490, %add3A_585 : vector<16xf32>
        %ge3A_587 = arith.cmpf oge, %get3A_534, %get3A_31 : vector<16xf32>
        %select_n3A_588 = arith.select %ge3A_587, %mul3A_549, %broadcast_in_dim3A_50 : vector<16xi1>, vector<16xf32>
        %ge3A_589 = arith.cmpf oge, %get3A_538, %get3A_31 : vector<16xf32>
        %select_n3A_590 = arith.select %ge3A_589, %mul3A_552, %broadcast_in_dim3A_50 : vector<16xi1>, vector<16xf32>
        %ge3A_591 = arith.cmpf oge, %get3A_542, %get3A_31 : vector<16xf32>
        %select_n3A_592 = arith.select %ge3A_591, %mul3A_555, %broadcast_in_dim3A_50 : vector<16xi1>, vector<16xf32>
        %ge3A_593 = arith.cmpf oge, %get3A_546, %get3A_31 : vector<16xf32>
        %select_n3A_594 = arith.select %ge3A_593, %mul3A_558, %broadcast_in_dim3A_50 : vector<16xi1>, vector<16xf32>
        %add3A_595 = arith.addf %select_n3A_588, %select_n3A_590 : vector<16xf32>
        %add3A_596 = arith.addf %select_n3A_592, %select_n3A_594 : vector<16xf32>
        %add3A_597 = arith.addf %add3A_595, %add3A_596 : vector<16xf32>
        %add3A_598 = arith.addf %add3A_502, %add3A_597 : vector<16xf32>
        %ge3A_599 = arith.cmpf oge, %get3A_534, %get3A_34 : vector<16xf32>
        %select_n3A_600 = arith.select %ge3A_599, %mul3A_549, %broadcast_in_dim3A_50 : vector<16xi1>, vector<16xf32>
        %ge3A_601 = arith.cmpf oge, %get3A_538, %get3A_34 : vector<16xf32>
        %select_n3A_602 = arith.select %ge3A_601, %mul3A_552, %broadcast_in_dim3A_50 : vector<16xi1>, vector<16xf32>
        %ge3A_603 = arith.cmpf oge, %get3A_542, %get3A_34 : vector<16xf32>
        %select_n3A_604 = arith.select %ge3A_603, %mul3A_555, %broadcast_in_dim3A_50 : vector<16xi1>, vector<16xf32>
        %ge3A_605 = arith.cmpf oge, %get3A_546, %get3A_34 : vector<16xf32>
        %select_n3A_606 = arith.select %ge3A_605, %mul3A_558, %broadcast_in_dim3A_50 : vector<16xi1>, vector<16xf32>
        %add3A_607 = arith.addf %select_n3A_600, %select_n3A_602 : vector<16xf32>
        %add3A_608 = arith.addf %select_n3A_604, %select_n3A_606 : vector<16xf32>
        %add3A_609 = arith.addf %add3A_607, %add3A_608 : vector<16xf32>
        %add3A_610 = arith.addf %add3A_514, %add3A_609 : vector<16xf32>
        %get3A_611 = arith.index_cast %scan3A_128 : i32 to index
        %get3A_612 = arith.constant 320 : index
        %get3A_613 = tpu.vector_load %arg8[%get3A_611, %get3A_612] {strides = array<i32>} : memref<16x1024xf32, #tpu.memory_space<vmem>>, vector<1x16xf32>,
        %get3A_614 = vector.shape_cast %get3A_613 : vector<1x16xf32> to vector<16xf32>
        %get3A_615 = arith.index_cast %scan3A_128 : i32 to index
        %get3A_616 = arith.constant 336 : index
        %get3A_617 = tpu.vector_load %arg8[%get3A_615, %get3A_616] {strides = array<i32>} : memref<16x1024xf32, #tpu.memory_space<vmem>>, vector<1x16xf32>,
        %get3A_618 = vector.shape_cast %get3A_617 : vector<1x16xf32> to vector<16xf32>
        %get3A_619 = arith.index_cast %scan3A_128 : i32 to index
        %get3A_620 = arith.constant 352 : index
        %get3A_621 = tpu.vector_load %arg8[%get3A_619, %get3A_620] {strides = array<i32>} : memref<16x1024xf32, #tpu.memory_space<vmem>>, vector<1x16xf32>,
        %get3A_622 = vector.shape_cast %get3A_621 : vector<1x16xf32> to vector<16xf32>
        %get3A_623 = arith.index_cast %scan3A_128 : i32 to index
        %get3A_624 = arith.constant 368 : index
        %get3A_625 = tpu.vector_load %arg8[%get3A_623, %get3A_624] {strides = array<i32>} : memref<16x1024xf32, #tpu.memory_space<vmem>>, vector<1x16xf32>,
        %get3A_626 = vector.shape_cast %get3A_625 : vector<1x16xf32> to vector<16xf32>
        %get3A_627 = arith.index_cast %scan3A_128 : i32 to index
        %get3A_628 = arith.constant 320 : index
        %get3A_629 = tpu.vector_load %arg10[%get3A_627, %get3A_628] {strides = array<i32>} : memref<16x1024xf32, #tpu.memory_space<vmem>>, vector<1x16xf32>,
        %get3A_630 = vector.shape_cast %get3A_629 : vector<1x16xf32> to vector<16xf32>
        %get3A_631 = arith.index_cast %scan3A_128 : i32 to index
        %get3A_632 = arith.constant 336 : index
        %get3A_633 = tpu.vector_load %arg10[%get3A_631, %get3A_632] {strides = array<i32>} : memref<16x1024xf32, #tpu.memory_space<vmem>>, vector<1x16xf32>,
        %get3A_634 = vector.shape_cast %get3A_633 : vector<1x16xf32> to vector<16xf32>
        %get3A_635 = arith.index_cast %scan3A_128 : i32 to index
        %get3A_636 = arith.constant 352 : index
        %get3A_637 = tpu.vector_load %arg10[%get3A_635, %get3A_636] {strides = array<i32>} : memref<16x1024xf32, #tpu.memory_space<vmem>>, vector<1x16xf32>,
        %get3A_638 = vector.shape_cast %get3A_637 : vector<1x16xf32> to vector<16xf32>
        %get3A_639 = arith.index_cast %scan3A_128 : i32 to index
        %get3A_640 = arith.constant 368 : index
        %get3A_641 = tpu.vector_load %arg10[%get3A_639, %get3A_640] {strides = array<i32>} : memref<16x1024xf32, #tpu.memory_space<vmem>>, vector<1x16xf32>,
        %get3A_642 = vector.shape_cast %get3A_641 : vector<1x16xf32> to vector<16xf32>
        %sub3A_643 = arith.subf %get3A_614, %get3A_630 : vector<16xf32>
        %sub3A_644 = arith.subf %get3A_614, %get3A_630 : vector<16xf32>
        %mul3A_645 = arith.mulf %sub3A_643, %sub3A_644 : vector<16xf32>
        %sub3A_646 = arith.subf %get3A_618, %get3A_634 : vector<16xf32>
        %sub3A_647 = arith.subf %get3A_618, %get3A_634 : vector<16xf32>
        %mul3A_648 = arith.mulf %sub3A_646, %sub3A_647 : vector<16xf32>
        %sub3A_649 = arith.subf %get3A_622, %get3A_638 : vector<16xf32>
        %sub3A_650 = arith.subf %get3A_622, %get3A_638 : vector<16xf32>
        %mul3A_651 = arith.mulf %sub3A_649, %sub3A_650 : vector<16xf32>
        %sub3A_652 = arith.subf %get3A_626, %get3A_642 : vector<16xf32>
        %sub3A_653 = arith.subf %get3A_626, %get3A_642 : vector<16xf32>
        %mul3A_654 = arith.mulf %sub3A_652, %sub3A_653 : vector<16xf32>
        %add3A_655 = arith.addf %mul3A_645, %mul3A_648 : vector<16xf32>
        %add3A_656 = arith.addf %mul3A_651, %mul3A_654 : vector<16xf32>
        %add3A_657 = arith.addf %add3A_655, %add3A_656 : vector<16xf32>
        %add3A_658 = arith.addf %add3A_562, %add3A_657 : vector<16xf32>
        %ge3A_659 = arith.cmpf oge, %get3A_630, %get3A_25 : vector<16xf32>
        %select_n3A_660 = arith.select %ge3A_659, %mul3A_645, %broadcast_in_dim3A_50 : vector<16xi1>, vector<16xf32>
        %ge3A_661 = arith.cmpf oge, %get3A_634, %get3A_25 : vector<16xf32>
        %select_n3A_662 = arith.select %ge3A_661, %mul3A_648, %broadcast_in_dim3A_50 : vector<16xi1>, vector<16xf32>
        %ge3A_663 = arith.cmpf oge, %get3A_638, %get3A_25 : vector<16xf32>
        %select_n3A_664 = arith.select %ge3A_663, %mul3A_651, %broadcast_in_dim3A_50 : vector<16xi1>, vector<16xf32>
        %ge3A_665 = arith.cmpf oge, %get3A_642, %get3A_25 : vector<16xf32>
        %select_n3A_666 = arith.select %ge3A_665, %mul3A_654, %broadcast_in_dim3A_50 : vector<16xi1>, vector<16xf32>
        %add3A_667 = arith.addf %select_n3A_660, %select_n3A_662 : vector<16xf32>
        %add3A_668 = arith.addf %select_n3A_664, %select_n3A_666 : vector<16xf32>
        %add3A_669 = arith.addf %add3A_667, %add3A_668 : vector<16xf32>
        %add3A_670 = arith.addf %add3A_574, %add3A_669 : vector<16xf32>
        %ge3A_671 = arith.cmpf oge, %get3A_630, %get3A_28 : vector<16xf32>
        %select_n3A_672 = arith.select %ge3A_671, %mul3A_645, %broadcast_in_dim3A_50 : vector<16xi1>, vector<16xf32>
        %ge3A_673 = arith.cmpf oge, %get3A_634, %get3A_28 : vector<16xf32>
        %select_n3A_674 = arith.select %ge3A_673, %mul3A_648, %broadcast_in_dim3A_50 : vector<16xi1>, vector<16xf32>
        %ge3A_675 = arith.cmpf oge, %get3A_638, %get3A_28 : vector<16xf32>
        %select_n3A_676 = arith.select %ge3A_675, %mul3A_651, %broadcast_in_dim3A_50 : vector<16xi1>, vector<16xf32>
        %ge3A_677 = arith.cmpf oge, %get3A_642, %get3A_28 : vector<16xf32>
        %select_n3A_678 = arith.select %ge3A_677, %mul3A_654, %broadcast_in_dim3A_50 : vector<16xi1>, vector<16xf32>
        %add3A_679 = arith.addf %select_n3A_672, %select_n3A_674 : vector<16xf32>
        %add3A_680 = arith.addf %select_n3A_676, %select_n3A_678 : vector<16xf32>
        %add3A_681 = arith.addf %add3A_679, %add3A_680 : vector<16xf32>
        %add3A_682 = arith.addf %add3A_586, %add3A_681 : vector<16xf32>
        %ge3A_683 = arith.cmpf oge, %get3A_630, %get3A_31 : vector<16xf32>
        %select_n3A_684 = arith.select %ge3A_683, %mul3A_645, %broadcast_in_dim3A_50 : vector<16xi1>, vector<16xf32>
        %ge3A_685 = arith.cmpf oge, %get3A_634, %get3A_31 : vector<16xf32>
        %select_n3A_686 = arith.select %ge3A_685, %mul3A_648, %broadcast_in_dim3A_50 : vector<16xi1>, vector<16xf32>
        %ge3A_687 = arith.cmpf oge, %get3A_638, %get3A_31 : vector<16xf32>
        %select_n3A_688 = arith.select %ge3A_687, %mul3A_651, %broadcast_in_dim3A_50 : vector<16xi1>, vector<16xf32>
        %ge3A_689 = arith.cmpf oge, %get3A_642, %get3A_31 : vector<16xf32>
        %select_n3A_690 = arith.select %ge3A_689, %mul3A_654, %broadcast_in_dim3A_50 : vector<16xi1>, vector<16xf32>
        %add3A_691 = arith.addf %select_n3A_684, %select_n3A_686 : vector<16xf32>
        %add3A_692 = arith.addf %select_n3A_688, %select_n3A_690 : vector<16xf32>
        %add3A_693 = arith.addf %add3A_691, %add3A_692 : vector<16xf32>
        %add3A_694 = arith.addf %add3A_598, %add3A_693 : vector<16xf32>
        %ge3A_695 = arith.cmpf oge, %get3A_630, %get3A_34 : vector<16xf32>
        %select_n3A_696 = arith.select %ge3A_695, %mul3A_645, %broadcast_in_dim3A_50 : vector<16xi1>, vector<16xf32>
        %ge3A_697 = arith.cmpf oge, %get3A_634, %get3A_34 : vector<16xf32>
        %select_n3A_698 = arith.select %ge3A_697, %mul3A_648, %broadcast_in_dim3A_50 : vector<16xi1>, vector<16xf32>
        %ge3A_699 = arith.cmpf oge, %get3A_638, %get3A_34 : vector<16xf32>
        %select_n3A_700 = arith.select %ge3A_699, %mul3A_651, %broadcast_in_dim3A_50 : vector<16xi1>, vector<16xf32>
        %ge3A_701 = arith.cmpf oge, %get3A_642, %get3A_34 : vector<16xf32>
        %select_n3A_702 = arith.select %ge3A_701, %mul3A_654, %broadcast_in_dim3A_50 : vector<16xi1>, vector<16xf32>
        %add3A_703 = arith.addf %select_n3A_696, %select_n3A_698 : vector<16xf32>
        %add3A_704 = arith.addf %select_n3A_700, %select_n3A_702 : vector<16xf32>
        %add3A_705 = arith.addf %add3A_703, %add3A_704 : vector<16xf32>
        %add3A_706 = arith.addf %add3A_610, %add3A_705 : vector<16xf32>
        %get3A_707 = arith.index_cast %scan3A_128 : i32 to index
        %get3A_708 = arith.constant 384 : index
        %get3A_709 = tpu.vector_load %arg8[%get3A_707, %get3A_708] {strides = array<i32>} : memref<16x1024xf32, #tpu.memory_space<vmem>>, vector<1x16xf32>,
        %get3A_710 = vector.shape_cast %get3A_709 : vector<1x16xf32> to vector<16xf32>
        %get3A_711 = arith.index_cast %scan3A_128 : i32 to index
        %get3A_712 = arith.constant 400 : index
        %get3A_713 = tpu.vector_load %arg8[%get3A_711, %get3A_712] {strides = array<i32>} : memref<16x1024xf32, #tpu.memory_space<vmem>>, vector<1x16xf32>,
        %get3A_714 = vector.shape_cast %get3A_713 : vector<1x16xf32> to vector<16xf32>
        %get3A_715 = arith.index_cast %scan3A_128 : i32 to index
        %get3A_716 = arith.constant 416 : index
        %get3A_717 = tpu.vector_load %arg8[%get3A_715, %get3A_716] {strides = array<i32>} : memref<16x1024xf32, #tpu.memory_space<vmem>>, vector<1x16xf32>,
        %get3A_718 = vector.shape_cast %get3A_717 : vector<1x16xf32> to vector<16xf32>
        %get3A_719 = arith.index_cast %scan3A_128 : i32 to index
        %get3A_720 = arith.constant 432 : index
        %get3A_721 = tpu.vector_load %arg8[%get3A_719, %get3A_720] {strides = array<i32>} : memref<16x1024xf32, #tpu.memory_space<vmem>>, vector<1x16xf32>,
        %get3A_722 = vector.shape_cast %get3A_721 : vector<1x16xf32> to vector<16xf32>
        %get3A_723 = arith.index_cast %scan3A_128 : i32 to index
        %get3A_724 = arith.constant 384 : index
        %get3A_725 = tpu.vector_load %arg10[%get3A_723, %get3A_724] {strides = array<i32>} : memref<16x1024xf32, #tpu.memory_space<vmem>>, vector<1x16xf32>,
        %get3A_726 = vector.shape_cast %get3A_725 : vector<1x16xf32> to vector<16xf32>
        %get3A_727 = arith.index_cast %scan3A_128 : i32 to index
        %get3A_728 = arith.constant 400 : index
        %get3A_729 = tpu.vector_load %arg10[%get3A_727, %get3A_728] {strides = array<i32>} : memref<16x1024xf32, #tpu.memory_space<vmem>>, vector<1x16xf32>,
        %get3A_730 = vector.shape_cast %get3A_729 : vector<1x16xf32> to vector<16xf32>
        %get3A_731 = arith.index_cast %scan3A_128 : i32 to index
        %get3A_732 = arith.constant 416 : index
        %get3A_733 = tpu.vector_load %arg10[%get3A_731, %get3A_732] {strides = array<i32>} : memref<16x1024xf32, #tpu.memory_space<vmem>>, vector<1x16xf32>,
        %get3A_734 = vector.shape_cast %get3A_733 : vector<1x16xf32> to vector<16xf32>
        %get3A_735 = arith.index_cast %scan3A_128 : i32 to index
        %get3A_736 = arith.constant 432 : index
        %get3A_737 = tpu.vector_load %arg10[%get3A_735, %get3A_736] {strides = array<i32>} : memref<16x1024xf32, #tpu.memory_space<vmem>>, vector<1x16xf32>,
        %get3A_738 = vector.shape_cast %get3A_737 : vector<1x16xf32> to vector<16xf32>
        %sub3A_739 = arith.subf %get3A_710, %get3A_726 : vector<16xf32>
        %sub3A_740 = arith.subf %get3A_710, %get3A_726 : vector<16xf32>
        %mul3A_741 = arith.mulf %sub3A_739, %sub3A_740 : vector<16xf32>
        %sub3A_742 = arith.subf %get3A_714, %get3A_730 : vector<16xf32>
        %sub3A_743 = arith.subf %get3A_714, %get3A_730 : vector<16xf32>
        %mul3A_744 = arith.mulf %sub3A_742, %sub3A_743 : vector<16xf32>
        %sub3A_745 = arith.subf %get3A_718, %get3A_734 : vector<16xf32>
        %sub3A_746 = arith.subf %get3A_718, %get3A_734 : vector<16xf32>
        %mul3A_747 = arith.mulf %sub3A_745, %sub3A_746 : vector<16xf32>
        %sub3A_748 = arith.subf %get3A_722, %get3A_738 : vector<16xf32>
        %sub3A_749 = arith.subf %get3A_722, %get3A_738 : vector<16xf32>
        %mul3A_750 = arith.mulf %sub3A_748, %sub3A_749 : vector<16xf32>
        %add3A_751 = arith.addf %mul3A_741, %mul3A_744 : vector<16xf32>
        %add3A_752 = arith.addf %mul3A_747, %mul3A_750 : vector<16xf32>
        %add3A_753 = arith.addf %add3A_751, %add3A_752 : vector<16xf32>
        %add3A_754 = arith.addf %add3A_658, %add3A_753 : vector<16xf32>
        %ge3A_755 = arith.cmpf oge, %get3A_726, %get3A_25 : vector<16xf32>
        %select_n3A_756 = arith.select %ge3A_755, %mul3A_741, %broadcast_in_dim3A_50 : vector<16xi1>, vector<16xf32>
        %ge3A_757 = arith.cmpf oge, %get3A_730, %get3A_25 : vector<16xf32>
        %select_n3A_758 = arith.select %ge3A_757, %mul3A_744, %broadcast_in_dim3A_50 : vector<16xi1>, vector<16xf32>
        %ge3A_759 = arith.cmpf oge, %get3A_734, %get3A_25 : vector<16xf32>
        %select_n3A_760 = arith.select %ge3A_759, %mul3A_747, %broadcast_in_dim3A_50 : vector<16xi1>, vector<16xf32>
        %ge3A_761 = arith.cmpf oge, %get3A_738, %get3A_25 : vector<16xf32>
        %select_n3A_762 = arith.select %ge3A_761, %mul3A_750, %broadcast_in_dim3A_50 : vector<16xi1>, vector<16xf32>
        %add3A_763 = arith.addf %select_n3A_756, %select_n3A_758 : vector<16xf32>
        %add3A_764 = arith.addf %select_n3A_760, %select_n3A_762 : vector<16xf32>
        %add3A_765 = arith.addf %add3A_763, %add3A_764 : vector<16xf32>
        %add3A_766 = arith.addf %add3A_670, %add3A_765 : vector<16xf32>
        %ge3A_767 = arith.cmpf oge, %get3A_726, %get3A_28 : vector<16xf32>
        %select_n3A_768 = arith.select %ge3A_767, %mul3A_741, %broadcast_in_dim3A_50 : vector<16xi1>, vector<16xf32>
        %ge3A_769 = arith.cmpf oge, %get3A_730, %get3A_28 : vector<16xf32>
        %select_n3A_770 = arith.select %ge3A_769, %mul3A_744, %broadcast_in_dim3A_50 : vector<16xi1>, vector<16xf32>
        %ge3A_771 = arith.cmpf oge, %get3A_734, %get3A_28 : vector<16xf32>
        %select_n3A_772 = arith.select %ge3A_771, %mul3A_747, %broadcast_in_dim3A_50 : vector<16xi1>, vector<16xf32>
        %ge3A_773 = arith.cmpf oge, %get3A_738, %get3A_28 : vector<16xf32>
        %select_n3A_774 = arith.select %ge3A_773, %mul3A_750, %broadcast_in_dim3A_50 : vector<16xi1>, vector<16xf32>
        %add3A_775 = arith.addf %select_n3A_768, %select_n3A_770 : vector<16xf32>
        %add3A_776 = arith.addf %select_n3A_772, %select_n3A_774 : vector<16xf32>
        %add3A_777 = arith.addf %add3A_775, %add3A_776 : vector<16xf32>
        %add3A_778 = arith.addf %add3A_682, %add3A_777 : vector<16xf32>
        %ge3A_779 = arith.cmpf oge, %get3A_726, %get3A_31 : vector<16xf32>
        %select_n3A_780 = arith.select %ge3A_779, %mul3A_741, %broadcast_in_dim3A_50 : vector<16xi1>, vector<16xf32>
        %ge3A_781 = arith.cmpf oge, %get3A_730, %get3A_31 : vector<16xf32>
        %select_n3A_782 = arith.select %ge3A_781, %mul3A_744, %broadcast_in_dim3A_50 : vector<16xi1>, vector<16xf32>
        %ge3A_783 = arith.cmpf oge, %get3A_734, %get3A_31 : vector<16xf32>
        %select_n3A_784 = arith.select %ge3A_783, %mul3A_747, %broadcast_in_dim3A_50 : vector<16xi1>, vector<16xf32>
        %ge3A_785 = arith.cmpf oge, %get3A_738, %get3A_31 : vector<16xf32>
        %select_n3A_786 = arith.select %ge3A_785, %mul3A_750, %broadcast_in_dim3A_50 : vector<16xi1>, vector<16xf32>
        %add3A_787 = arith.addf %select_n3A_780, %select_n3A_782 : vector<16xf32>
        %add3A_788 = arith.addf %select_n3A_784, %select_n3A_786 : vector<16xf32>
        %add3A_789 = arith.addf %add3A_787, %add3A_788 : vector<16xf32>
        %add3A_790 = arith.addf %add3A_694, %add3A_789 : vector<16xf32>
        %ge3A_791 = arith.cmpf oge, %get3A_726, %get3A_34 : vector<16xf32>
        %select_n3A_792 = arith.select %ge3A_791, %mul3A_741, %broadcast_in_dim3A_50 : vector<16xi1>, vector<16xf32>
        %ge3A_793 = arith.cmpf oge, %get3A_730, %get3A_34 : vector<16xf32>
        %select_n3A_794 = arith.select %ge3A_793, %mul3A_744, %broadcast_in_dim3A_50 : vector<16xi1>, vector<16xf32>
        %ge3A_795 = arith.cmpf oge, %get3A_734, %get3A_34 : vector<16xf32>
        %select_n3A_796 = arith.select %ge3A_795, %mul3A_747, %broadcast_in_dim3A_50 : vector<16xi1>, vector<16xf32>
        %ge3A_797 = arith.cmpf oge, %get3A_738, %get3A_34 : vector<16xf32>
        %select_n3A_798 = arith.select %ge3A_797, %mul3A_750, %broadcast_in_dim3A_50 : vector<16xi1>, vector<16xf32>
        %add3A_799 = arith.addf %select_n3A_792, %select_n3A_794 : vector<16xf32>
        %add3A_800 = arith.addf %select_n3A_796, %select_n3A_798 : vector<16xf32>
        %add3A_801 = arith.addf %add3A_799, %add3A_800 : vector<16xf32>
        %add3A_802 = arith.addf %add3A_706, %add3A_801 : vector<16xf32>
        %get3A_803 = arith.index_cast %scan3A_128 : i32 to index
        %get3A_804 = arith.constant 448 : index
        %get3A_805 = tpu.vector_load %arg8[%get3A_803, %get3A_804] {strides = array<i32>} : memref<16x1024xf32, #tpu.memory_space<vmem>>, vector<1x16xf32>,
        %get3A_806 = vector.shape_cast %get3A_805 : vector<1x16xf32> to vector<16xf32>
        %get3A_807 = arith.index_cast %scan3A_128 : i32 to index
        %get3A_808 = arith.constant 464 : index
        %get3A_809 = tpu.vector_load %arg8[%get3A_807, %get3A_808] {strides = array<i32>} : memref<16x1024xf32, #tpu.memory_space<vmem>>, vector<1x16xf32>,
        %get3A_810 = vector.shape_cast %get3A_809 : vector<1x16xf32> to vector<16xf32>
        %get3A_811 = arith.index_cast %scan3A_128 : i32 to index
        %get3A_812 = arith.constant 480 : index
        %get3A_813 = tpu.vector_load %arg8[%get3A_811, %get3A_812] {strides = array<i32>} : memref<16x1024xf32, #tpu.memory_space<vmem>>, vector<1x16xf32>,
        %get3A_814 = vector.shape_cast %get3A_813 : vector<1x16xf32> to vector<16xf32>
        %get3A_815 = arith.index_cast %scan3A_128 : i32 to index
        %get3A_816 = arith.constant 496 : index
        %get3A_817 = tpu.vector_load %arg8[%get3A_815, %get3A_816] {strides = array<i32>} : memref<16x1024xf32, #tpu.memory_space<vmem>>, vector<1x16xf32>,
        %get3A_818 = vector.shape_cast %get3A_817 : vector<1x16xf32> to vector<16xf32>
        %get3A_819 = arith.index_cast %scan3A_128 : i32 to index
        %get3A_820 = arith.constant 448 : index
        %get3A_821 = tpu.vector_load %arg10[%get3A_819, %get3A_820] {strides = array<i32>} : memref<16x1024xf32, #tpu.memory_space<vmem>>, vector<1x16xf32>,
        %get3A_822 = vector.shape_cast %get3A_821 : vector<1x16xf32> to vector<16xf32>
        %get3A_823 = arith.index_cast %scan3A_128 : i32 to index
        %get3A_824 = arith.constant 464 : index
        %get3A_825 = tpu.vector_load %arg10[%get3A_823, %get3A_824] {strides = array<i32>} : memref<16x1024xf32, #tpu.memory_space<vmem>>, vector<1x16xf32>,
        %get3A_826 = vector.shape_cast %get3A_825 : vector<1x16xf32> to vector<16xf32>
        %get3A_827 = arith.index_cast %scan3A_128 : i32 to index
        %get3A_828 = arith.constant 480 : index
        %get3A_829 = tpu.vector_load %arg10[%get3A_827, %get3A_828] {strides = array<i32>} : memref<16x1024xf32, #tpu.memory_space<vmem>>, vector<1x16xf32>,
        %get3A_830 = vector.shape_cast %get3A_829 : vector<1x16xf32> to vector<16xf32>
        %get3A_831 = arith.index_cast %scan3A_128 : i32 to index
        %get3A_832 = arith.constant 496 : index
        %get3A_833 = tpu.vector_load %arg10[%get3A_831, %get3A_832] {strides = array<i32>} : memref<16x1024xf32, #tpu.memory_space<vmem>>, vector<1x16xf32>,
        %get3A_834 = vector.shape_cast %get3A_833 : vector<1x16xf32> to vector<16xf32>
        %sub3A_835 = arith.subf %get3A_806, %get3A_822 : vector<16xf32>
        %sub3A_836 = arith.subf %get3A_806, %get3A_822 : vector<16xf32>
        %mul3A_837 = arith.mulf %sub3A_835, %sub3A_836 : vector<16xf32>
        %sub3A_838 = arith.subf %get3A_810, %get3A_826 : vector<16xf32>
        %sub3A_839 = arith.subf %get3A_810, %get3A_826 : vector<16xf32>
        %mul3A_840 = arith.mulf %sub3A_838, %sub3A_839 : vector<16xf32>
        %sub3A_841 = arith.subf %get3A_814, %get3A_830 : vector<16xf32>
        %sub3A_842 = arith.subf %get3A_814, %get3A_830 : vector<16xf32>
        %mul3A_843 = arith.mulf %sub3A_841, %sub3A_842 : vector<16xf32>
        %sub3A_844 = arith.subf %get3A_818, %get3A_834 : vector<16xf32>
        %sub3A_845 = arith.subf %get3A_818, %get3A_834 : vector<16xf32>
        %mul3A_846 = arith.mulf %sub3A_844, %sub3A_845 : vector<16xf32>
        %add3A_847 = arith.addf %mul3A_837, %mul3A_840 : vector<16xf32>
        %add3A_848 = arith.addf %mul3A_843, %mul3A_846 : vector<16xf32>
        %add3A_849 = arith.addf %add3A_847, %add3A_848 : vector<16xf32>
        %add3A_850 = arith.addf %add3A_754, %add3A_849 : vector<16xf32>
        %ge3A_851 = arith.cmpf oge, %get3A_822, %get3A_25 : vector<16xf32>
        %select_n3A_852 = arith.select %ge3A_851, %mul3A_837, %broadcast_in_dim3A_50 : vector<16xi1>, vector<16xf32>
        %ge3A_853 = arith.cmpf oge, %get3A_826, %get3A_25 : vector<16xf32>
        %select_n3A_854 = arith.select %ge3A_853, %mul3A_840, %broadcast_in_dim3A_50 : vector<16xi1>, vector<16xf32>
        %ge3A_855 = arith.cmpf oge, %get3A_830, %get3A_25 : vector<16xf32>
        %select_n3A_856 = arith.select %ge3A_855, %mul3A_843, %broadcast_in_dim3A_50 : vector<16xi1>, vector<16xf32>
        %ge3A_857 = arith.cmpf oge, %get3A_834, %get3A_25 : vector<16xf32>
        %select_n3A_858 = arith.select %ge3A_857, %mul3A_846, %broadcast_in_dim3A_50 : vector<16xi1>, vector<16xf32>
        %add3A_859 = arith.addf %select_n3A_852, %select_n3A_854 : vector<16xf32>
        %add3A_860 = arith.addf %select_n3A_856, %select_n3A_858 : vector<16xf32>
        %add3A_861 = arith.addf %add3A_859, %add3A_860 : vector<16xf32>
        %add3A_862 = arith.addf %add3A_766, %add3A_861 : vector<16xf32>
        %ge3A_863 = arith.cmpf oge, %get3A_822, %get3A_28 : vector<16xf32>
        %select_n3A_864 = arith.select %ge3A_863, %mul3A_837, %broadcast_in_dim3A_50 : vector<16xi1>, vector<16xf32>
        %ge3A_865 = arith.cmpf oge, %get3A_826, %get3A_28 : vector<16xf32>
        %select_n3A_866 = arith.select %ge3A_865, %mul3A_840, %broadcast_in_dim3A_50 : vector<16xi1>, vector<16xf32>
        %ge3A_867 = arith.cmpf oge, %get3A_830, %get3A_28 : vector<16xf32>
        %select_n3A_868 = arith.select %ge3A_867, %mul3A_843, %broadcast_in_dim3A_50 : vector<16xi1>, vector<16xf32>
        %ge3A_869 = arith.cmpf oge, %get3A_834, %get3A_28 : vector<16xf32>
        %select_n3A_870 = arith.select %ge3A_869, %mul3A_846, %broadcast_in_dim3A_50 : vector<16xi1>, vector<16xf32>
        %add3A_871 = arith.addf %select_n3A_864, %select_n3A_866 : vector<16xf32>
        %add3A_872 = arith.addf %select_n3A_868, %select_n3A_870 : vector<16xf32>
        %add3A_873 = arith.addf %add3A_871, %add3A_872 : vector<16xf32>
        %add3A_874 = arith.addf %add3A_778, %add3A_873 : vector<16xf32>
        %ge3A_875 = arith.cmpf oge, %get3A_822, %get3A_31 : vector<16xf32>
        %select_n3A_876 = arith.select %ge3A_875, %mul3A_837, %broadcast_in_dim3A_50 : vector<16xi1>, vector<16xf32>
        %ge3A_877 = arith.cmpf oge, %get3A_826, %get3A_31 : vector<16xf32>
        %select_n3A_878 = arith.select %ge3A_877, %mul3A_840, %broadcast_in_dim3A_50 : vector<16xi1>, vector<16xf32>
        %ge3A_879 = arith.cmpf oge, %get3A_830, %get3A_31 : vector<16xf32>
        %select_n3A_880 = arith.select %ge3A_879, %mul3A_843, %broadcast_in_dim3A_50 : vector<16xi1>, vector<16xf32>
        %ge3A_881 = arith.cmpf oge, %get3A_834, %get3A_31 : vector<16xf32>
        %select_n3A_882 = arith.select %ge3A_881, %mul3A_846, %broadcast_in_dim3A_50 : vector<16xi1>, vector<16xf32>
        %add3A_883 = arith.addf %select_n3A_876, %select_n3A_878 : vector<16xf32>
        %add3A_884 = arith.addf %select_n3A_880, %select_n3A_882 : vector<16xf32>
        %add3A_885 = arith.addf %add3A_883, %add3A_884 : vector<16xf32>
        %add3A_886 = arith.addf %add3A_790, %add3A_885 : vector<16xf32>
        %ge3A_887 = arith.cmpf oge, %get3A_822, %get3A_34 : vector<16xf32>
        %select_n3A_888 = arith.select %ge3A_887, %mul3A_837, %broadcast_in_dim3A_50 : vector<16xi1>, vector<16xf32>
        %ge3A_889 = arith.cmpf oge, %get3A_826, %get3A_34 : vector<16xf32>
        %select_n3A_890 = arith.select %ge3A_889, %mul3A_840, %broadcast_in_dim3A_50 : vector<16xi1>, vector<16xf32>
        %ge3A_891 = arith.cmpf oge, %get3A_830, %get3A_34 : vector<16xf32>
        %select_n3A_892 = arith.select %ge3A_891, %mul3A_843, %broadcast_in_dim3A_50 : vector<16xi1>, vector<16xf32>
        %ge3A_893 = arith.cmpf oge, %get3A_834, %get3A_34 : vector<16xf32>
        %select_n3A_894 = arith.select %ge3A_893, %mul3A_846, %broadcast_in_dim3A_50 : vector<16xi1>, vector<16xf32>
        %add3A_895 = arith.addf %select_n3A_888, %select_n3A_890 : vector<16xf32>
        %add3A_896 = arith.addf %select_n3A_892, %select_n3A_894 : vector<16xf32>
        %add3A_897 = arith.addf %add3A_895, %add3A_896 : vector<16xf32>
        %add3A_898 = arith.addf %add3A_802, %add3A_897 : vector<16xf32>
        %get3A_899 = arith.index_cast %scan3A_128 : i32 to index
        %get3A_900 = arith.constant 512 : index
        %get3A_901 = tpu.vector_load %arg8[%get3A_899, %get3A_900] {strides = array<i32>} : memref<16x1024xf32, #tpu.memory_space<vmem>>, vector<1x16xf32>,
        %get3A_902 = vector.shape_cast %get3A_901 : vector<1x16xf32> to vector<16xf32>
        %get3A_903 = arith.index_cast %scan3A_128 : i32 to index
        %get3A_904 = arith.constant 528 : index
        %get3A_905 = tpu.vector_load %arg8[%get3A_903, %get3A_904] {strides = array<i32>} : memref<16x1024xf32, #tpu.memory_space<vmem>>, vector<1x16xf32>,
        %get3A_906 = vector.shape_cast %get3A_905 : vector<1x16xf32> to vector<16xf32>
        %get3A_907 = arith.index_cast %scan3A_128 : i32 to index
        %get3A_908 = arith.constant 544 : index
        %get3A_909 = tpu.vector_load %arg8[%get3A_907, %get3A_908] {strides = array<i32>} : memref<16x1024xf32, #tpu.memory_space<vmem>>, vector<1x16xf32>,
        %get3A_910 = vector.shape_cast %get3A_909 : vector<1x16xf32> to vector<16xf32>
        %get3A_911 = arith.index_cast %scan3A_128 : i32 to index
        %get3A_912 = arith.constant 560 : index
        %get3A_913 = tpu.vector_load %arg8[%get3A_911, %get3A_912] {strides = array<i32>} : memref<16x1024xf32, #tpu.memory_space<vmem>>, vector<1x16xf32>,
        %get3A_914 = vector.shape_cast %get3A_913 : vector<1x16xf32> to vector<16xf32>
        %get3A_915 = arith.index_cast %scan3A_128 : i32 to index
        %get3A_916 = arith.constant 512 : index
        %get3A_917 = tpu.vector_load %arg10[%get3A_915, %get3A_916] {strides = array<i32>} : memref<16x1024xf32, #tpu.memory_space<vmem>>, vector<1x16xf32>,
        %get3A_918 = vector.shape_cast %get3A_917 : vector<1x16xf32> to vector<16xf32>
        %get3A_919 = arith.index_cast %scan3A_128 : i32 to index
        %get3A_920 = arith.constant 528 : index
        %get3A_921 = tpu.vector_load %arg10[%get3A_919, %get3A_920] {strides = array<i32>} : memref<16x1024xf32, #tpu.memory_space<vmem>>, vector<1x16xf32>,
        %get3A_922 = vector.shape_cast %get3A_921 : vector<1x16xf32> to vector<16xf32>
        %get3A_923 = arith.index_cast %scan3A_128 : i32 to index
        %get3A_924 = arith.constant 544 : index
        %get3A_925 = tpu.vector_load %arg10[%get3A_923, %get3A_924] {strides = array<i32>} : memref<16x1024xf32, #tpu.memory_space<vmem>>, vector<1x16xf32>,
        %get3A_926 = vector.shape_cast %get3A_925 : vector<1x16xf32> to vector<16xf32>
        %get3A_927 = arith.index_cast %scan3A_128 : i32 to index
        %get3A_928 = arith.constant 560 : index
        %get3A_929 = tpu.vector_load %arg10[%get3A_927, %get3A_928] {strides = array<i32>} : memref<16x1024xf32, #tpu.memory_space<vmem>>, vector<1x16xf32>,
        %get3A_930 = vector.shape_cast %get3A_929 : vector<1x16xf32> to vector<16xf32>
        %sub3A_931 = arith.subf %get3A_902, %get3A_918 : vector<16xf32>
        %sub3A_932 = arith.subf %get3A_902, %get3A_918 : vector<16xf32>
        %mul3A_933 = arith.mulf %sub3A_931, %sub3A_932 : vector<16xf32>
        %sub3A_934 = arith.subf %get3A_906, %get3A_922 : vector<16xf32>
        %sub3A_935 = arith.subf %get3A_906, %get3A_922 : vector<16xf32>
        %mul3A_936 = arith.mulf %sub3A_934, %sub3A_935 : vector<16xf32>
        %sub3A_937 = arith.subf %get3A_910, %get3A_926 : vector<16xf32>
        %sub3A_938 = arith.subf %get3A_910, %get3A_926 : vector<16xf32>
        %mul3A_939 = arith.mulf %sub3A_937, %sub3A_938 : vector<16xf32>
        %sub3A_940 = arith.subf %get3A_914, %get3A_930 : vector<16xf32>
        %sub3A_941 = arith.subf %get3A_914, %get3A_930 : vector<16xf32>
        %mul3A_942 = arith.mulf %sub3A_940, %sub3A_941 : vector<16xf32>
        %add3A_943 = arith.addf %mul3A_933, %mul3A_936 : vector<16xf32>
        %add3A_944 = arith.addf %mul3A_939, %mul3A_942 : vector<16xf32>
        %add3A_945 = arith.addf %add3A_943, %add3A_944 : vector<16xf32>
        %add3A_946 = arith.addf %add3A_850, %add3A_945 : vector<16xf32>
        %ge3A_947 = arith.cmpf oge, %get3A_918, %get3A_25 : vector<16xf32>
        %select_n3A_948 = arith.select %ge3A_947, %mul3A_933, %broadcast_in_dim3A_50 : vector<16xi1>, vector<16xf32>
        %ge3A_949 = arith.cmpf oge, %get3A_922, %get3A_25 : vector<16xf32>
        %select_n3A_950 = arith.select %ge3A_949, %mul3A_936, %broadcast_in_dim3A_50 : vector<16xi1>, vector<16xf32>
        %ge3A_951 = arith.cmpf oge, %get3A_926, %get3A_25 : vector<16xf32>
        %select_n3A_952 = arith.select %ge3A_951, %mul3A_939, %broadcast_in_dim3A_50 : vector<16xi1>, vector<16xf32>
        %ge3A_953 = arith.cmpf oge, %get3A_930, %get3A_25 : vector<16xf32>
        %select_n3A_954 = arith.select %ge3A_953, %mul3A_942, %broadcast_in_dim3A_50 : vector<16xi1>, vector<16xf32>
        %add3A_955 = arith.addf %select_n3A_948, %select_n3A_950 : vector<16xf32>
        %add3A_956 = arith.addf %select_n3A_952, %select_n3A_954 : vector<16xf32>
        %add3A_957 = arith.addf %add3A_955, %add3A_956 : vector<16xf32>
        %add3A_958 = arith.addf %add3A_862, %add3A_957 : vector<16xf32>
        %ge3A_959 = arith.cmpf oge, %get3A_918, %get3A_28 : vector<16xf32>
        %select_n3A_960 = arith.select %ge3A_959, %mul3A_933, %broadcast_in_dim3A_50 : vector<16xi1>, vector<16xf32>
        %ge3A_961 = arith.cmpf oge, %get3A_922, %get3A_28 : vector<16xf32>
        %select_n3A_962 = arith.select %ge3A_961, %mul3A_936, %broadcast_in_dim3A_50 : vector<16xi1>, vector<16xf32>
        %ge3A_963 = arith.cmpf oge, %get3A_926, %get3A_28 : vector<16xf32>
        %select_n3A_964 = arith.select %ge3A_963, %mul3A_939, %broadcast_in_dim3A_50 : vector<16xi1>, vector<16xf32>
        %ge3A_965 = arith.cmpf oge, %get3A_930, %get3A_28 : vector<16xf32>
        %select_n3A_966 = arith.select %ge3A_965, %mul3A_942, %broadcast_in_dim3A_50 : vector<16xi1>, vector<16xf32>
        %add3A_967 = arith.addf %select_n3A_960, %select_n3A_962 : vector<16xf32>
        %add3A_968 = arith.addf %select_n3A_964, %select_n3A_966 : vector<16xf32>
        %add3A_969 = arith.addf %add3A_967, %add3A_968 : vector<16xf32>
        %add3A_970 = arith.addf %add3A_874, %add3A_969 : vector<16xf32>
        %ge3A_971 = arith.cmpf oge, %get3A_918, %get3A_31 : vector<16xf32>
        %select_n3A_972 = arith.select %ge3A_971, %mul3A_933, %broadcast_in_dim3A_50 : vector<16xi1>, vector<16xf32>
        %ge3A_973 = arith.cmpf oge, %get3A_922, %get3A_31 : vector<16xf32>
        %select_n3A_974 = arith.select %ge3A_973, %mul3A_936, %broadcast_in_dim3A_50 : vector<16xi1>, vector<16xf32>
        %ge3A_975 = arith.cmpf oge, %get3A_926, %get3A_31 : vector<16xf32>
        %select_n3A_976 = arith.select %ge3A_975, %mul3A_939, %broadcast_in_dim3A_50 : vector<16xi1>, vector<16xf32>
        %ge3A_977 = arith.cmpf oge, %get3A_930, %get3A_31 : vector<16xf32>
        %select_n3A_978 = arith.select %ge3A_977, %mul3A_942, %broadcast_in_dim3A_50 : vector<16xi1>, vector<16xf32>
        %add3A_979 = arith.addf %select_n3A_972, %select_n3A_974 : vector<16xf32>
        %add3A_980 = arith.addf %select_n3A_976, %select_n3A_978 : vector<16xf32>
        %add3A_981 = arith.addf %add3A_979, %add3A_980 : vector<16xf32>
        %add3A_982 = arith.addf %add3A_886, %add3A_981 : vector<16xf32>
        %ge3A_983 = arith.cmpf oge, %get3A_918, %get3A_34 : vector<16xf32>
        %select_n3A_984 = arith.select %ge3A_983, %mul3A_933, %broadcast_in_dim3A_50 : vector<16xi1>, vector<16xf32>
        %ge3A_985 = arith.cmpf oge, %get3A_922, %get3A_34 : vector<16xf32>
        %select_n3A_986 = arith.select %ge3A_985, %mul3A_936, %broadcast_in_dim3A_50 : vector<16xi1>, vector<16xf32>
        %ge3A_987 = arith.cmpf oge, %get3A_926, %get3A_34 : vector<16xf32>
        %select_n3A_988 = arith.select %ge3A_987, %mul3A_939, %broadcast_in_dim3A_50 : vector<16xi1>, vector<16xf32>
        %ge3A_989 = arith.cmpf oge, %get3A_930, %get3A_34 : vector<16xf32>
        %select_n3A_990 = arith.select %ge3A_989, %mul3A_942, %broadcast_in_dim3A_50 : vector<16xi1>, vector<16xf32>
        %add3A_991 = arith.addf %select_n3A_984, %select_n3A_986 : vector<16xf32>
        %add3A_992 = arith.addf %select_n3A_988, %select_n3A_990 : vector<16xf32>
        %add3A_993 = arith.addf %add3A_991, %add3A_992 : vector<16xf32>
        %add3A_994 = arith.addf %add3A_898, %add3A_993 : vector<16xf32>
        %get3A_995 = arith.index_cast %scan3A_128 : i32 to index
        %get3A_996 = arith.constant 576 : index
        %get3A_997 = tpu.vector_load %arg8[%get3A_995, %get3A_996] {strides = array<i32>} : memref<16x1024xf32, #tpu.memory_space<vmem>>, vector<1x16xf32>,
        %get3A_998 = vector.shape_cast %get3A_997 : vector<1x16xf32> to vector<16xf32>
        %get3A_999 = arith.index_cast %scan3A_128 : i32 to index
        %get3A_1000 = arith.constant 592 : index
        %get3A_1001 = tpu.vector_load %arg8[%get3A_999, %get3A_1000] {strides = array<i32>} : memref<16x1024xf32, #tpu.memory_space<vmem>>, vector<1x16xf32>,
        %get3A_1002 = vector.shape_cast %get3A_1001 : vector<1x16xf32> to vector<16xf32>
        %get3A_1003 = arith.index_cast %scan3A_128 : i32 to index
        %get3A_1004 = arith.constant 608 : index
        %get3A_1005 = tpu.vector_load %arg8[%get3A_1003, %get3A_1004] {strides = array<i32>} : memref<16x1024xf32, #tpu.memory_space<vmem>>, vector<1x16xf32>,
        %get3A_1006 = vector.shape_cast %get3A_1005 : vector<1x16xf32> to vector<16xf32>
        %get3A_1007 = arith.index_cast %scan3A_128 : i32 to index
        %get3A_1008 = arith.constant 624 : index
        %get3A_1009 = tpu.vector_load %arg8[%get3A_1007, %get3A_1008] {strides = array<i32>} : memref<16x1024xf32, #tpu.memory_space<vmem>>, vector<1x16xf32>,
        %get3A_1010 = vector.shape_cast %get3A_1009 : vector<1x16xf32> to vector<16xf32>
        %get3A_1011 = arith.index_cast %scan3A_128 : i32 to index
        %get3A_1012 = arith.constant 576 : index
        %get3A_1013 = tpu.vector_load %arg10[%get3A_1011, %get3A_1012] {strides = array<i32>} : memref<16x1024xf32, #tpu.memory_space<vmem>>, vector<1x16xf32>,
        %get3A_1014 = vector.shape_cast %get3A_1013 : vector<1x16xf32> to vector<16xf32>
        %get3A_1015 = arith.index_cast %scan3A_128 : i32 to index
        %get3A_1016 = arith.constant 592 : index
        %get3A_1017 = tpu.vector_load %arg10[%get3A_1015, %get3A_1016] {strides = array<i32>} : memref<16x1024xf32, #tpu.memory_space<vmem>>, vector<1x16xf32>,
        %get3A_1018 = vector.shape_cast %get3A_1017 : vector<1x16xf32> to vector<16xf32>
        %get3A_1019 = arith.index_cast %scan3A_128 : i32 to index
        %get3A_1020 = arith.constant 608 : index
        %get3A_1021 = tpu.vector_load %arg10[%get3A_1019, %get3A_1020] {strides = array<i32>} : memref<16x1024xf32, #tpu.memory_space<vmem>>, vector<1x16xf32>,
        %get3A_1022 = vector.shape_cast %get3A_1021 : vector<1x16xf32> to vector<16xf32>
        %get3A_1023 = arith.index_cast %scan3A_128 : i32 to index
        %get3A_1024 = arith.constant 624 : index
        %get3A_1025 = tpu.vector_load %arg10[%get3A_1023, %get3A_1024] {strides = array<i32>} : memref<16x1024xf32, #tpu.memory_space<vmem>>, vector<1x16xf32>,
        %get3A_1026 = vector.shape_cast %get3A_1025 : vector<1x16xf32> to vector<16xf32>
        %sub3A_1027 = arith.subf %get3A_998, %get3A_1014 : vector<16xf32>
        %sub3A_1028 = arith.subf %get3A_998, %get3A_1014 : vector<16xf32>
        %mul3A_1029 = arith.mulf %sub3A_1027, %sub3A_1028 : vector<16xf32>
        %sub3A_1030 = arith.subf %get3A_1002, %get3A_1018 : vector<16xf32>
        %sub3A_1031 = arith.subf %get3A_1002, %get3A_1018 : vector<16xf32>
        %mul3A_1032 = arith.mulf %sub3A_1030, %sub3A_1031 : vector<16xf32>
        %sub3A_1033 = arith.subf %get3A_1006, %get3A_1022 : vector<16xf32>
        %sub3A_1034 = arith.subf %get3A_1006, %get3A_1022 : vector<16xf32>
        %mul3A_1035 = arith.mulf %sub3A_1033, %sub3A_1034 : vector<16xf32>
        %sub3A_1036 = arith.subf %get3A_1010, %get3A_1026 : vector<16xf32>
        %sub3A_1037 = arith.subf %get3A_1010, %get3A_1026 : vector<16xf32>
        %mul3A_1038 = arith.mulf %sub3A_1036, %sub3A_1037 : vector<16xf32>
        %add3A_1039 = arith.addf %mul3A_1029, %mul3A_1032 : vector<16xf32>
        %add3A_1040 = arith.addf %mul3A_1035, %mul3A_1038 : vector<16xf32>
        %add3A_1041 = arith.addf %add3A_1039, %add3A_1040 : vector<16xf32>
        %add3A_1042 = arith.addf %add3A_946, %add3A_1041 : vector<16xf32>
        %ge3A_1043 = arith.cmpf oge, %get3A_1014, %get3A_25 : vector<16xf32>
        %select_n3A_1044 = arith.select %ge3A_1043, %mul3A_1029, %broadcast_in_dim3A_50 : vector<16xi1>, vector<16xf32>
        %ge3A_1045 = arith.cmpf oge, %get3A_1018, %get3A_25 : vector<16xf32>
        %select_n3A_1046 = arith.select %ge3A_1045, %mul3A_1032, %broadcast_in_dim3A_50 : vector<16xi1>, vector<16xf32>
        %ge3A_1047 = arith.cmpf oge, %get3A_1022, %get3A_25 : vector<16xf32>
        %select_n3A_1048 = arith.select %ge3A_1047, %mul3A_1035, %broadcast_in_dim3A_50 : vector<16xi1>, vector<16xf32>
        %ge3A_1049 = arith.cmpf oge, %get3A_1026, %get3A_25 : vector<16xf32>
        %select_n3A_1050 = arith.select %ge3A_1049, %mul3A_1038, %broadcast_in_dim3A_50 : vector<16xi1>, vector<16xf32>
        %add3A_1051 = arith.addf %select_n3A_1044, %select_n3A_1046 : vector<16xf32>
        %add3A_1052 = arith.addf %select_n3A_1048, %select_n3A_1050 : vector<16xf32>
        %add3A_1053 = arith.addf %add3A_1051, %add3A_1052 : vector<16xf32>
        %add3A_1054 = arith.addf %add3A_958, %add3A_1053 : vector<16xf32>
        %ge3A_1055 = arith.cmpf oge, %get3A_1014, %get3A_28 : vector<16xf32>
        %select_n3A_1056 = arith.select %ge3A_1055, %mul3A_1029, %broadcast_in_dim3A_50 : vector<16xi1>, vector<16xf32>
        %ge3A_1057 = arith.cmpf oge, %get3A_1018, %get3A_28 : vector<16xf32>
        %select_n3A_1058 = arith.select %ge3A_1057, %mul3A_1032, %broadcast_in_dim3A_50 : vector<16xi1>, vector<16xf32>
        %ge3A_1059 = arith.cmpf oge, %get3A_1022, %get3A_28 : vector<16xf32>
        %select_n3A_1060 = arith.select %ge3A_1059, %mul3A_1035, %broadcast_in_dim3A_50 : vector<16xi1>, vector<16xf32>
        %ge3A_1061 = arith.cmpf oge, %get3A_1026, %get3A_28 : vector<16xf32>
        %select_n3A_1062 = arith.select %ge3A_1061, %mul3A_1038, %broadcast_in_dim3A_50 : vector<16xi1>, vector<16xf32>
        %add3A_1063 = arith.addf %select_n3A_1056, %select_n3A_1058 : vector<16xf32>
        %add3A_1064 = arith.addf %select_n3A_1060, %select_n3A_1062 : vector<16xf32>
        %add3A_1065 = arith.addf %add3A_1063, %add3A_1064 : vector<16xf32>
        %add3A_1066 = arith.addf %add3A_970, %add3A_1065 : vector<16xf32>
        %ge3A_1067 = arith.cmpf oge, %get3A_1014, %get3A_31 : vector<16xf32>
        %select_n3A_1068 = arith.select %ge3A_1067, %mul3A_1029, %broadcast_in_dim3A_50 : vector<16xi1>, vector<16xf32>
        %ge3A_1069 = arith.cmpf oge, %get3A_1018, %get3A_31 : vector<16xf32>
        %select_n3A_1070 = arith.select %ge3A_1069, %mul3A_1032, %broadcast_in_dim3A_50 : vector<16xi1>, vector<16xf32>
        %ge3A_1071 = arith.cmpf oge, %get3A_1022, %get3A_31 : vector<16xf32>
        %select_n3A_1072 = arith.select %ge3A_1071, %mul3A_1035, %broadcast_in_dim3A_50 : vector<16xi1>, vector<16xf32>
        %ge3A_1073 = arith.cmpf oge, %get3A_1026, %get3A_31 : vector<16xf32>
        %select_n3A_1074 = arith.select %ge3A_1073, %mul3A_1038, %broadcast_in_dim3A_50 : vector<16xi1>, vector<16xf32>
        %add3A_1075 = arith.addf %select_n3A_1068, %select_n3A_1070 : vector<16xf32>
        %add3A_1076 = arith.addf %select_n3A_1072, %select_n3A_1074 : vector<16xf32>
        %add3A_1077 = arith.addf %add3A_1075, %add3A_1076 : vector<16xf32>
        %add3A_1078 = arith.addf %add3A_982, %add3A_1077 : vector<16xf32>
        %ge3A_1079 = arith.cmpf oge, %get3A_1014, %get3A_34 : vector<16xf32>
        %select_n3A_1080 = arith.select %ge3A_1079, %mul3A_1029, %broadcast_in_dim3A_50 : vector<16xi1>, vector<16xf32>
        %ge3A_1081 = arith.cmpf oge, %get3A_1018, %get3A_34 : vector<16xf32>
        %select_n3A_1082 = arith.select %ge3A_1081, %mul3A_1032, %broadcast_in_dim3A_50 : vector<16xi1>, vector<16xf32>
        %ge3A_1083 = arith.cmpf oge, %get3A_1022, %get3A_34 : vector<16xf32>
        %select_n3A_1084 = arith.select %ge3A_1083, %mul3A_1035, %broadcast_in_dim3A_50 : vector<16xi1>, vector<16xf32>
        %ge3A_1085 = arith.cmpf oge, %get3A_1026, %get3A_34 : vector<16xf32>
        %select_n3A_1086 = arith.select %ge3A_1085, %mul3A_1038, %broadcast_in_dim3A_50 : vector<16xi1>, vector<16xf32>
        %add3A_1087 = arith.addf %select_n3A_1080, %select_n3A_1082 : vector<16xf32>
        %add3A_1088 = arith.addf %select_n3A_1084, %select_n3A_1086 : vector<16xf32>
        %add3A_1089 = arith.addf %add3A_1087, %add3A_1088 : vector<16xf32>
        %add3A_1090 = arith.addf %add3A_994, %add3A_1089 : vector<16xf32>
        %get3A_1091 = arith.index_cast %scan3A_128 : i32 to index
        %get3A_1092 = arith.constant 640 : index
        %get3A_1093 = tpu.vector_load %arg8[%get3A_1091, %get3A_1092] {strides = array<i32>} : memref<16x1024xf32, #tpu.memory_space<vmem>>, vector<1x16xf32>,
        %get3A_1094 = vector.shape_cast %get3A_1093 : vector<1x16xf32> to vector<16xf32>
        %get3A_1095 = arith.index_cast %scan3A_128 : i32 to index
        %get3A_1096 = arith.constant 656 : index
        %get3A_1097 = tpu.vector_load %arg8[%get3A_1095, %get3A_1096] {strides = array<i32>} : memref<16x1024xf32, #tpu.memory_space<vmem>>, vector<1x16xf32>,
        %get3A_1098 = vector.shape_cast %get3A_1097 : vector<1x16xf32> to vector<16xf32>
        %get3A_1099 = arith.index_cast %scan3A_128 : i32 to index
        %get3A_1100 = arith.constant 672 : index
        %get3A_1101 = tpu.vector_load %arg8[%get3A_1099, %get3A_1100] {strides = array<i32>} : memref<16x1024xf32, #tpu.memory_space<vmem>>, vector<1x16xf32>,
        %get3A_1102 = vector.shape_cast %get3A_1101 : vector<1x16xf32> to vector<16xf32>
        %get3A_1103 = arith.index_cast %scan3A_128 : i32 to index
        %get3A_1104 = arith.constant 688 : index
        %get3A_1105 = tpu.vector_load %arg8[%get3A_1103, %get3A_1104] {strides = array<i32>} : memref<16x1024xf32, #tpu.memory_space<vmem>>, vector<1x16xf32>,
        %get3A_1106 = vector.shape_cast %get3A_1105 : vector<1x16xf32> to vector<16xf32>
        %get3A_1107 = arith.index_cast %scan3A_128 : i32 to index
        %get3A_1108 = arith.constant 640 : index
        %get3A_1109 = tpu.vector_load %arg10[%get3A_1107, %get3A_1108] {strides = array<i32>} : memref<16x1024xf32, #tpu.memory_space<vmem>>, vector<1x16xf32>,
        %get3A_1110 = vector.shape_cast %get3A_1109 : vector<1x16xf32> to vector<16xf32>
        %get3A_1111 = arith.index_cast %scan3A_128 : i32 to index
        %get3A_1112 = arith.constant 656 : index
        %get3A_1113 = tpu.vector_load %arg10[%get3A_1111, %get3A_1112] {strides = array<i32>} : memref<16x1024xf32, #tpu.memory_space<vmem>>, vector<1x16xf32>,
        %get3A_1114 = vector.shape_cast %get3A_1113 : vector<1x16xf32> to vector<16xf32>
        %get3A_1115 = arith.index_cast %scan3A_128 : i32 to index
        %get3A_1116 = arith.constant 672 : index
        %get3A_1117 = tpu.vector_load %arg10[%get3A_1115, %get3A_1116] {strides = array<i32>} : memref<16x1024xf32, #tpu.memory_space<vmem>>, vector<1x16xf32>,
        %get3A_1118 = vector.shape_cast %get3A_1117 : vector<1x16xf32> to vector<16xf32>
        %get3A_1119 = arith.index_cast %scan3A_128 : i32 to index
        %get3A_1120 = arith.constant 688 : index
        %get3A_1121 = tpu.vector_load %arg10[%get3A_1119, %get3A_1120] {strides = array<i32>} : memref<16x1024xf32, #tpu.memory_space<vmem>>, vector<1x16xf32>,
        %get3A_1122 = vector.shape_cast %get3A_1121 : vector<1x16xf32> to vector<16xf32>
        %sub3A_1123 = arith.subf %get3A_1094, %get3A_1110 : vector<16xf32>
        %sub3A_1124 = arith.subf %get3A_1094, %get3A_1110 : vector<16xf32>
        %mul3A_1125 = arith.mulf %sub3A_1123, %sub3A_1124 : vector<16xf32>
        %sub3A_1126 = arith.subf %get3A_1098, %get3A_1114 : vector<16xf32>
        %sub3A_1127 = arith.subf %get3A_1098, %get3A_1114 : vector<16xf32>
        %mul3A_1128 = arith.mulf %sub3A_1126, %sub3A_1127 : vector<16xf32>
        %sub3A_1129 = arith.subf %get3A_1102, %get3A_1118 : vector<16xf32>
        %sub3A_1130 = arith.subf %get3A_1102, %get3A_1118 : vector<16xf32>
        %mul3A_1131 = arith.mulf %sub3A_1129, %sub3A_1130 : vector<16xf32>
        %sub3A_1132 = arith.subf %get3A_1106, %get3A_1122 : vector<16xf32>
        %sub3A_1133 = arith.subf %get3A_1106, %get3A_1122 : vector<16xf32>
        %mul3A_1134 = arith.mulf %sub3A_1132, %sub3A_1133 : vector<16xf32>
        %add3A_1135 = arith.addf %mul3A_1125, %mul3A_1128 : vector<16xf32>
        %add3A_1136 = arith.addf %mul3A_1131, %mul3A_1134 : vector<16xf32>
        %add3A_1137 = arith.addf %add3A_1135, %add3A_1136 : vector<16xf32>
        %add3A_1138 = arith.addf %add3A_1042, %add3A_1137 : vector<16xf32>
        %ge3A_1139 = arith.cmpf oge, %get3A_1110, %get3A_25 : vector<16xf32>
        %select_n3A_1140 = arith.select %ge3A_1139, %mul3A_1125, %broadcast_in_dim3A_50 : vector<16xi1>, vector<16xf32>
        %ge3A_1141 = arith.cmpf oge, %get3A_1114, %get3A_25 : vector<16xf32>
        %select_n3A_1142 = arith.select %ge3A_1141, %mul3A_1128, %broadcast_in_dim3A_50 : vector<16xi1>, vector<16xf32>
        %ge3A_1143 = arith.cmpf oge, %get3A_1118, %get3A_25 : vector<16xf32>
        %select_n3A_1144 = arith.select %ge3A_1143, %mul3A_1131, %broadcast_in_dim3A_50 : vector<16xi1>, vector<16xf32>
        %ge3A_1145 = arith.cmpf oge, %get3A_1122, %get3A_25 : vector<16xf32>
        %select_n3A_1146 = arith.select %ge3A_1145, %mul3A_1134, %broadcast_in_dim3A_50 : vector<16xi1>, vector<16xf32>
        %add3A_1147 = arith.addf %select_n3A_1140, %select_n3A_1142 : vector<16xf32>
        %add3A_1148 = arith.addf %select_n3A_1144, %select_n3A_1146 : vector<16xf32>
        %add3A_1149 = arith.addf %add3A_1147, %add3A_1148 : vector<16xf32>
        %add3A_1150 = arith.addf %add3A_1054, %add3A_1149 : vector<16xf32>
        %ge3A_1151 = arith.cmpf oge, %get3A_1110, %get3A_28 : vector<16xf32>
        %select_n3A_1152 = arith.select %ge3A_1151, %mul3A_1125, %broadcast_in_dim3A_50 : vector<16xi1>, vector<16xf32>
        %ge3A_1153 = arith.cmpf oge, %get3A_1114, %get3A_28 : vector<16xf32>
        %select_n3A_1154 = arith.select %ge3A_1153, %mul3A_1128, %broadcast_in_dim3A_50 : vector<16xi1>, vector<16xf32>
        %ge3A_1155 = arith.cmpf oge, %get3A_1118, %get3A_28 : vector<16xf32>
        %select_n3A_1156 = arith.select %ge3A_1155, %mul3A_1131, %broadcast_in_dim3A_50 : vector<16xi1>, vector<16xf32>
        %ge3A_1157 = arith.cmpf oge, %get3A_1122, %get3A_28 : vector<16xf32>
        %select_n3A_1158 = arith.select %ge3A_1157, %mul3A_1134, %broadcast_in_dim3A_50 : vector<16xi1>, vector<16xf32>
        %add3A_1159 = arith.addf %select_n3A_1152, %select_n3A_1154 : vector<16xf32>
        %add3A_1160 = arith.addf %select_n3A_1156, %select_n3A_1158 : vector<16xf32>
        %add3A_1161 = arith.addf %add3A_1159, %add3A_1160 : vector<16xf32>
        %add3A_1162 = arith.addf %add3A_1066, %add3A_1161 : vector<16xf32>
        %ge3A_1163 = arith.cmpf oge, %get3A_1110, %get3A_31 : vector<16xf32>
        %select_n3A_1164 = arith.select %ge3A_1163, %mul3A_1125, %broadcast_in_dim3A_50 : vector<16xi1>, vector<16xf32>
        %ge3A_1165 = arith.cmpf oge, %get3A_1114, %get3A_31 : vector<16xf32>
        %select_n3A_1166 = arith.select %ge3A_1165, %mul3A_1128, %broadcast_in_dim3A_50 : vector<16xi1>, vector<16xf32>
        %ge3A_1167 = arith.cmpf oge, %get3A_1118, %get3A_31 : vector<16xf32>
        %select_n3A_1168 = arith.select %ge3A_1167, %mul3A_1131, %broadcast_in_dim3A_50 : vector<16xi1>, vector<16xf32>
        %ge3A_1169 = arith.cmpf oge, %get3A_1122, %get3A_31 : vector<16xf32>
        %select_n3A_1170 = arith.select %ge3A_1169, %mul3A_1134, %broadcast_in_dim3A_50 : vector<16xi1>, vector<16xf32>
        %add3A_1171 = arith.addf %select_n3A_1164, %select_n3A_1166 : vector<16xf32>
        %add3A_1172 = arith.addf %select_n3A_1168, %select_n3A_1170 : vector<16xf32>
        %add3A_1173 = arith.addf %add3A_1171, %add3A_1172 : vector<16xf32>
        %add3A_1174 = arith.addf %add3A_1078, %add3A_1173 : vector<16xf32>
        %ge3A_1175 = arith.cmpf oge, %get3A_1110, %get3A_34 : vector<16xf32>
        %select_n3A_1176 = arith.select %ge3A_1175, %mul3A_1125, %broadcast_in_dim3A_50 : vector<16xi1>, vector<16xf32>
        %ge3A_1177 = arith.cmpf oge, %get3A_1114, %get3A_34 : vector<16xf32>
        %select_n3A_1178 = arith.select %ge3A_1177, %mul3A_1128, %broadcast_in_dim3A_50 : vector<16xi1>, vector<16xf32>
        %ge3A_1179 = arith.cmpf oge, %get3A_1118, %get3A_34 : vector<16xf32>
        %select_n3A_1180 = arith.select %ge3A_1179, %mul3A_1131, %broadcast_in_dim3A_50 : vector<16xi1>, vector<16xf32>
        %ge3A_1181 = arith.cmpf oge, %get3A_1122, %get3A_34 : vector<16xf32>
        %select_n3A_1182 = arith.select %ge3A_1181, %mul3A_1134, %broadcast_in_dim3A_50 : vector<16xi1>, vector<16xf32>
        %add3A_1183 = arith.addf %select_n3A_1176, %select_n3A_1178 : vector<16xf32>
        %add3A_1184 = arith.addf %select_n3A_1180, %select_n3A_1182 : vector<16xf32>
        %add3A_1185 = arith.addf %add3A_1183, %add3A_1184 : vector<16xf32>
        %add3A_1186 = arith.addf %add3A_1090, %add3A_1185 : vector<16xf32>
        %get3A_1187 = arith.index_cast %scan3A_128 : i32 to index
        %get3A_1188 = arith.constant 704 : index
        %get3A_1189 = tpu.vector_load %arg8[%get3A_1187, %get3A_1188] {strides = array<i32>} : memref<16x1024xf32, #tpu.memory_space<vmem>>, vector<1x16xf32>,
        %get3A_1190 = vector.shape_cast %get3A_1189 : vector<1x16xf32> to vector<16xf32>
        %get3A_1191 = arith.index_cast %scan3A_128 : i32 to index
        %get3A_1192 = arith.constant 720 : index
        %get3A_1193 = tpu.vector_load %arg8[%get3A_1191, %get3A_1192] {strides = array<i32>} : memref<16x1024xf32, #tpu.memory_space<vmem>>, vector<1x16xf32>,
        %get3A_1194 = vector.shape_cast %get3A_1193 : vector<1x16xf32> to vector<16xf32>
        %get3A_1195 = arith.index_cast %scan3A_128 : i32 to index
        %get3A_1196 = arith.constant 736 : index
        %get3A_1197 = tpu.vector_load %arg8[%get3A_1195, %get3A_1196] {strides = array<i32>} : memref<16x1024xf32, #tpu.memory_space<vmem>>, vector<1x16xf32>,
        %get3A_1198 = vector.shape_cast %get3A_1197 : vector<1x16xf32> to vector<16xf32>
        %get3A_1199 = arith.index_cast %scan3A_128 : i32 to index
        %get3A_1200 = arith.constant 752 : index
        %get3A_1201 = tpu.vector_load %arg8[%get3A_1199, %get3A_1200] {strides = array<i32>} : memref<16x1024xf32, #tpu.memory_space<vmem>>, vector<1x16xf32>,
        %get3A_1202 = vector.shape_cast %get3A_1201 : vector<1x16xf32> to vector<16xf32>
        %get3A_1203 = arith.index_cast %scan3A_128 : i32 to index
        %get3A_1204 = arith.constant 704 : index
        %get3A_1205 = tpu.vector_load %arg10[%get3A_1203, %get3A_1204] {strides = array<i32>} : memref<16x1024xf32, #tpu.memory_space<vmem>>, vector<1x16xf32>,
        %get3A_1206 = vector.shape_cast %get3A_1205 : vector<1x16xf32> to vector<16xf32>
        %get3A_1207 = arith.index_cast %scan3A_128 : i32 to index
        %get3A_1208 = arith.constant 720 : index
        %get3A_1209 = tpu.vector_load %arg10[%get3A_1207, %get3A_1208] {strides = array<i32>} : memref<16x1024xf32, #tpu.memory_space<vmem>>, vector<1x16xf32>,
        %get3A_1210 = vector.shape_cast %get3A_1209 : vector<1x16xf32> to vector<16xf32>
        %get3A_1211 = arith.index_cast %scan3A_128 : i32 to index
        %get3A_1212 = arith.constant 736 : index
        %get3A_1213 = tpu.vector_load %arg10[%get3A_1211, %get3A_1212] {strides = array<i32>} : memref<16x1024xf32, #tpu.memory_space<vmem>>, vector<1x16xf32>,
        %get3A_1214 = vector.shape_cast %get3A_1213 : vector<1x16xf32> to vector<16xf32>
        %get3A_1215 = arith.index_cast %scan3A_128 : i32 to index
        %get3A_1216 = arith.constant 752 : index
        %get3A_1217 = tpu.vector_load %arg10[%get3A_1215, %get3A_1216] {strides = array<i32>} : memref<16x1024xf32, #tpu.memory_space<vmem>>, vector<1x16xf32>,
        %get3A_1218 = vector.shape_cast %get3A_1217 : vector<1x16xf32> to vector<16xf32>
        %sub3A_1219 = arith.subf %get3A_1190, %get3A_1206 : vector<16xf32>
        %sub3A_1220 = arith.subf %get3A_1190, %get3A_1206 : vector<16xf32>
        %mul3A_1221 = arith.mulf %sub3A_1219, %sub3A_1220 : vector<16xf32>
        %sub3A_1222 = arith.subf %get3A_1194, %get3A_1210 : vector<16xf32>
        %sub3A_1223 = arith.subf %get3A_1194, %get3A_1210 : vector<16xf32>
        %mul3A_1224 = arith.mulf %sub3A_1222, %sub3A_1223 : vector<16xf32>
        %sub3A_1225 = arith.subf %get3A_1198, %get3A_1214 : vector<16xf32>
        %sub3A_1226 = arith.subf %get3A_1198, %get3A_1214 : vector<16xf32>
        %mul3A_1227 = arith.mulf %sub3A_1225, %sub3A_1226 : vector<16xf32>
        %sub3A_1228 = arith.subf %get3A_1202, %get3A_1218 : vector<16xf32>
        %sub3A_1229 = arith.subf %get3A_1202, %get3A_1218 : vector<16xf32>
        %mul3A_1230 = arith.mulf %sub3A_1228, %sub3A_1229 : vector<16xf32>
        %add3A_1231 = arith.addf %mul3A_1221, %mul3A_1224 : vector<16xf32>
        %add3A_1232 = arith.addf %mul3A_1227, %mul3A_1230 : vector<16xf32>
        %add3A_1233 = arith.addf %add3A_1231, %add3A_1232 : vector<16xf32>
        %add3A_1234 = arith.addf %add3A_1138, %add3A_1233 : vector<16xf32>
        %ge3A_1235 = arith.cmpf oge, %get3A_1206, %get3A_25 : vector<16xf32>
        %select_n3A_1236 = arith.select %ge3A_1235, %mul3A_1221, %broadcast_in_dim3A_50 : vector<16xi1>, vector<16xf32>
        %ge3A_1237 = arith.cmpf oge, %get3A_1210, %get3A_25 : vector<16xf32>
        %select_n3A_1238 = arith.select %ge3A_1237, %mul3A_1224, %broadcast_in_dim3A_50 : vector<16xi1>, vector<16xf32>
        %ge3A_1239 = arith.cmpf oge, %get3A_1214, %get3A_25 : vector<16xf32>
        %select_n3A_1240 = arith.select %ge3A_1239, %mul3A_1227, %broadcast_in_dim3A_50 : vector<16xi1>, vector<16xf32>
        %ge3A_1241 = arith.cmpf oge, %get3A_1218, %get3A_25 : vector<16xf32>
        %select_n3A_1242 = arith.select %ge3A_1241, %mul3A_1230, %broadcast_in_dim3A_50 : vector<16xi1>, vector<16xf32>
        %add3A_1243 = arith.addf %select_n3A_1236, %select_n3A_1238 : vector<16xf32>
        %add3A_1244 = arith.addf %select_n3A_1240, %select_n3A_1242 : vector<16xf32>
        %add3A_1245 = arith.addf %add3A_1243, %add3A_1244 : vector<16xf32>
        %add3A_1246 = arith.addf %add3A_1150, %add3A_1245 : vector<16xf32>
        %ge3A_1247 = arith.cmpf oge, %get3A_1206, %get3A_28 : vector<16xf32>
        %select_n3A_1248 = arith.select %ge3A_1247, %mul3A_1221, %broadcast_in_dim3A_50 : vector<16xi1>, vector<16xf32>
        %ge3A_1249 = arith.cmpf oge, %get3A_1210, %get3A_28 : vector<16xf32>
        %select_n3A_1250 = arith.select %ge3A_1249, %mul3A_1224, %broadcast_in_dim3A_50 : vector<16xi1>, vector<16xf32>
        %ge3A_1251 = arith.cmpf oge, %get3A_1214, %get3A_28 : vector<16xf32>
        %select_n3A_1252 = arith.select %ge3A_1251, %mul3A_1227, %broadcast_in_dim3A_50 : vector<16xi1>, vector<16xf32>
        %ge3A_1253 = arith.cmpf oge, %get3A_1218, %get3A_28 : vector<16xf32>
        %select_n3A_1254 = arith.select %ge3A_1253, %mul3A_1230, %broadcast_in_dim3A_50 : vector<16xi1>, vector<16xf32>
        %add3A_1255 = arith.addf %select_n3A_1248, %select_n3A_1250 : vector<16xf32>
        %add3A_1256 = arith.addf %select_n3A_1252, %select_n3A_1254 : vector<16xf32>
        %add3A_1257 = arith.addf %add3A_1255, %add3A_1256 : vector<16xf32>
        %add3A_1258 = arith.addf %add3A_1162, %add3A_1257 : vector<16xf32>
        %ge3A_1259 = arith.cmpf oge, %get3A_1206, %get3A_31 : vector<16xf32>
        %select_n3A_1260 = arith.select %ge3A_1259, %mul3A_1221, %broadcast_in_dim3A_50 : vector<16xi1>, vector<16xf32>
        %ge3A_1261 = arith.cmpf oge, %get3A_1210, %get3A_31 : vector<16xf32>
        %select_n3A_1262 = arith.select %ge3A_1261, %mul3A_1224, %broadcast_in_dim3A_50 : vector<16xi1>, vector<16xf32>
        %ge3A_1263 = arith.cmpf oge, %get3A_1214, %get3A_31 : vector<16xf32>
        %select_n3A_1264 = arith.select %ge3A_1263, %mul3A_1227, %broadcast_in_dim3A_50 : vector<16xi1>, vector<16xf32>
        %ge3A_1265 = arith.cmpf oge, %get3A_1218, %get3A_31 : vector<16xf32>
        %select_n3A_1266 = arith.select %ge3A_1265, %mul3A_1230, %broadcast_in_dim3A_50 : vector<16xi1>, vector<16xf32>
        %add3A_1267 = arith.addf %select_n3A_1260, %select_n3A_1262 : vector<16xf32>
        %add3A_1268 = arith.addf %select_n3A_1264, %select_n3A_1266 : vector<16xf32>
        %add3A_1269 = arith.addf %add3A_1267, %add3A_1268 : vector<16xf32>
        %add3A_1270 = arith.addf %add3A_1174, %add3A_1269 : vector<16xf32>
        %ge3A_1271 = arith.cmpf oge, %get3A_1206, %get3A_34 : vector<16xf32>
        %select_n3A_1272 = arith.select %ge3A_1271, %mul3A_1221, %broadcast_in_dim3A_50 : vector<16xi1>, vector<16xf32>
        %ge3A_1273 = arith.cmpf oge, %get3A_1210, %get3A_34 : vector<16xf32>
        %select_n3A_1274 = arith.select %ge3A_1273, %mul3A_1224, %broadcast_in_dim3A_50 : vector<16xi1>, vector<16xf32>
        %ge3A_1275 = arith.cmpf oge, %get3A_1214, %get3A_34 : vector<16xf32>
        %select_n3A_1276 = arith.select %ge3A_1275, %mul3A_1227, %broadcast_in_dim3A_50 : vector<16xi1>, vector<16xf32>
        %ge3A_1277 = arith.cmpf oge, %get3A_1218, %get3A_34 : vector<16xf32>
        %select_n3A_1278 = arith.select %ge3A_1277, %mul3A_1230, %broadcast_in_dim3A_50 : vector<16xi1>, vector<16xf32>
        %add3A_1279 = arith.addf %select_n3A_1272, %select_n3A_1274 : vector<16xf32>
        %add3A_1280 = arith.addf %select_n3A_1276, %select_n3A_1278 : vector<16xf32>
        %add3A_1281 = arith.addf %add3A_1279, %add3A_1280 : vector<16xf32>
        %add3A_1282 = arith.addf %add3A_1186, %add3A_1281 : vector<16xf32>
        %get3A_1283 = arith.index_cast %scan3A_128 : i32 to index
        %get3A_1284 = arith.constant 768 : index
        %get3A_1285 = tpu.vector_load %arg8[%get3A_1283, %get3A_1284] {strides = array<i32>} : memref<16x1024xf32, #tpu.memory_space<vmem>>, vector<1x16xf32>,
        %get3A_1286 = vector.shape_cast %get3A_1285 : vector<1x16xf32> to vector<16xf32>
        %get3A_1287 = arith.index_cast %scan3A_128 : i32 to index
        %get3A_1288 = arith.constant 784 : index
        %get3A_1289 = tpu.vector_load %arg8[%get3A_1287, %get3A_1288] {strides = array<i32>} : memref<16x1024xf32, #tpu.memory_space<vmem>>, vector<1x16xf32>,
        %get3A_1290 = vector.shape_cast %get3A_1289 : vector<1x16xf32> to vector<16xf32>
        %get3A_1291 = arith.index_cast %scan3A_128 : i32 to index
        %get3A_1292 = arith.constant 800 : index
        %get3A_1293 = tpu.vector_load %arg8[%get3A_1291, %get3A_1292] {strides = array<i32>} : memref<16x1024xf32, #tpu.memory_space<vmem>>, vector<1x16xf32>,
        %get3A_1294 = vector.shape_cast %get3A_1293 : vector<1x16xf32> to vector<16xf32>
        %get3A_1295 = arith.index_cast %scan3A_128 : i32 to index
        %get3A_1296 = arith.constant 816 : index
        %get3A_1297 = tpu.vector_load %arg8[%get3A_1295, %get3A_1296] {strides = array<i32>} : memref<16x1024xf32, #tpu.memory_space<vmem>>, vector<1x16xf32>,
        %get3A_1298 = vector.shape_cast %get3A_1297 : vector<1x16xf32> to vector<16xf32>
        %get3A_1299 = arith.index_cast %scan3A_128 : i32 to index
        %get3A_1300 = arith.constant 768 : index
        %get3A_1301 = tpu.vector_load %arg10[%get3A_1299, %get3A_1300] {strides = array<i32>} : memref<16x1024xf32, #tpu.memory_space<vmem>>, vector<1x16xf32>,
        %get3A_1302 = vector.shape_cast %get3A_1301 : vector<1x16xf32> to vector<16xf32>
        %get3A_1303 = arith.index_cast %scan3A_128 : i32 to index
        %get3A_1304 = arith.constant 784 : index
        %get3A_1305 = tpu.vector_load %arg10[%get3A_1303, %get3A_1304] {strides = array<i32>} : memref<16x1024xf32, #tpu.memory_space<vmem>>, vector<1x16xf32>,
        %get3A_1306 = vector.shape_cast %get3A_1305 : vector<1x16xf32> to vector<16xf32>
        %get3A_1307 = arith.index_cast %scan3A_128 : i32 to index
        %get3A_1308 = arith.constant 800 : index
        %get3A_1309 = tpu.vector_load %arg10[%get3A_1307, %get3A_1308] {strides = array<i32>} : memref<16x1024xf32, #tpu.memory_space<vmem>>, vector<1x16xf32>,
        %get3A_1310 = vector.shape_cast %get3A_1309 : vector<1x16xf32> to vector<16xf32>
        %get3A_1311 = arith.index_cast %scan3A_128 : i32 to index
        %get3A_1312 = arith.constant 816 : index
        %get3A_1313 = tpu.vector_load %arg10[%get3A_1311, %get3A_1312] {strides = array<i32>} : memref<16x1024xf32, #tpu.memory_space<vmem>>, vector<1x16xf32>,
        %get3A_1314 = vector.shape_cast %get3A_1313 : vector<1x16xf32> to vector<16xf32>
        %sub3A_1315 = arith.subf %get3A_1286, %get3A_1302 : vector<16xf32>
        %sub3A_1316 = arith.subf %get3A_1286, %get3A_1302 : vector<16xf32>
        %mul3A_1317 = arith.mulf %sub3A_1315, %sub3A_1316 : vector<16xf32>
        %sub3A_1318 = arith.subf %get3A_1290, %get3A_1306 : vector<16xf32>
        %sub3A_1319 = arith.subf %get3A_1290, %get3A_1306 : vector<16xf32>
        %mul3A_1320 = arith.mulf %sub3A_1318, %sub3A_1319 : vector<16xf32>
        %sub3A_1321 = arith.subf %get3A_1294, %get3A_1310 : vector<16xf32>
        %sub3A_1322 = arith.subf %get3A_1294, %get3A_1310 : vector<16xf32>
        %mul3A_1323 = arith.mulf %sub3A_1321, %sub3A_1322 : vector<16xf32>
        %sub3A_1324 = arith.subf %get3A_1298, %get3A_1314 : vector<16xf32>
        %sub3A_1325 = arith.subf %get3A_1298, %get3A_1314 : vector<16xf32>
        %mul3A_1326 = arith.mulf %sub3A_1324, %sub3A_1325 : vector<16xf32>
        %add3A_1327 = arith.addf %mul3A_1317, %mul3A_1320 : vector<16xf32>
        %add3A_1328 = arith.addf %mul3A_1323, %mul3A_1326 : vector<16xf32>
        %add3A_1329 = arith.addf %add3A_1327, %add3A_1328 : vector<16xf32>
        %add3A_1330 = arith.addf %add3A_1234, %add3A_1329 : vector<16xf32>
        %ge3A_1331 = arith.cmpf oge, %get3A_1302, %get3A_25 : vector<16xf32>
        %select_n3A_1332 = arith.select %ge3A_1331, %mul3A_1317, %broadcast_in_dim3A_50 : vector<16xi1>, vector<16xf32>
        %ge3A_1333 = arith.cmpf oge, %get3A_1306, %get3A_25 : vector<16xf32>
        %select_n3A_1334 = arith.select %ge3A_1333, %mul3A_1320, %broadcast_in_dim3A_50 : vector<16xi1>, vector<16xf32>
        %ge3A_1335 = arith.cmpf oge, %get3A_1310, %get3A_25 : vector<16xf32>
        %select_n3A_1336 = arith.select %ge3A_1335, %mul3A_1323, %broadcast_in_dim3A_50 : vector<16xi1>, vector<16xf32>
        %ge3A_1337 = arith.cmpf oge, %get3A_1314, %get3A_25 : vector<16xf32>
        %select_n3A_1338 = arith.select %ge3A_1337, %mul3A_1326, %broadcast_in_dim3A_50 : vector<16xi1>, vector<16xf32>
        %add3A_1339 = arith.addf %select_n3A_1332, %select_n3A_1334 : vector<16xf32>
        %add3A_1340 = arith.addf %select_n3A_1336, %select_n3A_1338 : vector<16xf32>
        %add3A_1341 = arith.addf %add3A_1339, %add3A_1340 : vector<16xf32>
        %add3A_1342 = arith.addf %add3A_1246, %add3A_1341 : vector<16xf32>
        %ge3A_1343 = arith.cmpf oge, %get3A_1302, %get3A_28 : vector<16xf32>
        %select_n3A_1344 = arith.select %ge3A_1343, %mul3A_1317, %broadcast_in_dim3A_50 : vector<16xi1>, vector<16xf32>
        %ge3A_1345 = arith.cmpf oge, %get3A_1306, %get3A_28 : vector<16xf32>
        %select_n3A_1346 = arith.select %ge3A_1345, %mul3A_1320, %broadcast_in_dim3A_50 : vector<16xi1>, vector<16xf32>
        %ge3A_1347 = arith.cmpf oge, %get3A_1310, %get3A_28 : vector<16xf32>
        %select_n3A_1348 = arith.select %ge3A_1347, %mul3A_1323, %broadcast_in_dim3A_50 : vector<16xi1>, vector<16xf32>
        %ge3A_1349 = arith.cmpf oge, %get3A_1314, %get3A_28 : vector<16xf32>
        %select_n3A_1350 = arith.select %ge3A_1349, %mul3A_1326, %broadcast_in_dim3A_50 : vector<16xi1>, vector<16xf32>
        %add3A_1351 = arith.addf %select_n3A_1344, %select_n3A_1346 : vector<16xf32>
        %add3A_1352 = arith.addf %select_n3A_1348, %select_n3A_1350 : vector<16xf32>
        %add3A_1353 = arith.addf %add3A_1351, %add3A_1352 : vector<16xf32>
        %add3A_1354 = arith.addf %add3A_1258, %add3A_1353 : vector<16xf32>
        %ge3A_1355 = arith.cmpf oge, %get3A_1302, %get3A_31 : vector<16xf32>
        %select_n3A_1356 = arith.select %ge3A_1355, %mul3A_1317, %broadcast_in_dim3A_50 : vector<16xi1>, vector<16xf32>
        %ge3A_1357 = arith.cmpf oge, %get3A_1306, %get3A_31 : vector<16xf32>
        %select_n3A_1358 = arith.select %ge3A_1357, %mul3A_1320, %broadcast_in_dim3A_50 : vector<16xi1>, vector<16xf32>
        %ge3A_1359 = arith.cmpf oge, %get3A_1310, %get3A_31 : vector<16xf32>
        %select_n3A_1360 = arith.select %ge3A_1359, %mul3A_1323, %broadcast_in_dim3A_50 : vector<16xi1>, vector<16xf32>
        %ge3A_1361 = arith.cmpf oge, %get3A_1314, %get3A_31 : vector<16xf32>
        %select_n3A_1362 = arith.select %ge3A_1361, %mul3A_1326, %broadcast_in_dim3A_50 : vector<16xi1>, vector<16xf32>
        %add3A_1363 = arith.addf %select_n3A_1356, %select_n3A_1358 : vector<16xf32>
        %add3A_1364 = arith.addf %select_n3A_1360, %select_n3A_1362 : vector<16xf32>
        %add3A_1365 = arith.addf %add3A_1363, %add3A_1364 : vector<16xf32>
        %add3A_1366 = arith.addf %add3A_1270, %add3A_1365 : vector<16xf32>
        %ge3A_1367 = arith.cmpf oge, %get3A_1302, %get3A_34 : vector<16xf32>
        %select_n3A_1368 = arith.select %ge3A_1367, %mul3A_1317, %broadcast_in_dim3A_50 : vector<16xi1>, vector<16xf32>
        %ge3A_1369 = arith.cmpf oge, %get3A_1306, %get3A_34 : vector<16xf32>
        %select_n3A_1370 = arith.select %ge3A_1369, %mul3A_1320, %broadcast_in_dim3A_50 : vector<16xi1>, vector<16xf32>
        %ge3A_1371 = arith.cmpf oge, %get3A_1310, %get3A_34 : vector<16xf32>
        %select_n3A_1372 = arith.select %ge3A_1371, %mul3A_1323, %broadcast_in_dim3A_50 : vector<16xi1>, vector<16xf32>
        %ge3A_1373 = arith.cmpf oge, %get3A_1314, %get3A_34 : vector<16xf32>
        %select_n3A_1374 = arith.select %ge3A_1373, %mul3A_1326, %broadcast_in_dim3A_50 : vector<16xi1>, vector<16xf32>
        %add3A_1375 = arith.addf %select_n3A_1368, %select_n3A_1370 : vector<16xf32>
        %add3A_1376 = arith.addf %select_n3A_1372, %select_n3A_1374 : vector<16xf32>
        %add3A_1377 = arith.addf %add3A_1375, %add3A_1376 : vector<16xf32>
        %add3A_1378 = arith.addf %add3A_1282, %add3A_1377 : vector<16xf32>
        %get3A_1379 = arith.index_cast %scan3A_128 : i32 to index
        %get3A_1380 = arith.constant 832 : index
        %get3A_1381 = tpu.vector_load %arg8[%get3A_1379, %get3A_1380] {strides = array<i32>} : memref<16x1024xf32, #tpu.memory_space<vmem>>, vector<1x16xf32>,
        %get3A_1382 = vector.shape_cast %get3A_1381 : vector<1x16xf32> to vector<16xf32>
        %get3A_1383 = arith.index_cast %scan3A_128 : i32 to index
        %get3A_1384 = arith.constant 848 : index
        %get3A_1385 = tpu.vector_load %arg8[%get3A_1383, %get3A_1384] {strides = array<i32>} : memref<16x1024xf32, #tpu.memory_space<vmem>>, vector<1x16xf32>,
        %get3A_1386 = vector.shape_cast %get3A_1385 : vector<1x16xf32> to vector<16xf32>
        %get3A_1387 = arith.index_cast %scan3A_128 : i32 to index
        %get3A_1388 = arith.constant 864 : index
        %get3A_1389 = tpu.vector_load %arg8[%get3A_1387, %get3A_1388] {strides = array<i32>} : memref<16x1024xf32, #tpu.memory_space<vmem>>, vector<1x16xf32>,
        %get3A_1390 = vector.shape_cast %get3A_1389 : vector<1x16xf32> to vector<16xf32>
        %get3A_1391 = arith.index_cast %scan3A_128 : i32 to index
        %get3A_1392 = arith.constant 880 : index
        %get3A_1393 = tpu.vector_load %arg8[%get3A_1391, %get3A_1392] {strides = array<i32>} : memref<16x1024xf32, #tpu.memory_space<vmem>>, vector<1x16xf32>,
        %get3A_1394 = vector.shape_cast %get3A_1393 : vector<1x16xf32> to vector<16xf32>
        %get3A_1395 = arith.index_cast %scan3A_128 : i32 to index
        %get3A_1396 = arith.constant 832 : index
        %get3A_1397 = tpu.vector_load %arg10[%get3A_1395, %get3A_1396] {strides = array<i32>} : memref<16x1024xf32, #tpu.memory_space<vmem>>, vector<1x16xf32>,
        %get3A_1398 = vector.shape_cast %get3A_1397 : vector<1x16xf32> to vector<16xf32>
        %get3A_1399 = arith.index_cast %scan3A_128 : i32 to index
        %get3A_1400 = arith.constant 848 : index
        %get3A_1401 = tpu.vector_load %arg10[%get3A_1399, %get3A_1400] {strides = array<i32>} : memref<16x1024xf32, #tpu.memory_space<vmem>>, vector<1x16xf32>,
        %get3A_1402 = vector.shape_cast %get3A_1401 : vector<1x16xf32> to vector<16xf32>
        %get3A_1403 = arith.index_cast %scan3A_128 : i32 to index
        %get3A_1404 = arith.constant 864 : index
        %get3A_1405 = tpu.vector_load %arg10[%get3A_1403, %get3A_1404] {strides = array<i32>} : memref<16x1024xf32, #tpu.memory_space<vmem>>, vector<1x16xf32>,
        %get3A_1406 = vector.shape_cast %get3A_1405 : vector<1x16xf32> to vector<16xf32>
        %get3A_1407 = arith.index_cast %scan3A_128 : i32 to index
        %get3A_1408 = arith.constant 880 : index
        %get3A_1409 = tpu.vector_load %arg10[%get3A_1407, %get3A_1408] {strides = array<i32>} : memref<16x1024xf32, #tpu.memory_space<vmem>>, vector<1x16xf32>,
        %get3A_1410 = vector.shape_cast %get3A_1409 : vector<1x16xf32> to vector<16xf32>
        %sub3A_1411 = arith.subf %get3A_1382, %get3A_1398 : vector<16xf32>
        %sub3A_1412 = arith.subf %get3A_1382, %get3A_1398 : vector<16xf32>
        %mul3A_1413 = arith.mulf %sub3A_1411, %sub3A_1412 : vector<16xf32>
        %sub3A_1414 = arith.subf %get3A_1386, %get3A_1402 : vector<16xf32>
        %sub3A_1415 = arith.subf %get3A_1386, %get3A_1402 : vector<16xf32>
        %mul3A_1416 = arith.mulf %sub3A_1414, %sub3A_1415 : vector<16xf32>
        %sub3A_1417 = arith.subf %get3A_1390, %get3A_1406 : vector<16xf32>
        %sub3A_1418 = arith.subf %get3A_1390, %get3A_1406 : vector<16xf32>
        %mul3A_1419 = arith.mulf %sub3A_1417, %sub3A_1418 : vector<16xf32>
        %sub3A_1420 = arith.subf %get3A_1394, %get3A_1410 : vector<16xf32>
        %sub3A_1421 = arith.subf %get3A_1394, %get3A_1410 : vector<16xf32>
        %mul3A_1422 = arith.mulf %sub3A_1420, %sub3A_1421 : vector<16xf32>
        %add3A_1423 = arith.addf %mul3A_1413, %mul3A_1416 : vector<16xf32>
        %add3A_1424 = arith.addf %mul3A_1419, %mul3A_1422 : vector<16xf32>
        %add3A_1425 = arith.addf %add3A_1423, %add3A_1424 : vector<16xf32>
        %add3A_1426 = arith.addf %add3A_1330, %add3A_1425 : vector<16xf32>
        %ge3A_1427 = arith.cmpf oge, %get3A_1398, %get3A_25 : vector<16xf32>
        %select_n3A_1428 = arith.select %ge3A_1427, %mul3A_1413, %broadcast_in_dim3A_50 : vector<16xi1>, vector<16xf32>
        %ge3A_1429 = arith.cmpf oge, %get3A_1402, %get3A_25 : vector<16xf32>
        %select_n3A_1430 = arith.select %ge3A_1429, %mul3A_1416, %broadcast_in_dim3A_50 : vector<16xi1>, vector<16xf32>
        %ge3A_1431 = arith.cmpf oge, %get3A_1406, %get3A_25 : vector<16xf32>
        %select_n3A_1432 = arith.select %ge3A_1431, %mul3A_1419, %broadcast_in_dim3A_50 : vector<16xi1>, vector<16xf32>
        %ge3A_1433 = arith.cmpf oge, %get3A_1410, %get3A_25 : vector<16xf32>
        %select_n3A_1434 = arith.select %ge3A_1433, %mul3A_1422, %broadcast_in_dim3A_50 : vector<16xi1>, vector<16xf32>
        %add3A_1435 = arith.addf %select_n3A_1428, %select_n3A_1430 : vector<16xf32>
        %add3A_1436 = arith.addf %select_n3A_1432, %select_n3A_1434 : vector<16xf32>
        %add3A_1437 = arith.addf %add3A_1435, %add3A_1436 : vector<16xf32>
        %add3A_1438 = arith.addf %add3A_1342, %add3A_1437 : vector<16xf32>
        %ge3A_1439 = arith.cmpf oge, %get3A_1398, %get3A_28 : vector<16xf32>
        %select_n3A_1440 = arith.select %ge3A_1439, %mul3A_1413, %broadcast_in_dim3A_50 : vector<16xi1>, vector<16xf32>
        %ge3A_1441 = arith.cmpf oge, %get3A_1402, %get3A_28 : vector<16xf32>
        %select_n3A_1442 = arith.select %ge3A_1441, %mul3A_1416, %broadcast_in_dim3A_50 : vector<16xi1>, vector<16xf32>
        %ge3A_1443 = arith.cmpf oge, %get3A_1406, %get3A_28 : vector<16xf32>
        %select_n3A_1444 = arith.select %ge3A_1443, %mul3A_1419, %broadcast_in_dim3A_50 : vector<16xi1>, vector<16xf32>
        %ge3A_1445 = arith.cmpf oge, %get3A_1410, %get3A_28 : vector<16xf32>
        %select_n3A_1446 = arith.select %ge3A_1445, %mul3A_1422, %broadcast_in_dim3A_50 : vector<16xi1>, vector<16xf32>
        %add3A_1447 = arith.addf %select_n3A_1440, %select_n3A_1442 : vector<16xf32>
        %add3A_1448 = arith.addf %select_n3A_1444, %select_n3A_1446 : vector<16xf32>
        %add3A_1449 = arith.addf %add3A_1447, %add3A_1448 : vector<16xf32>
        %add3A_1450 = arith.addf %add3A_1354, %add3A_1449 : vector<16xf32>
        %ge3A_1451 = arith.cmpf oge, %get3A_1398, %get3A_31 : vector<16xf32>
        %select_n3A_1452 = arith.select %ge3A_1451, %mul3A_1413, %broadcast_in_dim3A_50 : vector<16xi1>, vector<16xf32>
        %ge3A_1453 = arith.cmpf oge, %get3A_1402, %get3A_31 : vector<16xf32>
        %select_n3A_1454 = arith.select %ge3A_1453, %mul3A_1416, %broadcast_in_dim3A_50 : vector<16xi1>, vector<16xf32>
        %ge3A_1455 = arith.cmpf oge, %get3A_1406, %get3A_31 : vector<16xf32>
        %select_n3A_1456 = arith.select %ge3A_1455, %mul3A_1419, %broadcast_in_dim3A_50 : vector<16xi1>, vector<16xf32>
        %ge3A_1457 = arith.cmpf oge, %get3A_1410, %get3A_31 : vector<16xf32>
        %select_n3A_1458 = arith.select %ge3A_1457, %mul3A_1422, %broadcast_in_dim3A_50 : vector<16xi1>, vector<16xf32>
        %add3A_1459 = arith.addf %select_n3A_1452, %select_n3A_1454 : vector<16xf32>
        %add3A_1460 = arith.addf %select_n3A_1456, %select_n3A_1458 : vector<16xf32>
        %add3A_1461 = arith.addf %add3A_1459, %add3A_1460 : vector<16xf32>
        %add3A_1462 = arith.addf %add3A_1366, %add3A_1461 : vector<16xf32>
        %ge3A_1463 = arith.cmpf oge, %get3A_1398, %get3A_34 : vector<16xf32>
        %select_n3A_1464 = arith.select %ge3A_1463, %mul3A_1413, %broadcast_in_dim3A_50 : vector<16xi1>, vector<16xf32>
        %ge3A_1465 = arith.cmpf oge, %get3A_1402, %get3A_34 : vector<16xf32>
        %select_n3A_1466 = arith.select %ge3A_1465, %mul3A_1416, %broadcast_in_dim3A_50 : vector<16xi1>, vector<16xf32>
        %ge3A_1467 = arith.cmpf oge, %get3A_1406, %get3A_34 : vector<16xf32>
        %select_n3A_1468 = arith.select %ge3A_1467, %mul3A_1419, %broadcast_in_dim3A_50 : vector<16xi1>, vector<16xf32>
        %ge3A_1469 = arith.cmpf oge, %get3A_1410, %get3A_34 : vector<16xf32>
        %select_n3A_1470 = arith.select %ge3A_1469, %mul3A_1422, %broadcast_in_dim3A_50 : vector<16xi1>, vector<16xf32>
        %add3A_1471 = arith.addf %select_n3A_1464, %select_n3A_1466 : vector<16xf32>
        %add3A_1472 = arith.addf %select_n3A_1468, %select_n3A_1470 : vector<16xf32>
        %add3A_1473 = arith.addf %add3A_1471, %add3A_1472 : vector<16xf32>
        %add3A_1474 = arith.addf %add3A_1378, %add3A_1473 : vector<16xf32>
        %get3A_1475 = arith.index_cast %scan3A_128 : i32 to index
        %get3A_1476 = arith.constant 896 : index
        %get3A_1477 = tpu.vector_load %arg8[%get3A_1475, %get3A_1476] {strides = array<i32>} : memref<16x1024xf32, #tpu.memory_space<vmem>>, vector<1x16xf32>,
        %get3A_1478 = vector.shape_cast %get3A_1477 : vector<1x16xf32> to vector<16xf32>
        %get3A_1479 = arith.index_cast %scan3A_128 : i32 to index
        %get3A_1480 = arith.constant 912 : index
        %get3A_1481 = tpu.vector_load %arg8[%get3A_1479, %get3A_1480] {strides = array<i32>} : memref<16x1024xf32, #tpu.memory_space<vmem>>, vector<1x16xf32>,
        %get3A_1482 = vector.shape_cast %get3A_1481 : vector<1x16xf32> to vector<16xf32>
        %get3A_1483 = arith.index_cast %scan3A_128 : i32 to index
        %get3A_1484 = arith.constant 928 : index
        %get3A_1485 = tpu.vector_load %arg8[%get3A_1483, %get3A_1484] {strides = array<i32>} : memref<16x1024xf32, #tpu.memory_space<vmem>>, vector<1x16xf32>,
        %get3A_1486 = vector.shape_cast %get3A_1485 : vector<1x16xf32> to vector<16xf32>
        %get3A_1487 = arith.index_cast %scan3A_128 : i32 to index
        %get3A_1488 = arith.constant 944 : index
        %get3A_1489 = tpu.vector_load %arg8[%get3A_1487, %get3A_1488] {strides = array<i32>} : memref<16x1024xf32, #tpu.memory_space<vmem>>, vector<1x16xf32>,
        %get3A_1490 = vector.shape_cast %get3A_1489 : vector<1x16xf32> to vector<16xf32>
        %get3A_1491 = arith.index_cast %scan3A_128 : i32 to index
        %get3A_1492 = arith.constant 896 : index
        %get3A_1493 = tpu.vector_load %arg10[%get3A_1491, %get3A_1492] {strides = array<i32>} : memref<16x1024xf32, #tpu.memory_space<vmem>>, vector<1x16xf32>,
        %get3A_1494 = vector.shape_cast %get3A_1493 : vector<1x16xf32> to vector<16xf32>
        %get3A_1495 = arith.index_cast %scan3A_128 : i32 to index
        %get3A_1496 = arith.constant 912 : index
        %get3A_1497 = tpu.vector_load %arg10[%get3A_1495, %get3A_1496] {strides = array<i32>} : memref<16x1024xf32, #tpu.memory_space<vmem>>, vector<1x16xf32>,
        %get3A_1498 = vector.shape_cast %get3A_1497 : vector<1x16xf32> to vector<16xf32>
        %get3A_1499 = arith.index_cast %scan3A_128 : i32 to index
        %get3A_1500 = arith.constant 928 : index
        %get3A_1501 = tpu.vector_load %arg10[%get3A_1499, %get3A_1500] {strides = array<i32>} : memref<16x1024xf32, #tpu.memory_space<vmem>>, vector<1x16xf32>,
        %get3A_1502 = vector.shape_cast %get3A_1501 : vector<1x16xf32> to vector<16xf32>
        %get3A_1503 = arith.index_cast %scan3A_128 : i32 to index
        %get3A_1504 = arith.constant 944 : index
        %get3A_1505 = tpu.vector_load %arg10[%get3A_1503, %get3A_1504] {strides = array<i32>} : memref<16x1024xf32, #tpu.memory_space<vmem>>, vector<1x16xf32>,
        %get3A_1506 = vector.shape_cast %get3A_1505 : vector<1x16xf32> to vector<16xf32>
        %sub3A_1507 = arith.subf %get3A_1478, %get3A_1494 : vector<16xf32>
        %sub3A_1508 = arith.subf %get3A_1478, %get3A_1494 : vector<16xf32>
        %mul3A_1509 = arith.mulf %sub3A_1507, %sub3A_1508 : vector<16xf32>
        %sub3A_1510 = arith.subf %get3A_1482, %get3A_1498 : vector<16xf32>
        %sub3A_1511 = arith.subf %get3A_1482, %get3A_1498 : vector<16xf32>
        %mul3A_1512 = arith.mulf %sub3A_1510, %sub3A_1511 : vector<16xf32>
        %sub3A_1513 = arith.subf %get3A_1486, %get3A_1502 : vector<16xf32>
        %sub3A_1514 = arith.subf %get3A_1486, %get3A_1502 : vector<16xf32>
        %mul3A_1515 = arith.mulf %sub3A_1513, %sub3A_1514 : vector<16xf32>
        %sub3A_1516 = arith.subf %get3A_1490, %get3A_1506 : vector<16xf32>
        %sub3A_1517 = arith.subf %get3A_1490, %get3A_1506 : vector<16xf32>
        %mul3A_1518 = arith.mulf %sub3A_1516, %sub3A_1517 : vector<16xf32>
        %add3A_1519 = arith.addf %mul3A_1509, %mul3A_1512 : vector<16xf32>
        %add3A_1520 = arith.addf %mul3A_1515, %mul3A_1518 : vector<16xf32>
        %add3A_1521 = arith.addf %add3A_1519, %add3A_1520 : vector<16xf32>
        %add3A_1522 = arith.addf %add3A_1426, %add3A_1521 : vector<16xf32>
        %ge3A_1523 = arith.cmpf oge, %get3A_1494, %get3A_25 : vector<16xf32>
        %select_n3A_1524 = arith.select %ge3A_1523, %mul3A_1509, %broadcast_in_dim3A_50 : vector<16xi1>, vector<16xf32>
        %ge3A_1525 = arith.cmpf oge, %get3A_1498, %get3A_25 : vector<16xf32>
        %select_n3A_1526 = arith.select %ge3A_1525, %mul3A_1512, %broadcast_in_dim3A_50 : vector<16xi1>, vector<16xf32>
        %ge3A_1527 = arith.cmpf oge, %get3A_1502, %get3A_25 : vector<16xf32>
        %select_n3A_1528 = arith.select %ge3A_1527, %mul3A_1515, %broadcast_in_dim3A_50 : vector<16xi1>, vector<16xf32>
        %ge3A_1529 = arith.cmpf oge, %get3A_1506, %get3A_25 : vector<16xf32>
        %select_n3A_1530 = arith.select %ge3A_1529, %mul3A_1518, %broadcast_in_dim3A_50 : vector<16xi1>, vector<16xf32>
        %add3A_1531 = arith.addf %select_n3A_1524, %select_n3A_1526 : vector<16xf32>
        %add3A_1532 = arith.addf %select_n3A_1528, %select_n3A_1530 : vector<16xf32>
        %add3A_1533 = arith.addf %add3A_1531, %add3A_1532 : vector<16xf32>
        %add3A_1534 = arith.addf %add3A_1438, %add3A_1533 : vector<16xf32>
        %ge3A_1535 = arith.cmpf oge, %get3A_1494, %get3A_28 : vector<16xf32>
        %select_n3A_1536 = arith.select %ge3A_1535, %mul3A_1509, %broadcast_in_dim3A_50 : vector<16xi1>, vector<16xf32>
        %ge3A_1537 = arith.cmpf oge, %get3A_1498, %get3A_28 : vector<16xf32>
        %select_n3A_1538 = arith.select %ge3A_1537, %mul3A_1512, %broadcast_in_dim3A_50 : vector<16xi1>, vector<16xf32>
        %ge3A_1539 = arith.cmpf oge, %get3A_1502, %get3A_28 : vector<16xf32>
        %select_n3A_1540 = arith.select %ge3A_1539, %mul3A_1515, %broadcast_in_dim3A_50 : vector<16xi1>, vector<16xf32>
        %ge3A_1541 = arith.cmpf oge, %get3A_1506, %get3A_28 : vector<16xf32>
        %select_n3A_1542 = arith.select %ge3A_1541, %mul3A_1518, %broadcast_in_dim3A_50 : vector<16xi1>, vector<16xf32>
        %add3A_1543 = arith.addf %select_n3A_1536, %select_n3A_1538 : vector<16xf32>
        %add3A_1544 = arith.addf %select_n3A_1540, %select_n3A_1542 : vector<16xf32>
        %add3A_1545 = arith.addf %add3A_1543, %add3A_1544 : vector<16xf32>
        %add3A_1546 = arith.addf %add3A_1450, %add3A_1545 : vector<16xf32>
        %ge3A_1547 = arith.cmpf oge, %get3A_1494, %get3A_31 : vector<16xf32>
        %select_n3A_1548 = arith.select %ge3A_1547, %mul3A_1509, %broadcast_in_dim3A_50 : vector<16xi1>, vector<16xf32>
        %ge3A_1549 = arith.cmpf oge, %get3A_1498, %get3A_31 : vector<16xf32>
        %select_n3A_1550 = arith.select %ge3A_1549, %mul3A_1512, %broadcast_in_dim3A_50 : vector<16xi1>, vector<16xf32>
        %ge3A_1551 = arith.cmpf oge, %get3A_1502, %get3A_31 : vector<16xf32>
        %select_n3A_1552 = arith.select %ge3A_1551, %mul3A_1515, %broadcast_in_dim3A_50 : vector<16xi1>, vector<16xf32>
        %ge3A_1553 = arith.cmpf oge, %get3A_1506, %get3A_31 : vector<16xf32>
        %select_n3A_1554 = arith.select %ge3A_1553, %mul3A_1518, %broadcast_in_dim3A_50 : vector<16xi1>, vector<16xf32>
        %add3A_1555 = arith.addf %select_n3A_1548, %select_n3A_1550 : vector<16xf32>
        %add3A_1556 = arith.addf %select_n3A_1552, %select_n3A_1554 : vector<16xf32>
        %add3A_1557 = arith.addf %add3A_1555, %add3A_1556 : vector<16xf32>
        %add3A_1558 = arith.addf %add3A_1462, %add3A_1557 : vector<16xf32>
        %ge3A_1559 = arith.cmpf oge, %get3A_1494, %get3A_34 : vector<16xf32>
        %select_n3A_1560 = arith.select %ge3A_1559, %mul3A_1509, %broadcast_in_dim3A_50 : vector<16xi1>, vector<16xf32>
        %ge3A_1561 = arith.cmpf oge, %get3A_1498, %get3A_34 : vector<16xf32>
        %select_n3A_1562 = arith.select %ge3A_1561, %mul3A_1512, %broadcast_in_dim3A_50 : vector<16xi1>, vector<16xf32>
        %ge3A_1563 = arith.cmpf oge, %get3A_1502, %get3A_34 : vector<16xf32>
        %select_n3A_1564 = arith.select %ge3A_1563, %mul3A_1515, %broadcast_in_dim3A_50 : vector<16xi1>, vector<16xf32>
        %ge3A_1565 = arith.cmpf oge, %get3A_1506, %get3A_34 : vector<16xf32>
        %select_n3A_1566 = arith.select %ge3A_1565, %mul3A_1518, %broadcast_in_dim3A_50 : vector<16xi1>, vector<16xf32>
        %add3A_1567 = arith.addf %select_n3A_1560, %select_n3A_1562 : vector<16xf32>
        %add3A_1568 = arith.addf %select_n3A_1564, %select_n3A_1566 : vector<16xf32>
        %add3A_1569 = arith.addf %add3A_1567, %add3A_1568 : vector<16xf32>
        %add3A_1570 = arith.addf %add3A_1474, %add3A_1569 : vector<16xf32>
        %get3A_1571 = arith.index_cast %scan3A_128 : i32 to index
        %get3A_1572 = arith.constant 960 : index
        %get3A_1573 = tpu.vector_load %arg8[%get3A_1571, %get3A_1572] {strides = array<i32>} : memref<16x1024xf32, #tpu.memory_space<vmem>>, vector<1x16xf32>,
        %get3A_1574 = vector.shape_cast %get3A_1573 : vector<1x16xf32> to vector<16xf32>
        %get3A_1575 = arith.index_cast %scan3A_128 : i32 to index
        %get3A_1576 = arith.constant 976 : index
        %get3A_1577 = tpu.vector_load %arg8[%get3A_1575, %get3A_1576] {strides = array<i32>} : memref<16x1024xf32, #tpu.memory_space<vmem>>, vector<1x16xf32>,
        %get3A_1578 = vector.shape_cast %get3A_1577 : vector<1x16xf32> to vector<16xf32>
        %get3A_1579 = arith.index_cast %scan3A_128 : i32 to index
        %get3A_1580 = arith.constant 992 : index
        %get3A_1581 = tpu.vector_load %arg8[%get3A_1579, %get3A_1580] {strides = array<i32>} : memref<16x1024xf32, #tpu.memory_space<vmem>>, vector<1x16xf32>,
        %get3A_1582 = vector.shape_cast %get3A_1581 : vector<1x16xf32> to vector<16xf32>
        %get3A_1583 = arith.index_cast %scan3A_128 : i32 to index
        %get3A_1584 = arith.constant 1008 : index
        %get3A_1585 = tpu.vector_load %arg8[%get3A_1583, %get3A_1584] {strides = array<i32>} : memref<16x1024xf32, #tpu.memory_space<vmem>>, vector<1x16xf32>,
        %get3A_1586 = vector.shape_cast %get3A_1585 : vector<1x16xf32> to vector<16xf32>
        %get3A_1587 = arith.index_cast %scan3A_128 : i32 to index
        %get3A_1588 = arith.constant 960 : index
        %get3A_1589 = tpu.vector_load %arg10[%get3A_1587, %get3A_1588] {strides = array<i32>} : memref<16x1024xf32, #tpu.memory_space<vmem>>, vector<1x16xf32>,
        %get3A_1590 = vector.shape_cast %get3A_1589 : vector<1x16xf32> to vector<16xf32>
        %get3A_1591 = arith.index_cast %scan3A_128 : i32 to index
        %get3A_1592 = arith.constant 976 : index
        %get3A_1593 = tpu.vector_load %arg10[%get3A_1591, %get3A_1592] {strides = array<i32>} : memref<16x1024xf32, #tpu.memory_space<vmem>>, vector<1x16xf32>,
        %get3A_1594 = vector.shape_cast %get3A_1593 : vector<1x16xf32> to vector<16xf32>
        %get3A_1595 = arith.index_cast %scan3A_128 : i32 to index
        %get3A_1596 = arith.constant 992 : index
        %get3A_1597 = tpu.vector_load %arg10[%get3A_1595, %get3A_1596] {strides = array<i32>} : memref<16x1024xf32, #tpu.memory_space<vmem>>, vector<1x16xf32>,
        %get3A_1598 = vector.shape_cast %get3A_1597 : vector<1x16xf32> to vector<16xf32>
        %get3A_1599 = arith.index_cast %scan3A_128 : i32 to index
        %get3A_1600 = arith.constant 1008 : index
        %get3A_1601 = tpu.vector_load %arg10[%get3A_1599, %get3A_1600] {strides = array<i32>} : memref<16x1024xf32, #tpu.memory_space<vmem>>, vector<1x16xf32>,
        %get3A_1602 = vector.shape_cast %get3A_1601 : vector<1x16xf32> to vector<16xf32>
        %sub3A_1603 = arith.subf %get3A_1574, %get3A_1590 : vector<16xf32>
        %sub3A_1604 = arith.subf %get3A_1574, %get3A_1590 : vector<16xf32>
        %mul3A_1605 = arith.mulf %sub3A_1603, %sub3A_1604 : vector<16xf32>
        %sub3A_1606 = arith.subf %get3A_1578, %get3A_1594 : vector<16xf32>
        %sub3A_1607 = arith.subf %get3A_1578, %get3A_1594 : vector<16xf32>
        %mul3A_1608 = arith.mulf %sub3A_1606, %sub3A_1607 : vector<16xf32>
        %sub3A_1609 = arith.subf %get3A_1582, %get3A_1598 : vector<16xf32>
        %sub3A_1610 = arith.subf %get3A_1582, %get3A_1598 : vector<16xf32>
        %mul3A_1611 = arith.mulf %sub3A_1609, %sub3A_1610 : vector<16xf32>
        %sub3A_1612 = arith.subf %get3A_1586, %get3A_1602 : vector<16xf32>
        %sub3A_1613 = arith.subf %get3A_1586, %get3A_1602 : vector<16xf32>
        %mul3A_1614 = arith.mulf %sub3A_1612, %sub3A_1613 : vector<16xf32>
        %add3A_1615 = arith.addf %mul3A_1605, %mul3A_1608 : vector<16xf32>
        %add3A_1616 = arith.addf %mul3A_1611, %mul3A_1614 : vector<16xf32>
        %add3A_1617 = arith.addf %add3A_1615, %add3A_1616 : vector<16xf32>
        %add3A_1618 = arith.addf %add3A_1522, %add3A_1617 : vector<16xf32>
        %ge3A_1619 = arith.cmpf oge, %get3A_1590, %get3A_25 : vector<16xf32>
        %select_n3A_1620 = arith.select %ge3A_1619, %mul3A_1605, %broadcast_in_dim3A_50 : vector<16xi1>, vector<16xf32>
        %ge3A_1621 = arith.cmpf oge, %get3A_1594, %get3A_25 : vector<16xf32>
        %select_n3A_1622 = arith.select %ge3A_1621, %mul3A_1608, %broadcast_in_dim3A_50 : vector<16xi1>, vector<16xf32>
        %ge3A_1623 = arith.cmpf oge, %get3A_1598, %get3A_25 : vector<16xf32>
        %select_n3A_1624 = arith.select %ge3A_1623, %mul3A_1611, %broadcast_in_dim3A_50 : vector<16xi1>, vector<16xf32>
        %ge3A_1625 = arith.cmpf oge, %get3A_1602, %get3A_25 : vector<16xf32>
        %select_n3A_1626 = arith.select %ge3A_1625, %mul3A_1614, %broadcast_in_dim3A_50 : vector<16xi1>, vector<16xf32>
        %add3A_1627 = arith.addf %select_n3A_1620, %select_n3A_1622 : vector<16xf32>
        %add3A_1628 = arith.addf %select_n3A_1624, %select_n3A_1626 : vector<16xf32>
        %add3A_1629 = arith.addf %add3A_1627, %add3A_1628 : vector<16xf32>
        %add3A_1630 = arith.addf %add3A_1534, %add3A_1629 : vector<16xf32>
        %ge3A_1631 = arith.cmpf oge, %get3A_1590, %get3A_28 : vector<16xf32>
        %select_n3A_1632 = arith.select %ge3A_1631, %mul3A_1605, %broadcast_in_dim3A_50 : vector<16xi1>, vector<16xf32>
        %ge3A_1633 = arith.cmpf oge, %get3A_1594, %get3A_28 : vector<16xf32>
        %select_n3A_1634 = arith.select %ge3A_1633, %mul3A_1608, %broadcast_in_dim3A_50 : vector<16xi1>, vector<16xf32>
        %ge3A_1635 = arith.cmpf oge, %get3A_1598, %get3A_28 : vector<16xf32>
        %select_n3A_1636 = arith.select %ge3A_1635, %mul3A_1611, %broadcast_in_dim3A_50 : vector<16xi1>, vector<16xf32>
        %ge3A_1637 = arith.cmpf oge, %get3A_1602, %get3A_28 : vector<16xf32>
        %select_n3A_1638 = arith.select %ge3A_1637, %mul3A_1614, %broadcast_in_dim3A_50 : vector<16xi1>, vector<16xf32>
        %add3A_1639 = arith.addf %select_n3A_1632, %select_n3A_1634 : vector<16xf32>
        %add3A_1640 = arith.addf %select_n3A_1636, %select_n3A_1638 : vector<16xf32>
        %add3A_1641 = arith.addf %add3A_1639, %add3A_1640 : vector<16xf32>
        %add3A_1642 = arith.addf %add3A_1546, %add3A_1641 : vector<16xf32>
        %ge3A_1643 = arith.cmpf oge, %get3A_1590, %get3A_31 : vector<16xf32>
        %select_n3A_1644 = arith.select %ge3A_1643, %mul3A_1605, %broadcast_in_dim3A_50 : vector<16xi1>, vector<16xf32>
        %ge3A_1645 = arith.cmpf oge, %get3A_1594, %get3A_31 : vector<16xf32>
        %select_n3A_1646 = arith.select %ge3A_1645, %mul3A_1608, %broadcast_in_dim3A_50 : vector<16xi1>, vector<16xf32>
        %ge3A_1647 = arith.cmpf oge, %get3A_1598, %get3A_31 : vector<16xf32>
        %select_n3A_1648 = arith.select %ge3A_1647, %mul3A_1611, %broadcast_in_dim3A_50 : vector<16xi1>, vector<16xf32>
        %ge3A_1649 = arith.cmpf oge, %get3A_1602, %get3A_31 : vector<16xf32>
        %select_n3A_1650 = arith.select %ge3A_1649, %mul3A_1614, %broadcast_in_dim3A_50 : vector<16xi1>, vector<16xf32>
        %add3A_1651 = arith.addf %select_n3A_1644, %select_n3A_1646 : vector<16xf32>
        %add3A_1652 = arith.addf %select_n3A_1648, %select_n3A_1650 : vector<16xf32>
        %add3A_1653 = arith.addf %add3A_1651, %add3A_1652 : vector<16xf32>
        %add3A_1654 = arith.addf %add3A_1558, %add3A_1653 : vector<16xf32>
        %ge3A_1655 = arith.cmpf oge, %get3A_1590, %get3A_34 : vector<16xf32>
        %select_n3A_1656 = arith.select %ge3A_1655, %mul3A_1605, %broadcast_in_dim3A_50 : vector<16xi1>, vector<16xf32>
        %ge3A_1657 = arith.cmpf oge, %get3A_1594, %get3A_34 : vector<16xf32>
        %select_n3A_1658 = arith.select %ge3A_1657, %mul3A_1608, %broadcast_in_dim3A_50 : vector<16xi1>, vector<16xf32>
        %ge3A_1659 = arith.cmpf oge, %get3A_1598, %get3A_34 : vector<16xf32>
        %select_n3A_1660 = arith.select %ge3A_1659, %mul3A_1611, %broadcast_in_dim3A_50 : vector<16xi1>, vector<16xf32>
        %ge3A_1661 = arith.cmpf oge, %get3A_1602, %get3A_34 : vector<16xf32>
        %select_n3A_1662 = arith.select %ge3A_1661, %mul3A_1614, %broadcast_in_dim3A_50 : vector<16xi1>, vector<16xf32>
        %add3A_1663 = arith.addf %select_n3A_1656, %select_n3A_1658 : vector<16xf32>
        %add3A_1664 = arith.addf %select_n3A_1660, %select_n3A_1662 : vector<16xf32>
        %add3A_1665 = arith.addf %add3A_1663, %add3A_1664 : vector<16xf32>
        %add3A_1666 = arith.addf %add3A_1570, %add3A_1665 : vector<16xf32>
        scf.yield %add3A_1618, %add3A_1630, %add3A_1642, %add3A_1654, %add3A_1666 : vector<16xf32>, vector<16xf32>, vector<16xf32>, vector<16xf32>, vector<16xf32>
      }
      %scan3A_120 = arith.constant 16 : i32
      %add3A_121 = arith.constant 2 : i32
      %add3A_122 = arith.addi %add3A_102, %add3A_121 : i32
      %lt3A_123 = arith.constant 22 : i32
      %lt3A_124 = arith.cmpi slt, %add3A_122, %lt3A_123 : i32
      %convert_element_type3A_125 = arith.extui %lt3A_124 : i1 to i32
      %cond3A_126 = arith.constant 0 : i32
      %cond3A_127 = arith.cmpi ne, %convert_element_type3A_125, %cond3A_126 : i32
      scf.if %cond3A_127 {
        %add3A_128 = arith.constant 2 : i32
        %add3A_129 = arith.addi %add3A_102, %add3A_128 : i32
        %mul3A_130 = arith.constant 16 : i32
        %mul3A_131 = arith.muli %add3A_129, %mul3A_130 : i32
        %add3A_132 = arith.addi %add3A_4, %mul3A_131 : i32
        %dma_start3A_133 = arith.constant 0 : i32
        %dma_start3A_134 = tpu.memref_slice %arg2[%add3A_132, %dma_start3A_133] : memref<32768x1024xf32, #tpu.memory_space<hbm>> -> memref<16x1024xf32, #tpu.memory_space<hbm>>
        %dma_start3A_135 = arith.constant 0 : i32
        %dma_start3A_136 = tpu.memref_slice %arg2[%add3A_132, %dma_start3A_135] : memref<32768x1024xf32, #tpu.memory_space<hbm>> -> memref<16x1024xf32, #tpu.memory_space<hbm>>
        tpu.enqueue_dma source(%dma_start3A_136 : memref<16x1024xf32, #tpu.memory_space<hbm>>) target(%arg8 : memref<16x1024xf32, #tpu.memory_space<vmem>>) target_semaphore(%arg15 : memref<!tpu.dma_semaphore, #tpu.memory_space<semaphore_mem>>)
        %dma_start3A_137 = arith.constant 0 : i32
        %dma_start3A_138 = tpu.memref_slice %arg3[%add3A_132, %dma_start3A_137] : memref<32768x1024xf32, #tpu.memory_space<hbm>> -> memref<16x1024xf32, #tpu.memory_space<hbm>>
        %dma_start3A_139 = arith.constant 0 : i32
        %dma_start3A_140 = tpu.memref_slice %arg3[%add3A_132, %dma_start3A_139] : memref<32768x1024xf32, #tpu.memory_space<hbm>> -> memref<16x1024xf32, #tpu.memory_space<hbm>>
        tpu.enqueue_dma source(%dma_start3A_140 : memref<16x1024xf32, #tpu.memory_space<hbm>>) target(%arg10 : memref<16x1024xf32, #tpu.memory_space<vmem>>) target_semaphore(%arg17 : memref<!tpu.dma_semaphore, #tpu.memory_space<semaphore_mem>>)
      } else {
      }
      scf.yield %scan3A_119#0, %scan3A_119#1, %scan3A_119#2, %scan3A_119#3, %scan3A_119#4 : vector<16xf32>, vector<16xf32>, vector<16xf32>, vector<16xf32>, vector<16xf32>
    }
    %scan3A_55 = arith.constant 11 : i32
    %mul3A_56 = arith.mulf %get3A_37, %scan3A_54#0 : vector<16xf32>
    %mul3A_57 = arith.mulf %get3A_40, %scan3A_54#1 : vector<16xf32>
    %add3A_58 = arith.addf %mul3A_56, %mul3A_57 : vector<16xf32>
    %mul3A_59 = arith.mulf %get3A_43, %scan3A_54#2 : vector<16xf32>
    %add3A_60 = arith.addf %add3A_58, %mul3A_59 : vector<16xf32>
    %mul3A_61 = arith.mulf %get3A_46, %scan3A_54#3 : vector<16xf32>
    %add3A_62 = arith.addf %add3A_60, %mul3A_61 : vector<16xf32>
    %mul3A_63 = arith.mulf %get3A_49, %scan3A_54#4 : vector<16xf32>
    %add3A_64 = arith.addf %add3A_62, %mul3A_63 : vector<16xf32>
    %swap3A = arith.constant 0 : index
    %swap3A_65 = tpu.vector_load %arg13[%swap3A] {strides = array<i32>} : memref<16xf32, #tpu.memory_space<vmem>>, vector<16xf32>,
    %swap3A_66 = vector.shape_cast %swap3A_65 : vector<16xf32> to vector<16xf32>
    %swap3A_67 = vector.shape_cast %add3A_64 : vector<16xf32> to vector<16xf32>
    tpu.vector_store %arg13[%swap3A], %swap3A_67 {strides = array<i32>} : memref<16xf32, #tpu.memory_space<vmem>>, vector<16xf32>,
    "tpu.region"() ({
      %run_scoped3A = tpu.sem_alloc : memref<!tpu.dma_semaphore, #tpu.memory_space<semaphore_mem>>
      %dma_start3A_68 = arith.constant 0 : i32
      %dma_start3A_69 = tpu.memref_slice %arg6[%add3A, %dma_start3A_68] : memref<32x16xf32, #tpu.memory_space<hbm>> -> memref<1x16xf32, #tpu.memory_space<hbm>>
      %dma_start3A_70 = tpu.memref_squeeze %dma_start3A_69 : memref<1x16xf32, #tpu.memory_space<hbm>> -> memref<16xf32, #tpu.memory_space<hbm>>
      %dma_start3A_71 = arith.constant 0 : i32
      %dma_start3A_72 = tpu.memref_slice %arg6[%add3A, %dma_start3A_71] : memref<32x16xf32, #tpu.memory_space<hbm>> -> memref<1x16xf32, #tpu.memory_space<hbm>>
      %dma_start3A_73 = tpu.memref_squeeze %dma_start3A_72 : memref<1x16xf32, #tpu.memory_space<hbm>> -> memref<16xf32, #tpu.memory_space<hbm>>
      tpu.enqueue_dma source(%arg13 : memref<16xf32, #tpu.memory_space<vmem>>) target(%dma_start3A_73 : memref<16xf32, #tpu.memory_space<hbm>>) target_semaphore(%run_scoped3A : memref<!tpu.dma_semaphore, #tpu.memory_space<semaphore_mem>>)
      %dma_wait3A = arith.constant 0 : i32
      %dma_wait3A_74 = tpu.memref_slice %arg6[%add3A, %dma_wait3A] : memref<32x16xf32, #tpu.memory_space<hbm>> -> memref<1x16xf32, #tpu.memory_space<hbm>>
      %dma_wait3A_75 = tpu.memref_squeeze %dma_wait3A_74 : memref<1x16xf32, #tpu.memory_space<hbm>> -> memref<16xf32, #tpu.memory_space<hbm>>
      %dma_wait3A_76 = arith.constant 0 : i32
      %dma_wait3A_77 = tpu.memref_slice %arg6[%add3A, %dma_wait3A_76] : memref<32x16xf32, #tpu.memory_space<hbm>> -> memref<1x16xf32, #tpu.memory_space<hbm>>
      %dma_wait3A_78 = tpu.memref_squeeze %dma_wait3A_77 : memref<1x16xf32, #tpu.memory_space<hbm>> -> memref<16xf32, #tpu.memory_space<hbm>>
      tpu.wait_dma2 semaphore(%run_scoped3A : memref<!tpu.dma_semaphore, #tpu.memory_space<semaphore_mem>>) src(%arg13 : memref<16xf32, #tpu.memory_space<vmem>>) dst(%dma_wait3A_78 : memref<16xf32, #tpu.memory_space<hbm>>)
      tpu.yield
    }) : () -> ()
    return
  }
}

module attributes {stable_mosaic.version = 14 : i64} {
  func.func @_tc_body(%arg0: i32, %arg1: memref<512x1024xf32, #tpu.memory_space<vmem>>, %arg2: memref<512x1024xf32, #tpu.memory_space<vmem>>, %arg3: memref<4xf32, #tpu.memory_space<smem>>, %arg4: memref<5xf32, #tpu.memory_space<smem>>, %arg5: memref<1xf32, #tpu.memory_space<smem>>, %arg6: memref<512x1024xf32, #tpu.memory_space<vmem>>) attributes {dimension_semantics = [#tpu.dimension_semantics<arbitrary>], iteration_bounds = array<i64: 42>, scalar_prefetch = 0 : i64, scratch_operands = 1 : i64, tpu.core_type = #tpu.core_type<tc>, window_params = [{transform_indices = @transform_0, window_bounds = array<i64: 512, 1024>}, {transform_indices = @transform_1, window_bounds = array<i64: 512, 1024>}, {transform_indices = @transform_2, window_bounds = array<i64: 4>}, {transform_indices = @transform_3, window_bounds = array<i64: 5>}, {transform_indices = @transform_4, window_bounds = array<i64: 1>}]} {
    %eq3A = arith.constant 0 : i32
    %eq3A_0 = arith.cmpi eq, %arg0, %eq3A : i32
    %convert_element_type3A = arith.extui %eq3A_0 : i1 to i32
    %cond3A = arith.constant 0 : i32
    %cond3A_1 = arith.cmpi ne, %convert_element_type3A, %cond3A : i32
    scf.if %cond3A_1 {
      %broadcast_in_dim3A_62 = arith.constant 0.000000e+00 : f32
      %broadcast_in_dim3A_63 = vector.broadcast %broadcast_in_dim3A_62 : f32 to vector<512x1024xf32>
      %swap3A_64 = arith.constant 0 : index
      %swap3A_65 = arith.constant 0 : index
      %swap3A_66 = vector.load %arg6[%swap3A_64, %swap3A_65] : memref<512x1024xf32, #tpu.memory_space<vmem>>, vector<512x1024xf32>
      tpu.vector_store %arg6[%swap3A_64, %swap3A_65], %broadcast_in_dim3A_63 {strides = array<i32>} : memref<512x1024xf32, #tpu.memory_space<vmem>>, vector<512x1024xf32>,
    } else {
    }
    %get3A = arith.constant 0 : index
    %get3A_2 = arith.constant 0 : index
    %get3A_3 = vector.load %arg1[%get3A, %get3A_2] : memref<512x1024xf32, #tpu.memory_space<vmem>>, vector<512x1024xf32>
    %get3A_4 = arith.constant 0 : index
    %get3A_5 = arith.constant 0 : index
    %get3A_6 = vector.load %arg2[%get3A_4, %get3A_5] : memref<512x1024xf32, #tpu.memory_space<vmem>>, vector<512x1024xf32>
    %sub3A = arith.subf %get3A_3, %get3A_6 : vector<512x1024xf32>
    %sub3A_7 = arith.subf %get3A_3, %get3A_6 : vector<512x1024xf32>
    %mul3A = arith.mulf %sub3A, %sub3A_7 : vector<512x1024xf32>
    %get3A_8 = arith.constant 0 : index
    %get3A_9 = memref.load %arg4[%get3A_8] : memref<5xf32, #tpu.memory_space<smem>>
    %broadcast_in_dim3A = vector.broadcast %get3A_9 : f32 to vector<512x1024xf32>
    %get3A_10 = arith.constant 0 : index
    %get3A_11 = memref.load %arg3[%get3A_10] : memref<4xf32, #tpu.memory_space<smem>>
    %ge3A = vector.broadcast %get3A_11 : f32 to vector<512x1024xf32>
    %ge3A_12 = arith.cmpf oge, %get3A_6, %ge3A : vector<512x1024xf32>
    %get3A_13 = arith.constant 1 : index
    %get3A_14 = memref.load %arg4[%get3A_13] : memref<5xf32, #tpu.memory_space<smem>>
    %jit3A = arith.constant 0.000000e+00 : f32
    %broadcast_in_dim3A_15 = vector.broadcast %get3A_14 : f32 to vector<512x1024xf32>
    %broadcast_in_dim3A_16 = vector.broadcast %jit3A : f32 to vector<512x1024xf32>
    %select_n3A = arith.select %ge3A_12, %broadcast_in_dim3A_15, %broadcast_in_dim3A_16 : vector<512x1024xi1>, vector<512x1024xf32>
    %add3A = arith.addf %broadcast_in_dim3A, %select_n3A : vector<512x1024xf32>
    %get3A_17 = arith.constant 1 : index
    %get3A_18 = memref.load %arg3[%get3A_17] : memref<4xf32, #tpu.memory_space<smem>>
    %ge3A_19 = vector.broadcast %get3A_18 : f32 to vector<512x1024xf32>
    %ge3A_20 = arith.cmpf oge, %get3A_6, %ge3A_19 : vector<512x1024xf32>
    %get3A_21 = arith.constant 2 : index
    %get3A_22 = memref.load %arg4[%get3A_21] : memref<5xf32, #tpu.memory_space<smem>>
    %jit3A_23 = arith.constant 0.000000e+00 : f32
    %broadcast_in_dim3A_24 = vector.broadcast %get3A_22 : f32 to vector<512x1024xf32>
    %broadcast_in_dim3A_25 = vector.broadcast %jit3A_23 : f32 to vector<512x1024xf32>
    %select_n3A_26 = arith.select %ge3A_20, %broadcast_in_dim3A_24, %broadcast_in_dim3A_25 : vector<512x1024xi1>, vector<512x1024xf32>
    %add3A_27 = arith.addf %add3A, %select_n3A_26 : vector<512x1024xf32>
    %get3A_28 = arith.constant 2 : index
    %get3A_29 = memref.load %arg3[%get3A_28] : memref<4xf32, #tpu.memory_space<smem>>
    %ge3A_30 = vector.broadcast %get3A_29 : f32 to vector<512x1024xf32>
    %ge3A_31 = arith.cmpf oge, %get3A_6, %ge3A_30 : vector<512x1024xf32>
    %get3A_32 = arith.constant 3 : index
    %get3A_33 = memref.load %arg4[%get3A_32] : memref<5xf32, #tpu.memory_space<smem>>
    %jit3A_34 = arith.constant 0.000000e+00 : f32
    %broadcast_in_dim3A_35 = vector.broadcast %get3A_33 : f32 to vector<512x1024xf32>
    %broadcast_in_dim3A_36 = vector.broadcast %jit3A_34 : f32 to vector<512x1024xf32>
    %select_n3A_37 = arith.select %ge3A_31, %broadcast_in_dim3A_35, %broadcast_in_dim3A_36 : vector<512x1024xi1>, vector<512x1024xf32>
    %add3A_38 = arith.addf %add3A_27, %select_n3A_37 : vector<512x1024xf32>
    %get3A_39 = arith.constant 3 : index
    %get3A_40 = memref.load %arg3[%get3A_39] : memref<4xf32, #tpu.memory_space<smem>>
    %ge3A_41 = vector.broadcast %get3A_40 : f32 to vector<512x1024xf32>
    %ge3A_42 = arith.cmpf oge, %get3A_6, %ge3A_41 : vector<512x1024xf32>
    %get3A_43 = arith.constant 4 : index
    %get3A_44 = memref.load %arg4[%get3A_43] : memref<5xf32, #tpu.memory_space<smem>>
    %jit3A_45 = arith.constant 0.000000e+00 : f32
    %broadcast_in_dim3A_46 = vector.broadcast %get3A_44 : f32 to vector<512x1024xf32>
    %broadcast_in_dim3A_47 = vector.broadcast %jit3A_45 : f32 to vector<512x1024xf32>
    %select_n3A_48 = arith.select %ge3A_42, %broadcast_in_dim3A_46, %broadcast_in_dim3A_47 : vector<512x1024xi1>, vector<512x1024xf32>
    %add3A_49 = arith.addf %add3A_38, %select_n3A_48 : vector<512x1024xf32>
    %get3A_50 = arith.constant 0 : index
    %get3A_51 = arith.constant 0 : index
    %get3A_52 = vector.load %arg6[%get3A_50, %get3A_51] : memref<512x1024xf32, #tpu.memory_space<vmem>>, vector<512x1024xf32>
    %mul3A_53 = arith.mulf %add3A_49, %mul3A : vector<512x1024xf32>
    %add3A_54 = arith.addf %get3A_52, %mul3A_53 : vector<512x1024xf32>
    %swap3A = arith.constant 0 : index
    %swap3A_55 = arith.constant 0 : index
    %swap3A_56 = vector.load %arg6[%swap3A, %swap3A_55] : memref<512x1024xf32, #tpu.memory_space<vmem>>, vector<512x1024xf32>
    tpu.vector_store %arg6[%swap3A, %swap3A_55], %add3A_54 {strides = array<i32>} : memref<512x1024xf32, #tpu.memory_space<vmem>>, vector<512x1024xf32>,
    %eq3A_57 = arith.constant 41 : i32
    %eq3A_58 = arith.cmpi eq, %arg0, %eq3A_57 : i32
    %convert_element_type3A_59 = arith.extui %eq3A_58 : i1 to i32
    %cond3A_60 = arith.constant 0 : i32
    %cond3A_61 = arith.cmpi ne, %convert_element_type3A_59, %cond3A_60 : i32
    scf.if %cond3A_61 {
      %get3A_62 = arith.constant 0 : index
      %get3A_63 = arith.constant 0 : index
      %get3A_64 = vector.load %arg6[%get3A_62, %get3A_63] : memref<512x1024xf32, #tpu.memory_space<vmem>>, vector<512x1024xf32>
      %reduce_sum3A = vector.shape_cast %get3A_64 : vector<512x1024xf32> to vector<1x512x1024xf32>
      %reduce_sum3A_65 = arith.constant dense<0.000000e+00> : vector<1xf32>
      %reduce_sum3A_66 = vector.multi_reduction <add>, %reduce_sum3A, %reduce_sum3A_65 [1, 2] : vector<1x512x1024xf32> to vector<1xf32>
      %reduce_sum3A_67 = vector.shape_cast %reduce_sum3A_66 : vector<1xf32> to vector<1x1x1xf32>
      %reduce_sum3A_68 = vector.extract %reduce_sum3A_67[0, 0, 0] : f32 from vector<1x1x1xf32>
      %swap3A_69 = arith.constant 0 : index
      %swap3A_70 = memref.load %arg5[%swap3A_69] : memref<1xf32, #tpu.memory_space<smem>>
      memref.store %reduce_sum3A_68, %arg5[%swap3A_69] : memref<1xf32, #tpu.memory_space<smem>>
    } else {
    }
    return
  }
  func.func @transform_0(%arg0: i32) -> (i32, i32) {
    %c0_i32 = arith.constant 0 : i32
    %c0_i32_0 = arith.constant 0 : i32
    return %arg0, %c0_i32 : i32, i32
  }
  func.func @transform_1(%arg0: i32) -> (i32, i32) {
    %c0_i32 = arith.constant 0 : i32
    %c0_i32_0 = arith.constant 0 : i32
    return %arg0, %c0_i32 : i32, i32
  }
  func.func @transform_2(%arg0: i32) -> i32 {
    %c0_i32 = arith.constant 0 : i32
    %c0_i32_0 = arith.constant 0 : i32
    return %c0_i32 : i32
  }
  func.func @transform_3(%arg0: i32) -> i32 {
    %c0_i32 = arith.constant 0 : i32
    %c0_i32_0 = arith.constant 0 : i32
    return %c0_i32 : i32
  }
  func.func @transform_4(%arg0: i32) -> i32 {
    %c0_i32 = arith.constant 0 : i32
    %c0_i32_0 = arith.constant 0 : i32
    return %c0_i32 : i32
  }
}

</mosaic_0001>

<sc_bundles>
// kernel: kernel.4.cloned.1.call-start
scs
__scs_entry_jumppad:
0x0: {  	(pc) =	sbr.rel $0x88, $3  }
0x1: {  	(tag) =	ssettag $0x0;
	lr =	simm.s32 $0x1  }
0x2: {  	[smem:$0x3F9D] =	sst lr;
	_ =	strace $0xD0000000  }
0x3: {  	_ = 	snop  }
0x4: {  	_ = 	snop  }
0x5: {  	_ = 	snop  }
0x6: {  	_ = 	snop  }
0x7: {  	_ = 	snop  }
__scs_overlays_trampoline_lowered:
0x8: {  	[smem:$0x3FAC] =	sst s0  }
0x9: {  	[smem:$0x3FAD] =	sst s1  }
0xa: {  	[smem:$0x3FAE] =	sst s2  }
0xb: {  	[smem:$0x3FAF] =	sst s3  }
0xc: {  	[smem:$0x3FB0] =	sst s4  }
0xd: {  	[smem:$0x3FB1] =	sst s5  }
0xe: {  	[smem:$0x3FB2] =	sst s6  }
0xf: {  	[smem:$0x3FB3] =	sst s7  }
0x10: {  	[smem:$0x3FB4] =	sst s8  }
0x11: {  	[smem:$0x3FB5] =	sst s9;
	s0 =	simm.s32 @!p0 $0x0  }
0x12: {  	s1 =	sld [smem:$0x3F9B];
	s0 =	simm.s32 @p0 $0x1  }
0x13: {  	[smem:$0x3FB6] =	sst s0;
	s0 =	simm.s32 @!p1 $0x0  }
0x14: {  	s2 =	sld [smem:$0x3F9A];
	s0 =	simm.s32 @p1 $0x1  }
0x15: {  	[smem:$0x3FB7] =	sst s0;
	s0 =	simm.s32 @!p2 $0x0  }
0x16: {  	s3 =	sld [smem:$0x3FDB];
	s0 =	simm.s32 @p2 $0x1  }
0x17: {  	s4 =	simm.s32 $0x1BF5;
	[smem:$0x3FB9] =	sst s0  }
0x18: {  	s0 =	sld [smem:$0x3F9C];
	_ =	swait.ge [sflag:s4], $0x0  }
0x19: {  	s7 =	sld [smem:$0x3F9D]  }
0x1a: {  	s8 =	sadd.s32 $0xFFFFE003, lr  }
0x1b: {  	s9 =	sadd.s32 $0xFFFFFEF7, lr;
	s5 =	simm.s32 $0xFFFFFFFF;
	p2 =	slt.u32 s8, $0xFFFFF086  }
0x1c: {  	p1 =	slt.u32 s9, $0xF7A;
	s5 =	simm.s32 @!p2 $0x0  }
0x1d: {  	s5 =	simm.s32 @p1 $0x1;
	p0 =	seq.s32 s7, s2  }
0x1e: {  	s7 =	smul.u32 @!p0 $0xF7A, s2;
	p2 =	seq.s32 @!p0 s5, $0x0  }
0x1f: {  	s9 =	smul.u32 $0xF7A, s1;
	s8 =	simm.s32 @!p0 $0x1BF5;
	p2 =	por !p2, p0  }
0x20: {  	[sflag:s8] =	ssyncset.s32 @!p0 $0xFFFFF086;
	s6 =	sadd.s32 @!p0 s3, s7;
	s7 =	simm.s32 @!p0 $0x108  }
0x21: {  	s3 =	sadd.s32 s3, s9;
	s6 =	sadd.s32 @!p0 $0x88, s6;
	s7 =	simm.s32 @p2 $0x1082  }
0x22: {  	[simem:s7], [sflag:s8] =	dma.local @!p0 [hbm:s6], $0xF7A  }
0x23: {  	s9 =	sor.u32 $0xD0000000, s2;
	s6 =	simm.s32 $0x108;
	_ =	swait.ge @!p0 [sflag:s8], $0x0  }
0x24: {  	s3 =	sadd.s32 $0x88, s3;
	s6 =	simm.s32 @!p1 $0x1082;
	[sflag:s4] =	ssyncset.s32 $0xFFFFF086  }
0x25: {  	[simem:s6], [sflag:s4] =	dma.local [hbm:s3], $0xF7A  }
0x26: {  	[smem:$0x3F9D] =	sst s1;
	(tag) =	ssettag s2;
	_ =	strace s9  }
0x27: {  	s1 =	sld [smem:$0x3FAD]  }
0x28: {  	s2 =	sld [smem:$0x3FAE]  }
0x29: {  	s4 =	sld [smem:$0x3FB0]  }
0x2a: {  	p0 =	seq.s32 s5, $0x0;
	s5 =	sld [smem:$0x3FB1]  }
0x2b: {  	s6 =	sld [smem:$0x3FB2]  }
0x2c: {  	s7 =	sld [smem:$0x3FB3]  }
0x2d: {  	s3 =	simm.s32 $0x108;
	s8 =	sld [smem:$0x3FB4]  }
0x2e: {  	s3 =	simm.s32 @!p0 $0x1082;
	s9 =	sld [smem:$0x3FB5]  }
0x2f: {  	lr =	sadd.s32 s0, s3;
	s0 =	sld [smem:$0x3FAC]  }
0x30: {  	s3 =	sld [smem:$0x3FAF]  }
0x31: {  	[smem:$0x3FB8] =	sst s10  }
0x32: {  	s10 =	sld [smem:$0x3FB6];
	_ =	sdelay $0x3  }
0x33: {  	p0 =	seq.s32 s10, $0x1;
	s10 =	sld [smem:$0x3FB8];
	_ =	sdelay $0x3  }
0x34: {  	[smem:$0x3FB8] =	sst s10  }
0x35: {  	s10 =	sld [smem:$0x3FB7];
	_ =	sdelay $0x3  }
0x36: {  	p1 =	seq.s32 s10, $0x1;
	s10 =	sld [smem:$0x3FB8];
	_ =	sdelay $0x3  }
0x37: {  	[smem:$0x3FB8] =	sst s10  }
0x38: {  	s10 =	sld [smem:$0x3FB9]  }
0x39: {  	_ = 	snop;
	(pc) =	sbr.ind lr, $3  }
0x3a: {  	_ = 	snop  }
0x3b: {  	_ = 	snop  }
0x3c: {  	p2 =	seq.s32 s10, $0x1;
	s10 =	sld [smem:$0x3FB8]  }
0x3d: {  	_ =	shalt  }
0x3e: {  	_ =	shalt  }
0x3f: {  	_ =	shalt  }
0x40: {  	_ =	shalt  }
0x41: {  	_ =	shalt  }
0x42: {  	_ =	shalt  }
0x43: {  	_ =	shalt  }
0x44: {  	_ =	shalt  }
0x45: {  	_ =	shalt  }
0x46: {  	_ =	shalt  }
0x47: {  	_ =	shalt  }
0x48: {  	_ =	shalt  }
0x49: {  	_ =	shalt  }
0x4a: {  	_ =	shalt  }
0x4b: {  	_ =	shalt  }
0x4c: {  	_ =	shalt  }
0x4d: {  	_ =	shalt  }
0x4e: {  	_ =	shalt  }
0x4f: {  	_ =	shalt  }
0x50: {  	_ =	shalt  }
0x51: {  	_ =	shalt  }
0x52: {  	_ =	shalt  }
0x53: {  	_ =	shalt  }
0x54: {  	_ =	shalt  }
0x55: {  	_ =	shalt  }
0x56: {  	_ =	shalt  }
0x57: {  	_ =	shalt  }
0x58: {  	_ =	shalt  }
0x59: {  	_ =	shalt  }
0x5a: {  	_ =	shalt  }
0x5b: {  	_ =	shalt  }
0x5c: {  	_ =	shalt  }
0x5d: {  	_ =	shalt  }
0x5e: {  	_ =	shalt  }
0x5f: {  	_ =	shalt  }
0x60: {  	_ =	shalt  }
0x61: {  	_ =	shalt  }
0x62: {  	_ =	shalt  }
0x63: {  	_ =	shalt  }
0x64: {  	_ =	shalt  }
0x65: {  	_ =	shalt  }
0x66: {  	_ =	shalt  }
0x67: {  	_ =	shalt  }
0x68: {  	_ =	shalt  }
0x69: {  	_ =	shalt  }
0x6a: {  	_ =	shalt  }
0x6b: {  	_ =	shalt  }
0x6c: {  	_ =	shalt  }
0x6d: {  	_ =	shalt  }
0x6e: {  	_ =	shalt  }
0x6f: {  	_ =	shalt  }
0x70: {  	_ =	shalt  }
0x71: {  	_ =	shalt  }
0x72: {  	_ =	shalt  }
0x73: {  	_ =	shalt  }
0x74: {  	_ =	shalt  }
0x75: {  	_ =	shalt  }
0x76: {  	_ =	shalt  }
0x77: {  	_ =	shalt  }
0x78: {  	_ =	shalt  }
0x79: {  	_ =	shalt  }
0x7a: {  	_ =	shalt  }
0x7b: {  	_ =	shalt  }
0x7c: {  	_ =	shalt  }
0x7d: {  	_ =	shalt  }
0x7e: {  	_ =	shalt  }
0x7f: {  	_ =	shalt  }
0x80: {  	_ =	shalt  }
0x81: {  	_ =	shalt  }
0x82: {  	_ =	shalt  }
0x83: {  	_ =	shalt  }
0x84: {  	_ =	shalt  }
0x85: {  	_ =	shalt  }
0x86: {  	_ =	shalt  }
0x87: {  	_ =	shalt  }
.Lfunc_end0:
.L_simem_size_0:
called_computation_lowered:
.L_overlay_start_0:
0x88: {  	s2 =	sld [smem:$0x3FD9]  }
0x89: {  	s3 =	sld [smem:$0x3FFE];
	_ =	sdelay $0x1  }
0x8a: {  	s1 =	srdreg.scid  }
0x8b: {  	s0 =	sand.u32 $0x1, s1  }
0x8c: {  	s17 =	sshll.u32 s0, $0xA;
	s2 =	sadd.s32 s3, s2  }
0x8d: {  	s2 =	sadd.s32 s2, s17  }
0x8e: {  	[smem:$0x3FC4] =	sst s2  }
0x8f: {  	_ = 	snop  }
0x90: {  	s2 =	sld [smem:$0x3FC9]  }
0x91: {  	s18 =	sld [smem:$0x3FC8]  }
0x92: {  	s4 =	sld [smem:$0x3FD0];
	(tm) =	ssettm $0x1  }
0x93: {  	s5 =	sld [smem:$0x3FFB];
	_ =	sdelay $0x3  }
0x94: {  	_ =	strace s5  }
0x95: {  	s5 =	sld [smem:$0x3FFC];
	_ =	sdelay $0x3  }
0x96: {  	_ =	strace s5  }
0x97: {  	s5 =	sld [smem:$0x3FFD];
	_ =	sdelay $0x3  }
0x98: {  	_ =	strace s5  }
0x99: {  	_ =	strace $0x8FFFFFFF  }
0x9a: {  	s19 =	sld [smem:$0x3FDB];
	_ =	sdelay $0x1  }
0x9b: {  	s6 =	simm.s32 $_scs_section_size  }
0x9c: {  	s7 =	simm.s32 $_size__tile_overlayer_lowered;
	s8 =	simm.s32 $_tile_overlayer_lowered  }
0x9d: {  	s22 =	simm.s32 $0x1BFF;
	s21 =	sshll.u32 s8, $0x1;
	s5 =	sadd.s32 s6, s19  }
0x9e: {  	s9 =	simm.s32 $0x0;
	s20 =	sshll.u32 s7, $0x1;
	s7 =	sadd.s32 s21, s5  }
0x9f: {  	[timem:s9], [sflag:s22] =	dma.local [hbm:s7], s20  }
0xa0: {  	_ =	swait.ge [sflag:s22], s20  }
0xa1: {  	s6 =	ssub.s32 $0x0, s20;
	[sflag:s22] =	ssyncset.done $0x0  }
0xa2: {  	[sflag:s22] =	ssyncadd.s32 s6;
	_ =	sdelay $0x1  }
0xa3: {  	s23 =	simm.s32 $0x1B8B  }
0xa4: {  	_ =	swait.ge [sflag:s23], $0x1  }
0xa5: {  	[sflag:s23] =	ssyncset.done $0x0  }
0xa6: {  	s25 =	simm.s32 $0x1B8E;
	s24 =	sld [smem:$0x3FFE];
	[sflag:s23] =	ssyncadd.s32 $0xFFFFFFFF  }
0xa7: {  	s26 =	simm.s32 $execute0_lowered;
	[smem:$0x3FD2] =	sst s25  }
0xa8: {  	s7 =	sshll.u32 s26, $0x1;
	_ =	strace $0x80000046;
	[dreg:$0x1] =	wrdreg $0xFFFFFFFF  }
0xa9: {  	s28 =	simm.s32 $_size_execute0_lowered;
	s5 =	sadd.s32 s5, s7;
	[dreg:$0x0] =	wrdreg $0x0  }
0xaa: {  	s7 =	sshll.u32 s28, $0x1;
	[dreg:$0x2] =	wrdreg s5  }
0xab: {  	[dreg:$0x3] =	wrdreg s7  }
0xac: {  	[dreg:$0x4] =	wrdreg $0xC0  }
0xad: {  	_ =	task [dreg:s9], $0x5FFFF  }
0xae: {  	[dreg:$0x1] =	wrdreg $0xFFFFFFFF  }
0xaf: {  	[dreg:$0x0] =	wrdreg $0x60  }
0xb0: {  	[dreg:$0x2] =	wrdreg s2  }
0xb1: {  	[dreg:$0x3] =	wrdreg s18  }
0xb2: {  	[dreg:$0x4] =	wrdreg s4  }
0xb3: {  	[dreg:$0x5] =	wrdreg s24  }
0xb4: {  	[dreg:$0x6] =	wrdreg $0x9  }
0xb5: {  	_ =	task.clear_ibuf [dreg:s9], $0x7FFFF;
	_ =	strace $0x90000046  }
0xb6: {  	s29 =	simm.s32 $0x9;
	_ =	strace $0x80000048  }
0xb7: {  	_ =	swait.ge [sflag:s29], $0x1  }
0xb8: {  	[sflag:s29] =	ssyncadd.s32 $0xFFFFFFFF  }
0xb9: {  	_ =	strace $0x90000048  }
0xba: {  	_ =	sfence  }
0xbb: {  	s30 =	sld [smem:$0x0];
	_ =	sdelay $0x2  }
0xbc: {  	s31 =	sshll.u32 s1, $0xD;
	s1 =	sshrl.u32 s1, $0x2  }
0xbd: {  	s3 =	sand.u32 $0x4000, s31;
	s1 =	sadd.s32 s1, s30  }
0xbe: {  	s0 =	sor.u32 s3, s0;
	s1 =	sshll.u32 s1, $0x11  }
0xbf: {  	s0 =	sor.u32 s1, s0  }
0xc0: {  	s0 =	sadd.s32 $0x8F2B, s0  }
0xc1: {  	[sflag:s0] =	ssyncadd.remote.s32 $0x1  }
0xc2: {  	_ =	sfence.sel $0xFFFF  }
0xc3: {  	[dreg:$0x0] =	wrdreg $0xFFFFFFFF;
	(pc) =	sbr.abs _section_cstart, $3  }
0xc4: {  	[dreg:$0x1] =	wrdreg $0xFFFFFFFF  }
0xc5: {  	_ =	task.clear_ibuf [dreg:s9], $0x2FFFF;
	_ =	strace $0x9FFFFFFF  }
0xc6: {  	(tm) =	ssettm $0x7FFFFFFF  }
0xc7: {  	_ =	shalt  }
tec
execute0_lowered:
.L_overlay_start_1:
0x0: {  	(tag) =	ssettag $0x1  }
0x1: {  	s1 =	rddreg [dreg:$0x0]  }
0x2: {  	s2 =	rddreg [dreg:$0x1]  }
0x3: {  	s0 =	rddreg [dreg:$0x3]  }
0x4: {  	s3 =	srdreg.scid;
	s4 =	stileid.u32;
	s5 =	simm.s32 $0x0  }
0x5: {  	s16 =	simm.s32 $0x5;
	s19 =	simm.s32 $0x4000;
	s20 =	simm.s32 $0xC000  }
0x6: {  	s21 =	simm.s32 $0x1;
	s22 =	simm.s32 $0x3;
	s23 =	simm.s32 $0x2  }
0x7: {  	s24 =	simm.s32 $0x4;
	s3 =	sand.u32 $0x1, s3;
	s4 =	sshll.u32 s4, $0x1  }
0x8: {  	s26 =	simm.s32 $0x0;
	[smem:$0x7FF] =	sst s5;
	s4 =	sor.u32 s3, s4  }
0x9: {  	s6 =	sadd.s32 $0x800, s0;
	_ =	strace $0x80000047;
	s12 =	smul.u32 $0xB000, s4  }
0xa: {  	s3 =	ssub.s32 $0x2, s3;
	s7 =	sshll.u32 s4, $0x4;
	s4 =	smul.u32 $0x58000, s4  }
.Ltmp0:
0xb: {  	s31 =	sshrl.u32 s3, $0x1;
	s0 =	sadd.s32 s7, s0;
	(pc) =	sbr.rel .LBB2_1-.Ltmp0, $4  }
0xc: {  	s3 =	ssub.s32 s3, s31;
	s8 =	sadd.s32 $0x2A0000, s12;
	s4 =	sshrl.u32 s4, $0x3  }
0xd: {  	s11 =	sadd.s32 $0x2A1000, s12;
	s12 =	sadd.s32 $0x2A1800, s12;
	s13 =	sadd.s32 $0xA00, s0  }
0xe: {  	s14 =	smax.u32 s3, $0x1;
	s7 =	sadd.s32 s1, s8;
	s4 =	sadd.s32 $0x2A0800, s4  }
0xf: {  	s8 =	sadd.s32 s2, s8;
	s9 =	sadd.s32 s1, s4;
	s10 =	sadd.s32 s2, s4  }
.LBB2_8:
0x10: {  	v0 =	vmul.f32 v12, v6;
	v2 =	vmul.f32 v13, v7;
	_ =	sdelay $0x1  }
0x11: {  	v62 =	vmul.f32 v11, v3;
	v0 =	vadd.f32 v2, v0;
	_ =	sdelay $0x1  }
0x12: {  	v1 =	vmul.f32 v10, v1;
	v0 =	vadd.f32 v62, v0;
	_ =	sdelay $0x1  }
0x13: {  	v63 =	vmul.f32 v9, v4;
	v0 =	vadd.f32 v1, v0;
	_ =	sdelay $0x1  }
0x14: {  	s26 =	sadd.s32 $0x1, s26;
	v0 =	vadd.f32 v63, v0  }
0x15: {  	p0 =	sne.s32 s26, s14  }
.Ltmp1:
0x16: {  	s0 =	simm.s32 $0x10100;
	[tilespmem:$0x10100] =	vst v0;
	(pc) =	sbr.rel @!p0 .LBB2_9-.Ltmp1, $4  }
0x17: {  	[hbm4b:s13+s5] =	stream.linear.scatter [tilespmem:s0], [sflag:$0x5], $0x80, $0x38;
	[tilespmem:$0x10180] =	vst v63  }
0x18: {  	_ =	swait.ge [sflag:s16], $0x80  }
0x19: {  	[sflag:s16] =	ssyncset.done $0x0  }
0x1a: {  	[sflag:s16] =	ssyncadd.s32 $0xFFFFFF80  }
.LBB2_1:
0x1b: {  	s0 =	rddreg [dreg:$0x2];
	s3 =	simm.s32 $0x10000  }
0x1c: {  	[tilespmem:s3], [sflag:$0x5] =	stream.linear.gather [hbm4b:s0+s5], $0x80, $0x38;
	[tilespmem:$0x10180] =	vst v63  }
0x1d: {  	_ =	swait.ge [sflag:s16], $0x80  }
0x1e: {  	[sflag:s16] =	ssyncset.done $0x0  }
0x1f: {  	s30 =	simm.s32 $0x10080;
	[sflag:s16] =	ssyncadd.s32 $0xFFFFFF80  }
0x20: {  	[tilespmem:s30], [sflag:$0x5] =	stream.linear.gather [hbm4b:s6+s5], $0x80, $0x38;
	[tilespmem:$0x10180] =	vst v63  }
0x21: {  	_ =	swait.ge [sflag:s16], $0x80  }
0x22: {  	[sflag:s16] =	ssyncset.done $0x0  }
0x23: {  	[sflag:s16] =	ssyncadd.s32 $0xFFFFFF80  }
0x24: {  	[tilespmem:s5], [sflag:$0x1] =	stream.linear.gather [hbm4b:s7+s5], $0x4000, $0x38;
	[tilespmem:$0x10180] =	vst v63  }
0x25: {  	s31 =	simm.s32 $0x8000  }
0x26: {  	[tilespmem:s31], [sflag:$0x3] =	stream.linear.gather [hbm4b:s8+s5], $0x4000, $0x38;
	[tilespmem:$0x10180] =	vst v63  }
0x27: {  	_ = 	snop  }
0x28: {  	[tilespmem:s19], [sflag:$0x2] =	stream.linear.gather [hbm4b:s9+s5], $0x4000, $0x38;
	[tilespmem:$0x10180] =	vst v63  }
0x29: {  	_ = 	snop  }
0x2a: {  	[tilespmem:s20], [sflag:$0x4] =	stream.linear.gather [hbm4b:s10+s5], $0x4000, $0x38;
	[tilespmem:$0x10180] =	vst v63  }
0x2b: {  	v0 =	vld [tilespmem:$0x10000]  }
0x2c: {  	v2 =	vld [tilespmem:$0x10010]  }
0x2d: {  	v5 =	vld [tilespmem:$0x10020]  }
0x2e: {  	v6 =	vld [tilespmem:$0x10080]  }
0x2f: {  	v7 =	vld [tilespmem:$0x10090]  }
0x30: {  	v8 =	vld [tilespmem:$0x10030]  }
0x31: {  	v3 =	vld [tilespmem:$0x100A0]  }
0x32: {  	v9 =	vimm.f32 $0.0e+00;
	v10 =	vimm.f32 $0.0e+00;
	v1 =	vld [tilespmem:$0x100B0]  }
0x33: {  	v11 =	vimm.f32 $0.0e+00;
	v13 =	vimm.f32 $0.0e+00;
	v12 =	vimm.f32 $0.0e+00;
	s28 =	simm.s32 $0x0;
	v4 =	vld [tilespmem:$0x100C0]  }
.LBB2_2:
0x34: {  	_ =	swait.ge [sflag:s21], $0x4000  }
0x35: {  	[sflag:s21] =	ssyncset.done $0x0  }
0x36: {  	[sflag:s21] =	ssyncadd.s32 $0xFFFFC000  }
0x37: {  	_ =	swait.ge [sflag:s22], $0x4000  }
0x38: {  	s29 =	simm.s32 $0x0;
	s30 =	simm.s32 $0xFFFFC000;
	[sflag:s22] =	ssyncset.done $0x0  }
0x39: {  	s31 =	simm.s32 $0x0;
	s0 =	simm.s32 $0x0;
	[sflag:s22] =	ssyncadd.s32 $0xFFFFC000  }
.LBB2_3:
0x3a: {  	s3 =	sadd.s32 $0x4000, s30  }
0x3b: {  	s4 =	sand.u32 $0x380, s0;
	s3 =	sand.u32 $0x2000, s3  }
0x3c: {  	s3 =	sor.u32 s4, s3  }
0x3d: {  	v14 =	vld [tilespmem:s3+$0x0]  }
0x3e: {  	v15 =	vld [tilespmem:s3+$0x10]  }
0x3f: {  	v16 =	vld [tilespmem:s3+$0x20]  }
0x40: {  	v17 =	vld [tilespmem:s3+$0x30]  }
0x41: {  	v18 =	vld [tilespmem:s3+$0x8000]  }
0x42: {  	v19 =	vld [tilespmem:s3+$0x8010]  }
0x43: {  	v20 =	vld [tilespmem:s3+$0x8020]  }
0x44: {  	v21 =	vld [tilespmem:s3+$0x8030];
	_ =	sdelay $0x3  }
0x45: {  	v43 =	vld [tilespmem:s3+$0x70];
	v14 =	vsub.f32 v14, v18;
	v15 =	vsub.f32 v15, v19  }
0x46: {  	v48 =	vld [tilespmem:s3+$0x8070];
	v16 =	vsub.f32 v16, v20;
	v17 =	vsub.f32 v17, v21;
	vm0 =	vge.f32 v18, v0  }
0x47: {  	v31 =	vld [tilespmem:s3+$0x50];
	vm14 =	vge.f32 v19, v0;
	vm1 =	vge.f32 v20, v0;
	vm15 =	vge.f32 v21, v0  }
0x48: {  	v45 =	vld [tilespmem:s3+$0x8050];
	vm4 =	vge.f32 v18, v2;
	vm5 =	vge.f32 v19, v2;
	vm6 =	vge.f32 v20, v2  }
0x49: {  	vm7 =	vge.f32 v21, v2;
	vm8 =	vge.f32 v18, v5;
	vm9 =	vge.f32 v19, v5  }
0x4a: {  	vm10 =	vge.f32 v20, v5;
	vm11 =	vge.f32 v21, v5;
	vm12 =	vge.f32 v18, v8  }
0x4b: {  	v51 =	vsub.f32 v43, v48;
	v14 =	vmul.f32 v14, v14;
	v15 =	vmul.f32 v15, v15  }
0x4c: {  	vm13 =	vge.f32 v19, v8;
	v16 =	vmul.f32 v16, v16;
	v17 =	vmul.f32 v17, v17  }
0x4d: {  	v50 =	vsub.f32 v31, v45;
	v18 =	vmul.f32 v51, v51;
	v22 =	vadd.f32 v15, v14  }
0x4e: {  	v44 =	vld [tilespmem:s3+$0x8040];
	v23 =	vadd.f32 v17, v16;
	v24 =	vnsel vm0, $0x0, v14;
	v25 =	vnsel vm14, $0x0, v15  }
0x4f: {  	v47 =	vld [tilespmem:s3+$0x8060];
	v26 =	vnsel vm1, $0x0, v16;
	v27 =	vnsel vm15, $0x0, v17;
	v28 =	vnsel vm4, $0x0, v14  }
0x50: {  	v29 =	vnsel vm5, $0x0, v15;
	v36 =	vnsel vm6, $0x0, v16;
	v37 =	vnsel vm7, $0x0, v17  }
0x51: {  	v38 =	vnsel vm8, $0x0, v14;
	v39 =	vnsel vm9, $0x0, v15;
	v40 =	vnsel vm10, $0x0, v16  }
0x52: {  	v41 =	vnsel vm11, $0x0, v17;
	v14 =	vnsel vm12, $0x0, v14;
	v15 =	vnsel vm13, $0x0, v15  }
0x53: {  	vm14 =	vge.f32 v20, v8;
	vm15 =	vge.f32 v21, v8;
	vm4 =	vge.f32 v44, v0  }
0x54: {  	v63 =	vld [tilespmem:s3+$0x410];
	vm5 =	vge.f32 v45, v0;
	vm6 =	vge.f32 v47, v0;
	vm7 =	vge.f32 v48, v0  }
0x55: {  	v43 =	vld [tilespmem:s3+$0x8410];
	vm8 =	vge.f32 v44, v2;
	vm9 =	vge.f32 v45, v2;
	vm10 =	vge.f32 v47, v2  }
0x56: {  	vm11 =	vge.f32 v48, v2;
	vm12 =	vge.f32 v44, v5;
	v24 =	vadd.f32 v25, v24  }
0x57: {  	vm13 =	vge.f32 v45, v5;
	v26 =	vadd.f32 v27, v26;
	v28 =	vadd.f32 v29, v28  }
0x58: {  	v16 =	vnsel vm14, $0x0, v16;
	v46 =	vadd.f32 v41, v40;
	v17 =	vnsel vm15, $0x0, v17  }
0x59: {  	v30 =	vld [tilespmem:s3+$0x40];
	v14 =	vadd.f32 v15, v14;
	v57 =	vnsel vm7, $0x0, v18;
	vm15 =	vge.f32 v48, v5  }
0x5a: {  	vm7 =	vge.f32 v48, v8;
	v48 =	vsub.f32 v63, v43;
	v22 =	vadd.f32 v23, v22  }
0x5b: {  	v62 =	vnsel vm11, $0x0, v18;
	v23 =	vadd.f32 v37, v36;
	v15 =	vadd.f32 v17, v16  }
0x5c: {  	v42 =	vld [tilespmem:s3+$0x60];
	v17 =	vmul.f32 v50, v50;
	v24 =	vadd.f32 v26, v24;
	v12 =	vadd.f32 v22, v12  }
0x5d: {  	vm14 =	vge.f32 v47, v5;
	v23 =	vadd.f32 v23, v28;
	v22 =	vadd.f32 v39, v38  }
0x5e: {  	v14 =	vadd.f32 v15, v14;
	v15 =	vsub.f32 v30, v44;
	v53 =	vnsel vm5, $0x0, v17  }
0x5f: {  	v59 =	vnsel vm9, $0x0, v17;
	v38 =	vnsel vm13, $0x0, v17;
	vm5 =	vge.f32 v45, v8  }
0x60: {  	v32 =	vld [tilespmem:s3+$0x8400];
	vm9 =	vge.f32 v43, v0;
	vm13 =	vge.f32 v43, v2;
	v49 =	vadd.f32 v46, v22  }
0x61: {  	v9 =	vadd.f32 v14, v9;
	v14 =	vmul.f32 v15, v15;
	v15 =	vsub.f32 v42, v47  }
0x62: {  	v39 =	vld [tilespmem:s3+$0x430];
	v13 =	vadd.f32 v24, v13;
	v11 =	vadd.f32 v23, v11;
	v42 =	vnsel vm15, $0x0, v18  }
0x63: {  	v45 =	vld [tilespmem:s3+$0x8430];
	v10 =	vadd.f32 v49, v10;
	v15 =	vmul.f32 v15, v15;
	v52 =	vnsel vm4, $0x0, v14  }
0x64: {  	v54 =	vadd.f32 v17, v14;
	v58 =	vnsel vm8, $0x0, v14;
	v36 =	vnsel vm12, $0x0, v14  }
0x65: {  	vm4 =	vge.f32 v44, v8;
	v17 =	vnsel vm5, $0x0, v17;
	vm8 =	vge.f32 v32, v0  }
0x66: {  	v61 =	vld [tilespmem:s3+$0x400];
	vm12 =	vge.f32 v32, v2;
	vm5 =	vge.f32 v43, v5;
	v19 =	vadd.f32 v53, v52  }
0x67: {  	v22 =	vadd.f32 v59, v58;
	v26 =	vadd.f32 v38, v36;
	v14 =	vnsel vm4, $0x0, v14  }
0x68: {  	v50 =	vsub.f32 v39, v45;
	vm11 =	vge.f32 v45, v0;
	vm15 =	vge.f32 v45, v2  }
0x69: {  	vm4 =	vge.f32 v32, v5;
	v55 =	vnsel vm6, $0x0, v15;
	v56 =	vadd.f32 v18, v15  }
0x6a: {  	v37 =	vld [tilespmem:s3+$0x420];
	v60 =	vnsel vm10, $0x0, v15;
	v40 =	vnsel vm14, $0x0, v15;
	vm6 =	vge.f32 v47, v8  }
0x6b: {  	v44 =	vld [tilespmem:s3+$0x8420];
	v47 =	vsub.f32 v61, v32;
	v18 =	vnsel vm7, $0x0, v18;
	v14 =	vadd.f32 v17, v14  }
0x6c: {  	v17 =	vmul.f32 v48, v48;
	v24 =	vadd.f32 v57, v55;
	v15 =	vnsel vm6, $0x0, v15  }
0x6d: {  	v33 =	vld [tilespmem:s3+$0x460];
	vm7 =	vge.f32 v45, v5;
	v23 =	vadd.f32 v56, v54;
	v15 =	vadd.f32 v18, v15  }
0x6e: {  	v39 =	vld [tilespmem:s3+$0x8460];
	v16 =	vmul.f32 v47, v47;
	v52 =	vnsel vm9, $0x0, v17;
	v55 =	vnsel vm13, $0x0, v17  }
0x6f: {  	v38 =	vld [tilespmem:s3+$0x8450];
	v61 =	vnsel vm5, $0x0, v17;
	vm9 =	vge.f32 v43, v8;
	v19 =	vadd.f32 v24, v19  }
0x70: {  	v24 =	vadd.f32 v62, v60;
	v49 =	vsub.f32 v37, v44;
	vm10 =	vge.f32 v44, v0  }
0x71: {  	vm14 =	vge.f32 v44, v2;
	vm6 =	vge.f32 v44, v5;
	v12 =	vadd.f32 v23, v12  }
0x72: {  	v51 =	vnsel vm8, $0x0, v16;
	v14 =	vadd.f32 v15, v14;
	v54 =	vadd.f32 v17, v16  }
0x73: {  	v59 =	vnsel vm4, $0x0, v16;
	vm8 =	vge.f32 v32, v8;
	v43 =	vsub.f32 v33, v39  }
0x74: {  	vm13 =	vge.f32 v38, v0;
	v13 =	vadd.f32 v19, v13;
	v41 =	vadd.f32 v24, v22  }
0x75: {  	v60 =	vld [tilespmem:s3+$0x440];
	vm5 =	vge.f32 v38, v2;
	v22 =	vadd.f32 v42, v40;
	v23 =	vadd.f32 v52, v51  }
0x76: {  	v37 =	vld [tilespmem:s3+$0x8440];
	v18 =	vmul.f32 v49, v49;
	v21 =	vadd.f32 v61, v59;
	v9 =	vadd.f32 v14, v9  }
0x77: {  	v14 =	vnsel vm12, $0x0, v16;
	v11 =	vadd.f32 v41, v11;
	v46 =	vadd.f32 v22, v26  }
0x78: {  	v22 =	vmul.f32 v50, v50;
	v15 =	vnsel vm10, $0x0, v18;
	v57 =	vnsel vm14, $0x0, v18  }
0x79: {  	v36 =	vld [tilespmem:s3+$0x470];
	v63 =	vnsel vm6, $0x0, v18;
	v14 =	vadd.f32 v55, v14;
	vm10 =	vge.f32 v44, v8  }
0x7a: {  	v40 =	vld [tilespmem:s3+$0x8470];
	vm14 =	vge.f32 v39, v0;
	vm6 =	vge.f32 v39, v2;
	v41 =	vnsel vm10, $0x0, v18  }
0x7b: {  	v42 =	vsub.f32 v60, v37;
	vm12 =	vge.f32 v37, v0;
	vm4 =	vge.f32 v37, v2  }
0x7c: {  	vm10 =	vge.f32 v39, v5;
	v10 =	vadd.f32 v46, v10;
	v53 =	vnsel vm11, $0x0, v22  }
0x7d: {  	v56 =	vadd.f32 v22, v18;
	v58 =	vnsel vm15, $0x0, v22;
	v35 =	vnsel vm7, $0x0, v22  }
0x7e: {  	vm11 =	vge.f32 v45, v8;
	v15 =	vadd.f32 v53, v15;
	v25 =	vadd.f32 v58, v57  }
0x7f: {  	v19 =	vnsel vm11, $0x0, v22;
	v18 =	vmul.f32 v42, v42;
	v44 =	vsub.f32 v36, v40  }
0x80: {  	vm15 =	vge.f32 v40, v0;
	vm7 =	vge.f32 v40, v2;
	v26 =	vadd.f32 v56, v54  }
0x81: {  	vm11 =	vge.f32 v40, v5;
	v15 =	vadd.f32 v15, v23;
	v23 =	vadd.f32 v35, v63  }
0x82: {  	v36 =	vld [tilespmem:s3+$0x8830];
	v14 =	vadd.f32 v25, v14;
	v45 =	vnsel vm12, $0x0, v18;
	v20 =	vmul.f32 v44, v44  }
0x83: {  	v51 =	vnsel vm4, $0x0, v18;
	v12 =	vadd.f32 v26, v12;
	v13 =	vadd.f32 v15, v13  }
0x84: {  	vm12 =	vge.f32 v37, v8;
	v15 =	vadd.f32 v23, v21;
	v11 =	vadd.f32 v14, v11  }
0x85: {  	v62 =	vld [tilespmem:s3+$0x450];
	v14 =	vnsel vm8, $0x0, v16;
	v49 =	vnsel vm15, $0x0, v20;
	v53 =	vnsel vm7, $0x0, v20  }
0x86: {  	vm8 =	vge.f32 v37, v5;
	v59 =	vnsel vm11, $0x0, v20;
	vm15 =	vge.f32 v40, v8  }
0x87: {  	v61 =	vld [tilespmem:s3+$0x830];
	v54 =	vnsel vm8, $0x0, v18;
	vm7 =	vge.f32 v36, v0;
	v10 =	vadd.f32 v15, v10  }
0x88: {  	v15 =	vnsel vm9, $0x0, v17;
	v17 =	vadd.f32 v19, v41;
	v19 =	vmul.f32 v43, v43  }
0x89: {  	vm11 =	vge.f32 v36, v2;
	vm9 =	vge.f32 v38, v5;
	v14 =	vadd.f32 v15, v14  }
0x8a: {  	v15 =	vsub.f32 v62, v38;
	v47 =	vnsel vm14, $0x0, v19;
	v50 =	vadd.f32 v20, v19  }
0x8b: {  	v52 =	vnsel vm6, $0x0, v19;
	v57 =	vnsel vm10, $0x0, v19;
	vm14 =	vge.f32 v39, v8  }
0x8c: {  	v63 =	vld [tilespmem:s3+$0x8810];
	v20 =	vnsel vm15, $0x0, v20;
	v39 =	vsub.f32 v61, v36;
	v15 =	vmul.f32 v15, v15  }
0x8d: {  	v56 =	vld [tilespmem:s3+$0x800];
	v14 =	vadd.f32 v17, v14;
	v17 =	vadd.f32 v49, v47;
	v19 =	vnsel vm14, $0x0, v19  }
0x8e: {  	v62 =	vld [tilespmem:s3+$0x8800];
	vm15 =	vge.f32 v36, v5;
	v23 =	vadd.f32 v53, v52;
	v35 =	vadd.f32 v20, v19  }
0x8f: {  	v20 =	vmul.f32 v39, v39;
	v46 =	vnsel vm13, $0x0, v15;
	v48 =	vadd.f32 v15, v18  }
0x90: {  	v9 =	vadd.f32 v14, v9;
	v14 =	vnsel vm5, $0x0, v15;
	v55 =	vnsel vm9, $0x0, v15  }
0x91: {  	v61 =	vld [tilespmem:s3+$0x8860];
	v18 =	vnsel vm12, $0x0, v18;
	vm13 =	vge.f32 v38, v8;
	vm5 =	vge.f32 v63, v0  }
0x92: {  	v53 =	vld [tilespmem:s3+$0x860];
	vm9 =	vge.f32 v63, v2;
	v22 =	vadd.f32 v46, v45;
	v14 =	vadd.f32 v14, v51  }
0x93: {  	v15 =	vnsel vm13, $0x0, v15;
	v34 =	vadd.f32 v55, v54;
	v37 =	vsub.f32 v56, v62  }
0x94: {  	v60 =	vld [tilespmem:s3+$0x820];
	vm4 =	vge.f32 v62, v0;
	v45 =	vnsel vm7, $0x0, v20;
	v24 =	vadd.f32 v50, v48  }
0x95: {  	v58 =	vld [tilespmem:s3+$0x810];
	vm8 =	vge.f32 v62, v2;
	v15 =	vadd.f32 v15, v18;
	v17 =	vadd.f32 v17, v22  }
0x96: {  	vm12 =	vge.f32 v62, v5;
	v14 =	vadd.f32 v23, v14;
	v22 =	vadd.f32 v59, v57;
	v23 =	vld [tilespmem:s3+$0x8820]  }
0x97: {  	vm13 =	vge.f32 v63, v5;
	v33 =	vsub.f32 v53, v61;
	v15 =	vadd.f32 v35, v15  }
0x98: {  	v49 =	vld [tilespmem:s3+$0x840];
	vm7 =	vge.f32 v36, v8;
	v11 =	vadd.f32 v14, v11;
	v14 =	vadd.f32 v22, v34  }
0x99: {  	v50 =	vnsel vm11, $0x0, v20;
	v57 =	vld [tilespmem:s3+$0x8840];
	v12 =	vadd.f32 v24, v12;
	v13 =	vadd.f32 v17, v13  }
0x9a: {  	v9 =	vadd.f32 v15, v9;
	v15 =	vmul.f32 v37, v37;
	v10 =	vadd.f32 v14, v10  }
0x9b: {  	v59 =	vnsel vm15, $0x0, v20;
	v14 =	vsub.f32 v58, v63;
	v38 =	vsub.f32 v60, v23  }
0x9c: {  	v40 =	vnsel vm4, $0x0, v15;
	vm6 =	vge.f32 v23, v0;
	v46 =	vnsel vm8, $0x0, v15  }
0x9d: {  	vm10 =	vge.f32 v23, v2;
	v52 =	vnsel vm12, $0x0, v15;
	vm14 =	vge.f32 v23, v5  }
0x9e: {  	vm4 =	vge.f32 v62, v8;
	v28 =	vsub.f32 v49, v57;
	v14 =	vmul.f32 v14, v14  }
0x9f: {  	vm8 =	vge.f32 v57, v0;
	vm12 =	vge.f32 v57, v2;
	v18 =	vmul.f32 v38, v38  }
0xa0: {  	v51 =	vld [tilespmem:s3+$0x850];
	v19 =	vmul.f32 v28, v28;
	v41 =	vnsel vm5, $0x0, v14;
	v42 =	vadd.f32 v14, v15  }
0xa1: {  	v55 =	vld [tilespmem:s3+$0x870];
	v47 =	vnsel vm9, $0x0, v14;
	v54 =	vnsel vm13, $0x0, v14;
	v15 =	vnsel vm4, $0x0, v15  }
0xa2: {  	v60 =	vld [tilespmem:s3+$0x8850];
	vm5 =	vge.f32 v63, v8;
	vm4 =	vge.f32 v57, v5;
	v43 =	vnsel vm6, $0x0, v18  }
0xa3: {  	v62 =	vld [tilespmem:s3+$0x8870];
	v44 =	vadd.f32 v20, v18;
	v21 =	vadd.f32 v41, v40;
	v48 =	vnsel vm10, $0x0, v18  }
0xa4: {  	v22 =	vadd.f32 v47, v46;
	v56 =	vnsel vm14, $0x0, v18;
	v26 =	vadd.f32 v54, v52  }
0xa5: {  	v14 =	vnsel vm5, $0x0, v14;
	vm6 =	vge.f32 v23, v8;
	v20 =	vnsel vm7, $0x0, v20  }
0xa6: {  	v35 =	vnsel vm8, $0x0, v19;
	vm10 =	vge.f32 v61, v0;
	vm14 =	vge.f32 v61, v2  }
0xa7: {  	vm8 =	vge.f32 v57, v8;
	v25 =	vadd.f32 v45, v43;
	v14 =	vadd.f32 v14, v15  }
0xa8: {  	v18 =	vnsel vm6, $0x0, v18;
	v15 =	vsub.f32 v51, v60;
	v34 =	vsub.f32 v55, v62  }
0xa9: {  	vm9 =	vge.f32 v60, v0;
	vm11 =	vge.f32 v62, v0;
	vm13 =	vge.f32 v60, v2  }
0xaa: {  	vm15 =	vge.f32 v62, v2;
	vm5 =	vge.f32 v60, v5;
	vm6 =	vge.f32 v61, v5  }
0xab: {  	vm7 =	vge.f32 v62, v5;
	v24 =	vadd.f32 v44, v42;
	v18 =	vadd.f32 v20, v18  }
0xac: {  	v53 =	vld [tilespmem:s3+$0x8C10];
	v20 =	vmul.f32 v33, v33;
	v44 =	vnsel vm4, $0x0, v19;
	v21 =	vadd.f32 v25, v21  }
0xad: {  	v49 =	vld [tilespmem:s3+$0xC20];
	v25 =	vadd.f32 v50, v48;
	v15 =	vmul.f32 v15, v15;
	v12 =	vadd.f32 v24, v12  }
0xae: {  	v52 =	vld [tilespmem:s3+$0x8C00];
	v14 =	vadd.f32 v18, v14;
	v37 =	vnsel vm10, $0x0, v20;
	v42 =	vnsel vm14, $0x0, v20  }
0xaf: {  	v45 =	vld [tilespmem:s3+$0xC00];
	v48 =	vnsel vm6, $0x0, v20;
	vm10 =	vge.f32 v61, v8;
	v13 =	vadd.f32 v21, v13  }
0xb0: {  	v55 =	vld [tilespmem:s3+$0x8C20];
	v58 =	vadd.f32 v25, v22;
	v22 =	vadd.f32 v59, v56;
	v36 =	vnsel vm9, $0x0, v15  }
0xb1: {  	v39 =	vadd.f32 v15, v19;
	v40 =	vnsel vm13, $0x0, v15;
	v46 =	vnsel vm5, $0x0, v15  }
0xb2: {  	vm9 =	vge.f32 v60, v8;
	v17 =	vnsel vm10, $0x0, v20;
	vm13 =	vge.f32 v53, v0  }
0xb3: {  	vm4 =	vge.f32 v52, v2;
	vm5 =	vge.f32 v53, v2;
	v9 =	vadd.f32 v14, v9  }
0xb4: {  	v14 =	vnsel vm12, $0x0, v19;
	v23 =	vadd.f32 v36, v35;
	v21 =	vadd.f32 v46, v44  }
0xb5: {  	v15 =	vnsel vm9, $0x0, v15;
	v57 =	vsub.f32 v45, v52;
	v59 =	vsub.f32 v49, v55  }
0xb6: {  	v51 =	vld [tilespmem:s3+$0xC30];
	vm12 =	vge.f32 v52, v0;
	vm14 =	vge.f32 v55, v0;
	vm6 =	vge.f32 v55, v2  }
0xb7: {  	v56 =	vld [tilespmem:s3+$0x8C30];
	vm9 =	vge.f32 v53, v5;
	v63 =	vadd.f32 v22, v26;
	v22 =	vmul.f32 v34, v34  }
0xb8: {  	vm10 =	vge.f32 v55, v5;
	v11 =	vadd.f32 v58, v11;
	v14 =	vadd.f32 v40, v14  }
0xb9: {  	v16 =	vmul.f32 v57, v57;
	v10 =	vadd.f32 v63, v10;
	v38 =	vnsel vm11, $0x0, v22  }
0xba: {  	v46 =	vld [tilespmem:s3+$0x8C40];
	v41 =	vadd.f32 v22, v20;
	v43 =	vnsel vm15, $0x0, v22;
	v50 =	vnsel vm7, $0x0, v22  }
0xbb: {  	v40 =	vld [tilespmem:s3+$0xC40];
	vm11 =	vge.f32 v62, v8;
	v18 =	vadd.f32 v38, v37;
	v24 =	vadd.f32 v43, v42  }
0xbc: {  	v58 =	vnsel vm11, $0x0, v22;
	v60 =	vsub.f32 v51, v56;
	v61 =	vnsel vm12, $0x0, v16  }
0xbd: {  	vm15 =	vge.f32 v56, v0;
	v35 =	vnsel vm4, $0x0, v16;
	vm7 =	vge.f32 v56, v2  }
0xbe: {  	vm11 =	vge.f32 v56, v5;
	v26 =	vadd.f32 v41, v39;
	v17 =	vadd.f32 v58, v17  }
0xbf: {  	vm12 =	vge.f32 v52, v8;
	v18 =	vadd.f32 v18, v23;
	v23 =	vadd.f32 v50, v48  }
0xc0: {  	v47 =	vld [tilespmem:s3+$0xC10];
	vm4 =	vge.f32 v46, v0;
	v14 =	vadd.f32 v24, v14;
	v51 =	vsub.f32 v40, v46  }
0xc1: {  	v20 =	vmul.f32 v60, v60;
	v12 =	vadd.f32 v26, v12;
	v13 =	vadd.f32 v18, v13  }
0xc2: {  	v54 =	vadd.f32 v23, v21;
	v11 =	vadd.f32 v14, v11;
	v14 =	vnsel vm8, $0x0, v19  }
0xc3: {  	v18 =	vmul.f32 v59, v59;
	v33 =	vnsel vm15, $0x0, v20;
	v37 =	vnsel vm7, $0x0, v20  }
0xc4: {  	vm8 =	vge.f32 v52, v5;
	v43 =	vnsel vm11, $0x0, v20;
	vm15 =	vge.f32 v56, v8  }
0xc5: {  	v50 =	vld [tilespmem:s3+$0x8C70];
	v14 =	vadd.f32 v15, v14;
	v15 =	vsub.f32 v47, v53;
	v38 =	vnsel vm8, $0x0, v16  }
0xc6: {  	vm8 =	vge.f32 v46, v2;
	v10 =	vadd.f32 v54, v10;
	v63 =	vnsel vm14, $0x0, v18  }
0xc7: {  	v34 =	vadd.f32 v20, v18;
	v36 =	vnsel vm6, $0x0, v18;
	v41 =	vnsel vm10, $0x0, v18  }
0xc8: {  	vm14 =	vge.f32 v55, v8;
	v20 =	vnsel vm15, $0x0, v20;
	v14 =	vadd.f32 v17, v14  }
0xc9: {  	v45 =	vld [tilespmem:s3+$0xC70];
	v15 =	vmul.f32 v15, v15;
	v17 =	vadd.f32 v33, v63;
	v23 =	vadd.f32 v37, v36  }
0xca: {  	v18 =	vnsel vm14, $0x0, v18;
	vm7 =	vge.f32 v50, v0;
	vm11 =	vge.f32 v50, v2  }
0xcb: {  	v47 =	vld [tilespmem:s3+$0x8C50];
	vm15 =	vge.f32 v50, v5;
	v49 =	vadd.f32 v20, v18;
	v62 =	vnsel vm13, $0x0, v15  }
0xcc: {  	v32 =	vadd.f32 v15, v16;
	v9 =	vadd.f32 v14, v9;
	v14 =	vnsel vm5, $0x0, v15  }
0xcd: {  	v39 =	vnsel vm9, $0x0, v15;
	v16 =	vnsel vm12, $0x0, v16;
	vm13 =	vge.f32 v53, v8  }
0xce: {  	v44 =	vld [tilespmem:s3+$0xC60];
	v53 =	vsub.f32 v45, v50;
	vm12 =	vge.f32 v46, v5;
	v22 =	vadd.f32 v62, v61  }
0xcf: {  	v42 =	vld [tilespmem:s3+$0xC50];
	v14 =	vadd.f32 v14, v35;
	v15 =	vnsel vm13, $0x0, v15;
	v48 =	vadd.f32 v39, v38  }
0xd0: {  	v63 =	vld [tilespmem:s3+$0x1000];
	vm5 =	vge.f32 v47, v0;
	vm9 =	vge.f32 v47, v2;
	v25 =	vadd.f32 v34, v32  }
0xd1: {  	v15 =	vadd.f32 v15, v16;
	v20 =	vmul.f32 v53, v53;
	v32 =	vld [tilespmem:s3+$0x9000];
	v17 =	vadd.f32 v17, v22  }
0xd2: {  	vm13 =	vge.f32 v47, v5;
	v14 =	vadd.f32 v23, v14;
	v22 =	vadd.f32 v43, v41;
	v23 =	vld [tilespmem:s3+$0x8C60]  }
0xd3: {  	v12 =	vadd.f32 v25, v12;
	v15 =	vadd.f32 v49, v15;
	v59 =	vnsel vm7, $0x0, v20  }
0xd4: {  	v36 =	vnsel vm11, $0x0, v20;
	v11 =	vadd.f32 v14, v11;
	v14 =	vadd.f32 v22, v48  }
0xd5: {  	v13 =	vadd.f32 v17, v13;
	v9 =	vadd.f32 v15, v9;
	v15 =	vmul.f32 v51, v51  }
0xd6: {  	vm7 =	vge.f32 v50, v8;
	v10 =	vadd.f32 v14, v10;
	v14 =	vsub.f32 v42, v47  }
0xd7: {  	v49 =	vsub.f32 v63, v32;
	v52 =	vsub.f32 v44, v23;
	v54 =	vnsel vm4, $0x0, v15  }
0xd8: {  	vm6 =	vge.f32 v23, v0;
	v60 =	vnsel vm8, $0x0, v15;
	vm10 =	vge.f32 v23, v2  }
0xd9: {  	v45 =	vld [tilespmem:s3+$0x9010];
	v38 =	vnsel vm12, $0x0, v15;
	vm14 =	vge.f32 v23, v5;
	v44 =	vnsel vm15, $0x0, v20  }
0xda: {  	vm4 =	vge.f32 v46, v8;
	vm8 =	vge.f32 v32, v0;
	v14 =	vmul.f32 v14, v14  }
0xdb: {  	vm12 =	vge.f32 v32, v2;
	v18 =	vmul.f32 v49, v49;
	v16 =	vmul.f32 v52, v52  }
0xdc: {  	v55 =	vnsel vm5, $0x0, v14;
	v56 =	vadd.f32 v14, v15;
	v61 =	vnsel vm9, $0x0, v14  }
0xdd: {  	v40 =	vnsel vm13, $0x0, v14;
	v15 =	vnsel vm4, $0x0, v15;
	vm5 =	vge.f32 v47, v8  }
0xde: {  	v37 =	vld [tilespmem:s3+$0x1010];
	v52 =	vnsel vm8, $0x0, v18;
	vm9 =	vge.f32 v45, v0;
	vm13 =	vge.f32 v45, v2  }
0xdf: {  	v39 =	vld [tilespmem:s3+$0x1020];
	vm4 =	vge.f32 v32, v5;
	vm8 =	vge.f32 v32, v8;
	v57 =	vnsel vm6, $0x0, v16  }
0xe0: {  	v46 =	vld [tilespmem:s3+$0x9020];
	v58 =	vadd.f32 v20, v16;
	v21 =	vadd.f32 v55, v54;
	v62 =	vnsel vm10, $0x0, v16  }
0xe1: {  	v22 =	vadd.f32 v61, v60;
	v42 =	vnsel vm14, $0x0, v16;
	v26 =	vadd.f32 v40, v38  }
0xe2: {  	v41 =	vld [tilespmem:s3+$0x1030];
	v14 =	vnsel vm5, $0x0, v14;
	vm6 =	vge.f32 v23, v8;
	v20 =	vnsel vm7, $0x0, v20  }
0xe3: {  	v47 =	vld [tilespmem:s3+$0x9030];
	v61 =	vnsel vm4, $0x0, v18;
	vm5 =	vge.f32 v45, v5;
	v25 =	vadd.f32 v59, v57  }
0xe4: {  	v16 =	vnsel vm6, $0x0, v16;
	v14 =	vadd.f32 v14, v15;
	v15 =	vsub.f32 v37, v45  }
0xe5: {  	v50 =	vsub.f32 v39, v46;
	vm10 =	vge.f32 v46, v0;
	vm14 =	vge.f32 v46, v2  }
0xe6: {  	vm6 =	vge.f32 v46, v5;
	v24 =	vadd.f32 v58, v56;
	v16 =	vadd.f32 v20, v16  }
0xe7: {  	v21 =	vadd.f32 v25, v21;
	v25 =	vadd.f32 v36, v62;
	v15 =	vmul.f32 v15, v15  }
0xe8: {  	v20 =	vmul.f32 v50, v50;
	v12 =	vadd.f32 v24, v12;
	v51 =	vsub.f32 v41, v47  }
0xe9: {  	v14 =	vadd.f32 v16, v14;
	vm11 =	vge.f32 v47, v0;
	vm15 =	vge.f32 v47, v2  }
0xea: {  	vm7 =	vge.f32 v47, v5;
	v13 =	vadd.f32 v21, v13;
	v43 =	vadd.f32 v25, v22  }
0xeb: {  	v38 =	vld [tilespmem:s3+$0x1060];
	v22 =	vadd.f32 v44, v42;
	v53 =	vnsel vm9, $0x0, v15;
	v54 =	vnsel vm10, $0x0, v20  }
0xec: {  	v40 =	vld [tilespmem:s3+$0x1070];
	v56 =	vadd.f32 v15, v18;
	v57 =	vnsel vm13, $0x0, v15;
	v59 =	vnsel vm14, $0x0, v20  }
0xed: {  	v62 =	vld [tilespmem:s3+$0x1040];
	v63 =	vnsel vm5, $0x0, v15;
	v37 =	vnsel vm6, $0x0, v20;
	vm9 =	vge.f32 v45, v8  }
0xee: {  	v41 =	vld [tilespmem:s3+$0x9040];
	vm10 =	vge.f32 v46, v8;
	v9 =	vadd.f32 v14, v9;
	v23 =	vadd.f32 v53, v52  }
0xef: {  	v42 =	vld [tilespmem:s3+$0x9050];
	v14 =	vnsel vm12, $0x0, v18;
	v21 =	vadd.f32 v63, v61;
	v48 =	vadd.f32 v22, v26  }
0xf0: {  	v44 =	vld [tilespmem:s3+$0x9060];
	v15 =	vnsel vm9, $0x0, v15;
	v11 =	vadd.f32 v43, v11;
	v22 =	vmul.f32 v51, v51  }
0xf1: {  	v45 =	vld [tilespmem:s3+$0x9070];
	v46 =	vnsel vm10, $0x0, v20;
	v14 =	vadd.f32 v57, v14;
	v10 =	vadd.f32 v48, v10  }
0xf2: {  	v55 =	vnsel vm11, $0x0, v22;
	v58 =	vadd.f32 v22, v20;
	v60 =	vnsel vm15, $0x0, v22  }
0xf3: {  	v39 =	vnsel vm7, $0x0, v22;
	vm11 =	vge.f32 v47, v8;
	v47 =	vsub.f32 v62, v41  }
0xf4: {  	vm12 =	vge.f32 v41, v0;
	vm4 =	vge.f32 v41, v2;
	v16 =	vadd.f32 v55, v54  }
0xf5: {  	v24 =	vadd.f32 v60, v59;
	v19 =	vnsel vm11, $0x0, v22;
	v48 =	vsub.f32 v38, v44  }
0xf6: {  	v49 =	vsub.f32 v40, v45;
	vm13 =	vge.f32 v42, v0;
	vm14 =	vge.f32 v44, v0  }
0xf7: {  	vm15 =	vge.f32 v45, v0;
	vm5 =	vge.f32 v42, v2;
	vm6 =	vge.f32 v44, v2  }
0xf8: {  	vm7 =	vge.f32 v45, v2;
	vm9 =	vge.f32 v42, v5;
	vm10 =	vge.f32 v44, v5  }
0xf9: {  	v26 =	vadd.f32 v58, v56;
	v17 =	vmul.f32 v47, v47;
	v16 =	vadd.f32 v16, v23  }
0xfa: {  	vm11 =	vge.f32 v45, v5;
	v23 =	vadd.f32 v39, v37;
	v14 =	vadd.f32 v24, v14  }
0xfb: {  	v36 =	vld [tilespmem:s3+$0x1050];
	v20 =	vmul.f32 v49, v49;
	v12 =	vadd.f32 v26, v12;
	v50 =	vnsel vm12, $0x0, v17  }
0xfc: {  	v40 =	vld [tilespmem:s3+$0x9430];
	v56 =	vnsel vm4, $0x0, v17;
	vm12 =	vge.f32 v41, v8;
	v13 =	vadd.f32 v16, v13  }
0xfd: {  	v43 =	vadd.f32 v23, v21;
	v11 =	vadd.f32 v14, v11;
	v14 =	vnsel vm8, $0x0, v18  }
0xfe: {  	v16 =	vadd.f32 v19, v46;
	v19 =	vmul.f32 v48, v48;
	v54 =	vnsel vm15, $0x0, v20  }
0xff: {  	v35 =	vld [tilespmem:s3+$0x1430];
	v58 =	vnsel vm7, $0x0, v20;
	vm8 =	vge.f32 v41, v5;
	v33 =	vnsel vm11, $0x0, v20  }
0x100: {  	vm15 =	vge.f32 v45, v8;
	v14 =	vadd.f32 v15, v14;
	v15 =	vsub.f32 v36, v42  }
0x101: {  	v59 =	vnsel vm8, $0x0, v17;
	vm7 =	vge.f32 v40, v0;
	vm11 =	vge.f32 v40, v2  }
0x102: {  	v10 =	vadd.f32 v43, v10;
	v52 =	vnsel vm14, $0x0, v19;
	v55 =	vadd.f32 v20, v19  }
0x103: {  	v57 =	vnsel vm6, $0x0, v19;
	v62 =	vnsel vm10, $0x0, v19;
	vm14 =	vge.f32 v44, v8  }
0x104: {  	v37 =	vld [tilespmem:s3+$0x9410];
	v20 =	vnsel vm15, $0x0, v20;
	v43 =	vsub.f32 v35, v40;
	v15 =	vmul.f32 v15, v15  }
0x105: {  	v61 =	vld [tilespmem:s3+$0x1400];
	v14 =	vadd.f32 v16, v14;
	v16 =	vadd.f32 v54, v52;
	v19 =	vnsel vm14, $0x0, v19  }
0x106: {  	v36 =	vld [tilespmem:s3+$0x9400];
	vm15 =	vge.f32 v40, v5;
	v23 =	vadd.f32 v58, v57;
	v39 =	vadd.f32 v20, v19  }
0x107: {  	v20 =	vmul.f32 v43, v43;
	v51 =	vnsel vm13, $0x0, v15;
	v53 =	vadd.f32 v15, v17  }
0x108: {  	v9 =	vadd.f32 v14, v9;
	v14 =	vnsel vm5, $0x0, v15;
	v60 =	vnsel vm9, $0x0, v15  }
0x109: {  	v17 =	vnsel vm12, $0x0, v17;
	vm13 =	vge.f32 v42, v8;
	vm5 =	vge.f32 v37, v0  }
0x10a: {  	v34 =	vld [tilespmem:s3+$0x1420];
	vm9 =	vge.f32 v37, v2;
	v22 =	vadd.f32 v51, v50;
	v14 =	vadd.f32 v14, v56  }
0x10b: {  	v32 =	vld [tilespmem:s3+$0x9440];
	v15 =	vnsel vm13, $0x0, v15;
	v38 =	vadd.f32 v60, v59;
	v41 =	vsub.f32 v61, v36  }
0x10c: {  	v63 =	vld [tilespmem:s3+$0x1410];
	vm4 =	vge.f32 v36, v0;
	v49 =	vnsel vm7, $0x0, v20;
	v25 =	vadd.f32 v55, v53  }
0x10d: {  	vm8 =	vge.f32 v36, v2;
	v15 =	vadd.f32 v15, v17;
	v53 =	vld [tilespmem:s3+$0x1440];
	v16 =	vadd.f32 v16, v22  }
0x10e: {  	v54 =	vnsel vm11, $0x0, v20;
	v14 =	vadd.f32 v23, v14;
	v22 =	vadd.f32 v33, v62;
	v23 =	vld [tilespmem:s3+$0x9420]  }
0x10f: {  	vm12 =	vge.f32 v36, v5;
	v12 =	vadd.f32 v25, v12;
	v15 =	vadd.f32 v39, v15  }
0x110: {  	vm13 =	vge.f32 v37, v5;
	v11 =	vadd.f32 v14, v11;
	v14 =	vadd.f32 v22, v38  }
0x111: {  	vm7 =	vge.f32 v40, v8;
	v13 =	vadd.f32 v16, v13;
	v9 =	vadd.f32 v15, v9  }
0x112: {  	v15 =	vmul.f32 v41, v41;
	v10 =	vadd.f32 v14, v10;
	v14 =	vsub.f32 v63, v37  }
0x113: {  	v62 =	vnsel vm15, $0x0, v20;
	v39 =	vsub.f32 v53, v32;
	v42 =	vsub.f32 v34, v23  }
0x114: {  	v44 =	vnsel vm4, $0x0, v15;
	vm6 =	vge.f32 v23, v0;
	v50 =	vnsel vm8, $0x0, v15  }
0x115: {  	vm10 =	vge.f32 v23, v2;
	v56 =	vnsel vm12, $0x0, v15;
	vm14 =	vge.f32 v23, v5  }
0x116: {  	vm4 =	vge.f32 v36, v8;
	vm8 =	vge.f32 v32, v0;
	v14 =	vmul.f32 v14, v14  }
0x117: {  	vm12 =	vge.f32 v32, v2;
	v19 =	vmul.f32 v39, v39;
	v17 =	vmul.f32 v42, v42  }
0x118: {  	v45 =	vnsel vm5, $0x0, v14;
	v46 =	vadd.f32 v14, v15;
	v51 =	vnsel vm9, $0x0, v14  }
0x119: {  	v63 =	vld [tilespmem:s3+$0x9450];
	v58 =	vnsel vm13, $0x0, v14;
	v15 =	vnsel vm4, $0x0, v15;
	vm5 =	vge.f32 v37, v8  }
0x11a: {  	v57 =	vld [tilespmem:s3+$0x1460];
	v42 =	vnsel vm8, $0x0, v19;
	vm4 =	vge.f32 v32, v5;
	vm8 =	vge.f32 v32, v8  }
0x11b: {  	v55 =	vld [tilespmem:s3+$0x1450];
	v47 =	vnsel vm6, $0x0, v17;
	v48 =	vadd.f32 v20, v17;
	v21 =	vadd.f32 v45, v44  }
0x11c: {  	v36 =	vld [tilespmem:s3+$0x9460];
	v52 =	vnsel vm10, $0x0, v17;
	v22 =	vadd.f32 v51, v50;
	v60 =	vnsel vm14, $0x0, v17  }
0x11d: {  	v26 =	vadd.f32 v58, v56;
	v14 =	vnsel vm5, $0x0, v14;
	vm6 =	vge.f32 v23, v8  }
0x11e: {  	v59 =	vld [tilespmem:s3+$0x1470];
	v20 =	vnsel vm7, $0x0, v20;
	vm9 =	vge.f32 v63, v0;
	vm13 =	vge.f32 v63, v2  }
0x11f: {  	v37 =	vld [tilespmem:s3+$0x9470];
	v51 =	vnsel vm4, $0x0, v19;
	vm5 =	vge.f32 v63, v5;
	v25 =	vadd.f32 v49, v47  }
0x120: {  	v17 =	vnsel vm6, $0x0, v17;
	v14 =	vadd.f32 v14, v15;
	v15 =	vsub.f32 v55, v63  }
0x121: {  	v40 =	vsub.f32 v57, v36;
	vm10 =	vge.f32 v36, v0;
	vm14 =	vge.f32 v36, v2  }
0x122: {  	vm6 =	vge.f32 v36, v5;
	v24 =	vadd.f32 v48, v46;
	v17 =	vadd.f32 v20, v17  }
0x123: {  	v21 =	vadd.f32 v25, v21;
	v25 =	vadd.f32 v54, v52;
	v15 =	vmul.f32 v15, v15  }
0x124: {  	v20 =	vmul.f32 v40, v40;
	v12 =	vadd.f32 v24, v12;
	v41 =	vsub.f32 v59, v37  }
0x125: {  	v14 =	vadd.f32 v17, v14;
	vm11 =	vge.f32 v37, v0;
	vm15 =	vge.f32 v37, v2  }
0x126: {  	vm7 =	vge.f32 v37, v5;
	v13 =	vadd.f32 v21, v13;
	v61 =	vadd.f32 v25, v22  }
0x127: {  	v56 =	vld [tilespmem:s3+$0x1820];
	v22 =	vadd.f32 v62, v60;
	v43 =	vnsel vm9, $0x0, v15;
	v44 =	vnsel vm10, $0x0, v20  }
0x128: {  	v58 =	vld [tilespmem:s3+$0x1830];
	v46 =	vadd.f32 v15, v19;
	v47 =	vnsel vm13, $0x0, v15;
	v49 =	vnsel vm14, $0x0, v20  }
0x129: {  	v52 =	vld [tilespmem:s3+$0x1800];
	v53 =	vnsel vm5, $0x0, v15;
	v55 =	vnsel vm6, $0x0, v20;
	vm9 =	vge.f32 v63, v8  }
0x12a: {  	v59 =	vld [tilespmem:s3+$0x9800];
	vm10 =	vge.f32 v36, v8;
	v9 =	vadd.f32 v14, v9;
	v23 =	vadd.f32 v43, v42  }
0x12b: {  	v60 =	vld [tilespmem:s3+$0x9810];
	v14 =	vnsel vm12, $0x0, v19;
	v21 =	vadd.f32 v53, v51;
	v38 =	vadd.f32 v22, v26  }
0x12c: {  	v62 =	vld [tilespmem:s3+$0x9820];
	v15 =	vnsel vm9, $0x0, v15;
	v11 =	vadd.f32 v61, v11;
	v22 =	vmul.f32 v41, v41  }
0x12d: {  	v63 =	vld [tilespmem:s3+$0x9830];
	v16 =	vnsel vm10, $0x0, v20;
	v14 =	vadd.f32 v47, v14;
	v10 =	vadd.f32 v38, v10  }
0x12e: {  	v45 =	vnsel vm11, $0x0, v22;
	v48 =	vadd.f32 v22, v20;
	v50 =	vnsel vm15, $0x0, v22  }
0x12f: {  	v57 =	vnsel vm7, $0x0, v22;
	vm11 =	vge.f32 v37, v8;
	v28 =	vsub.f32 v52, v59  }
0x130: {  	vm12 =	vge.f32 v59, v0;
	vm4 =	vge.f32 v59, v2;
	v17 =	vadd.f32 v45, v44  }
0x131: {  	v24 =	vadd.f32 v50, v49;
	v18 =	vnsel vm11, $0x0, v22;
	v30 =	vsub.f32 v56, v62  }
0x132: {  	v31 =	vsub.f32 v58, v63;
	vm13 =	vge.f32 v60, v0;
	vm14 =	vge.f32 v62, v0  }
0x133: {  	v54 =	vld [tilespmem:s3+$0x1810];
	vm15 =	vge.f32 v63, v0;
	vm5 =	vge.f32 v60, v2;
	vm6 =	vge.f32 v62, v2  }
0x134: {  	v43 =	vld [tilespmem:s3+$0x1850];
	vm7 =	vge.f32 v63, v2;
	vm9 =	vge.f32 v60, v5;
	v26 =	vadd.f32 v48, v46  }
0x135: {  	v51 =	vld [tilespmem:s3+$0x9860];
	vm10 =	vge.f32 v62, v5;
	v16 =	vadd.f32 v18, v16;
	v17 =	vadd.f32 v17, v23  }
0x136: {  	v41 =	vld [tilespmem:s3+$0x1840];
	vm11 =	vge.f32 v63, v5;
	v23 =	vadd.f32 v57, v55;
	v14 =	vadd.f32 v24, v14  }
0x137: {  	v47 =	vld [tilespmem:s3+$0x1870];
	v18 =	vmul.f32 v30, v30;
	v12 =	vadd.f32 v26, v12;
	v13 =	vadd.f32 v17, v13  }
0x138: {  	v52 =	vld [tilespmem:s3+$0x9870];
	v20 =	vmul.f32 v31, v31;
	v61 =	vadd.f32 v23, v21;
	v11 =	vadd.f32 v14, v11  }
0x139: {  	v45 =	vld [tilespmem:s3+$0x1860];
	v14 =	vnsel vm8, $0x0, v19;
	v17 =	vmul.f32 v28, v28;
	v34 =	vnsel vm14, $0x0, v18  }
0x13a: {  	v49 =	vld [tilespmem:s3+$0x9840];
	v36 =	vnsel vm15, $0x0, v20;
	v37 =	vadd.f32 v20, v18;
	v39 =	vnsel vm6, $0x0, v18  }
0x13b: {  	v50 =	vld [tilespmem:s3+$0x9850];
	v40 =	vnsel vm7, $0x0, v20;
	vm8 =	vge.f32 v59, v5;
	v46 =	vnsel vm10, $0x0, v18  }
0x13c: {  	v48 =	vnsel vm11, $0x0, v20;
	vm14 =	vge.f32 v62, v8;
	vm15 =	vge.f32 v63, v8  }
0x13d: {  	v57 =	vsub.f32 v47, v52;
	vm6 =	vge.f32 v51, v0;
	vm7 =	vge.f32 v52, v0  }
0x13e: {  	vm10 =	vge.f32 v51, v2;
	v14 =	vadd.f32 v15, v14;
	v15 =	vsub.f32 v54, v60  }
0x13f: {  	vm11 =	vge.f32 v52, v2;
	v23 =	vadd.f32 v40, v39;
	v54 =	vsub.f32 v41, v49  }
0x140: {  	v53 =	vnsel vm14, $0x0, v18;
	v55 =	vsub.f32 v43, v50;
	v56 =	vsub.f32 v45, v51  }
0x141: {  	vm14 =	vge.f32 v51, v5;
	v10 =	vadd.f32 v61, v10;
	v32 =	vnsel vm12, $0x0, v17  }
0x142: {  	s18 =	sand.u32 $0x7, s29;
	v38 =	vnsel vm4, $0x0, v17;
	v42 =	vnsel vm8, $0x0, v17;
	vm12 =	vge.f32 v59, v8  }
0x143: {  	s3 =	sshll.u32 s18, $0x7;
	vm4 =	vge.f32 v49, v0;
	vm8 =	vge.f32 v49, v2;
	v15 =	vmul.f32 v15, v15  }
0x144: {  	s3 =	sadd.s32 s3, s31;
	v14 =	vadd.f32 v16, v14;
	v16 =	vadd.f32 v36, v34;
	v58 =	vmul.f32 v55, v55  }
0x145: {  	s15 =	sor.u32 $0x1C10, s3;
	v59 =	vmul.f32 v56, v56;
	v33 =	vnsel vm13, $0x0, v15;
	v35 =	vadd.f32 v15, v17  }
0x146: {  	s17 =	sor.u32 $0x1C20, s3;
	v24 =	vld [tilespmem:s15+$0x8000];
	v9 =	vadd.f32 v14, v9;
	v14 =	vnsel vm5, $0x0, v15;
	v44 =	vnsel vm9, $0x0, v15  }
0x147: {  	v43 =	vld [tilespmem:s17+$0x8000];
	v17 =	vnsel vm12, $0x0, v17;
	vm13 =	vge.f32 v60, v8;
	v60 =	vmul.f32 v57, v57  }
0x148: {  	vm5 =	vge.f32 v50, v0;
	vm9 =	vge.f32 v50, v2;
	vm12 =	vge.f32 v49, v5  }
0x149: {  	v22 =	vadd.f32 v33, v32;
	v14 =	vadd.f32 v14, v38;
	v15 =	vnsel vm13, $0x0, v15  }
0x14a: {  	v28 =	vnsel vm5, $0x0, v58;
	v32 =	vnsel vm9, $0x0, v58;
	v33 =	vnsel vm10, $0x0, v59  }
0x14b: {  	vm13 =	vge.f32 v50, v5;
	vm5 =	vge.f32 v50, v8;
	vm9 =	vge.f32 v24, v0  }
0x14c: {  	v39 =	vld [tilespmem:s17+$0x0];
	vm10 =	vge.f32 v43, v0;
	v25 =	vadd.f32 v37, v35;
	v15 =	vadd.f32 v15, v17  }
0x14d: {  	s25 =	sor.u32 $0x1C00, s3;
	v63 =	vadd.f32 v60, v59;
	v30 =	vnsel vm7, $0x0, v60;
	v34 =	vnsel vm11, $0x0, v60  }
0x14e: {  	v35 =	vld [tilespmem:s25+$0x0];
	v38 =	vnsel vm13, $0x0, v58;
	vm7 =	vge.f32 v52, v8;
	v14 =	vadd.f32 v23, v14  }
0x14f: {  	s18 =	sor.u32 $0x1C30, s3;
	vm13 =	vge.f32 v24, v2;
	v12 =	vadd.f32 v25, v12;
	v25 =	vadd.f32 v44, v42;
	v42 =	vld [tilespmem:s25+$0x8000]  }
0x150: {  	v16 =	vadd.f32 v16, v22;
	v22 =	vadd.f32 v48, v46;
	v18 =	vnsel vm7, $0x0, v60;
	v44 =	vld [tilespmem:s18+$0x8000]  }
0x151: {  	v48 =	vsub.f32 v39, v43;
	v11 =	vadd.f32 v14, v11;
	v14 =	vnsel vm15, $0x0, v20  }
0x152: {  	v13 =	vadd.f32 v16, v13;
	vm15 =	vge.f32 v52, v5;
	v14 =	vadd.f32 v14, v53  }
0x153: {  	v16 =	vnsel vm5, $0x0, v58;
	vm5 =	vge.f32 v24, v5;
	v22 =	vadd.f32 v22, v25  }
0x154: {  	v40 =	vld [tilespmem:s18+$0x0];
	v41 =	vnsel vm15, $0x0, v60;
	v14 =	vadd.f32 v14, v15;
	v15 =	vmul.f32 v54, v54  }
0x155: {  	v10 =	vadd.f32 v22, v10;
	v46 =	vsub.f32 v35, v42;
	vm11 =	vge.f32 v44, v0  }
0x156: {  	vm15 =	vge.f32 v44, v2;
	vm7 =	vge.f32 v44, v5;
	v61 =	vadd.f32 v58, v15  }
0x157: {  	v62 =	vnsel vm4, $0x0, v15;
	v9 =	vadd.f32 v14, v9;
	v14 =	vnsel vm6, $0x0, v59  }
0x158: {  	v31 =	vnsel vm8, $0x0, v15;
	v36 =	vnsel vm12, $0x0, v15;
	vm4 =	vge.f32 v49, v8  }
0x159: {  	vm6 =	vge.f32 v51, v8;
	v49 =	vsub.f32 v40, v44;
	vm8 =	vge.f32 v42, v0  }
0x15a: {  	vm12 =	vge.f32 v42, v2;
	v20 =	vadd.f32 v28, v62;
	v14 =	vadd.f32 v30, v14  }
0x15b: {  	v22 =	vadd.f32 v32, v31;
	v15 =	vnsel vm4, $0x0, v15;
	v17 =	vnsel vm6, $0x0, v59  }
0x15c: {  	v47 =	vmul.f32 v46, v46;
	vm4 =	vge.f32 v42, v5;
	v19 =	vadd.f32 v63, v61  }
0x15d: {  	vm6 =	vge.f32 v43, v5;
	v15 =	vadd.f32 v16, v15;
	v45 =	vadd.f32 v18, v17  }
0x15e: {  	s18 =	sor.u32 $0x1C50, s3;
	v17 =	vmul.f32 v48, v48;
	v18 =	vmul.f32 v49, v49;
	v14 =	vadd.f32 v14, v20  }
0x15f: {  	v60 =	vld [tilespmem:s18+$0x0];
	v20 =	vadd.f32 v38, v36;
	v50 =	vnsel vm8, $0x0, v47;
	v61 =	vnsel vm4, $0x0, v47  }
0x160: {  	v40 =	vld [tilespmem:s18+$0x8000];
	vm8 =	vge.f32 v42, v8;
	v12 =	vadd.f32 v19, v12;
	v19 =	vadd.f32 v34, v33  }
0x161: {  	v15 =	vadd.f32 v45, v15;
	v53 =	vnsel vm10, $0x0, v17;
	v54 =	vadd.f32 v18, v17  }
0x162: {  	s17 =	sor.u32 $0x1C40, s3;
	v55 =	vnsel vm11, $0x0, v18;
	v39 =	vnsel vm7, $0x0, v18;
	v16 =	vnsel vm8, $0x0, v47  }
0x163: {  	v58 =	vld [tilespmem:s17+$0x0];
	vm10 =	vge.f32 v43, v8;
	vm11 =	vge.f32 v44, v8;
	v13 =	vadd.f32 v14, v13  }
0x164: {  	v38 =	vld [tilespmem:s17+$0x8000];
	v14 =	vnsel vm14, $0x0, v59;
	vm14 =	vge.f32 v43, v2;
	v25 =	vadd.f32 v55, v53  }
0x165: {  	v37 =	vld [tilespmem:s15+$0x0];
	s25 =	sor.u32 $0x1C60, s3;
	v59 =	vnsel vm15, $0x0, v18;
	v44 =	vsub.f32 v60, v40;
	v18 =	vnsel vm11, $0x0, v18  }
0x166: {  	v62 =	vld [tilespmem:s25+$0x0];
	v19 =	vadd.f32 v19, v22;
	v14 =	vadd.f32 v41, v14;
	v57 =	vnsel vm14, $0x0, v17  }
0x167: {  	vm11 =	vge.f32 v40, v8;
	v9 =	vadd.f32 v15, v9;
	v41 =	vld [tilespmem:s25+$0x8000];
	v21 =	vadd.f32 v59, v57  }
0x168: {  	v15 =	vnsel vm12, $0x0, v47;
	v11 =	vadd.f32 v19, v11;
	v14 =	vadd.f32 v14, v20  }
0x169: {  	v43 =	vsub.f32 v58, v38;
	v19 =	vmul.f32 v44, v44;
	vm12 =	vge.f32 v38, v0  }
0x16a: {  	vm4 =	vge.f32 v38, v2;
	v10 =	vadd.f32 v14, v10;
	v14 =	vsub.f32 v37, v24  }
0x16b: {  	vm8 =	vge.f32 v38, v5;
	v37 =	vnsel vm6, $0x0, v17;
	v17 =	vnsel vm10, $0x0, v17  }
0x16c: {  	vm10 =	vge.f32 v40, v5;
	v45 =	vsub.f32 v62, v41;
	v14 =	vmul.f32 v14, v14  }
0x16d: {  	vm14 =	vge.f32 v41, v0;
	v17 =	vadd.f32 v18, v17;
	vm6 =	vge.f32 v41, v2  }
0x16e: {  	v58 =	vnsel vm10, $0x0, v19;
	v22 =	vmul.f32 v45, v45;
	v51 =	vnsel vm9, $0x0, v14  }
0x16f: {  	v52 =	vadd.f32 v14, v47;
	v56 =	vnsel vm13, $0x0, v14;
	v63 =	vnsel vm5, $0x0, v14  }
0x170: {  	vm9 =	vge.f32 v24, v8;
	vm13 =	vge.f32 v40, v0;
	v20 =	vadd.f32 v51, v50  }
0x171: {  	vm5 =	vge.f32 v40, v2;
	v15 =	vadd.f32 v56, v15;
	v26 =	vadd.f32 v63, v61  }
0x172: {  	v14 =	vnsel vm9, $0x0, v14;
	v48 =	vnsel vm13, $0x0, v19;
	v49 =	vnsel vm14, $0x0, v22  }
0x173: {  	s3 =	sor.u32 $0x1C70, s3;
	v53 =	vnsel vm5, $0x0, v19;
	v23 =	vadd.f32 v54, v52;
	v15 =	vadd.f32 v21, v15  }
0x174: {  	v36 =	vld [tilespmem:s3+$0x0];
	v55 =	vnsel vm6, $0x0, v22;
	v14 =	vadd.f32 v14, v16;
	v21 =	vadd.f32 v39, v37  }
0x175: {  	vm9 =	vge.f32 v38, v8;
	v20 =	vadd.f32 v25, v20;
	v11 =	vadd.f32 v15, v11;
	v15 =	vld [tilespmem:s3+$0x8000]  }
0x176: {  	v14 =	vadd.f32 v17, v14;
	v42 =	vadd.f32 v21, v26;
	v21 =	vmul.f32 v43, v43  }
0x177: {  	vm13 =	vge.f32 v41, v8;
	v12 =	vadd.f32 v23, v12;
	v13 =	vadd.f32 v20, v13  }
0x178: {  	v9 =	vadd.f32 v14, v9;
	v47 =	vnsel vm12, $0x0, v21;
	v10 =	vadd.f32 v42, v10  }
0x179: {  	v51 =	vnsel vm4, $0x0, v21;
	v52 =	vadd.f32 v19, v21;
	v57 =	vnsel vm8, $0x0, v21  }
0x17a: {  	v14 =	vnsel vm9, $0x0, v21;
	vm12 =	vge.f32 v41, v5;
	v46 =	vsub.f32 v36, v15  }
0x17b: {  	v19 =	vnsel vm11, $0x0, v19;
	v59 =	vadd.f32 v48, v47;
	v60 =	vnsel vm12, $0x0, v22  }
0x17c: {  	v18 =	vadd.f32 v53, v51;
	v14 =	vadd.f32 v19, v14;
	v24 =	vmul.f32 v46, v46  }
0x17d: {  	vm15 =	vge.f32 v15, v0;
	vm7 =	vge.f32 v15, v2;
	vm14 =	vge.f32 v15, v5  }
0x17e: {  	v50 =	vnsel vm15, $0x0, v24;
	v54 =	vadd.f32 v24, v22;
	v56 =	vnsel vm7, $0x0, v24  }
0x17f: {  	v22 =	vnsel vm13, $0x0, v22;
	vm15 =	vge.f32 v15, v8;
	v15 =	vadd.f32 v58, v57  }
0x180: {  	v61 =	vnsel vm14, $0x0, v24;
	v16 =	vadd.f32 v50, v49;
	v17 =	vadd.f32 v56, v55  }
0x181: {  	p0 =	sne.s32 s0, $0x780;
	v20 =	vadd.f32 v61, v60;
	v62 =	vnsel vm15, $0x0, v24;
	v28 =	vadd.f32 v54, v52  }
.Ltmp2:
0x182: {  	v63 =	vadd.f32 v62, v22;
	v16 =	vadd.f32 v16, v59;
	(pc) =	sbr.rel @p0 .LBB2_3-.Ltmp2, $4  }
0x183: {  	v17 =	vadd.f32 v17, v18;
	v15 =	vadd.f32 v20, v15  }
0x184: {  	v12 =	vadd.f32 v28, v12;
	v14 =	vadd.f32 v63, v14  }
0x185: {  	s29 =	sadd.s32 $0x1, s29;
	v13 =	vadd.f32 v16, v13;
	v11 =	vadd.f32 v17, v11  }
0x186: {  	s30 =	sadd.s32 $0x400, s30;
	s0 =	sadd.s32 $0x80, s0;
	s31 =	sadd.s32 $0x400, s31;
	v10 =	vadd.f32 v15, v10;
	v9 =	vadd.f32 v14, v9  }
0x187: {  	s29 =	sshll.u32 s28, $0xC;
	p0 =	seq.s32 s28, $0xA  }
0x188: {  	s0 =	sadd.s32 @!p0 s29, s11  }
0x189: {  	s4 =	simm.s32 @!p0 $0x0;
	s3 =	sadd.s32 @!p0 s1, s0  }
0x18a: {  	[tilespmem:s4], [sflag:$0x1] =	stream.linear.gather @!p0 [hbm4b:s3+s4], $0x4000, $0x38;
	[tilespmem:$0x10180] =	vst v63  }
0x18b: {  	s0 =	sadd.s32 @!p0 s2, s0;
	s3 =	simm.s32 @!p0 $0x8000  }
0x18c: {  	[tilespmem:s3], [sflag:$0x3] =	stream.linear.gather @!p0 [hbm4b:s0+s4], $0x4000, $0x38;
	[tilespmem:$0x10180] =	vst v63  }
0x18d: {  	_ =	swait.ge [sflag:s23], $0x4000  }
0x18e: {  	[sflag:s23] =	ssyncset.done $0x0  }
0x18f: {  	[sflag:s23] =	ssyncadd.s32 $0xFFFFC000  }
0x190: {  	_ =	swait.ge [sflag:s24], $0x4000  }
0x191: {  	s30 =	simm.s32 $0x0;
	s31 =	simm.s32 $0xFFFFC000;
	[sflag:s24] =	ssyncset.done $0x0  }
0x192: {  	s0 =	simm.s32 $0x0;
	s3 =	simm.s32 $0x0;
	[sflag:s24] =	ssyncadd.s32 $0xFFFFC000  }
.LBB2_5:
0x193: {  	s4 =	sadd.s32 $0x4000, s31  }
0x194: {  	s15 =	sand.u32 $0x380, s3;
	s4 =	sand.u32 $0x2000, s4  }
0x195: {  	s4 =	sor.u32 s15, s4  }
0x196: {  	v14 =	vld [tilespmem:s4+$0x4000]  }
0x197: {  	v15 =	vld [tilespmem:s4+$0x4010]  }
0x198: {  	v16 =	vld [tilespmem:s4+$0x4020]  }
0x199: {  	v17 =	vld [tilespmem:s4+$0x4030]  }
0x19a: {  	v18 =	vld [tilespmem:s4+$0xC000]  }
0x19b: {  	v19 =	vld [tilespmem:s4+$0xC010]  }
0x19c: {  	v20 =	vld [tilespmem:s4+$0xC020]  }
0x19d: {  	v21 =	vld [tilespmem:s4+$0xC030];
	_ =	sdelay $0x3  }
0x19e: {  	v43 =	vld [tilespmem:s4+$0x4070];
	v14 =	vsub.f32 v14, v18;
	v15 =	vsub.f32 v15, v19  }
0x19f: {  	v48 =	vld [tilespmem:s4+$0xC070];
	v16 =	vsub.f32 v16, v20;
	v17 =	vsub.f32 v17, v21;
	vm0 =	vge.f32 v18, v0  }
0x1a0: {  	v31 =	vld [tilespmem:s4+$0x4050];
	vm14 =	vge.f32 v19, v0;
	vm1 =	vge.f32 v20, v0;
	vm15 =	vge.f32 v21, v0  }
0x1a1: {  	v45 =	vld [tilespmem:s4+$0xC050];
	vm4 =	vge.f32 v18, v2;
	vm5 =	vge.f32 v19, v2;
	vm6 =	vge.f32 v20, v2  }
0x1a2: {  	vm7 =	vge.f32 v21, v2;
	vm8 =	vge.f32 v18, v5;
	vm9 =	vge.f32 v19, v5  }
0x1a3: {  	vm10 =	vge.f32 v20, v5;
	vm11 =	vge.f32 v21, v5;
	vm12 =	vge.f32 v18, v8  }
0x1a4: {  	v51 =	vsub.f32 v43, v48;
	v14 =	vmul.f32 v14, v14;
	v15 =	vmul.f32 v15, v15  }
0x1a5: {  	vm13 =	vge.f32 v19, v8;
	v16 =	vmul.f32 v16, v16;
	v17 =	vmul.f32 v17, v17  }
0x1a6: {  	v50 =	vsub.f32 v31, v45;
	v18 =	vmul.f32 v51, v51;
	v22 =	vadd.f32 v15, v14  }
0x1a7: {  	v44 =	vld [tilespmem:s4+$0xC040];
	v23 =	vadd.f32 v17, v16;
	v24 =	vnsel vm0, $0x0, v14;
	v25 =	vnsel vm14, $0x0, v15  }
0x1a8: {  	v47 =	vld [tilespmem:s4+$0xC060];
	v26 =	vnsel vm1, $0x0, v16;
	v27 =	vnsel vm15, $0x0, v17;
	v28 =	vnsel vm4, $0x0, v14  }
0x1a9: {  	v29 =	vnsel vm5, $0x0, v15;
	v36 =	vnsel vm6, $0x0, v16;
	v37 =	vnsel vm7, $0x0, v17  }
0x1aa: {  	v38 =	vnsel vm8, $0x0, v14;
	v39 =	vnsel vm9, $0x0, v15;
	v40 =	vnsel vm10, $0x0, v16  }
0x1ab: {  	v41 =	vnsel vm11, $0x0, v17;
	v14 =	vnsel vm12, $0x0, v14;
	v15 =	vnsel vm13, $0x0, v15  }
0x1ac: {  	vm14 =	vge.f32 v20, v8;
	vm15 =	vge.f32 v21, v8;
	vm4 =	vge.f32 v44, v0  }
0x1ad: {  	v63 =	vld [tilespmem:s4+$0x4410];
	vm5 =	vge.f32 v45, v0;
	vm6 =	vge.f32 v47, v0;
	vm7 =	vge.f32 v48, v0  }
0x1ae: {  	v43 =	vld [tilespmem:s4+$0xC410];
	vm8 =	vge.f32 v44, v2;
	vm9 =	vge.f32 v45, v2;
	vm10 =	vge.f32 v47, v2  }
0x1af: {  	vm11 =	vge.f32 v48, v2;
	vm12 =	vge.f32 v44, v5;
	v24 =	vadd.f32 v25, v24  }
0x1b0: {  	vm13 =	vge.f32 v45, v5;
	v26 =	vadd.f32 v27, v26;
	v28 =	vadd.f32 v29, v28  }
0x1b1: {  	v16 =	vnsel vm14, $0x0, v16;
	v46 =	vadd.f32 v41, v40;
	v17 =	vnsel vm15, $0x0, v17  }
0x1b2: {  	v30 =	vld [tilespmem:s4+$0x4040];
	v14 =	vadd.f32 v15, v14;
	v57 =	vnsel vm7, $0x0, v18;
	vm15 =	vge.f32 v48, v5  }
0x1b3: {  	vm7 =	vge.f32 v48, v8;
	v48 =	vsub.f32 v63, v43;
	v22 =	vadd.f32 v23, v22  }
0x1b4: {  	v62 =	vnsel vm11, $0x0, v18;
	v23 =	vadd.f32 v37, v36;
	v15 =	vadd.f32 v17, v16  }
0x1b5: {  	v42 =	vld [tilespmem:s4+$0x4060];
	v17 =	vmul.f32 v50, v50;
	v24 =	vadd.f32 v26, v24;
	v12 =	vadd.f32 v22, v12  }
0x1b6: {  	vm14 =	vge.f32 v47, v5;
	v23 =	vadd.f32 v23, v28;
	v22 =	vadd.f32 v39, v38  }
0x1b7: {  	v14 =	vadd.f32 v15, v14;
	v15 =	vsub.f32 v30, v44;
	v53 =	vnsel vm5, $0x0, v17  }
0x1b8: {  	v59 =	vnsel vm9, $0x0, v17;
	v38 =	vnsel vm13, $0x0, v17;
	vm5 =	vge.f32 v45, v8  }
0x1b9: {  	v32 =	vld [tilespmem:s4+$0xC400];
	vm9 =	vge.f32 v43, v0;
	vm13 =	vge.f32 v43, v2;
	v49 =	vadd.f32 v46, v22  }
0x1ba: {  	v9 =	vadd.f32 v14, v9;
	v14 =	vmul.f32 v15, v15;
	v15 =	vsub.f32 v42, v47  }
0x1bb: {  	v39 =	vld [tilespmem:s4+$0x4430];
	v13 =	vadd.f32 v24, v13;
	v11 =	vadd.f32 v23, v11;
	v42 =	vnsel vm15, $0x0, v18  }
0x1bc: {  	v45 =	vld [tilespmem:s4+$0xC430];
	v10 =	vadd.f32 v49, v10;
	v15 =	vmul.f32 v15, v15;
	v52 =	vnsel vm4, $0x0, v14  }
0x1bd: {  	v54 =	vadd.f32 v17, v14;
	v58 =	vnsel vm8, $0x0, v14;
	v36 =	vnsel vm12, $0x0, v14  }
0x1be: {  	vm4 =	vge.f32 v44, v8;
	v17 =	vnsel vm5, $0x0, v17;
	vm8 =	vge.f32 v32, v0  }
0x1bf: {  	v61 =	vld [tilespmem:s4+$0x4400];
	vm12 =	vge.f32 v32, v2;
	vm5 =	vge.f32 v43, v5;
	v19 =	vadd.f32 v53, v52  }
0x1c0: {  	v22 =	vadd.f32 v59, v58;
	v26 =	vadd.f32 v38, v36;
	v14 =	vnsel vm4, $0x0, v14  }
0x1c1: {  	v50 =	vsub.f32 v39, v45;
	vm11 =	vge.f32 v45, v0;
	vm15 =	vge.f32 v45, v2  }
0x1c2: {  	vm4 =	vge.f32 v32, v5;
	v55 =	vnsel vm6, $0x0, v15;
	v56 =	vadd.f32 v18, v15  }
0x1c3: {  	v37 =	vld [tilespmem:s4+$0x4420];
	v60 =	vnsel vm10, $0x0, v15;
	v40 =	vnsel vm14, $0x0, v15;
	vm6 =	vge.f32 v47, v8  }
0x1c4: {  	v44 =	vld [tilespmem:s4+$0xC420];
	v47 =	vsub.f32 v61, v32;
	v18 =	vnsel vm7, $0x0, v18;
	v14 =	vadd.f32 v17, v14  }
0x1c5: {  	v17 =	vmul.f32 v48, v48;
	v24 =	vadd.f32 v57, v55;
	v15 =	vnsel vm6, $0x0, v15  }
0x1c6: {  	v33 =	vld [tilespmem:s4+$0x4460];
	vm7 =	vge.f32 v45, v5;
	v23 =	vadd.f32 v56, v54;
	v15 =	vadd.f32 v18, v15  }
0x1c7: {  	v39 =	vld [tilespmem:s4+$0xC460];
	v16 =	vmul.f32 v47, v47;
	v52 =	vnsel vm9, $0x0, v17;
	v55 =	vnsel vm13, $0x0, v17  }
0x1c8: {  	v38 =	vld [tilespmem:s4+$0xC450];
	v61 =	vnsel vm5, $0x0, v17;
	vm9 =	vge.f32 v43, v8;
	v19 =	vadd.f32 v24, v19  }
0x1c9: {  	v24 =	vadd.f32 v62, v60;
	v49 =	vsub.f32 v37, v44;
	vm10 =	vge.f32 v44, v0  }
0x1ca: {  	vm14 =	vge.f32 v44, v2;
	vm6 =	vge.f32 v44, v5;
	v12 =	vadd.f32 v23, v12  }
0x1cb: {  	v51 =	vnsel vm8, $0x0, v16;
	v14 =	vadd.f32 v15, v14;
	v54 =	vadd.f32 v17, v16  }
0x1cc: {  	v59 =	vnsel vm4, $0x0, v16;
	vm8 =	vge.f32 v32, v8;
	v43 =	vsub.f32 v33, v39  }
0x1cd: {  	vm13 =	vge.f32 v38, v0;
	v13 =	vadd.f32 v19, v13;
	v41 =	vadd.f32 v24, v22  }
0x1ce: {  	v60 =	vld [tilespmem:s4+$0x4440];
	vm5 =	vge.f32 v38, v2;
	v22 =	vadd.f32 v42, v40;
	v23 =	vadd.f32 v52, v51  }
0x1cf: {  	v37 =	vld [tilespmem:s4+$0xC440];
	v18 =	vmul.f32 v49, v49;
	v21 =	vadd.f32 v61, v59;
	v9 =	vadd.f32 v14, v9  }
0x1d0: {  	v14 =	vnsel vm12, $0x0, v16;
	v11 =	vadd.f32 v41, v11;
	v46 =	vadd.f32 v22, v26  }
0x1d1: {  	v22 =	vmul.f32 v50, v50;
	v15 =	vnsel vm10, $0x0, v18;
	v57 =	vnsel vm14, $0x0, v18  }
0x1d2: {  	v36 =	vld [tilespmem:s4+$0x4470];
	v63 =	vnsel vm6, $0x0, v18;
	v14 =	vadd.f32 v55, v14;
	vm10 =	vge.f32 v44, v8  }
0x1d3: {  	v40 =	vld [tilespmem:s4+$0xC470];
	vm14 =	vge.f32 v39, v0;
	vm6 =	vge.f32 v39, v2;
	v41 =	vnsel vm10, $0x0, v18  }
0x1d4: {  	v42 =	vsub.f32 v60, v37;
	vm12 =	vge.f32 v37, v0;
	vm4 =	vge.f32 v37, v2  }
0x1d5: {  	vm10 =	vge.f32 v39, v5;
	v10 =	vadd.f32 v46, v10;
	v53 =	vnsel vm11, $0x0, v22  }
0x1d6: {  	v56 =	vadd.f32 v22, v18;
	v58 =	vnsel vm15, $0x0, v22;
	v35 =	vnsel vm7, $0x0, v22  }
0x1d7: {  	vm11 =	vge.f32 v45, v8;
	v15 =	vadd.f32 v53, v15;
	v25 =	vadd.f32 v58, v57  }
0x1d8: {  	v19 =	vnsel vm11, $0x0, v22;
	v18 =	vmul.f32 v42, v42;
	v44 =	vsub.f32 v36, v40  }
0x1d9: {  	vm15 =	vge.f32 v40, v0;
	vm7 =	vge.f32 v40, v2;
	v26 =	vadd.f32 v56, v54  }
0x1da: {  	vm11 =	vge.f32 v40, v5;
	v15 =	vadd.f32 v15, v23;
	v23 =	vadd.f32 v35, v63  }
0x1db: {  	v36 =	vld [tilespmem:s4+$0xC830];
	v14 =	vadd.f32 v25, v14;
	v45 =	vnsel vm12, $0x0, v18;
	v20 =	vmul.f32 v44, v44  }
0x1dc: {  	v51 =	vnsel vm4, $0x0, v18;
	v12 =	vadd.f32 v26, v12;
	v13 =	vadd.f32 v15, v13  }
0x1dd: {  	vm12 =	vge.f32 v37, v8;
	v15 =	vadd.f32 v23, v21;
	v11 =	vadd.f32 v14, v11  }
0x1de: {  	v62 =	vld [tilespmem:s4+$0x4450];
	v14 =	vnsel vm8, $0x0, v16;
	v49 =	vnsel vm15, $0x0, v20;
	v53 =	vnsel vm7, $0x0, v20  }
0x1df: {  	vm8 =	vge.f32 v37, v5;
	v59 =	vnsel vm11, $0x0, v20;
	vm15 =	vge.f32 v40, v8  }
0x1e0: {  	v61 =	vld [tilespmem:s4+$0x4830];
	v54 =	vnsel vm8, $0x0, v18;
	vm7 =	vge.f32 v36, v0;
	v10 =	vadd.f32 v15, v10  }
0x1e1: {  	v15 =	vnsel vm9, $0x0, v17;
	v17 =	vadd.f32 v19, v41;
	v19 =	vmul.f32 v43, v43  }
0x1e2: {  	vm11 =	vge.f32 v36, v2;
	vm9 =	vge.f32 v38, v5;
	v14 =	vadd.f32 v15, v14  }
0x1e3: {  	v15 =	vsub.f32 v62, v38;
	v47 =	vnsel vm14, $0x0, v19;
	v50 =	vadd.f32 v20, v19  }
0x1e4: {  	v52 =	vnsel vm6, $0x0, v19;
	v57 =	vnsel vm10, $0x0, v19;
	vm14 =	vge.f32 v39, v8  }
0x1e5: {  	v63 =	vld [tilespmem:s4+$0xC810];
	v20 =	vnsel vm15, $0x0, v20;
	v39 =	vsub.f32 v61, v36;
	v15 =	vmul.f32 v15, v15  }
0x1e6: {  	v56 =	vld [tilespmem:s4+$0x4800];
	v14 =	vadd.f32 v17, v14;
	v17 =	vadd.f32 v49, v47;
	v19 =	vnsel vm14, $0x0, v19  }
0x1e7: {  	v62 =	vld [tilespmem:s4+$0xC800];
	vm15 =	vge.f32 v36, v5;
	v23 =	vadd.f32 v53, v52;
	v35 =	vadd.f32 v20, v19  }
0x1e8: {  	v20 =	vmul.f32 v39, v39;
	v46 =	vnsel vm13, $0x0, v15;
	v48 =	vadd.f32 v15, v18  }
0x1e9: {  	v9 =	vadd.f32 v14, v9;
	v14 =	vnsel vm5, $0x0, v15;
	v55 =	vnsel vm9, $0x0, v15  }
0x1ea: {  	v61 =	vld [tilespmem:s4+$0xC860];
	v18 =	vnsel vm12, $0x0, v18;
	vm13 =	vge.f32 v38, v8;
	vm5 =	vge.f32 v63, v0  }
0x1eb: {  	v53 =	vld [tilespmem:s4+$0x4860];
	vm9 =	vge.f32 v63, v2;
	v22 =	vadd.f32 v46, v45;
	v14 =	vadd.f32 v14, v51  }
0x1ec: {  	v15 =	vnsel vm13, $0x0, v15;
	v34 =	vadd.f32 v55, v54;
	v37 =	vsub.f32 v56, v62  }
0x1ed: {  	v60 =	vld [tilespmem:s4+$0x4820];
	vm4 =	vge.f32 v62, v0;
	v45 =	vnsel vm7, $0x0, v20;
	v24 =	vadd.f32 v50, v48  }
0x1ee: {  	v58 =	vld [tilespmem:s4+$0x4810];
	vm8 =	vge.f32 v62, v2;
	v15 =	vadd.f32 v15, v18;
	v17 =	vadd.f32 v17, v22  }
0x1ef: {  	vm12 =	vge.f32 v62, v5;
	v14 =	vadd.f32 v23, v14;
	v22 =	vadd.f32 v59, v57;
	v23 =	vld [tilespmem:s4+$0xC820]  }
0x1f0: {  	vm13 =	vge.f32 v63, v5;
	v33 =	vsub.f32 v53, v61;
	v15 =	vadd.f32 v35, v15  }
0x1f1: {  	v49 =	vld [tilespmem:s4+$0x4840];
	vm7 =	vge.f32 v36, v8;
	v11 =	vadd.f32 v14, v11;
	v14 =	vadd.f32 v22, v34  }
0x1f2: {  	v50 =	vnsel vm11, $0x0, v20;
	v57 =	vld [tilespmem:s4+$0xC840];
	v12 =	vadd.f32 v24, v12;
	v13 =	vadd.f32 v17, v13  }
0x1f3: {  	v9 =	vadd.f32 v15, v9;
	v15 =	vmul.f32 v37, v37;
	v10 =	vadd.f32 v14, v10  }
0x1f4: {  	v59 =	vnsel vm15, $0x0, v20;
	v14 =	vsub.f32 v58, v63;
	v38 =	vsub.f32 v60, v23  }
0x1f5: {  	v40 =	vnsel vm4, $0x0, v15;
	vm6 =	vge.f32 v23, v0;
	v46 =	vnsel vm8, $0x0, v15  }
0x1f6: {  	vm10 =	vge.f32 v23, v2;
	v52 =	vnsel vm12, $0x0, v15;
	vm14 =	vge.f32 v23, v5  }
0x1f7: {  	vm4 =	vge.f32 v62, v8;
	v28 =	vsub.f32 v49, v57;
	v14 =	vmul.f32 v14, v14  }
0x1f8: {  	vm8 =	vge.f32 v57, v0;
	vm12 =	vge.f32 v57, v2;
	v18 =	vmul.f32 v38, v38  }
0x1f9: {  	v51 =	vld [tilespmem:s4+$0x4850];
	v19 =	vmul.f32 v28, v28;
	v41 =	vnsel vm5, $0x0, v14;
	v42 =	vadd.f32 v14, v15  }
0x1fa: {  	v55 =	vld [tilespmem:s4+$0x4870];
	v47 =	vnsel vm9, $0x0, v14;
	v54 =	vnsel vm13, $0x0, v14;
	v15 =	vnsel vm4, $0x0, v15  }
0x1fb: {  	v60 =	vld [tilespmem:s4+$0xC850];
	vm5 =	vge.f32 v63, v8;
	vm4 =	vge.f32 v57, v5;
	v43 =	vnsel vm6, $0x0, v18  }
0x1fc: {  	v62 =	vld [tilespmem:s4+$0xC870];
	v44 =	vadd.f32 v20, v18;
	v21 =	vadd.f32 v41, v40;
	v48 =	vnsel vm10, $0x0, v18  }
0x1fd: {  	v22 =	vadd.f32 v47, v46;
	v56 =	vnsel vm14, $0x0, v18;
	v26 =	vadd.f32 v54, v52  }
0x1fe: {  	v14 =	vnsel vm5, $0x0, v14;
	vm6 =	vge.f32 v23, v8;
	v20 =	vnsel vm7, $0x0, v20  }
0x1ff: {  	v35 =	vnsel vm8, $0x0, v19;
	vm10 =	vge.f32 v61, v0;
	vm14 =	vge.f32 v61, v2  }
0x200: {  	vm8 =	vge.f32 v57, v8;
	v25 =	vadd.f32 v45, v43;
	v14 =	vadd.f32 v14, v15  }
0x201: {  	v18 =	vnsel vm6, $0x0, v18;
	v15 =	vsub.f32 v51, v60;
	v34 =	vsub.f32 v55, v62  }
0x202: {  	vm9 =	vge.f32 v60, v0;
	vm11 =	vge.f32 v62, v0;
	vm13 =	vge.f32 v60, v2  }
0x203: {  	vm15 =	vge.f32 v62, v2;
	vm5 =	vge.f32 v60, v5;
	vm6 =	vge.f32 v61, v5  }
0x204: {  	vm7 =	vge.f32 v62, v5;
	v24 =	vadd.f32 v44, v42;
	v18 =	vadd.f32 v20, v18  }
0x205: {  	v53 =	vld [tilespmem:s4+$0xCC10];
	v20 =	vmul.f32 v33, v33;
	v44 =	vnsel vm4, $0x0, v19;
	v21 =	vadd.f32 v25, v21  }
0x206: {  	v49 =	vld [tilespmem:s4+$0x4C20];
	v25 =	vadd.f32 v50, v48;
	v15 =	vmul.f32 v15, v15;
	v12 =	vadd.f32 v24, v12  }
0x207: {  	v52 =	vld [tilespmem:s4+$0xCC00];
	v14 =	vadd.f32 v18, v14;
	v37 =	vnsel vm10, $0x0, v20;
	v42 =	vnsel vm14, $0x0, v20  }
0x208: {  	v45 =	vld [tilespmem:s4+$0x4C00];
	v48 =	vnsel vm6, $0x0, v20;
	vm10 =	vge.f32 v61, v8;
	v13 =	vadd.f32 v21, v13  }
0x209: {  	v55 =	vld [tilespmem:s4+$0xCC20];
	v58 =	vadd.f32 v25, v22;
	v22 =	vadd.f32 v59, v56;
	v36 =	vnsel vm9, $0x0, v15  }
0x20a: {  	v39 =	vadd.f32 v15, v19;
	v40 =	vnsel vm13, $0x0, v15;
	v46 =	vnsel vm5, $0x0, v15  }
0x20b: {  	vm9 =	vge.f32 v60, v8;
	v17 =	vnsel vm10, $0x0, v20;
	vm13 =	vge.f32 v53, v0  }
0x20c: {  	vm4 =	vge.f32 v52, v2;
	vm5 =	vge.f32 v53, v2;
	v9 =	vadd.f32 v14, v9  }
0x20d: {  	v14 =	vnsel vm12, $0x0, v19;
	v23 =	vadd.f32 v36, v35;
	v21 =	vadd.f32 v46, v44  }
0x20e: {  	v15 =	vnsel vm9, $0x0, v15;
	v57 =	vsub.f32 v45, v52;
	v59 =	vsub.f32 v49, v55  }
0x20f: {  	v51 =	vld [tilespmem:s4+$0x4C30];
	vm12 =	vge.f32 v52, v0;
	vm14 =	vge.f32 v55, v0;
	vm6 =	vge.f32 v55, v2  }
0x210: {  	v56 =	vld [tilespmem:s4+$0xCC30];
	vm9 =	vge.f32 v53, v5;
	v63 =	vadd.f32 v22, v26;
	v22 =	vmul.f32 v34, v34  }
0x211: {  	vm10 =	vge.f32 v55, v5;
	v11 =	vadd.f32 v58, v11;
	v14 =	vadd.f32 v40, v14  }
0x212: {  	v16 =	vmul.f32 v57, v57;
	v10 =	vadd.f32 v63, v10;
	v38 =	vnsel vm11, $0x0, v22  }
0x213: {  	v46 =	vld [tilespmem:s4+$0xCC40];
	v41 =	vadd.f32 v22, v20;
	v43 =	vnsel vm15, $0x0, v22;
	v50 =	vnsel vm7, $0x0, v22  }
0x214: {  	v40 =	vld [tilespmem:s4+$0x4C40];
	vm11 =	vge.f32 v62, v8;
	v18 =	vadd.f32 v38, v37;
	v24 =	vadd.f32 v43, v42  }
0x215: {  	v58 =	vnsel vm11, $0x0, v22;
	v60 =	vsub.f32 v51, v56;
	v61 =	vnsel vm12, $0x0, v16  }
0x216: {  	vm15 =	vge.f32 v56, v0;
	v35 =	vnsel vm4, $0x0, v16;
	vm7 =	vge.f32 v56, v2  }
0x217: {  	vm11 =	vge.f32 v56, v5;
	v26 =	vadd.f32 v41, v39;
	v17 =	vadd.f32 v58, v17  }
0x218: {  	vm12 =	vge.f32 v52, v8;
	v18 =	vadd.f32 v18, v23;
	v23 =	vadd.f32 v50, v48  }
0x219: {  	v47 =	vld [tilespmem:s4+$0x4C10];
	vm4 =	vge.f32 v46, v0;
	v14 =	vadd.f32 v24, v14;
	v51 =	vsub.f32 v40, v46  }
0x21a: {  	v20 =	vmul.f32 v60, v60;
	v12 =	vadd.f32 v26, v12;
	v13 =	vadd.f32 v18, v13  }
0x21b: {  	v54 =	vadd.f32 v23, v21;
	v11 =	vadd.f32 v14, v11;
	v14 =	vnsel vm8, $0x0, v19  }
0x21c: {  	v18 =	vmul.f32 v59, v59;
	v33 =	vnsel vm15, $0x0, v20;
	v37 =	vnsel vm7, $0x0, v20  }
0x21d: {  	vm8 =	vge.f32 v52, v5;
	v43 =	vnsel vm11, $0x0, v20;
	vm15 =	vge.f32 v56, v8  }
0x21e: {  	v50 =	vld [tilespmem:s4+$0xCC70];
	v14 =	vadd.f32 v15, v14;
	v15 =	vsub.f32 v47, v53;
	v38 =	vnsel vm8, $0x0, v16  }
0x21f: {  	vm8 =	vge.f32 v46, v2;
	v10 =	vadd.f32 v54, v10;
	v63 =	vnsel vm14, $0x0, v18  }
0x220: {  	v34 =	vadd.f32 v20, v18;
	v36 =	vnsel vm6, $0x0, v18;
	v41 =	vnsel vm10, $0x0, v18  }
0x221: {  	vm14 =	vge.f32 v55, v8;
	v20 =	vnsel vm15, $0x0, v20;
	v14 =	vadd.f32 v17, v14  }
0x222: {  	v45 =	vld [tilespmem:s4+$0x4C70];
	v15 =	vmul.f32 v15, v15;
	v17 =	vadd.f32 v33, v63;
	v23 =	vadd.f32 v37, v36  }
0x223: {  	v18 =	vnsel vm14, $0x0, v18;
	vm7 =	vge.f32 v50, v0;
	vm11 =	vge.f32 v50, v2  }
0x224: {  	v47 =	vld [tilespmem:s4+$0xCC50];
	vm15 =	vge.f32 v50, v5;
	v49 =	vadd.f32 v20, v18;
	v62 =	vnsel vm13, $0x0, v15  }
0x225: {  	v32 =	vadd.f32 v15, v16;
	v9 =	vadd.f32 v14, v9;
	v14 =	vnsel vm5, $0x0, v15  }
0x226: {  	v39 =	vnsel vm9, $0x0, v15;
	v16 =	vnsel vm12, $0x0, v16;
	vm13 =	vge.f32 v53, v8  }
0x227: {  	v44 =	vld [tilespmem:s4+$0x4C60];
	v53 =	vsub.f32 v45, v50;
	vm12 =	vge.f32 v46, v5;
	v22 =	vadd.f32 v62, v61  }
0x228: {  	v42 =	vld [tilespmem:s4+$0x4C50];
	v14 =	vadd.f32 v14, v35;
	v15 =	vnsel vm13, $0x0, v15;
	v48 =	vadd.f32 v39, v38  }
0x229: {  	v63 =	vld [tilespmem:s4+$0x5000];
	vm5 =	vge.f32 v47, v0;
	vm9 =	vge.f32 v47, v2;
	v25 =	vadd.f32 v34, v32  }
0x22a: {  	v15 =	vadd.f32 v15, v16;
	v20 =	vmul.f32 v53, v53;
	v32 =	vld [tilespmem:s4+$0xD000];
	v17 =	vadd.f32 v17, v22  }
0x22b: {  	vm13 =	vge.f32 v47, v5;
	v14 =	vadd.f32 v23, v14;
	v22 =	vadd.f32 v43, v41;
	v23 =	vld [tilespmem:s4+$0xCC60]  }
0x22c: {  	v12 =	vadd.f32 v25, v12;
	v15 =	vadd.f32 v49, v15;
	v59 =	vnsel vm7, $0x0, v20  }
0x22d: {  	v36 =	vnsel vm11, $0x0, v20;
	v11 =	vadd.f32 v14, v11;
	v14 =	vadd.f32 v22, v48  }
0x22e: {  	v13 =	vadd.f32 v17, v13;
	v9 =	vadd.f32 v15, v9;
	v15 =	vmul.f32 v51, v51  }
0x22f: {  	vm7 =	vge.f32 v50, v8;
	v10 =	vadd.f32 v14, v10;
	v14 =	vsub.f32 v42, v47  }
0x230: {  	v49 =	vsub.f32 v63, v32;
	v52 =	vsub.f32 v44, v23;
	v54 =	vnsel vm4, $0x0, v15  }
0x231: {  	vm6 =	vge.f32 v23, v0;
	v60 =	vnsel vm8, $0x0, v15;
	vm10 =	vge.f32 v23, v2  }
0x232: {  	v45 =	vld [tilespmem:s4+$0xD010];
	v38 =	vnsel vm12, $0x0, v15;
	vm14 =	vge.f32 v23, v5;
	v44 =	vnsel vm15, $0x0, v20  }
0x233: {  	vm4 =	vge.f32 v46, v8;
	vm8 =	vge.f32 v32, v0;
	v14 =	vmul.f32 v14, v14  }
0x234: {  	vm12 =	vge.f32 v32, v2;
	v18 =	vmul.f32 v49, v49;
	v16 =	vmul.f32 v52, v52  }
0x235: {  	v55 =	vnsel vm5, $0x0, v14;
	v56 =	vadd.f32 v14, v15;
	v61 =	vnsel vm9, $0x0, v14  }
0x236: {  	v40 =	vnsel vm13, $0x0, v14;
	v15 =	vnsel vm4, $0x0, v15;
	vm5 =	vge.f32 v47, v8  }
0x237: {  	v37 =	vld [tilespmem:s4+$0x5010];
	v52 =	vnsel vm8, $0x0, v18;
	vm9 =	vge.f32 v45, v0;
	vm13 =	vge.f32 v45, v2  }
0x238: {  	v39 =	vld [tilespmem:s4+$0x5020];
	vm4 =	vge.f32 v32, v5;
	vm8 =	vge.f32 v32, v8;
	v57 =	vnsel vm6, $0x0, v16  }
0x239: {  	v46 =	vld [tilespmem:s4+$0xD020];
	v58 =	vadd.f32 v20, v16;
	v21 =	vadd.f32 v55, v54;
	v62 =	vnsel vm10, $0x0, v16  }
0x23a: {  	v22 =	vadd.f32 v61, v60;
	v42 =	vnsel vm14, $0x0, v16;
	v26 =	vadd.f32 v40, v38  }
0x23b: {  	v41 =	vld [tilespmem:s4+$0x5030];
	v14 =	vnsel vm5, $0x0, v14;
	vm6 =	vge.f32 v23, v8;
	v20 =	vnsel vm7, $0x0, v20  }
0x23c: {  	v47 =	vld [tilespmem:s4+$0xD030];
	v61 =	vnsel vm4, $0x0, v18;
	vm5 =	vge.f32 v45, v5;
	v25 =	vadd.f32 v59, v57  }
0x23d: {  	v16 =	vnsel vm6, $0x0, v16;
	v14 =	vadd.f32 v14, v15;
	v15 =	vsub.f32 v37, v45  }
0x23e: {  	v50 =	vsub.f32 v39, v46;
	vm10 =	vge.f32 v46, v0;
	vm14 =	vge.f32 v46, v2  }
0x23f: {  	vm6 =	vge.f32 v46, v5;
	v24 =	vadd.f32 v58, v56;
	v16 =	vadd.f32 v20, v16  }
0x240: {  	v21 =	vadd.f32 v25, v21;
	v25 =	vadd.f32 v36, v62;
	v15 =	vmul.f32 v15, v15  }
0x241: {  	v20 =	vmul.f32 v50, v50;
	v12 =	vadd.f32 v24, v12;
	v51 =	vsub.f32 v41, v47  }
0x242: {  	v14 =	vadd.f32 v16, v14;
	vm11 =	vge.f32 v47, v0;
	vm15 =	vge.f32 v47, v2  }
0x243: {  	vm7 =	vge.f32 v47, v5;
	v13 =	vadd.f32 v21, v13;
	v43 =	vadd.f32 v25, v22  }
0x244: {  	v38 =	vld [tilespmem:s4+$0x5060];
	v22 =	vadd.f32 v44, v42;
	v53 =	vnsel vm9, $0x0, v15;
	v54 =	vnsel vm10, $0x0, v20  }
0x245: {  	v40 =	vld [tilespmem:s4+$0x5070];
	v56 =	vadd.f32 v15, v18;
	v57 =	vnsel vm13, $0x0, v15;
	v59 =	vnsel vm14, $0x0, v20  }
0x246: {  	v62 =	vld [tilespmem:s4+$0x5040];
	v63 =	vnsel vm5, $0x0, v15;
	v37 =	vnsel vm6, $0x0, v20;
	vm9 =	vge.f32 v45, v8  }
0x247: {  	v41 =	vld [tilespmem:s4+$0xD040];
	vm10 =	vge.f32 v46, v8;
	v9 =	vadd.f32 v14, v9;
	v23 =	vadd.f32 v53, v52  }
0x248: {  	v42 =	vld [tilespmem:s4+$0xD050];
	v14 =	vnsel vm12, $0x0, v18;
	v21 =	vadd.f32 v63, v61;
	v48 =	vadd.f32 v22, v26  }
0x249: {  	v44 =	vld [tilespmem:s4+$0xD060];
	v15 =	vnsel vm9, $0x0, v15;
	v11 =	vadd.f32 v43, v11;
	v22 =	vmul.f32 v51, v51  }
0x24a: {  	v45 =	vld [tilespmem:s4+$0xD070];
	v46 =	vnsel vm10, $0x0, v20;
	v14 =	vadd.f32 v57, v14;
	v10 =	vadd.f32 v48, v10  }
0x24b: {  	v55 =	vnsel vm11, $0x0, v22;
	v58 =	vadd.f32 v22, v20;
	v60 =	vnsel vm15, $0x0, v22  }
0x24c: {  	v39 =	vnsel vm7, $0x0, v22;
	vm11 =	vge.f32 v47, v8;
	v47 =	vsub.f32 v62, v41  }
0x24d: {  	vm12 =	vge.f32 v41, v0;
	vm4 =	vge.f32 v41, v2;
	v16 =	vadd.f32 v55, v54  }
0x24e: {  	v24 =	vadd.f32 v60, v59;
	v19 =	vnsel vm11, $0x0, v22;
	v48 =	vsub.f32 v38, v44  }
0x24f: {  	v49 =	vsub.f32 v40, v45;
	vm13 =	vge.f32 v42, v0;
	vm14 =	vge.f32 v44, v0  }
0x250: {  	vm15 =	vge.f32 v45, v0;
	vm5 =	vge.f32 v42, v2;
	vm6 =	vge.f32 v44, v2  }
0x251: {  	vm7 =	vge.f32 v45, v2;
	vm9 =	vge.f32 v42, v5;
	vm10 =	vge.f32 v44, v5  }
0x252: {  	v26 =	vadd.f32 v58, v56;
	v17 =	vmul.f32 v47, v47;
	v16 =	vadd.f32 v16, v23  }
0x253: {  	vm11 =	vge.f32 v45, v5;
	v23 =	vadd.f32 v39, v37;
	v14 =	vadd.f32 v24, v14  }
0x254: {  	v36 =	vld [tilespmem:s4+$0x5050];
	v20 =	vmul.f32 v49, v49;
	v12 =	vadd.f32 v26, v12;
	v50 =	vnsel vm12, $0x0, v17  }
0x255: {  	v40 =	vld [tilespmem:s4+$0xD430];
	v56 =	vnsel vm4, $0x0, v17;
	vm12 =	vge.f32 v41, v8;
	v13 =	vadd.f32 v16, v13  }
0x256: {  	v43 =	vadd.f32 v23, v21;
	v11 =	vadd.f32 v14, v11;
	v14 =	vnsel vm8, $0x0, v18  }
0x257: {  	v16 =	vadd.f32 v19, v46;
	v19 =	vmul.f32 v48, v48;
	v54 =	vnsel vm15, $0x0, v20  }
0x258: {  	v35 =	vld [tilespmem:s4+$0x5430];
	v58 =	vnsel vm7, $0x0, v20;
	vm8 =	vge.f32 v41, v5;
	v33 =	vnsel vm11, $0x0, v20  }
0x259: {  	vm15 =	vge.f32 v45, v8;
	v14 =	vadd.f32 v15, v14;
	v15 =	vsub.f32 v36, v42  }
0x25a: {  	v59 =	vnsel vm8, $0x0, v17;
	vm7 =	vge.f32 v40, v0;
	vm11 =	vge.f32 v40, v2  }
0x25b: {  	v10 =	vadd.f32 v43, v10;
	v52 =	vnsel vm14, $0x0, v19;
	v55 =	vadd.f32 v20, v19  }
0x25c: {  	v57 =	vnsel vm6, $0x0, v19;
	v62 =	vnsel vm10, $0x0, v19;
	vm14 =	vge.f32 v44, v8  }
0x25d: {  	v37 =	vld [tilespmem:s4+$0xD410];
	v20 =	vnsel vm15, $0x0, v20;
	v43 =	vsub.f32 v35, v40;
	v15 =	vmul.f32 v15, v15  }
0x25e: {  	v61 =	vld [tilespmem:s4+$0x5400];
	v14 =	vadd.f32 v16, v14;
	v16 =	vadd.f32 v54, v52;
	v19 =	vnsel vm14, $0x0, v19  }
0x25f: {  	v36 =	vld [tilespmem:s4+$0xD400];
	vm15 =	vge.f32 v40, v5;
	v23 =	vadd.f32 v58, v57;
	v39 =	vadd.f32 v20, v19  }
0x260: {  	v20 =	vmul.f32 v43, v43;
	v51 =	vnsel vm13, $0x0, v15;
	v53 =	vadd.f32 v15, v17  }
0x261: {  	v9 =	vadd.f32 v14, v9;
	v14 =	vnsel vm5, $0x0, v15;
	v60 =	vnsel vm9, $0x0, v15  }
0x262: {  	v17 =	vnsel vm12, $0x0, v17;
	vm13 =	vge.f32 v42, v8;
	vm5 =	vge.f32 v37, v0  }
0x263: {  	v34 =	vld [tilespmem:s4+$0x5420];
	vm9 =	vge.f32 v37, v2;
	v22 =	vadd.f32 v51, v50;
	v14 =	vadd.f32 v14, v56  }
0x264: {  	v32 =	vld [tilespmem:s4+$0xD440];
	v15 =	vnsel vm13, $0x0, v15;
	v38 =	vadd.f32 v60, v59;
	v41 =	vsub.f32 v61, v36  }
0x265: {  	v63 =	vld [tilespmem:s4+$0x5410];
	vm4 =	vge.f32 v36, v0;
	v49 =	vnsel vm7, $0x0, v20;
	v25 =	vadd.f32 v55, v53  }
0x266: {  	vm8 =	vge.f32 v36, v2;
	v15 =	vadd.f32 v15, v17;
	v53 =	vld [tilespmem:s4+$0x5440];
	v16 =	vadd.f32 v16, v22  }
0x267: {  	v54 =	vnsel vm11, $0x0, v20;
	v14 =	vadd.f32 v23, v14;
	v22 =	vadd.f32 v33, v62;
	v23 =	vld [tilespmem:s4+$0xD420]  }
0x268: {  	vm12 =	vge.f32 v36, v5;
	v12 =	vadd.f32 v25, v12;
	v15 =	vadd.f32 v39, v15  }
0x269: {  	vm13 =	vge.f32 v37, v5;
	v11 =	vadd.f32 v14, v11;
	v14 =	vadd.f32 v22, v38  }
0x26a: {  	vm7 =	vge.f32 v40, v8;
	v13 =	vadd.f32 v16, v13;
	v9 =	vadd.f32 v15, v9  }
0x26b: {  	v15 =	vmul.f32 v41, v41;
	v10 =	vadd.f32 v14, v10;
	v14 =	vsub.f32 v63, v37  }
0x26c: {  	v62 =	vnsel vm15, $0x0, v20;
	v39 =	vsub.f32 v53, v32;
	v42 =	vsub.f32 v34, v23  }
0x26d: {  	v44 =	vnsel vm4, $0x0, v15;
	vm6 =	vge.f32 v23, v0;
	v50 =	vnsel vm8, $0x0, v15  }
0x26e: {  	vm10 =	vge.f32 v23, v2;
	v56 =	vnsel vm12, $0x0, v15;
	vm14 =	vge.f32 v23, v5  }
0x26f: {  	vm4 =	vge.f32 v36, v8;
	vm8 =	vge.f32 v32, v0;
	v14 =	vmul.f32 v14, v14  }
0x270: {  	vm12 =	vge.f32 v32, v2;
	v19 =	vmul.f32 v39, v39;
	v17 =	vmul.f32 v42, v42  }
0x271: {  	v45 =	vnsel vm5, $0x0, v14;
	v46 =	vadd.f32 v14, v15;
	v51 =	vnsel vm9, $0x0, v14  }
0x272: {  	v63 =	vld [tilespmem:s4+$0xD450];
	v58 =	vnsel vm13, $0x0, v14;
	v15 =	vnsel vm4, $0x0, v15;
	vm5 =	vge.f32 v37, v8  }
0x273: {  	v57 =	vld [tilespmem:s4+$0x5460];
	v42 =	vnsel vm8, $0x0, v19;
	vm4 =	vge.f32 v32, v5;
	vm8 =	vge.f32 v32, v8  }
0x274: {  	v55 =	vld [tilespmem:s4+$0x5450];
	v47 =	vnsel vm6, $0x0, v17;
	v48 =	vadd.f32 v20, v17;
	v21 =	vadd.f32 v45, v44  }
0x275: {  	v36 =	vld [tilespmem:s4+$0xD460];
	v52 =	vnsel vm10, $0x0, v17;
	v22 =	vadd.f32 v51, v50;
	v60 =	vnsel vm14, $0x0, v17  }
0x276: {  	v26 =	vadd.f32 v58, v56;
	v14 =	vnsel vm5, $0x0, v14;
	vm6 =	vge.f32 v23, v8  }
0x277: {  	v59 =	vld [tilespmem:s4+$0x5470];
	v20 =	vnsel vm7, $0x0, v20;
	vm9 =	vge.f32 v63, v0;
	vm13 =	vge.f32 v63, v2  }
0x278: {  	v37 =	vld [tilespmem:s4+$0xD470];
	v51 =	vnsel vm4, $0x0, v19;
	vm5 =	vge.f32 v63, v5;
	v25 =	vadd.f32 v49, v47  }
0x279: {  	v17 =	vnsel vm6, $0x0, v17;
	v14 =	vadd.f32 v14, v15;
	v15 =	vsub.f32 v55, v63  }
0x27a: {  	v40 =	vsub.f32 v57, v36;
	vm10 =	vge.f32 v36, v0;
	vm14 =	vge.f32 v36, v2  }
0x27b: {  	vm6 =	vge.f32 v36, v5;
	v24 =	vadd.f32 v48, v46;
	v17 =	vadd.f32 v20, v17  }
0x27c: {  	v21 =	vadd.f32 v25, v21;
	v25 =	vadd.f32 v54, v52;
	v15 =	vmul.f32 v15, v15  }
0x27d: {  	v20 =	vmul.f32 v40, v40;
	v12 =	vadd.f32 v24, v12;
	v41 =	vsub.f32 v59, v37  }
0x27e: {  	v14 =	vadd.f32 v17, v14;
	vm11 =	vge.f32 v37, v0;
	vm15 =	vge.f32 v37, v2  }
0x27f: {  	vm7 =	vge.f32 v37, v5;
	v13 =	vadd.f32 v21, v13;
	v61 =	vadd.f32 v25, v22  }
0x280: {  	v56 =	vld [tilespmem:s4+$0x5820];
	v22 =	vadd.f32 v62, v60;
	v43 =	vnsel vm9, $0x0, v15;
	v44 =	vnsel vm10, $0x0, v20  }
0x281: {  	v58 =	vld [tilespmem:s4+$0x5830];
	v46 =	vadd.f32 v15, v19;
	v47 =	vnsel vm13, $0x0, v15;
	v49 =	vnsel vm14, $0x0, v20  }
0x282: {  	v52 =	vld [tilespmem:s4+$0x5800];
	v53 =	vnsel vm5, $0x0, v15;
	v55 =	vnsel vm6, $0x0, v20;
	vm9 =	vge.f32 v63, v8  }
0x283: {  	v59 =	vld [tilespmem:s4+$0xD800];
	vm10 =	vge.f32 v36, v8;
	v9 =	vadd.f32 v14, v9;
	v23 =	vadd.f32 v43, v42  }
0x284: {  	v60 =	vld [tilespmem:s4+$0xD810];
	v14 =	vnsel vm12, $0x0, v19;
	v21 =	vadd.f32 v53, v51;
	v38 =	vadd.f32 v22, v26  }
0x285: {  	v62 =	vld [tilespmem:s4+$0xD820];
	v15 =	vnsel vm9, $0x0, v15;
	v11 =	vadd.f32 v61, v11;
	v22 =	vmul.f32 v41, v41  }
0x286: {  	v63 =	vld [tilespmem:s4+$0xD830];
	v16 =	vnsel vm10, $0x0, v20;
	v14 =	vadd.f32 v47, v14;
	v10 =	vadd.f32 v38, v10  }
0x287: {  	v45 =	vnsel vm11, $0x0, v22;
	v48 =	vadd.f32 v22, v20;
	v50 =	vnsel vm15, $0x0, v22  }
0x288: {  	v57 =	vnsel vm7, $0x0, v22;
	vm11 =	vge.f32 v37, v8;
	v28 =	vsub.f32 v52, v59  }
0x289: {  	vm12 =	vge.f32 v59, v0;
	vm4 =	vge.f32 v59, v2;
	v17 =	vadd.f32 v45, v44  }
0x28a: {  	v24 =	vadd.f32 v50, v49;
	v18 =	vnsel vm11, $0x0, v22;
	v30 =	vsub.f32 v56, v62  }
0x28b: {  	v31 =	vsub.f32 v58, v63;
	vm13 =	vge.f32 v60, v0;
	vm14 =	vge.f32 v62, v0  }
0x28c: {  	v54 =	vld [tilespmem:s4+$0x5810];
	vm15 =	vge.f32 v63, v0;
	vm5 =	vge.f32 v60, v2;
	vm6 =	vge.f32 v62, v2  }
0x28d: {  	v43 =	vld [tilespmem:s4+$0x5850];
	vm7 =	vge.f32 v63, v2;
	vm9 =	vge.f32 v60, v5;
	v26 =	vadd.f32 v48, v46  }
0x28e: {  	v51 =	vld [tilespmem:s4+$0xD860];
	vm10 =	vge.f32 v62, v5;
	v16 =	vadd.f32 v18, v16;
	v17 =	vadd.f32 v17, v23  }
0x28f: {  	v41 =	vld [tilespmem:s4+$0x5840];
	vm11 =	vge.f32 v63, v5;
	v23 =	vadd.f32 v57, v55;
	v14 =	vadd.f32 v24, v14  }
0x290: {  	v47 =	vld [tilespmem:s4+$0x5870];
	v18 =	vmul.f32 v30, v30;
	v12 =	vadd.f32 v26, v12;
	v13 =	vadd.f32 v17, v13  }
0x291: {  	v52 =	vld [tilespmem:s4+$0xD870];
	v20 =	vmul.f32 v31, v31;
	v61 =	vadd.f32 v23, v21;
	v11 =	vadd.f32 v14, v11  }
0x292: {  	v45 =	vld [tilespmem:s4+$0x5860];
	v14 =	vnsel vm8, $0x0, v19;
	v17 =	vmul.f32 v28, v28;
	v34 =	vnsel vm14, $0x0, v18  }
0x293: {  	v49 =	vld [tilespmem:s4+$0xD840];
	v36 =	vnsel vm15, $0x0, v20;
	v37 =	vadd.f32 v20, v18;
	v39 =	vnsel vm6, $0x0, v18  }
0x294: {  	v50 =	vld [tilespmem:s4+$0xD850];
	v40 =	vnsel vm7, $0x0, v20;
	vm8 =	vge.f32 v59, v5;
	v46 =	vnsel vm10, $0x0, v18  }
0x295: {  	v48 =	vnsel vm11, $0x0, v20;
	vm14 =	vge.f32 v62, v8;
	vm15 =	vge.f32 v63, v8  }
0x296: {  	v57 =	vsub.f32 v47, v52;
	vm6 =	vge.f32 v51, v0;
	vm7 =	vge.f32 v52, v0  }
0x297: {  	vm10 =	vge.f32 v51, v2;
	v14 =	vadd.f32 v15, v14;
	v15 =	vsub.f32 v54, v60  }
0x298: {  	vm11 =	vge.f32 v52, v2;
	v23 =	vadd.f32 v40, v39;
	v54 =	vsub.f32 v41, v49  }
0x299: {  	v53 =	vnsel vm14, $0x0, v18;
	v55 =	vsub.f32 v43, v50;
	v56 =	vsub.f32 v45, v51  }
0x29a: {  	vm14 =	vge.f32 v51, v5;
	v10 =	vadd.f32 v61, v10;
	v32 =	vnsel vm12, $0x0, v17  }
0x29b: {  	s15 =	sand.u32 $0x7, s30;
	v38 =	vnsel vm4, $0x0, v17;
	v42 =	vnsel vm8, $0x0, v17;
	vm12 =	vge.f32 v59, v8  }
0x29c: {  	s4 =	sshll.u32 s15, $0x7;
	vm4 =	vge.f32 v49, v0;
	vm8 =	vge.f32 v49, v2;
	v15 =	vmul.f32 v15, v15  }
0x29d: {  	s4 =	sadd.s32 s4, s0;
	v14 =	vadd.f32 v16, v14;
	v16 =	vadd.f32 v36, v34;
	v58 =	vmul.f32 v55, v55  }
0x29e: {  	s17 =	sor.u32 $0x1C10, s4;
	v59 =	vmul.f32 v56, v56;
	v33 =	vnsel vm13, $0x0, v15;
	v35 =	vadd.f32 v15, v17  }
0x29f: {  	s18 =	sor.u32 $0x1C20, s4;
	v24 =	vld [tilespmem:s17+$0xC000];
	v9 =	vadd.f32 v14, v9;
	v14 =	vnsel vm5, $0x0, v15;
	v44 =	vnsel vm9, $0x0, v15  }
0x2a0: {  	v43 =	vld [tilespmem:s18+$0xC000];
	v17 =	vnsel vm12, $0x0, v17;
	vm13 =	vge.f32 v60, v8;
	v60 =	vmul.f32 v57, v57  }
0x2a1: {  	vm5 =	vge.f32 v50, v0;
	vm9 =	vge.f32 v50, v2;
	vm12 =	vge.f32 v49, v5  }
0x2a2: {  	v22 =	vadd.f32 v33, v32;
	v14 =	vadd.f32 v14, v38;
	v15 =	vnsel vm13, $0x0, v15  }
0x2a3: {  	v28 =	vnsel vm5, $0x0, v58;
	v32 =	vnsel vm9, $0x0, v58;
	v33 =	vnsel vm10, $0x0, v59  }
0x2a4: {  	vm13 =	vge.f32 v50, v5;
	vm5 =	vge.f32 v50, v8;
	vm9 =	vge.f32 v24, v0  }
0x2a5: {  	v39 =	vld [tilespmem:s18+$0x4000];
	vm10 =	vge.f32 v43, v0;
	v25 =	vadd.f32 v37, v35;
	v15 =	vadd.f32 v15, v17  }
0x2a6: {  	s15 =	sor.u32 $0x1C00, s4;
	v63 =	vadd.f32 v60, v59;
	v30 =	vnsel vm7, $0x0, v60;
	v34 =	vnsel vm11, $0x0, v60  }
0x2a7: {  	v35 =	vld [tilespmem:s15+$0x4000];
	v38 =	vnsel vm13, $0x0, v58;
	vm7 =	vge.f32 v52, v8;
	v14 =	vadd.f32 v23, v14  }
0x2a8: {  	s25 =	sor.u32 $0x1C30, s4;
	vm13 =	vge.f32 v24, v2;
	v12 =	vadd.f32 v25, v12;
	v25 =	vadd.f32 v44, v42;
	v42 =	vld [tilespmem:s15+$0xC000]  }
0x2a9: {  	v16 =	vadd.f32 v16, v22;
	v22 =	vadd.f32 v48, v46;
	v18 =	vnsel vm7, $0x0, v60;
	v44 =	vld [tilespmem:s25+$0xC000]  }
0x2aa: {  	v48 =	vsub.f32 v39, v43;
	v11 =	vadd.f32 v14, v11;
	v14 =	vnsel vm15, $0x0, v20  }
0x2ab: {  	v13 =	vadd.f32 v16, v13;
	vm15 =	vge.f32 v52, v5;
	v14 =	vadd.f32 v14, v53  }
0x2ac: {  	v16 =	vnsel vm5, $0x0, v58;
	vm5 =	vge.f32 v24, v5;
	v22 =	vadd.f32 v22, v25  }
0x2ad: {  	v40 =	vld [tilespmem:s25+$0x4000];
	v41 =	vnsel vm15, $0x0, v60;
	v14 =	vadd.f32 v14, v15;
	v15 =	vmul.f32 v54, v54  }
0x2ae: {  	v10 =	vadd.f32 v22, v10;
	v46 =	vsub.f32 v35, v42;
	vm11 =	vge.f32 v44, v0  }
0x2af: {  	vm15 =	vge.f32 v44, v2;
	vm7 =	vge.f32 v44, v5;
	v61 =	vadd.f32 v58, v15  }
0x2b0: {  	v62 =	vnsel vm4, $0x0, v15;
	v9 =	vadd.f32 v14, v9;
	v14 =	vnsel vm6, $0x0, v59  }
0x2b1: {  	v31 =	vnsel vm8, $0x0, v15;
	v36 =	vnsel vm12, $0x0, v15;
	vm4 =	vge.f32 v49, v8  }
0x2b2: {  	vm6 =	vge.f32 v51, v8;
	v49 =	vsub.f32 v40, v44;
	vm8 =	vge.f32 v42, v0  }
0x2b3: {  	vm12 =	vge.f32 v42, v2;
	v20 =	vadd.f32 v28, v62;
	v14 =	vadd.f32 v30, v14  }
0x2b4: {  	v22 =	vadd.f32 v32, v31;
	v15 =	vnsel vm4, $0x0, v15;
	v17 =	vnsel vm6, $0x0, v59  }
0x2b5: {  	v47 =	vmul.f32 v46, v46;
	vm4 =	vge.f32 v42, v5;
	v19 =	vadd.f32 v63, v61  }
0x2b6: {  	vm6 =	vge.f32 v43, v5;
	v15 =	vadd.f32 v16, v15;
	v45 =	vadd.f32 v18, v17  }
0x2b7: {  	s18 =	sor.u32 $0x1C50, s4;
	v17 =	vmul.f32 v48, v48;
	v18 =	vmul.f32 v49, v49;
	v14 =	vadd.f32 v14, v20  }
0x2b8: {  	v60 =	vld [tilespmem:s18+$0x4000];
	v20 =	vadd.f32 v38, v36;
	v50 =	vnsel vm8, $0x0, v47;
	v61 =	vnsel vm4, $0x0, v47  }
0x2b9: {  	v40 =	vld [tilespmem:s18+$0xC000];
	vm8 =	vge.f32 v42, v8;
	v12 =	vadd.f32 v19, v12;
	v19 =	vadd.f32 v34, v33  }
0x2ba: {  	v15 =	vadd.f32 v45, v15;
	v53 =	vnsel vm10, $0x0, v17;
	v54 =	vadd.f32 v18, v17  }
0x2bb: {  	v37 =	vld [tilespmem:s17+$0x4000];
	s17 =	sor.u32 $0x1C40, s4;
	v55 =	vnsel vm11, $0x0, v18;
	v39 =	vnsel vm7, $0x0, v18;
	v16 =	vnsel vm8, $0x0, v47  }
0x2bc: {  	v58 =	vld [tilespmem:s17+$0x4000];
	vm10 =	vge.f32 v43, v8;
	vm11 =	vge.f32 v44, v8;
	v13 =	vadd.f32 v14, v13  }
0x2bd: {  	v38 =	vld [tilespmem:s17+$0xC000];
	v14 =	vnsel vm14, $0x0, v59;
	vm14 =	vge.f32 v43, v2;
	v25 =	vadd.f32 v55, v53  }
0x2be: {  	s25 =	sor.u32 $0x1C60, s4;
	v59 =	vnsel vm15, $0x0, v18;
	v44 =	vsub.f32 v60, v40;
	v18 =	vnsel vm11, $0x0, v18  }
0x2bf: {  	v62 =	vld [tilespmem:s25+$0x4000];
	v19 =	vadd.f32 v19, v22;
	v14 =	vadd.f32 v41, v14;
	v57 =	vnsel vm14, $0x0, v17  }
0x2c0: {  	vm11 =	vge.f32 v40, v8;
	v9 =	vadd.f32 v15, v9;
	v41 =	vld [tilespmem:s25+$0xC000];
	v21 =	vadd.f32 v59, v57  }
0x2c1: {  	v15 =	vnsel vm12, $0x0, v47;
	v11 =	vadd.f32 v19, v11;
	v14 =	vadd.f32 v14, v20  }
0x2c2: {  	v43 =	vsub.f32 v58, v38;
	v19 =	vmul.f32 v44, v44;
	vm12 =	vge.f32 v38, v0  }
0x2c3: {  	vm4 =	vge.f32 v38, v2;
	v10 =	vadd.f32 v14, v10;
	v14 =	vsub.f32 v37, v24  }
0x2c4: {  	vm8 =	vge.f32 v38, v5;
	v37 =	vnsel vm6, $0x0, v17;
	v17 =	vnsel vm10, $0x0, v17  }
0x2c5: {  	vm10 =	vge.f32 v40, v5;
	v45 =	vsub.f32 v62, v41;
	v14 =	vmul.f32 v14, v14  }
0x2c6: {  	vm14 =	vge.f32 v41, v0;
	v17 =	vadd.f32 v18, v17;
	vm6 =	vge.f32 v41, v2  }
0x2c7: {  	v58 =	vnsel vm10, $0x0, v19;
	v22 =	vmul.f32 v45, v45;
	v51 =	vnsel vm9, $0x0, v14  }
0x2c8: {  	v52 =	vadd.f32 v14, v47;
	v56 =	vnsel vm13, $0x0, v14;
	v63 =	vnsel vm5, $0x0, v14  }
0x2c9: {  	vm9 =	vge.f32 v24, v8;
	vm13 =	vge.f32 v40, v0;
	v20 =	vadd.f32 v51, v50  }
0x2ca: {  	vm5 =	vge.f32 v40, v2;
	v15 =	vadd.f32 v56, v15;
	v26 =	vadd.f32 v63, v61  }
0x2cb: {  	v14 =	vnsel vm9, $0x0, v14;
	v48 =	vnsel vm13, $0x0, v19;
	v49 =	vnsel vm14, $0x0, v22  }
0x2cc: {  	s4 =	sor.u32 $0x1C70, s4;
	v53 =	vnsel vm5, $0x0, v19;
	v23 =	vadd.f32 v54, v52;
	v15 =	vadd.f32 v21, v15  }
0x2cd: {  	v36 =	vld [tilespmem:s4+$0x4000];
	v55 =	vnsel vm6, $0x0, v22;
	v14 =	vadd.f32 v14, v16;
	v21 =	vadd.f32 v39, v37  }
0x2ce: {  	vm9 =	vge.f32 v38, v8;
	v20 =	vadd.f32 v25, v20;
	v11 =	vadd.f32 v15, v11;
	v15 =	vld [tilespmem:s4+$0xC000]  }
0x2cf: {  	v14 =	vadd.f32 v17, v14;
	v42 =	vadd.f32 v21, v26;
	v21 =	vmul.f32 v43, v43  }
0x2d0: {  	vm13 =	vge.f32 v41, v8;
	v12 =	vadd.f32 v23, v12;
	v13 =	vadd.f32 v20, v13  }
0x2d1: {  	v9 =	vadd.f32 v14, v9;
	v47 =	vnsel vm12, $0x0, v21;
	v10 =	vadd.f32 v42, v10  }
0x2d2: {  	v51 =	vnsel vm4, $0x0, v21;
	v52 =	vadd.f32 v19, v21;
	v57 =	vnsel vm8, $0x0, v21  }
0x2d3: {  	v14 =	vnsel vm9, $0x0, v21;
	vm12 =	vge.f32 v41, v5;
	v46 =	vsub.f32 v36, v15  }
0x2d4: {  	v19 =	vnsel vm11, $0x0, v19;
	v59 =	vadd.f32 v48, v47;
	v60 =	vnsel vm12, $0x0, v22  }
0x2d5: {  	v18 =	vadd.f32 v53, v51;
	v14 =	vadd.f32 v19, v14;
	v24 =	vmul.f32 v46, v46  }
0x2d6: {  	vm15 =	vge.f32 v15, v0;
	vm7 =	vge.f32 v15, v2;
	vm14 =	vge.f32 v15, v5  }
0x2d7: {  	v50 =	vnsel vm15, $0x0, v24;
	v54 =	vadd.f32 v24, v22;
	v56 =	vnsel vm7, $0x0, v24  }
0x2d8: {  	v22 =	vnsel vm13, $0x0, v22;
	vm15 =	vge.f32 v15, v8;
	v15 =	vadd.f32 v58, v57  }
0x2d9: {  	v61 =	vnsel vm14, $0x0, v24;
	v16 =	vadd.f32 v50, v49;
	v17 =	vadd.f32 v56, v55  }
0x2da: {  	p1 =	sne.s32 s3, $0x780;
	v20 =	vadd.f32 v61, v60;
	v62 =	vnsel vm15, $0x0, v24;
	v28 =	vadd.f32 v54, v52  }
.Ltmp3:
0x2db: {  	v63 =	vadd.f32 v62, v22;
	v16 =	vadd.f32 v16, v59;
	(pc) =	sbr.rel @p1 .LBB2_5-.Ltmp3, $4  }
0x2dc: {  	v17 =	vadd.f32 v17, v18;
	v15 =	vadd.f32 v20, v15  }
0x2dd: {  	v12 =	vadd.f32 v28, v12;
	v14 =	vadd.f32 v63, v14  }
0x2de: {  	s31 =	sadd.s32 $0x400, s31;
	v13 =	vadd.f32 v16, v13;
	v11 =	vadd.f32 v17, v11  }
0x2df: {  	s3 =	sadd.s32 $0x80, s3;
	s30 =	sadd.s32 $0x1, s30;
	s0 =	sadd.s32 $0x400, s0;
	v10 =	vadd.f32 v15, v10;
	v9 =	vadd.f32 v14, v9  }
.Ltmp4:
0x2e0: {  	(pc) =	sbr.rel @p0 .LBB2_8-.Ltmp4, $1  }
0x2e1: {  	_ =	sdelay $0x3  }
.Ltmp5:
0x2e2: {  	s0 =	sadd.s32 s29, s12;
	(pc) =	sbr.rel .LBB2_2-.Ltmp5, $4  }
0x2e3: {  	s3 =	sadd.s32 s1, s0  }
0x2e4: {  	[tilespmem:s19], [sflag:$0x2] =	stream.linear.gather [hbm4b:s3+s5], $0x4000, $0x38;
	[tilespmem:$0x10180] =	vst v63  }
0x2e5: {  	s28 =	sadd.s32 $0x1, s28;
	s0 =	sadd.s32 s2, s0  }
0x2e6: {  	[tilespmem:s20], [sflag:$0x4] =	stream.linear.gather [hbm4b:s0+s5], $0x4000, $0x38;
	[tilespmem:$0x10180] =	vst v63  }
.LBB2_9:
0x2e7: {  	_ =	sfence.sel $0x180000  }
0x2e8: {  	[bflag:$0x0] =	sbarrier.arrive $0xFFFF  }
0x2e9: {  	_ =	strace $0x90000047  }
0x2ea: {  	s0 =	stileid.u32;
	[bflag:$0x2] =	sbarrier.arrive $0xFFFF  }
0x2eb: {  	p0 =	sne.s32 s0, $0x0;
	s0 =	rddreg [dreg:$0x4]  }
0x2ec: {  	s0 =	sadd.s32 @!p0 $0x100000, s0  }
0x2ed: {  	[sflag:s0] =	ssyncadd.tile.s32 @!p0 $0x1;
	_ =	shalt  }
.Lfunc_end2:
_tile_overlayer_lowered:
.L_overlay_start_2:
0x2ee: {  	(tag) =	ssettag $0x2  }
0x2ef: {  	s0 =	rddreg [dreg:$0x0];
	s2 =	stileid.u32  }
0x2f0: {  	s1 =	rddreg [dreg:$0x1];
	p0 =	sne.s32 s2, $0x0  }
0x2f1: {  	s3 =	rddreg [dreg:$0x2];
	[bflag:$0x3] =	sbarrier.arrive $0xFFFF;
	s2 =	simm.s32 @!p0 $0x1C05  }
0x2f2: {  	[timem:s3], [sflag:s2] =	dma.local @!p0 [hbm:s0], s1  }
0x2f3: {  	s0 =	simm.s32 @!p0 $0x5  }
0x2f4: {  	_ =	swait.ge @!p0 [sflag:s0], s1  }
0x2f5: {  	s1 =	ssub.s32 @!p0 $0x0, s1;
	[sflag:s0] =	ssyncset.done @!p0 $0x0  }
0x2f6: {  	[sflag:s0] =	ssyncadd.s32 @!p0 s1  }
0x2f7: {  	[bflag:$0x3] =	sbarrier.arrive $0xFFFF  }
0x2f8: {  	_ =	shalt  }

</sc_bundles>
